<compile_context>
chip_gen: v7x
topology: tpu7x:2x2x1
jax: 0.10.2.dev20260603
libtpu: 0.0.44.dev20260713+nightly
codegen_flags: <defaults>
</compile_context>

<pallas_src>
import functools

import jax
import jax.numpy as jnp
from jax import lax
from jax.experimental import pallas as pl
from jax.experimental.pallas import tpu as pltpu
from jax.experimental.pallas import tpu_sc as plsc

_NC = 2
_NS = 16
_NW = _NC * _NS


def _segment_sum_sc(vals, src3, dst3, nbuf):
    n, d = vals.shape
    n_chunks, chunk = src3.shape[1], src3.shape[2]
    assert n_chunks % nbuf == 0
    n_row_blocks = n // chunk
    mesh = plsc.VectorSubcoreMesh(core_axis_name="c", subcore_axis_name="s")

    @functools.partial(
        pl.kernel,
        out_type=jax.ShapeDtypeStruct((_NC, n, d), jnp.float32),
        mesh=mesh,
        compiler_params=pltpu.CompilerParams(use_tc_tiling_on_sc=False),
        scratch_types=[
            pltpu.VMEM((n_chunks, chunk), jnp.int32),
            pltpu.VMEM((nbuf, chunk), jnp.int32),
            pltpu.VMEM((nbuf, chunk, d), jnp.float32),
            pltpu.VMEM_SHARED((n, d), jnp.float32),
        ] + [pltpu.SemaphoreType.DMA] * (2 * nbuf),
    )
    def seg_kernel(vals_hbm, src_hbm, dst_hbm, out_hbm,
                   src_v, dstr_v, rows_v, acc, *sems):
        gsem = sems[:nbuf]
        dsem = sems[nbuf:]
        cid = lax.axis_index("c")
        sid = lax.axis_index("s")
        wid = sid * _NC + cid

        pltpu.async_copy(src_hbm.at[wid], src_v, gsem[0])

        zvec = jnp.zeros((16,), jnp.float32)

        @pl.loop(0, chunk)
        def _(r):
            @pl.loop(0, d // 16)
            def _(c):
                rows_v.at[0, r, pl.ds(c * 16, 16)][...] = zvec

        @pl.loop(sid, n_row_blocks, step=_NS)
        def _(b):
            pltpu.async_copy(rows_v.at[0], acc.at[pl.ds(b * chunk, chunk)],
                             dsem[0])

        @pl.loop(sid, n_row_blocks, step=_NS)
        def _(b):
            pltpu.make_async_copy(
                rows_v.at[0], acc.at[pl.ds(b * chunk, chunk)], dsem[0]).wait()

        pltpu.make_async_copy(src_hbm.at[wid], src_v, gsem[0]).wait()

        plsc.subcore_barrier()

        for b in range(nbuf):
            pltpu.async_copy(dst_hbm.at[wid, b], dstr_v.at[b], dsem[b])
            pltpu.async_copy(vals_hbm.at[src_v.at[b]], rows_v.at[b], gsem[b])

        @pl.loop(0, n_chunks - nbuf, step=nbuf)
        def _(i0):
            for b in range(nbuf):
                i = i0 + b
                pltpu.make_async_copy(
                    vals_hbm.at[src_v.at[i]], rows_v.at[b], gsem[b]).wait()
                pltpu.make_async_copy(
                    dst_hbm.at[wid, i], dstr_v.at[b], dsem[b]).wait()
                pltpu.sync_copy(rows_v.at[b], acc.at[dstr_v.at[b]], add=True)
                pltpu.async_copy(
                    dst_hbm.at[wid, i + nbuf], dstr_v.at[b], dsem[b])
                pltpu.async_copy(
                    vals_hbm.at[src_v.at[i + nbuf]], rows_v.at[b], gsem[b])

        for b in range(nbuf):
            i = n_chunks - nbuf + b
            pltpu.make_async_copy(
                vals_hbm.at[src_v.at[i]], rows_v.at[b], gsem[b]).wait()
            pltpu.make_async_copy(
                dst_hbm.at[wid, i], dstr_v.at[b], dsem[b]).wait()
            pltpu.sync_copy(rows_v.at[b], acc.at[dstr_v.at[b]], add=True)

        plsc.subcore_barrier()

        @pl.loop(sid, n_row_blocks, step=_NS)
        def _(b):
            pltpu.async_copy(acc.at[pl.ds(b * chunk, chunk)],
                             out_hbm.at[cid, pl.ds(b * chunk, chunk)],
                             gsem[0])

        @pl.loop(sid, n_row_blocks, step=_NS)
        def _(b):
            pltpu.make_async_copy(
                acc.at[pl.ds(b * chunk, chunk)],
                out_hbm.at[cid, pl.ds(b * chunk, chunk)], gsem[0]).wait()

    return seg_kernel(vals, src3, dst3)


def _segment_sum_sc_colsplit(vals2, src3, dst3, nbuf):
    _, n, dh = vals2.shape
    n_chunks, chunk = src3.shape[1], src3.shape[2]
    assert n_chunks % nbuf == 0
    n_row_blocks = n // chunk
    mesh = plsc.VectorSubcoreMesh(core_axis_name="c", subcore_axis_name="s")

    @functools.partial(
        pl.kernel,
        out_type=jax.ShapeDtypeStruct((_NC, n, dh), jnp.float32),
        mesh=mesh,
        compiler_params=pltpu.CompilerParams(use_tc_tiling_on_sc=False),
        scratch_types=[
            pltpu.VMEM((n_chunks, chunk), jnp.int32),
            pltpu.VMEM((nbuf, chunk), jnp.int32),
            pltpu.VMEM((nbuf, chunk, dh), jnp.float32),
            pltpu.VMEM_SHARED((n, dh), jnp.float32),
        ] + [pltpu.SemaphoreType.DMA] * (2 * nbuf),
    )
    def seg_kernel(vals_hbm, src_hbm, dst_hbm, out_hbm,
                   src_v, dstr_v, rows_v, acc, *sems):
        gsem = sems[:nbuf]
        dsem = sems[nbuf:]
        cid = lax.axis_index("c")
        sid = lax.axis_index("s")
        half = vals_hbm.at[cid]

        pltpu.async_copy(src_hbm.at[sid], src_v, gsem[0])

        zvec = jnp.zeros((16,), jnp.float32)

        @pl.loop(0, chunk)
        def _(r):
            @pl.loop(0, dh // 16)
            def _(c):
                rows_v.at[0, r, pl.ds(c * 16, 16)][...] = zvec

        @pl.loop(sid, n_row_blocks, step=_NS)
        def _(b):
            pltpu.async_copy(rows_v.at[0], acc.at[pl.ds(b * chunk, chunk)],
                             dsem[0])

        @pl.loop(sid, n_row_blocks, step=_NS)
        def _(b):
            pltpu.make_async_copy(
                rows_v.at[0], acc.at[pl.ds(b * chunk, chunk)], dsem[0]).wait()

        pltpu.make_async_copy(src_hbm.at[sid], src_v, gsem[0]).wait()

        plsc.subcore_barrier()

        for b in range(nbuf):
            pltpu.async_copy(dst_hbm.at[sid, b], dstr_v.at[b], dsem[b])
            pltpu.async_copy(half.at[src_v.at[b]], rows_v.at[b], gsem[b])

        @pl.loop(0, n_chunks - nbuf, step=nbuf)
        def _(i0):
            for b in range(nbuf):
                i = i0 + b
                pltpu.make_async_copy(
                    half.at[src_v.at[i]], rows_v.at[b], gsem[b]).wait()
                pltpu.make_async_copy(
                    dst_hbm.at[sid, i], dstr_v.at[b], dsem[b]).wait()
                pltpu.sync_copy(rows_v.at[b], acc.at[dstr_v.at[b]], add=True)
                pltpu.async_copy(
                    dst_hbm.at[sid, i + nbuf], dstr_v.at[b], dsem[b])
                pltpu.async_copy(
                    half.at[src_v.at[i + nbuf]], rows_v.at[b], gsem[b])

        for b in range(nbuf):
            i = n_chunks - nbuf + b
            pltpu.make_async_copy(
                half.at[src_v.at[i]], rows_v.at[b], gsem[b]).wait()
            pltpu.make_async_copy(
                dst_hbm.at[sid, i], dstr_v.at[b], dsem[b]).wait()
            pltpu.sync_copy(rows_v.at[b], acc.at[dstr_v.at[b]], add=True)

        plsc.subcore_barrier()

        @pl.loop(sid, n_row_blocks, step=_NS)
        def _(b):
            pltpu.async_copy(acc.at[pl.ds(b * chunk, chunk)],
                             out_hbm.at[cid, pl.ds(b * chunk, chunk)],
                             gsem[0])

        @pl.loop(sid, n_row_blocks, step=_NS)
        def _(b):
            pltpu.make_async_copy(
                acc.at[pl.ds(b * chunk, chunk)],
                out_hbm.at[cid, pl.ds(b * chunk, chunk)], gsem[0]).wait()

    return seg_kernel(vals2, src3, dst3)


def _tc_fused_dense(p, w1, w2):
    n = p.shape[1]
    dh = w2.shape[1] // 2

    def body(p_ref, w1_ref, w2_ref, o_ref):
        hidden = jnp.maximum(
            jnp.dot(p_ref[0] + p_ref[1], w1_ref[...],
                    preferred_element_type=jnp.float32,
                    precision=lax.Precision.HIGHEST), 0.0)
        h2 = jnp.dot(hidden, w2_ref[...],
                     preferred_element_type=jnp.float32,
                     precision=lax.Precision.HIGHEST)
        o_ref[0, ...] = h2[:, :dh]
        o_ref[1, ...] = h2[:, dh:]

    return pl.pallas_call(
        body,
        out_shape=jax.ShapeDtypeStruct((2, n, dh), jnp.float32),
    )(p, w1, w2)


def _edge_slabs(edge_index, workers, chunk):
    e = edge_index.shape[1]
    n_chunks = (e // workers) // chunk
    src3 = edge_index[0].reshape(workers, n_chunks, chunk)
    dst3 = edge_index[1].reshape(workers, n_chunks, chunk)
    return src3, dst3


def kernel(x, edge_index, W1, W2):
    x = x.astype(jnp.float32)
    src40, dst40 = _edge_slabs(edge_index, _NW, 40)
    src80, dst80 = _edge_slabs(edge_index, _NS, 80)

    p = _segment_sum_sc(x, src40, dst40, nbuf=5)
    h2 = _tc_fused_dense(p, W1, W2)
    q = _segment_sum_sc_colsplit(h2, src80, dst80, nbuf=5)
    return jnp.concatenate([q[0], q[1]], axis=1)

# --- scband reference (transcript-rebuilt; emitter-appended) ---
"""Pipeline reference for scband-gcn-87866440942047 (READ-ONLY COPY).

The authoritative reference and input builder live on the scoring server;
editing this copy changes nothing except your own understanding.
"""

import jax, jax.numpy as jnp
import numpy as np

N = 10000
E = 320000
D_IN = 128
D_HID = 128
D_OUT = 64


def setup_inputs(seed: int = 0) -> dict:
    key = jax.random.key(seed)
    k1, k2, k3, k4 = jax.random.split(key, 4)
    x = jax.random.normal(k1, (N, D_IN), dtype=jnp.float32)
    edge_index = jax.random.randint(k2, (2, E), 0, N, dtype=jnp.int32)
    # learned parameters sized per init_kwargs (two GraphConvolution layers, bias=False)
    W1 = jax.random.normal(k3, (D_IN, D_HID), dtype=jnp.float32) * (1.0 / np.sqrt(D_IN))
    W2 = jax.random.normal(k4, (D_HID, D_OUT), dtype=jnp.float32) * (1.0 / np.sqrt(D_HID))
    return {"x": x, "edge_index": edge_index, "W1": W1, "W2": W2}


def reference(x, edge_index, W1, W2):
    # GCN forward (eval mode: dropout = identity).
    # Layer 1: relu(support @ (x @ W1));  Layer 2: support @ (h @ W2)
    # support is the (sparse) adjacency, represented here as edge_index with
    # gather (h[src]) + scatter-add (segment_sum over dst).
    x = x.astype(jnp.float32)
    src = edge_index[0]
    dst = edge_index[1]
    n = x.shape[0]

    h = x @ W1                                             # XW
    agg = jax.ops.segment_sum(h[src], dst, num_segments=n)  # support @ XW
    h = jax.nn.relu(agg)

    h2 = h @ W2
    out = jax.ops.segment_sum(h2[src], dst, num_segments=n)
    return out

if __name__ == "__main__":
    import jax
    _d = setup_inputs()
    print(jax.jit(kernel)(*tuple(_d.values())))

</pallas_src>

<mosaic_0001>
#map = affine_map<(d0, d1) -> (0, 0)>
#map1 = affine_map<(d0, d1) -> (0, 0, 0)>
module attributes {stable_mosaic.version = 14 : i64} {
  func.func @seg_kernel(%arg0: i32, %arg1: i32, %arg2: memref<10000x128xf32, #tpu.memory_space<hbm>>, %arg3: memref<32x250x40xi32, #tpu.memory_space<hbm>>, %arg4: memref<32x250x40xi32, #tpu.memory_space<hbm>>, %arg5: memref<2x10000x128xf32, #tpu.memory_space<hbm>>, %arg6: memref<250x40xi32, #tpu.memory_space<vmem>>, %arg7: memref<5x40xi32, #tpu.memory_space<vmem>>, %arg8: memref<5x40x128xf32, #tpu.memory_space<vmem>>, %arg9: memref<10000x128xf32, #tpu.memory_space<vmem_shared>>, %arg10: memref<!tpu.dma_semaphore, #tpu.memory_space<semaphore_mem>>, %arg11: memref<!tpu.dma_semaphore, #tpu.memory_space<semaphore_mem>>, %arg12: memref<!tpu.dma_semaphore, #tpu.memory_space<semaphore_mem>>, %arg13: memref<!tpu.dma_semaphore, #tpu.memory_space<semaphore_mem>>, %arg14: memref<!tpu.dma_semaphore, #tpu.memory_space<semaphore_mem>>, %arg15: memref<!tpu.dma_semaphore, #tpu.memory_space<semaphore_mem>>, %arg16: memref<!tpu.dma_semaphore, #tpu.memory_space<semaphore_mem>>, %arg17: memref<!tpu.dma_semaphore, #tpu.memory_space<semaphore_mem>>, %arg18: memref<!tpu.dma_semaphore, #tpu.memory_space<semaphore_mem>>, %arg19: memref<!tpu.dma_semaphore, #tpu.memory_space<semaphore_mem>>) attributes {dimension_semantics = [#tpu.dimension_semantics<core_parallel>, #tpu.dimension_semantics<subcore_parallel>], iteration_bounds = array<i64: 2, 16>, scalar_prefetch = 0 : i64, scratch_operands = 14 : i64, tpu.core_type = #tpu.core_type<sc_vector_subcore>, window_params = [{transform_indices = #map}, {transform_indices = #map1}, {transform_indices = #map1}, {transform_indices = #map1}]} {
    %mul3A = arith.constant 2 : i32
    %mul3A_0 = arith.muli %arg1, %mul3A : i32
    %add3A = arith.addi %mul3A_0, %arg0 : i32
    %dma_start3A = arith.constant 0 : i32
    %dma_start3A_1 = arith.constant 0 : i32
    %dma_start3A_2 = tpu.memref_slice %arg3[%add3A, %dma_start3A, %dma_start3A_1] : memref<32x250x40xi32, #tpu.memory_space<hbm>> -> memref<1x250x40xi32, #tpu.memory_space<hbm>>
    %dma_start3A_3 = tpu.memref_squeeze %dma_start3A_2 : memref<1x250x40xi32, #tpu.memory_space<hbm>> -> memref<250x40xi32, #tpu.memory_space<hbm>>
    %dma_start3A_4 = arith.constant 0 : i32
    %dma_start3A_5 = arith.constant 0 : i32
    %dma_start3A_6 = tpu.memref_slice %arg3[%add3A, %dma_start3A_4, %dma_start3A_5] : memref<32x250x40xi32, #tpu.memory_space<hbm>> -> memref<1x250x40xi32, #tpu.memory_space<hbm>>
    %dma_start3A_7 = tpu.memref_squeeze %dma_start3A_6 : memref<1x250x40xi32, #tpu.memory_space<hbm>> -> memref<250x40xi32, #tpu.memory_space<hbm>>
    tpu.enqueue_dma source(%dma_start3A_7 : memref<250x40xi32, #tpu.memory_space<hbm>>) target(%arg6 : memref<250x40xi32, #tpu.memory_space<vmem>>) target_semaphore(%arg10 : memref<!tpu.dma_semaphore, #tpu.memory_space<semaphore_mem>>)
    %broadcast_in_dim3A = arith.constant 0.000000e+00 : f32
    %broadcast_in_dim3A_8 = vector.broadcast %broadcast_in_dim3A : f32 to vector<16xf32>
    %scan3A = arith.constant 0 : i32
    %scan3A_9 = arith.constant 40 : i32
    %scan3A_10 = arith.addi %scan3A, %scan3A_9 : i32
    %scan3A_11 = arith.constant 1 : i32
    scf.for %scan3A_364 = %scan3A to %scan3A_10 step %scan3A_11  : i32 {
      %mul3A_365 = arith.constant 1 : i32
      %mul3A_366 = arith.muli %scan3A_364, %mul3A_365 : i32
      %add3A_367 = arith.constant 0 : i32
      %add3A_368 = arith.addi %add3A_367, %mul3A_366 : i32
      %scan3A_369 = arith.constant 0 : i32
      %scan3A_370 = arith.constant 8 : i32
      %scan3A_371 = arith.addi %scan3A_369, %scan3A_370 : i32
      %scan3A_372 = arith.constant 1 : i32
      scf.for %scan3A_374 = %scan3A_369 to %scan3A_371 step %scan3A_372  : i32 {
        %mul3A_375 = arith.constant 1 : i32
        %mul3A_376 = arith.muli %scan3A_374, %mul3A_375 : i32
        %add3A_377 = arith.constant 0 : i32
        %add3A_378 = arith.addi %add3A_377, %mul3A_376 : i32
        %mul3A_379 = arith.constant 16 : i32
        %mul3A_380 = arith.muli %add3A_378, %mul3A_379 : i32
        %swap3A = arith.constant 0 : i32
        %swap3A_381 = arith.index_cast %swap3A : i32 to index
        %swap3A_382 = arith.index_cast %add3A_368 : i32 to index
        %swap3A_383 = arith.index_cast %mul3A_380 : i32 to index
        %swap3A_384 = tpu.vector_load %arg8[%swap3A_381, %swap3A_382, %swap3A_383] {strides = array<i32>} : memref<5x40x128xf32, #tpu.memory_space<vmem>>, vector<1x1x16xf32>,
        %swap3A_385 = vector.shape_cast %swap3A_384 : vector<1x1x16xf32> to vector<16xf32>
        %swap3A_386 = vector.shape_cast %broadcast_in_dim3A_8 : vector<16xf32> to vector<1x1x16xf32>
        tpu.vector_store %arg8[%swap3A_381, %swap3A_382, %swap3A_383], %swap3A_386 {strides = array<i32>} : memref<5x40x128xf32, #tpu.memory_space<vmem>>, vector<1x1x16xf32>,
      }
      %scan3A_373 = arith.constant 8 : i32
    }
    %scan3A_12 = arith.constant 40 : i32
    %sub3A = arith.constant 250 : i32
    %sub3A_13 = arith.subi %sub3A, %arg1 : i32
    %sub3A_14 = arith.constant 16 : i32
    %sub3A_15 = arith.constant 1 : i32
    %sub3A_16 = arith.subi %sub3A_14, %sub3A_15 : i32
    %add3A_17 = arith.addi %sub3A_13, %sub3A_16 : i32
    %div3A = arith.constant 16 : i32
    %div3A_18 = arith.divsi %add3A_17, %div3A : i32
    %while3A = arith.constant 16 : i32
    %while3A_19 = arith.constant 0 : i32
    %while3A_20 = arith.subi %div3A_18, %while3A_19 : i32
    %while3A_21 = arith.addi %while3A_19, %while3A_20 : i32
    %while3A_22 = arith.constant 1 : i32
    %while3A_23 = arith.divsi %while3A_20, %while3A_22 : i32
    %while3A_24 = arith.muli %while3A_23, %while3A_22 : i32
    %while3A_25 = arith.addi %while3A_19, %while3A_24 : i32
    %while3A_26 = arith.constant 1 : i32
    scf.for %while3A_364 = %while3A_19 to %while3A_25 step %while3A_26  : i32 {
      %mul3A_365 = arith.muli %while3A_364, %while3A : i32
      %add3A_366 = arith.addi %arg1, %mul3A_365 : i32
      %mul3A_367 = arith.constant 40 : i32
      %mul3A_368 = arith.muli %add3A_366, %mul3A_367 : i32
      %dma_start3A_369 = arith.constant 0 : i32
      %dma_start3A_370 = arith.constant 0 : i32
      %dma_start3A_371 = arith.constant 0 : i32
      %dma_start3A_372 = tpu.memref_slice %arg8[%dma_start3A_369, %dma_start3A_370, %dma_start3A_371] : memref<5x40x128xf32, #tpu.memory_space<vmem>> -> memref<1x40x128xf32, #tpu.memory_space<vmem>>
      %dma_start3A_373 = tpu.memref_squeeze %dma_start3A_372 : memref<1x40x128xf32, #tpu.memory_space<vmem>> -> memref<40x128xf32, #tpu.memory_space<vmem>>
      %dma_start3A_374 = arith.constant 0 : i32
      %dma_start3A_375 = tpu.memref_slice %arg9[%mul3A_368, %dma_start3A_374] : memref<10000x128xf32, #tpu.memory_space<vmem_shared>> -> memref<40x128xf32, #tpu.memory_space<vmem_shared>>
      %dma_start3A_376 = arith.constant 0 : i32
      %dma_start3A_377 = tpu.memref_slice %arg9[%mul3A_368, %dma_start3A_376] : memref<10000x128xf32, #tpu.memory_space<vmem_shared>> -> memref<40x128xf32, #tpu.memory_space<vmem_shared>>
      %dma_start3A_378 = arith.constant 0 : i32
      %dma_start3A_379 = arith.constant 0 : i32
      %dma_start3A_380 = tpu.memref_slice %arg8[%dma_start3A_369, %dma_start3A_378, %dma_start3A_379] : memref<5x40x128xf32, #tpu.memory_space<vmem>> -> memref<1x40x128xf32, #tpu.memory_space<vmem>>
      %dma_start3A_381 = tpu.memref_squeeze %dma_start3A_380 : memref<1x40x128xf32, #tpu.memory_space<vmem>> -> memref<40x128xf32, #tpu.memory_space<vmem>>
      tpu.enqueue_dma source(%dma_start3A_381 : memref<40x128xf32, #tpu.memory_space<vmem>>) target(%dma_start3A_377 : memref<40x128xf32, #tpu.memory_space<vmem_shared>>) target_semaphore(%arg15 : memref<!tpu.dma_semaphore, #tpu.memory_space<semaphore_mem>>)
    }
    %while3A_27 = arith.constant 1 : i32
    scf.for %while3A_364 = %while3A_25 to %while3A_21 step %while3A_27  : i32 {
      %mul3A_365 = arith.muli %while3A_364, %while3A : i32
      %add3A_366 = arith.addi %arg1, %mul3A_365 : i32
      %mul3A_367 = arith.constant 40 : i32
      %mul3A_368 = arith.muli %add3A_366, %mul3A_367 : i32
      %dma_start3A_369 = arith.constant 0 : i32
      %dma_start3A_370 = arith.constant 0 : i32
      %dma_start3A_371 = arith.constant 0 : i32
      %dma_start3A_372 = tpu.memref_slice %arg8[%dma_start3A_369, %dma_start3A_370, %dma_start3A_371] : memref<5x40x128xf32, #tpu.memory_space<vmem>> -> memref<1x40x128xf32, #tpu.memory_space<vmem>>
      %dma_start3A_373 = tpu.memref_squeeze %dma_start3A_372 : memref<1x40x128xf32, #tpu.memory_space<vmem>> -> memref<40x128xf32, #tpu.memory_space<vmem>>
      %dma_start3A_374 = arith.constant 0 : i32
      %dma_start3A_375 = tpu.memref_slice %arg9[%mul3A_368, %dma_start3A_374] : memref<10000x128xf32, #tpu.memory_space<vmem_shared>> -> memref<40x128xf32, #tpu.memory_space<vmem_shared>>
      %dma_start3A_376 = arith.constant 0 : i32
      %dma_start3A_377 = tpu.memref_slice %arg9[%mul3A_368, %dma_start3A_376] : memref<10000x128xf32, #tpu.memory_space<vmem_shared>> -> memref<40x128xf32, #tpu.memory_space<vmem_shared>>
      %dma_start3A_378 = arith.constant 0 : i32
      %dma_start3A_379 = arith.constant 0 : i32
      %dma_start3A_380 = tpu.memref_slice %arg8[%dma_start3A_369, %dma_start3A_378, %dma_start3A_379] : memref<5x40x128xf32, #tpu.memory_space<vmem>> -> memref<1x40x128xf32, #tpu.memory_space<vmem>>
      %dma_start3A_381 = tpu.memref_squeeze %dma_start3A_380 : memref<1x40x128xf32, #tpu.memory_space<vmem>> -> memref<40x128xf32, #tpu.memory_space<vmem>>
      tpu.enqueue_dma source(%dma_start3A_381 : memref<40x128xf32, #tpu.memory_space<vmem>>) target(%dma_start3A_377 : memref<40x128xf32, #tpu.memory_space<vmem_shared>>) target_semaphore(%arg15 : memref<!tpu.dma_semaphore, #tpu.memory_space<semaphore_mem>>)
    }
    %sub3A_28 = arith.constant 250 : i32
    %sub3A_29 = arith.subi %sub3A_28, %arg1 : i32
    %sub3A_30 = arith.constant 16 : i32
    %sub3A_31 = arith.constant 1 : i32
    %sub3A_32 = arith.subi %sub3A_30, %sub3A_31 : i32
    %add3A_33 = arith.addi %sub3A_29, %sub3A_32 : i32
    %div3A_34 = arith.constant 16 : i32
    %div3A_35 = arith.divsi %add3A_33, %div3A_34 : i32
    %while3A_36 = arith.constant 16 : i32
    %while3A_37 = arith.constant 0 : i32
    %while3A_38 = arith.subi %div3A_35, %while3A_37 : i32
    %while3A_39 = arith.addi %while3A_37, %while3A_38 : i32
    %while3A_40 = arith.constant 1 : i32
    %while3A_41 = arith.divsi %while3A_38, %while3A_40 : i32
    %while3A_42 = arith.muli %while3A_41, %while3A_40 : i32
    %while3A_43 = arith.addi %while3A_37, %while3A_42 : i32
    %while3A_44 = arith.constant 1 : i32
    scf.for %while3A_364 = %while3A_37 to %while3A_43 step %while3A_44  : i32 {
      %mul3A_365 = arith.muli %while3A_364, %while3A_36 : i32
      %add3A_366 = arith.addi %arg1, %mul3A_365 : i32
      %mul3A_367 = arith.constant 40 : i32
      %mul3A_368 = arith.muli %add3A_366, %mul3A_367 : i32
      %dma_wait3A_369 = arith.constant 0 : i32
      %dma_wait3A_370 = arith.constant 0 : i32
      %dma_wait3A_371 = arith.constant 0 : i32
      %dma_wait3A_372 = tpu.memref_slice %arg8[%dma_wait3A_369, %dma_wait3A_370, %dma_wait3A_371] : memref<5x40x128xf32, #tpu.memory_space<vmem>> -> memref<1x40x128xf32, #tpu.memory_space<vmem>>
      %dma_wait3A_373 = tpu.memref_squeeze %dma_wait3A_372 : memref<1x40x128xf32, #tpu.memory_space<vmem>> -> memref<40x128xf32, #tpu.memory_space<vmem>>
      %dma_wait3A_374 = arith.constant 0 : i32
      %dma_wait3A_375 = tpu.memref_slice %arg9[%mul3A_368, %dma_wait3A_374] : memref<10000x128xf32, #tpu.memory_space<vmem_shared>> -> memref<40x128xf32, #tpu.memory_space<vmem_shared>>
      %dma_wait3A_376 = arith.constant 0 : i32
      %dma_wait3A_377 = tpu.memref_slice %arg9[%mul3A_368, %dma_wait3A_376] : memref<10000x128xf32, #tpu.memory_space<vmem_shared>> -> memref<40x128xf32, #tpu.memory_space<vmem_shared>>
      %dma_wait3A_378 = arith.constant 0 : i32
      %dma_wait3A_379 = arith.constant 0 : i32
      %dma_wait3A_380 = tpu.memref_slice %arg8[%dma_wait3A_369, %dma_wait3A_378, %dma_wait3A_379] : memref<5x40x128xf32, #tpu.memory_space<vmem>> -> memref<1x40x128xf32, #tpu.memory_space<vmem>>
      %dma_wait3A_381 = tpu.memref_squeeze %dma_wait3A_380 : memref<1x40x128xf32, #tpu.memory_space<vmem>> -> memref<40x128xf32, #tpu.memory_space<vmem>>
      tpu.wait_dma2 semaphore(%arg15 : memref<!tpu.dma_semaphore, #tpu.memory_space<semaphore_mem>>) src(%dma_wait3A_381 : memref<40x128xf32, #tpu.memory_space<vmem>>) dst(%dma_wait3A_377 : memref<40x128xf32, #tpu.memory_space<vmem_shared>>)
    }
    %while3A_45 = arith.constant 1 : i32
    scf.for %while3A_364 = %while3A_43 to %while3A_39 step %while3A_45  : i32 {
      %mul3A_365 = arith.muli %while3A_364, %while3A_36 : i32
      %add3A_366 = arith.addi %arg1, %mul3A_365 : i32
      %mul3A_367 = arith.constant 40 : i32
      %mul3A_368 = arith.muli %add3A_366, %mul3A_367 : i32
      %dma_wait3A_369 = arith.constant 0 : i32
      %dma_wait3A_370 = arith.constant 0 : i32
      %dma_wait3A_371 = arith.constant 0 : i32
      %dma_wait3A_372 = tpu.memref_slice %arg8[%dma_wait3A_369, %dma_wait3A_370, %dma_wait3A_371] : memref<5x40x128xf32, #tpu.memory_space<vmem>> -> memref<1x40x128xf32, #tpu.memory_space<vmem>>
      %dma_wait3A_373 = tpu.memref_squeeze %dma_wait3A_372 : memref<1x40x128xf32, #tpu.memory_space<vmem>> -> memref<40x128xf32, #tpu.memory_space<vmem>>
      %dma_wait3A_374 = arith.constant 0 : i32
      %dma_wait3A_375 = tpu.memref_slice %arg9[%mul3A_368, %dma_wait3A_374] : memref<10000x128xf32, #tpu.memory_space<vmem_shared>> -> memref<40x128xf32, #tpu.memory_space<vmem_shared>>
      %dma_wait3A_376 = arith.constant 0 : i32
      %dma_wait3A_377 = tpu.memref_slice %arg9[%mul3A_368, %dma_wait3A_376] : memref<10000x128xf32, #tpu.memory_space<vmem_shared>> -> memref<40x128xf32, #tpu.memory_space<vmem_shared>>
      %dma_wait3A_378 = arith.constant 0 : i32
      %dma_wait3A_379 = arith.constant 0 : i32
      %dma_wait3A_380 = tpu.memref_slice %arg8[%dma_wait3A_369, %dma_wait3A_378, %dma_wait3A_379] : memref<5x40x128xf32, #tpu.memory_space<vmem>> -> memref<1x40x128xf32, #tpu.memory_space<vmem>>
      %dma_wait3A_381 = tpu.memref_squeeze %dma_wait3A_380 : memref<1x40x128xf32, #tpu.memory_space<vmem>> -> memref<40x128xf32, #tpu.memory_space<vmem>>
      tpu.wait_dma2 semaphore(%arg15 : memref<!tpu.dma_semaphore, #tpu.memory_space<semaphore_mem>>) src(%dma_wait3A_381 : memref<40x128xf32, #tpu.memory_space<vmem>>) dst(%dma_wait3A_377 : memref<40x128xf32, #tpu.memory_space<vmem_shared>>)
    }
    %dma_wait3A = arith.constant 0 : i32
    %dma_wait3A_46 = arith.constant 0 : i32
    %dma_wait3A_47 = tpu.memref_slice %arg3[%add3A, %dma_wait3A, %dma_wait3A_46] : memref<32x250x40xi32, #tpu.memory_space<hbm>> -> memref<1x250x40xi32, #tpu.memory_space<hbm>>
    %dma_wait3A_48 = tpu.memref_squeeze %dma_wait3A_47 : memref<1x250x40xi32, #tpu.memory_space<hbm>> -> memref<250x40xi32, #tpu.memory_space<hbm>>
    %dma_wait3A_49 = arith.constant 0 : i32
    %dma_wait3A_50 = arith.constant 0 : i32
    %dma_wait3A_51 = tpu.memref_slice %arg3[%add3A, %dma_wait3A_49, %dma_wait3A_50] : memref<32x250x40xi32, #tpu.memory_space<hbm>> -> memref<1x250x40xi32, #tpu.memory_space<hbm>>
    %dma_wait3A_52 = tpu.memref_squeeze %dma_wait3A_51 : memref<1x250x40xi32, #tpu.memory_space<hbm>> -> memref<250x40xi32, #tpu.memory_space<hbm>>
    tpu.wait_dma2 semaphore(%arg10 : memref<!tpu.dma_semaphore, #tpu.memory_space<semaphore_mem>>) src(%dma_wait3A_52 : memref<250x40xi32, #tpu.memory_space<hbm>>) dst(%arg6 : memref<250x40xi32, #tpu.memory_space<vmem>>)
    %barrier3A = arith.constant 0 : index
    tpu.barrier barrier_id(%barrier3A)
    %dma_start3A_53 = arith.constant 0 : i32
    %dma_start3A_54 = arith.constant 0 : i32
    %dma_start3A_55 = arith.constant 0 : i32
    %dma_start3A_56 = tpu.memref_slice %arg7[%dma_start3A_54, %dma_start3A_55] : memref<5x40xi32, #tpu.memory_space<vmem>> -> memref<1x40xi32, #tpu.memory_space<vmem>>
    %dma_start3A_57 = tpu.memref_squeeze %dma_start3A_56 : memref<1x40xi32, #tpu.memory_space<vmem>> -> memref<40xi32, #tpu.memory_space<vmem>>
    %dma_start3A_58 = arith.constant 0 : i32
    %dma_start3A_59 = tpu.memref_slice %arg4[%add3A, %dma_start3A_53, %dma_start3A_58] : memref<32x250x40xi32, #tpu.memory_space<hbm>> -> memref<1x1x40xi32, #tpu.memory_space<hbm>>
    %dma_start3A_60 = tpu.memref_squeeze %dma_start3A_59 : memref<1x1x40xi32, #tpu.memory_space<hbm>> -> memref<40xi32, #tpu.memory_space<hbm>>
    %dma_start3A_61 = arith.constant 0 : i32
    %dma_start3A_62 = tpu.memref_slice %arg7[%dma_start3A_54, %dma_start3A_61] : memref<5x40xi32, #tpu.memory_space<vmem>> -> memref<1x40xi32, #tpu.memory_space<vmem>>
    %dma_start3A_63 = tpu.memref_squeeze %dma_start3A_62 : memref<1x40xi32, #tpu.memory_space<vmem>> -> memref<40xi32, #tpu.memory_space<vmem>>
    %dma_start3A_64 = arith.constant 0 : i32
    %dma_start3A_65 = tpu.memref_slice %arg4[%add3A, %dma_start3A_53, %dma_start3A_64] : memref<32x250x40xi32, #tpu.memory_space<hbm>> -> memref<1x1x40xi32, #tpu.memory_space<hbm>>
    %dma_start3A_66 = tpu.memref_squeeze %dma_start3A_65 : memref<1x1x40xi32, #tpu.memory_space<hbm>> -> memref<40xi32, #tpu.memory_space<hbm>>
    tpu.enqueue_dma source(%dma_start3A_66 : memref<40xi32, #tpu.memory_space<hbm>>) target(%dma_start3A_63 : memref<40xi32, #tpu.memory_space<vmem>>) target_semaphore(%arg15 : memref<!tpu.dma_semaphore, #tpu.memory_space<semaphore_mem>>)
    %dma_start3A_67 = arith.constant 0 : i32
    %dma_start3A_68 = arith.constant 0 : i32
    %dma_start3A_69 = arith.constant 0 : i32
    %dma_start3A_70 = arith.constant 0 : i32
    %dma_start3A_71 = tpu.memref_slice %arg8[%dma_start3A_68, %dma_start3A_69, %dma_start3A_70] : memref<5x40x128xf32, #tpu.memory_space<vmem>> -> memref<1x40x128xf32, #tpu.memory_space<vmem>>
    %dma_start3A_72 = tpu.memref_squeeze %dma_start3A_71 : memref<1x40x128xf32, #tpu.memory_space<vmem>> -> memref<40x128xf32, #tpu.memory_space<vmem>>
    %dma_start3A_73 = arith.constant 0 : i32
    %dma_start3A_74 = tpu.memref_slice %arg6[%dma_start3A_67, %dma_start3A_73] : memref<250x40xi32, #tpu.memory_space<vmem>> -> memref<1x40xi32, #tpu.memory_space<vmem>>
    %dma_start3A_75 = tpu.memref_squeeze %dma_start3A_74 : memref<1x40xi32, #tpu.memory_space<vmem>> -> memref<40xi32, #tpu.memory_space<vmem>>
    %dma_start3A_76 = arith.constant 0 : i32
    %dma_start3A_77 = arith.constant 0 : i32
    %dma_start3A_78 = tpu.memref_slice %arg2[%dma_start3A_76, %dma_start3A_77] : memref<10000x128xf32, #tpu.memory_space<hbm>> -> memref<10000x128xf32, #tpu.memory_space<hbm>>
    tpu.enqueue_indirect_dma source(%dma_start3A_78 : memref<10000x128xf32, #tpu.memory_space<hbm>>) target(%dma_start3A_72 : memref<40x128xf32, #tpu.memory_space<vmem>>) offsets(%dma_start3A_75 : memref<40xi32, #tpu.memory_space<vmem>>) semaphore(%arg10 : memref<!tpu.dma_semaphore, #tpu.memory_space<semaphore_mem>>)
    %dma_start3A_79 = arith.constant 1 : i32
    %dma_start3A_80 = arith.constant 1 : i32
    %dma_start3A_81 = arith.constant 0 : i32
    %dma_start3A_82 = tpu.memref_slice %arg7[%dma_start3A_80, %dma_start3A_81] : memref<5x40xi32, #tpu.memory_space<vmem>> -> memref<1x40xi32, #tpu.memory_space<vmem>>
    %dma_start3A_83 = tpu.memref_squeeze %dma_start3A_82 : memref<1x40xi32, #tpu.memory_space<vmem>> -> memref<40xi32, #tpu.memory_space<vmem>>
    %dma_start3A_84 = arith.constant 0 : i32
    %dma_start3A_85 = tpu.memref_slice %arg4[%add3A, %dma_start3A_79, %dma_start3A_84] : memref<32x250x40xi32, #tpu.memory_space<hbm>> -> memref<1x1x40xi32, #tpu.memory_space<hbm>>
    %dma_start3A_86 = tpu.memref_squeeze %dma_start3A_85 : memref<1x1x40xi32, #tpu.memory_space<hbm>> -> memref<40xi32, #tpu.memory_space<hbm>>
    %dma_start3A_87 = arith.constant 0 : i32
    %dma_start3A_88 = tpu.memref_slice %arg7[%dma_start3A_80, %dma_start3A_87] : memref<5x40xi32, #tpu.memory_space<vmem>> -> memref<1x40xi32, #tpu.memory_space<vmem>>
    %dma_start3A_89 = tpu.memref_squeeze %dma_start3A_88 : memref<1x40xi32, #tpu.memory_space<vmem>> -> memref<40xi32, #tpu.memory_space<vmem>>
    %dma_start3A_90 = arith.constant 0 : i32
    %dma_start3A_91 = tpu.memref_slice %arg4[%add3A, %dma_start3A_79, %dma_start3A_90] : memref<32x250x40xi32, #tpu.memory_space<hbm>> -> memref<1x1x40xi32, #tpu.memory_space<hbm>>
    %dma_start3A_92 = tpu.memref_squeeze %dma_start3A_91 : memref<1x1x40xi32, #tpu.memory_space<hbm>> -> memref<40xi32, #tpu.memory_space<hbm>>
    tpu.enqueue_dma source(%dma_start3A_92 : memref<40xi32, #tpu.memory_space<hbm>>) target(%dma_start3A_89 : memref<40xi32, #tpu.memory_space<vmem>>) target_semaphore(%arg16 : memref<!tpu.dma_semaphore, #tpu.memory_space<semaphore_mem>>)
    %dma_start3A_93 = arith.constant 1 : i32
    %dma_start3A_94 = arith.constant 1 : i32
    %dma_start3A_95 = arith.constant 0 : i32
    %dma_start3A_96 = arith.constant 0 : i32
    %dma_start3A_97 = tpu.memref_slice %arg8[%dma_start3A_94, %dma_start3A_95, %dma_start3A_96] : memref<5x40x128xf32, #tpu.memory_space<vmem>> -> memref<1x40x128xf32, #tpu.memory_space<vmem>>
    %dma_start3A_98 = tpu.memref_squeeze %dma_start3A_97 : memref<1x40x128xf32, #tpu.memory_space<vmem>> -> memref<40x128xf32, #tpu.memory_space<vmem>>
    %dma_start3A_99 = arith.constant 0 : i32
    %dma_start3A_100 = tpu.memref_slice %arg6[%dma_start3A_93, %dma_start3A_99] : memref<250x40xi32, #tpu.memory_space<vmem>> -> memref<1x40xi32, #tpu.memory_space<vmem>>
    %dma_start3A_101 = tpu.memref_squeeze %dma_start3A_100 : memref<1x40xi32, #tpu.memory_space<vmem>> -> memref<40xi32, #tpu.memory_space<vmem>>
    %dma_start3A_102 = arith.constant 0 : i32
    %dma_start3A_103 = arith.constant 0 : i32
    %dma_start3A_104 = tpu.memref_slice %arg2[%dma_start3A_102, %dma_start3A_103] : memref<10000x128xf32, #tpu.memory_space<hbm>> -> memref<10000x128xf32, #tpu.memory_space<hbm>>
    tpu.enqueue_indirect_dma source(%dma_start3A_104 : memref<10000x128xf32, #tpu.memory_space<hbm>>) target(%dma_start3A_98 : memref<40x128xf32, #tpu.memory_space<vmem>>) offsets(%dma_start3A_101 : memref<40xi32, #tpu.memory_space<vmem>>) semaphore(%arg11 : memref<!tpu.dma_semaphore, #tpu.memory_space<semaphore_mem>>)
    %dma_start3A_105 = arith.constant 2 : i32
    %dma_start3A_106 = arith.constant 2 : i32
    %dma_start3A_107 = arith.constant 0 : i32
    %dma_start3A_108 = tpu.memref_slice %arg7[%dma_start3A_106, %dma_start3A_107] : memref<5x40xi32, #tpu.memory_space<vmem>> -> memref<1x40xi32, #tpu.memory_space<vmem>>
    %dma_start3A_109 = tpu.memref_squeeze %dma_start3A_108 : memref<1x40xi32, #tpu.memory_space<vmem>> -> memref<40xi32, #tpu.memory_space<vmem>>
    %dma_start3A_110 = arith.constant 0 : i32
    %dma_start3A_111 = tpu.memref_slice %arg4[%add3A, %dma_start3A_105, %dma_start3A_110] : memref<32x250x40xi32, #tpu.memory_space<hbm>> -> memref<1x1x40xi32, #tpu.memory_space<hbm>>
    %dma_start3A_112 = tpu.memref_squeeze %dma_start3A_111 : memref<1x1x40xi32, #tpu.memory_space<hbm>> -> memref<40xi32, #tpu.memory_space<hbm>>
    %dma_start3A_113 = arith.constant 0 : i32
    %dma_start3A_114 = tpu.memref_slice %arg7[%dma_start3A_106, %dma_start3A_113] : memref<5x40xi32, #tpu.memory_space<vmem>> -> memref<1x40xi32, #tpu.memory_space<vmem>>
    %dma_start3A_115 = tpu.memref_squeeze %dma_start3A_114 : memref<1x40xi32, #tpu.memory_space<vmem>> -> memref<40xi32, #tpu.memory_space<vmem>>
    %dma_start3A_116 = arith.constant 0 : i32
    %dma_start3A_117 = tpu.memref_slice %arg4[%add3A, %dma_start3A_105, %dma_start3A_116] : memref<32x250x40xi32, #tpu.memory_space<hbm>> -> memref<1x1x40xi32, #tpu.memory_space<hbm>>
    %dma_start3A_118 = tpu.memref_squeeze %dma_start3A_117 : memref<1x1x40xi32, #tpu.memory_space<hbm>> -> memref<40xi32, #tpu.memory_space<hbm>>
    tpu.enqueue_dma source(%dma_start3A_118 : memref<40xi32, #tpu.memory_space<hbm>>) target(%dma_start3A_115 : memref<40xi32, #tpu.memory_space<vmem>>) target_semaphore(%arg17 : memref<!tpu.dma_semaphore, #tpu.memory_space<semaphore_mem>>)
    %dma_start3A_119 = arith.constant 2 : i32
    %dma_start3A_120 = arith.constant 2 : i32
    %dma_start3A_121 = arith.constant 0 : i32
    %dma_start3A_122 = arith.constant 0 : i32
    %dma_start3A_123 = tpu.memref_slice %arg8[%dma_start3A_120, %dma_start3A_121, %dma_start3A_122] : memref<5x40x128xf32, #tpu.memory_space<vmem>> -> memref<1x40x128xf32, #tpu.memory_space<vmem>>
    %dma_start3A_124 = tpu.memref_squeeze %dma_start3A_123 : memref<1x40x128xf32, #tpu.memory_space<vmem>> -> memref<40x128xf32, #tpu.memory_space<vmem>>
    %dma_start3A_125 = arith.constant 0 : i32
    %dma_start3A_126 = tpu.memref_slice %arg6[%dma_start3A_119, %dma_start3A_125] : memref<250x40xi32, #tpu.memory_space<vmem>> -> memref<1x40xi32, #tpu.memory_space<vmem>>
    %dma_start3A_127 = tpu.memref_squeeze %dma_start3A_126 : memref<1x40xi32, #tpu.memory_space<vmem>> -> memref<40xi32, #tpu.memory_space<vmem>>
    %dma_start3A_128 = arith.constant 0 : i32
    %dma_start3A_129 = arith.constant 0 : i32
    %dma_start3A_130 = tpu.memref_slice %arg2[%dma_start3A_128, %dma_start3A_129] : memref<10000x128xf32, #tpu.memory_space<hbm>> -> memref<10000x128xf32, #tpu.memory_space<hbm>>
    tpu.enqueue_indirect_dma source(%dma_start3A_130 : memref<10000x128xf32, #tpu.memory_space<hbm>>) target(%dma_start3A_124 : memref<40x128xf32, #tpu.memory_space<vmem>>) offsets(%dma_start3A_127 : memref<40xi32, #tpu.memory_space<vmem>>) semaphore(%arg12 : memref<!tpu.dma_semaphore, #tpu.memory_space<semaphore_mem>>)
    %dma_start3A_131 = arith.constant 3 : i32
    %dma_start3A_132 = arith.constant 3 : i32
    %dma_start3A_133 = arith.constant 0 : i32
    %dma_start3A_134 = tpu.memref_slice %arg7[%dma_start3A_132, %dma_start3A_133] : memref<5x40xi32, #tpu.memory_space<vmem>> -> memref<1x40xi32, #tpu.memory_space<vmem>>
    %dma_start3A_135 = tpu.memref_squeeze %dma_start3A_134 : memref<1x40xi32, #tpu.memory_space<vmem>> -> memref<40xi32, #tpu.memory_space<vmem>>
    %dma_start3A_136 = arith.constant 0 : i32
    %dma_start3A_137 = tpu.memref_slice %arg4[%add3A, %dma_start3A_131, %dma_start3A_136] : memref<32x250x40xi32, #tpu.memory_space<hbm>> -> memref<1x1x40xi32, #tpu.memory_space<hbm>>
    %dma_start3A_138 = tpu.memref_squeeze %dma_start3A_137 : memref<1x1x40xi32, #tpu.memory_space<hbm>> -> memref<40xi32, #tpu.memory_space<hbm>>
    %dma_start3A_139 = arith.constant 0 : i32
    %dma_start3A_140 = tpu.memref_slice %arg7[%dma_start3A_132, %dma_start3A_139] : memref<5x40xi32, #tpu.memory_space<vmem>> -> memref<1x40xi32, #tpu.memory_space<vmem>>
    %dma_start3A_141 = tpu.memref_squeeze %dma_start3A_140 : memref<1x40xi32, #tpu.memory_space<vmem>> -> memref<40xi32, #tpu.memory_space<vmem>>
    %dma_start3A_142 = arith.constant 0 : i32
    %dma_start3A_143 = tpu.memref_slice %arg4[%add3A, %dma_start3A_131, %dma_start3A_142] : memref<32x250x40xi32, #tpu.memory_space<hbm>> -> memref<1x1x40xi32, #tpu.memory_space<hbm>>
    %dma_start3A_144 = tpu.memref_squeeze %dma_start3A_143 : memref<1x1x40xi32, #tpu.memory_space<hbm>> -> memref<40xi32, #tpu.memory_space<hbm>>
    tpu.enqueue_dma source(%dma_start3A_144 : memref<40xi32, #tpu.memory_space<hbm>>) target(%dma_start3A_141 : memref<40xi32, #tpu.memory_space<vmem>>) target_semaphore(%arg18 : memref<!tpu.dma_semaphore, #tpu.memory_space<semaphore_mem>>)
    %dma_start3A_145 = arith.constant 3 : i32
    %dma_start3A_146 = arith.constant 3 : i32
    %dma_start3A_147 = arith.constant 0 : i32
    %dma_start3A_148 = arith.constant 0 : i32
    %dma_start3A_149 = tpu.memref_slice %arg8[%dma_start3A_146, %dma_start3A_147, %dma_start3A_148] : memref<5x40x128xf32, #tpu.memory_space<vmem>> -> memref<1x40x128xf32, #tpu.memory_space<vmem>>
    %dma_start3A_150 = tpu.memref_squeeze %dma_start3A_149 : memref<1x40x128xf32, #tpu.memory_space<vmem>> -> memref<40x128xf32, #tpu.memory_space<vmem>>
    %dma_start3A_151 = arith.constant 0 : i32
    %dma_start3A_152 = tpu.memref_slice %arg6[%dma_start3A_145, %dma_start3A_151] : memref<250x40xi32, #tpu.memory_space<vmem>> -> memref<1x40xi32, #tpu.memory_space<vmem>>
    %dma_start3A_153 = tpu.memref_squeeze %dma_start3A_152 : memref<1x40xi32, #tpu.memory_space<vmem>> -> memref<40xi32, #tpu.memory_space<vmem>>
    %dma_start3A_154 = arith.constant 0 : i32
    %dma_start3A_155 = arith.constant 0 : i32
    %dma_start3A_156 = tpu.memref_slice %arg2[%dma_start3A_154, %dma_start3A_155] : memref<10000x128xf32, #tpu.memory_space<hbm>> -> memref<10000x128xf32, #tpu.memory_space<hbm>>
    tpu.enqueue_indirect_dma source(%dma_start3A_156 : memref<10000x128xf32, #tpu.memory_space<hbm>>) target(%dma_start3A_150 : memref<40x128xf32, #tpu.memory_space<vmem>>) offsets(%dma_start3A_153 : memref<40xi32, #tpu.memory_space<vmem>>) semaphore(%arg13 : memref<!tpu.dma_semaphore, #tpu.memory_space<semaphore_mem>>)
    %dma_start3A_157 = arith.constant 4 : i32
    %dma_start3A_158 = arith.constant 4 : i32
    %dma_start3A_159 = arith.constant 0 : i32
    %dma_start3A_160 = tpu.memref_slice %arg7[%dma_start3A_158, %dma_start3A_159] : memref<5x40xi32, #tpu.memory_space<vmem>> -> memref<1x40xi32, #tpu.memory_space<vmem>>
    %dma_start3A_161 = tpu.memref_squeeze %dma_start3A_160 : memref<1x40xi32, #tpu.memory_space<vmem>> -> memref<40xi32, #tpu.memory_space<vmem>>
    %dma_start3A_162 = arith.constant 0 : i32
    %dma_start3A_163 = tpu.memref_slice %arg4[%add3A, %dma_start3A_157, %dma_start3A_162] : memref<32x250x40xi32, #tpu.memory_space<hbm>> -> memref<1x1x40xi32, #tpu.memory_space<hbm>>
    %dma_start3A_164 = tpu.memref_squeeze %dma_start3A_163 : memref<1x1x40xi32, #tpu.memory_space<hbm>> -> memref<40xi32, #tpu.memory_space<hbm>>
    %dma_start3A_165 = arith.constant 0 : i32
    %dma_start3A_166 = tpu.memref_slice %arg7[%dma_start3A_158, %dma_start3A_165] : memref<5x40xi32, #tpu.memory_space<vmem>> -> memref<1x40xi32, #tpu.memory_space<vmem>>
    %dma_start3A_167 = tpu.memref_squeeze %dma_start3A_166 : memref<1x40xi32, #tpu.memory_space<vmem>> -> memref<40xi32, #tpu.memory_space<vmem>>
    %dma_start3A_168 = arith.constant 0 : i32
    %dma_start3A_169 = tpu.memref_slice %arg4[%add3A, %dma_start3A_157, %dma_start3A_168] : memref<32x250x40xi32, #tpu.memory_space<hbm>> -> memref<1x1x40xi32, #tpu.memory_space<hbm>>
    %dma_start3A_170 = tpu.memref_squeeze %dma_start3A_169 : memref<1x1x40xi32, #tpu.memory_space<hbm>> -> memref<40xi32, #tpu.memory_space<hbm>>
    tpu.enqueue_dma source(%dma_start3A_170 : memref<40xi32, #tpu.memory_space<hbm>>) target(%dma_start3A_167 : memref<40xi32, #tpu.memory_space<vmem>>) target_semaphore(%arg19 : memref<!tpu.dma_semaphore, #tpu.memory_space<semaphore_mem>>)
    %dma_start3A_171 = arith.constant 4 : i32
    %dma_start3A_172 = arith.constant 4 : i32
    %dma_start3A_173 = arith.constant 0 : i32
    %dma_start3A_174 = arith.constant 0 : i32
    %dma_start3A_175 = tpu.memref_slice %arg8[%dma_start3A_172, %dma_start3A_173, %dma_start3A_174] : memref<5x40x128xf32, #tpu.memory_space<vmem>> -> memref<1x40x128xf32, #tpu.memory_space<vmem>>
    %dma_start3A_176 = tpu.memref_squeeze %dma_start3A_175 : memref<1x40x128xf32, #tpu.memory_space<vmem>> -> memref<40x128xf32, #tpu.memory_space<vmem>>
    %dma_start3A_177 = arith.constant 0 : i32
    %dma_start3A_178 = tpu.memref_slice %arg6[%dma_start3A_171, %dma_start3A_177] : memref<250x40xi32, #tpu.memory_space<vmem>> -> memref<1x40xi32, #tpu.memory_space<vmem>>
    %dma_start3A_179 = tpu.memref_squeeze %dma_start3A_178 : memref<1x40xi32, #tpu.memory_space<vmem>> -> memref<40xi32, #tpu.memory_space<vmem>>
    %dma_start3A_180 = arith.constant 0 : i32
    %dma_start3A_181 = arith.constant 0 : i32
    %dma_start3A_182 = tpu.memref_slice %arg2[%dma_start3A_180, %dma_start3A_181] : memref<10000x128xf32, #tpu.memory_space<hbm>> -> memref<10000x128xf32, #tpu.memory_space<hbm>>
    tpu.enqueue_indirect_dma source(%dma_start3A_182 : memref<10000x128xf32, #tpu.memory_space<hbm>>) target(%dma_start3A_176 : memref<40x128xf32, #tpu.memory_space<vmem>>) offsets(%dma_start3A_179 : memref<40xi32, #tpu.memory_space<vmem>>) semaphore(%arg14 : memref<!tpu.dma_semaphore, #tpu.memory_space<semaphore_mem>>)
    %scan3A_183 = arith.constant 0 : i32
    %scan3A_184 = arith.constant 49 : i32
    %scan3A_185 = arith.addi %scan3A_183, %scan3A_184 : i32
    %scan3A_186 = arith.constant 1 : i32
    scf.for %scan3A_364 = %scan3A_183 to %scan3A_185 step %scan3A_186  : i32 {
      %mul3A_365 = arith.constant 5 : i32
      %mul3A_366 = arith.muli %scan3A_364, %mul3A_365 : i32
      %add3A_367 = arith.constant 0 : i32
      %add3A_368 = arith.addi %add3A_367, %mul3A_366 : i32
      %add3A_369 = arith.constant 0 : i32
      %add3A_370 = arith.addi %add3A_368, %add3A_369 : i32
      %dma_wait3A_371 = arith.constant 0 : i32
      %dma_wait3A_372 = arith.constant 0 : i32
      %dma_wait3A_373 = arith.constant 0 : i32
      %dma_wait3A_374 = tpu.memref_slice %arg8[%dma_wait3A_371, %dma_wait3A_372, %dma_wait3A_373] : memref<5x40x128xf32, #tpu.memory_space<vmem>> -> memref<1x40x128xf32, #tpu.memory_space<vmem>>
      %dma_wait3A_375 = tpu.memref_squeeze %dma_wait3A_374 : memref<1x40x128xf32, #tpu.memory_space<vmem>> -> memref<40x128xf32, #tpu.memory_space<vmem>>
      %dma_wait3A_376 = arith.constant 0 : i32
      %dma_wait3A_377 = tpu.memref_slice %arg6[%add3A_370, %dma_wait3A_376] : memref<250x40xi32, #tpu.memory_space<vmem>> -> memref<1x40xi32, #tpu.memory_space<vmem>>
      %dma_wait3A_378 = tpu.memref_squeeze %dma_wait3A_377 : memref<1x40xi32, #tpu.memory_space<vmem>> -> memref<40xi32, #tpu.memory_space<vmem>>
      %dma_wait3A_379 = arith.constant 0 : i32
      %dma_wait3A_380 = arith.constant 0 : i32
      %dma_wait3A_381 = tpu.memref_slice %arg2[%dma_wait3A_379, %dma_wait3A_380] : memref<10000x128xf32, #tpu.memory_space<hbm>> -> memref<10000x128xf32, #tpu.memory_space<hbm>>
      tpu.wait_indirect_dma semaphore(%arg10 : memref<!tpu.dma_semaphore, #tpu.memory_space<semaphore_mem>>) src(%dma_wait3A_381 : memref<10000x128xf32, #tpu.memory_space<hbm>>) dst(%dma_wait3A_375 : memref<40x128xf32, #tpu.memory_space<vmem>>)
      %dma_wait3A_382 = arith.constant 0 : i32
      %dma_wait3A_383 = arith.constant 0 : i32
      %dma_wait3A_384 = tpu.memref_slice %arg7[%dma_wait3A_382, %dma_wait3A_383] : memref<5x40xi32, #tpu.memory_space<vmem>> -> memref<1x40xi32, #tpu.memory_space<vmem>>
      %dma_wait3A_385 = tpu.memref_squeeze %dma_wait3A_384 : memref<1x40xi32, #tpu.memory_space<vmem>> -> memref<40xi32, #tpu.memory_space<vmem>>
      %dma_wait3A_386 = arith.constant 0 : i32
      %dma_wait3A_387 = tpu.memref_slice %arg4[%add3A, %add3A_370, %dma_wait3A_386] : memref<32x250x40xi32, #tpu.memory_space<hbm>> -> memref<1x1x40xi32, #tpu.memory_space<hbm>>
      %dma_wait3A_388 = tpu.memref_squeeze %dma_wait3A_387 : memref<1x1x40xi32, #tpu.memory_space<hbm>> -> memref<40xi32, #tpu.memory_space<hbm>>
      %dma_wait3A_389 = arith.constant 0 : i32
      %dma_wait3A_390 = tpu.memref_slice %arg7[%dma_wait3A_382, %dma_wait3A_389] : memref<5x40xi32, #tpu.memory_space<vmem>> -> memref<1x40xi32, #tpu.memory_space<vmem>>
      %dma_wait3A_391 = tpu.memref_squeeze %dma_wait3A_390 : memref<1x40xi32, #tpu.memory_space<vmem>> -> memref<40xi32, #tpu.memory_space<vmem>>
      %dma_wait3A_392 = arith.constant 0 : i32
      %dma_wait3A_393 = tpu.memref_slice %arg4[%add3A, %add3A_370, %dma_wait3A_392] : memref<32x250x40xi32, #tpu.memory_space<hbm>> -> memref<1x1x40xi32, #tpu.memory_space<hbm>>
      %dma_wait3A_394 = tpu.memref_squeeze %dma_wait3A_393 : memref<1x1x40xi32, #tpu.memory_space<hbm>> -> memref<40xi32, #tpu.memory_space<hbm>>
      tpu.wait_dma2 semaphore(%arg15 : memref<!tpu.dma_semaphore, #tpu.memory_space<semaphore_mem>>) src(%dma_wait3A_394 : memref<40xi32, #tpu.memory_space<hbm>>) dst(%dma_wait3A_391 : memref<40xi32, #tpu.memory_space<vmem>>)
      %run_scoped3A_395 = arith.constant 0 : i32
      %run_scoped3A_396 = arith.constant 0 : i32
      "tpu.region"() ({
        %run_scoped3A_649 = tpu.sem_alloc : memref<!tpu.dma_semaphore, #tpu.memory_space<semaphore_mem>>
        %dma_start3A_650 = arith.constant 0 : i32
        %dma_start3A_651 = arith.constant 0 : i32
        %dma_start3A_652 = tpu.memref_slice %arg8[%run_scoped3A_395, %dma_start3A_650, %dma_start3A_651] : memref<5x40x128xf32, #tpu.memory_space<vmem>> -> memref<1x40x128xf32, #tpu.memory_space<vmem>>
        %dma_start3A_653 = tpu.memref_squeeze %dma_start3A_652 : memref<1x40x128xf32, #tpu.memory_space<vmem>> -> memref<40x128xf32, #tpu.memory_space<vmem>>
        %dma_start3A_654 = arith.constant 0 : i32
        %dma_start3A_655 = tpu.memref_slice %arg7[%run_scoped3A_396, %dma_start3A_654] : memref<5x40xi32, #tpu.memory_space<vmem>> -> memref<1x40xi32, #tpu.memory_space<vmem>>
        %dma_start3A_656 = tpu.memref_squeeze %dma_start3A_655 : memref<1x40xi32, #tpu.memory_space<vmem>> -> memref<40xi32, #tpu.memory_space<vmem>>
        %dma_start3A_657 = arith.constant 0 : i32
        %dma_start3A_658 = arith.constant 0 : i32
        %dma_start3A_659 = tpu.memref_slice %arg9[%dma_start3A_657, %dma_start3A_658] : memref<10000x128xf32, #tpu.memory_space<vmem_shared>> -> memref<10000x128xf32, #tpu.memory_space<vmem_shared>>
        tpu.enqueue_indirect_dma source(%dma_start3A_653 : memref<40x128xf32, #tpu.memory_space<vmem>>) target(%dma_start3A_659 : memref<10000x128xf32, #tpu.memory_space<vmem_shared>>) offsets(%dma_start3A_656 : memref<40xi32, #tpu.memory_space<vmem>>) semaphore(%run_scoped3A_649 : memref<!tpu.dma_semaphore, #tpu.memory_space<semaphore_mem>>) {add = true}
        %dma_wait3A_660 = arith.constant 0 : i32
        %dma_wait3A_661 = arith.constant 0 : i32
        %dma_wait3A_662 = tpu.memref_slice %arg8[%run_scoped3A_395, %dma_wait3A_660, %dma_wait3A_661] : memref<5x40x128xf32, #tpu.memory_space<vmem>> -> memref<1x40x128xf32, #tpu.memory_space<vmem>>
        %dma_wait3A_663 = tpu.memref_squeeze %dma_wait3A_662 : memref<1x40x128xf32, #tpu.memory_space<vmem>> -> memref<40x128xf32, #tpu.memory_space<vmem>>
        %dma_wait3A_664 = arith.constant 0 : i32
        %dma_wait3A_665 = tpu.memref_slice %arg7[%run_scoped3A_396, %dma_wait3A_664] : memref<5x40xi32, #tpu.memory_space<vmem>> -> memref<1x40xi32, #tpu.memory_space<vmem>>
        %dma_wait3A_666 = tpu.memref_squeeze %dma_wait3A_665 : memref<1x40xi32, #tpu.memory_space<vmem>> -> memref<40xi32, #tpu.memory_space<vmem>>
        %dma_wait3A_667 = arith.constant 0 : i32
        %dma_wait3A_668 = arith.constant 0 : i32
        %dma_wait3A_669 = tpu.memref_slice %arg9[%dma_wait3A_667, %dma_wait3A_668] : memref<10000x128xf32, #tpu.memory_space<vmem_shared>> -> memref<10000x128xf32, #tpu.memory_space<vmem_shared>>
        tpu.wait_indirect_dma semaphore(%run_scoped3A_649 : memref<!tpu.dma_semaphore, #tpu.memory_space<semaphore_mem>>) src(%dma_wait3A_663 : memref<40x128xf32, #tpu.memory_space<vmem>>) dst(%dma_wait3A_669 : memref<10000x128xf32, #tpu.memory_space<vmem_shared>>)
        tpu.yield
      }) : () -> ()
      %add3A_397 = arith.constant 5 : i32
      %add3A_398 = arith.addi %add3A_370, %add3A_397 : i32
      %dma_start3A_399 = arith.constant 0 : i32
      %dma_start3A_400 = arith.constant 0 : i32
      %dma_start3A_401 = tpu.memref_slice %arg7[%dma_start3A_399, %dma_start3A_400] : memref<5x40xi32, #tpu.memory_space<vmem>> -> memref<1x40xi32, #tpu.memory_space<vmem>>
      %dma_start3A_402 = tpu.memref_squeeze %dma_start3A_401 : memref<1x40xi32, #tpu.memory_space<vmem>> -> memref<40xi32, #tpu.memory_space<vmem>>
      %dma_start3A_403 = arith.constant 0 : i32
      %dma_start3A_404 = tpu.memref_slice %arg4[%add3A, %add3A_398, %dma_start3A_403] : memref<32x250x40xi32, #tpu.memory_space<hbm>> -> memref<1x1x40xi32, #tpu.memory_space<hbm>>
      %dma_start3A_405 = tpu.memref_squeeze %dma_start3A_404 : memref<1x1x40xi32, #tpu.memory_space<hbm>> -> memref<40xi32, #tpu.memory_space<hbm>>
      %dma_start3A_406 = arith.constant 0 : i32
      %dma_start3A_407 = tpu.memref_slice %arg7[%dma_start3A_399, %dma_start3A_406] : memref<5x40xi32, #tpu.memory_space<vmem>> -> memref<1x40xi32, #tpu.memory_space<vmem>>
      %dma_start3A_408 = tpu.memref_squeeze %dma_start3A_407 : memref<1x40xi32, #tpu.memory_space<vmem>> -> memref<40xi32, #tpu.memory_space<vmem>>
      %dma_start3A_409 = arith.constant 0 : i32
      %dma_start3A_410 = tpu.memref_slice %arg4[%add3A, %add3A_398, %dma_start3A_409] : memref<32x250x40xi32, #tpu.memory_space<hbm>> -> memref<1x1x40xi32, #tpu.memory_space<hbm>>
      %dma_start3A_411 = tpu.memref_squeeze %dma_start3A_410 : memref<1x1x40xi32, #tpu.memory_space<hbm>> -> memref<40xi32, #tpu.memory_space<hbm>>
      tpu.enqueue_dma source(%dma_start3A_411 : memref<40xi32, #tpu.memory_space<hbm>>) target(%dma_start3A_408 : memref<40xi32, #tpu.memory_space<vmem>>) target_semaphore(%arg15 : memref<!tpu.dma_semaphore, #tpu.memory_space<semaphore_mem>>)
      %add3A_412 = arith.constant 5 : i32
      %add3A_413 = arith.addi %add3A_370, %add3A_412 : i32
      %dma_start3A_414 = arith.constant 0 : i32
      %dma_start3A_415 = arith.constant 0 : i32
      %dma_start3A_416 = arith.constant 0 : i32
      %dma_start3A_417 = tpu.memref_slice %arg8[%dma_start3A_414, %dma_start3A_415, %dma_start3A_416] : memref<5x40x128xf32, #tpu.memory_space<vmem>> -> memref<1x40x128xf32, #tpu.memory_space<vmem>>
      %dma_start3A_418 = tpu.memref_squeeze %dma_start3A_417 : memref<1x40x128xf32, #tpu.memory_space<vmem>> -> memref<40x128xf32, #tpu.memory_space<vmem>>
      %dma_start3A_419 = arith.constant 0 : i32
      %dma_start3A_420 = tpu.memref_slice %arg6[%add3A_413, %dma_start3A_419] : memref<250x40xi32, #tpu.memory_space<vmem>> -> memref<1x40xi32, #tpu.memory_space<vmem>>
      %dma_start3A_421 = tpu.memref_squeeze %dma_start3A_420 : memref<1x40xi32, #tpu.memory_space<vmem>> -> memref<40xi32, #tpu.memory_space<vmem>>
      %dma_start3A_422 = arith.constant 0 : i32
      %dma_start3A_423 = arith.constant 0 : i32
      %dma_start3A_424 = tpu.memref_slice %arg2[%dma_start3A_422, %dma_start3A_423] : memref<10000x128xf32, #tpu.memory_space<hbm>> -> memref<10000x128xf32, #tpu.memory_space<hbm>>
      tpu.enqueue_indirect_dma source(%dma_start3A_424 : memref<10000x128xf32, #tpu.memory_space<hbm>>) target(%dma_start3A_418 : memref<40x128xf32, #tpu.memory_space<vmem>>) offsets(%dma_start3A_421 : memref<40xi32, #tpu.memory_space<vmem>>) semaphore(%arg10 : memref<!tpu.dma_semaphore, #tpu.memory_space<semaphore_mem>>)
      %add3A_425 = arith.constant 1 : i32
      %add3A_426 = arith.addi %add3A_368, %add3A_425 : i32
      %dma_wait3A_427 = arith.constant 1 : i32
      %dma_wait3A_428 = arith.constant 0 : i32
      %dma_wait3A_429 = arith.constant 0 : i32
      %dma_wait3A_430 = tpu.memref_slice %arg8[%dma_wait3A_427, %dma_wait3A_428, %dma_wait3A_429] : memref<5x40x128xf32, #tpu.memory_space<vmem>> -> memref<1x40x128xf32, #tpu.memory_space<vmem>>
      %dma_wait3A_431 = tpu.memref_squeeze %dma_wait3A_430 : memref<1x40x128xf32, #tpu.memory_space<vmem>> -> memref<40x128xf32, #tpu.memory_space<vmem>>
      %dma_wait3A_432 = arith.constant 0 : i32
      %dma_wait3A_433 = tpu.memref_slice %arg6[%add3A_426, %dma_wait3A_432] : memref<250x40xi32, #tpu.memory_space<vmem>> -> memref<1x40xi32, #tpu.memory_space<vmem>>
      %dma_wait3A_434 = tpu.memref_squeeze %dma_wait3A_433 : memref<1x40xi32, #tpu.memory_space<vmem>> -> memref<40xi32, #tpu.memory_space<vmem>>
      %dma_wait3A_435 = arith.constant 0 : i32
      %dma_wait3A_436 = arith.constant 0 : i32
      %dma_wait3A_437 = tpu.memref_slice %arg2[%dma_wait3A_435, %dma_wait3A_436] : memref<10000x128xf32, #tpu.memory_space<hbm>> -> memref<10000x128xf32, #tpu.memory_space<hbm>>
      tpu.wait_indirect_dma semaphore(%arg11 : memref<!tpu.dma_semaphore, #tpu.memory_space<semaphore_mem>>) src(%dma_wait3A_437 : memref<10000x128xf32, #tpu.memory_space<hbm>>) dst(%dma_wait3A_431 : memref<40x128xf32, #tpu.memory_space<vmem>>)
      %dma_wait3A_438 = arith.constant 1 : i32
      %dma_wait3A_439 = arith.constant 0 : i32
      %dma_wait3A_440 = tpu.memref_slice %arg7[%dma_wait3A_438, %dma_wait3A_439] : memref<5x40xi32, #tpu.memory_space<vmem>> -> memref<1x40xi32, #tpu.memory_space<vmem>>
      %dma_wait3A_441 = tpu.memref_squeeze %dma_wait3A_440 : memref<1x40xi32, #tpu.memory_space<vmem>> -> memref<40xi32, #tpu.memory_space<vmem>>
      %dma_wait3A_442 = arith.constant 0 : i32
      %dma_wait3A_443 = tpu.memref_slice %arg4[%add3A, %add3A_426, %dma_wait3A_442] : memref<32x250x40xi32, #tpu.memory_space<hbm>> -> memref<1x1x40xi32, #tpu.memory_space<hbm>>
      %dma_wait3A_444 = tpu.memref_squeeze %dma_wait3A_443 : memref<1x1x40xi32, #tpu.memory_space<hbm>> -> memref<40xi32, #tpu.memory_space<hbm>>
      %dma_wait3A_445 = arith.constant 0 : i32
      %dma_wait3A_446 = tpu.memref_slice %arg7[%dma_wait3A_438, %dma_wait3A_445] : memref<5x40xi32, #tpu.memory_space<vmem>> -> memref<1x40xi32, #tpu.memory_space<vmem>>
      %dma_wait3A_447 = tpu.memref_squeeze %dma_wait3A_446 : memref<1x40xi32, #tpu.memory_space<vmem>> -> memref<40xi32, #tpu.memory_space<vmem>>
      %dma_wait3A_448 = arith.constant 0 : i32
      %dma_wait3A_449 = tpu.memref_slice %arg4[%add3A, %add3A_426, %dma_wait3A_448] : memref<32x250x40xi32, #tpu.memory_space<hbm>> -> memref<1x1x40xi32, #tpu.memory_space<hbm>>
      %dma_wait3A_450 = tpu.memref_squeeze %dma_wait3A_449 : memref<1x1x40xi32, #tpu.memory_space<hbm>> -> memref<40xi32, #tpu.memory_space<hbm>>
      tpu.wait_dma2 semaphore(%arg16 : memref<!tpu.dma_semaphore, #tpu.memory_space<semaphore_mem>>) src(%dma_wait3A_450 : memref<40xi32, #tpu.memory_space<hbm>>) dst(%dma_wait3A_447 : memref<40xi32, #tpu.memory_space<vmem>>)
      %run_scoped3A_451 = arith.constant 1 : i32
      %run_scoped3A_452 = arith.constant 1 : i32
      "tpu.region"() ({
        %run_scoped3A_649 = tpu.sem_alloc : memref<!tpu.dma_semaphore, #tpu.memory_space<semaphore_mem>>
        %dma_start3A_650 = arith.constant 0 : i32
        %dma_start3A_651 = arith.constant 0 : i32
        %dma_start3A_652 = tpu.memref_slice %arg8[%run_scoped3A_451, %dma_start3A_650, %dma_start3A_651] : memref<5x40x128xf32, #tpu.memory_space<vmem>> -> memref<1x40x128xf32, #tpu.memory_space<vmem>>
        %dma_start3A_653 = tpu.memref_squeeze %dma_start3A_652 : memref<1x40x128xf32, #tpu.memory_space<vmem>> -> memref<40x128xf32, #tpu.memory_space<vmem>>
        %dma_start3A_654 = arith.constant 0 : i32
        %dma_start3A_655 = tpu.memref_slice %arg7[%run_scoped3A_452, %dma_start3A_654] : memref<5x40xi32, #tpu.memory_space<vmem>> -> memref<1x40xi32, #tpu.memory_space<vmem>>
        %dma_start3A_656 = tpu.memref_squeeze %dma_start3A_655 : memref<1x40xi32, #tpu.memory_space<vmem>> -> memref<40xi32, #tpu.memory_space<vmem>>
        %dma_start3A_657 = arith.constant 0 : i32
        %dma_start3A_658 = arith.constant 0 : i32
        %dma_start3A_659 = tpu.memref_slice %arg9[%dma_start3A_657, %dma_start3A_658] : memref<10000x128xf32, #tpu.memory_space<vmem_shared>> -> memref<10000x128xf32, #tpu.memory_space<vmem_shared>>
        tpu.enqueue_indirect_dma source(%dma_start3A_653 : memref<40x128xf32, #tpu.memory_space<vmem>>) target(%dma_start3A_659 : memref<10000x128xf32, #tpu.memory_space<vmem_shared>>) offsets(%dma_start3A_656 : memref<40xi32, #tpu.memory_space<vmem>>) semaphore(%run_scoped3A_649 : memref<!tpu.dma_semaphore, #tpu.memory_space<semaphore_mem>>) {add = true}
        %dma_wait3A_660 = arith.constant 0 : i32
        %dma_wait3A_661 = arith.constant 0 : i32
        %dma_wait3A_662 = tpu.memref_slice %arg8[%run_scoped3A_451, %dma_wait3A_660, %dma_wait3A_661] : memref<5x40x128xf32, #tpu.memory_space<vmem>> -> memref<1x40x128xf32, #tpu.memory_space<vmem>>
        %dma_wait3A_663 = tpu.memref_squeeze %dma_wait3A_662 : memref<1x40x128xf32, #tpu.memory_space<vmem>> -> memref<40x128xf32, #tpu.memory_space<vmem>>
        %dma_wait3A_664 = arith.constant 0 : i32
        %dma_wait3A_665 = tpu.memref_slice %arg7[%run_scoped3A_452, %dma_wait3A_664] : memref<5x40xi32, #tpu.memory_space<vmem>> -> memref<1x40xi32, #tpu.memory_space<vmem>>
        %dma_wait3A_666 = tpu.memref_squeeze %dma_wait3A_665 : memref<1x40xi32, #tpu.memory_space<vmem>> -> memref<40xi32, #tpu.memory_space<vmem>>
        %dma_wait3A_667 = arith.constant 0 : i32
        %dma_wait3A_668 = arith.constant 0 : i32
        %dma_wait3A_669 = tpu.memref_slice %arg9[%dma_wait3A_667, %dma_wait3A_668] : memref<10000x128xf32, #tpu.memory_space<vmem_shared>> -> memref<10000x128xf32, #tpu.memory_space<vmem_shared>>
        tpu.wait_indirect_dma semaphore(%run_scoped3A_649 : memref<!tpu.dma_semaphore, #tpu.memory_space<semaphore_mem>>) src(%dma_wait3A_663 : memref<40x128xf32, #tpu.memory_space<vmem>>) dst(%dma_wait3A_669 : memref<10000x128xf32, #tpu.memory_space<vmem_shared>>)
        tpu.yield
      }) : () -> ()
      %add3A_453 = arith.constant 5 : i32
      %add3A_454 = arith.addi %add3A_426, %add3A_453 : i32
      %dma_start3A_455 = arith.constant 1 : i32
      %dma_start3A_456 = arith.constant 0 : i32
      %dma_start3A_457 = tpu.memref_slice %arg7[%dma_start3A_455, %dma_start3A_456] : memref<5x40xi32, #tpu.memory_space<vmem>> -> memref<1x40xi32, #tpu.memory_space<vmem>>
      %dma_start3A_458 = tpu.memref_squeeze %dma_start3A_457 : memref<1x40xi32, #tpu.memory_space<vmem>> -> memref<40xi32, #tpu.memory_space<vmem>>
      %dma_start3A_459 = arith.constant 0 : i32
      %dma_start3A_460 = tpu.memref_slice %arg4[%add3A, %add3A_454, %dma_start3A_459] : memref<32x250x40xi32, #tpu.memory_space<hbm>> -> memref<1x1x40xi32, #tpu.memory_space<hbm>>
      %dma_start3A_461 = tpu.memref_squeeze %dma_start3A_460 : memref<1x1x40xi32, #tpu.memory_space<hbm>> -> memref<40xi32, #tpu.memory_space<hbm>>
      %dma_start3A_462 = arith.constant 0 : i32
      %dma_start3A_463 = tpu.memref_slice %arg7[%dma_start3A_455, %dma_start3A_462] : memref<5x40xi32, #tpu.memory_space<vmem>> -> memref<1x40xi32, #tpu.memory_space<vmem>>
      %dma_start3A_464 = tpu.memref_squeeze %dma_start3A_463 : memref<1x40xi32, #tpu.memory_space<vmem>> -> memref<40xi32, #tpu.memory_space<vmem>>
      %dma_start3A_465 = arith.constant 0 : i32
      %dma_start3A_466 = tpu.memref_slice %arg4[%add3A, %add3A_454, %dma_start3A_465] : memref<32x250x40xi32, #tpu.memory_space<hbm>> -> memref<1x1x40xi32, #tpu.memory_space<hbm>>
      %dma_start3A_467 = tpu.memref_squeeze %dma_start3A_466 : memref<1x1x40xi32, #tpu.memory_space<hbm>> -> memref<40xi32, #tpu.memory_space<hbm>>
      tpu.enqueue_dma source(%dma_start3A_467 : memref<40xi32, #tpu.memory_space<hbm>>) target(%dma_start3A_464 : memref<40xi32, #tpu.memory_space<vmem>>) target_semaphore(%arg16 : memref<!tpu.dma_semaphore, #tpu.memory_space<semaphore_mem>>)
      %add3A_468 = arith.constant 5 : i32
      %add3A_469 = arith.addi %add3A_426, %add3A_468 : i32
      %dma_start3A_470 = arith.constant 1 : i32
      %dma_start3A_471 = arith.constant 0 : i32
      %dma_start3A_472 = arith.constant 0 : i32
      %dma_start3A_473 = tpu.memref_slice %arg8[%dma_start3A_470, %dma_start3A_471, %dma_start3A_472] : memref<5x40x128xf32, #tpu.memory_space<vmem>> -> memref<1x40x128xf32, #tpu.memory_space<vmem>>
      %dma_start3A_474 = tpu.memref_squeeze %dma_start3A_473 : memref<1x40x128xf32, #tpu.memory_space<vmem>> -> memref<40x128xf32, #tpu.memory_space<vmem>>
      %dma_start3A_475 = arith.constant 0 : i32
      %dma_start3A_476 = tpu.memref_slice %arg6[%add3A_469, %dma_start3A_475] : memref<250x40xi32, #tpu.memory_space<vmem>> -> memref<1x40xi32, #tpu.memory_space<vmem>>
      %dma_start3A_477 = tpu.memref_squeeze %dma_start3A_476 : memref<1x40xi32, #tpu.memory_space<vmem>> -> memref<40xi32, #tpu.memory_space<vmem>>
      %dma_start3A_478 = arith.constant 0 : i32
      %dma_start3A_479 = arith.constant 0 : i32
      %dma_start3A_480 = tpu.memref_slice %arg2[%dma_start3A_478, %dma_start3A_479] : memref<10000x128xf32, #tpu.memory_space<hbm>> -> memref<10000x128xf32, #tpu.memory_space<hbm>>
      tpu.enqueue_indirect_dma source(%dma_start3A_480 : memref<10000x128xf32, #tpu.memory_space<hbm>>) target(%dma_start3A_474 : memref<40x128xf32, #tpu.memory_space<vmem>>) offsets(%dma_start3A_477 : memref<40xi32, #tpu.memory_space<vmem>>) semaphore(%arg11 : memref<!tpu.dma_semaphore, #tpu.memory_space<semaphore_mem>>)
      %add3A_481 = arith.constant 2 : i32
      %add3A_482 = arith.addi %add3A_368, %add3A_481 : i32
      %dma_wait3A_483 = arith.constant 2 : i32
      %dma_wait3A_484 = arith.constant 0 : i32
      %dma_wait3A_485 = arith.constant 0 : i32
      %dma_wait3A_486 = tpu.memref_slice %arg8[%dma_wait3A_483, %dma_wait3A_484, %dma_wait3A_485] : memref<5x40x128xf32, #tpu.memory_space<vmem>> -> memref<1x40x128xf32, #tpu.memory_space<vmem>>
      %dma_wait3A_487 = tpu.memref_squeeze %dma_wait3A_486 : memref<1x40x128xf32, #tpu.memory_space<vmem>> -> memref<40x128xf32, #tpu.memory_space<vmem>>
      %dma_wait3A_488 = arith.constant 0 : i32
      %dma_wait3A_489 = tpu.memref_slice %arg6[%add3A_482, %dma_wait3A_488] : memref<250x40xi32, #tpu.memory_space<vmem>> -> memref<1x40xi32, #tpu.memory_space<vmem>>
      %dma_wait3A_490 = tpu.memref_squeeze %dma_wait3A_489 : memref<1x40xi32, #tpu.memory_space<vmem>> -> memref<40xi32, #tpu.memory_space<vmem>>
      %dma_wait3A_491 = arith.constant 0 : i32
      %dma_wait3A_492 = arith.constant 0 : i32
      %dma_wait3A_493 = tpu.memref_slice %arg2[%dma_wait3A_491, %dma_wait3A_492] : memref<10000x128xf32, #tpu.memory_space<hbm>> -> memref<10000x128xf32, #tpu.memory_space<hbm>>
      tpu.wait_indirect_dma semaphore(%arg12 : memref<!tpu.dma_semaphore, #tpu.memory_space<semaphore_mem>>) src(%dma_wait3A_493 : memref<10000x128xf32, #tpu.memory_space<hbm>>) dst(%dma_wait3A_487 : memref<40x128xf32, #tpu.memory_space<vmem>>)
      %dma_wait3A_494 = arith.constant 2 : i32
      %dma_wait3A_495 = arith.constant 0 : i32
      %dma_wait3A_496 = tpu.memref_slice %arg7[%dma_wait3A_494, %dma_wait3A_495] : memref<5x40xi32, #tpu.memory_space<vmem>> -> memref<1x40xi32, #tpu.memory_space<vmem>>
      %dma_wait3A_497 = tpu.memref_squeeze %dma_wait3A_496 : memref<1x40xi32, #tpu.memory_space<vmem>> -> memref<40xi32, #tpu.memory_space<vmem>>
      %dma_wait3A_498 = arith.constant 0 : i32
      %dma_wait3A_499 = tpu.memref_slice %arg4[%add3A, %add3A_482, %dma_wait3A_498] : memref<32x250x40xi32, #tpu.memory_space<hbm>> -> memref<1x1x40xi32, #tpu.memory_space<hbm>>
      %dma_wait3A_500 = tpu.memref_squeeze %dma_wait3A_499 : memref<1x1x40xi32, #tpu.memory_space<hbm>> -> memref<40xi32, #tpu.memory_space<hbm>>
      %dma_wait3A_501 = arith.constant 0 : i32
      %dma_wait3A_502 = tpu.memref_slice %arg7[%dma_wait3A_494, %dma_wait3A_501] : memref<5x40xi32, #tpu.memory_space<vmem>> -> memref<1x40xi32, #tpu.memory_space<vmem>>
      %dma_wait3A_503 = tpu.memref_squeeze %dma_wait3A_502 : memref<1x40xi32, #tpu.memory_space<vmem>> -> memref<40xi32, #tpu.memory_space<vmem>>
      %dma_wait3A_504 = arith.constant 0 : i32
      %dma_wait3A_505 = tpu.memref_slice %arg4[%add3A, %add3A_482, %dma_wait3A_504] : memref<32x250x40xi32, #tpu.memory_space<hbm>> -> memref<1x1x40xi32, #tpu.memory_space<hbm>>
      %dma_wait3A_506 = tpu.memref_squeeze %dma_wait3A_505 : memref<1x1x40xi32, #tpu.memory_space<hbm>> -> memref<40xi32, #tpu.memory_space<hbm>>
      tpu.wait_dma2 semaphore(%arg17 : memref<!tpu.dma_semaphore, #tpu.memory_space<semaphore_mem>>) src(%dma_wait3A_506 : memref<40xi32, #tpu.memory_space<hbm>>) dst(%dma_wait3A_503 : memref<40xi32, #tpu.memory_space<vmem>>)
      %run_scoped3A_507 = arith.constant 2 : i32
      %run_scoped3A_508 = arith.constant 2 : i32
      "tpu.region"() ({
        %run_scoped3A_649 = tpu.sem_alloc : memref<!tpu.dma_semaphore, #tpu.memory_space<semaphore_mem>>
        %dma_start3A_650 = arith.constant 0 : i32
        %dma_start3A_651 = arith.constant 0 : i32
        %dma_start3A_652 = tpu.memref_slice %arg8[%run_scoped3A_507, %dma_start3A_650, %dma_start3A_651] : memref<5x40x128xf32, #tpu.memory_space<vmem>> -> memref<1x40x128xf32, #tpu.memory_space<vmem>>
        %dma_start3A_653 = tpu.memref_squeeze %dma_start3A_652 : memref<1x40x128xf32, #tpu.memory_space<vmem>> -> memref<40x128xf32, #tpu.memory_space<vmem>>
        %dma_start3A_654 = arith.constant 0 : i32
        %dma_start3A_655 = tpu.memref_slice %arg7[%run_scoped3A_508, %dma_start3A_654] : memref<5x40xi32, #tpu.memory_space<vmem>> -> memref<1x40xi32, #tpu.memory_space<vmem>>
        %dma_start3A_656 = tpu.memref_squeeze %dma_start3A_655 : memref<1x40xi32, #tpu.memory_space<vmem>> -> memref<40xi32, #tpu.memory_space<vmem>>
        %dma_start3A_657 = arith.constant 0 : i32
        %dma_start3A_658 = arith.constant 0 : i32
        %dma_start3A_659 = tpu.memref_slice %arg9[%dma_start3A_657, %dma_start3A_658] : memref<10000x128xf32, #tpu.memory_space<vmem_shared>> -> memref<10000x128xf32, #tpu.memory_space<vmem_shared>>
        tpu.enqueue_indirect_dma source(%dma_start3A_653 : memref<40x128xf32, #tpu.memory_space<vmem>>) target(%dma_start3A_659 : memref<10000x128xf32, #tpu.memory_space<vmem_shared>>) offsets(%dma_start3A_656 : memref<40xi32, #tpu.memory_space<vmem>>) semaphore(%run_scoped3A_649 : memref<!tpu.dma_semaphore, #tpu.memory_space<semaphore_mem>>) {add = true}
        %dma_wait3A_660 = arith.constant 0 : i32
        %dma_wait3A_661 = arith.constant 0 : i32
        %dma_wait3A_662 = tpu.memref_slice %arg8[%run_scoped3A_507, %dma_wait3A_660, %dma_wait3A_661] : memref<5x40x128xf32, #tpu.memory_space<vmem>> -> memref<1x40x128xf32, #tpu.memory_space<vmem>>
        %dma_wait3A_663 = tpu.memref_squeeze %dma_wait3A_662 : memref<1x40x128xf32, #tpu.memory_space<vmem>> -> memref<40x128xf32, #tpu.memory_space<vmem>>
        %dma_wait3A_664 = arith.constant 0 : i32
        %dma_wait3A_665 = tpu.memref_slice %arg7[%run_scoped3A_508, %dma_wait3A_664] : memref<5x40xi32, #tpu.memory_space<vmem>> -> memref<1x40xi32, #tpu.memory_space<vmem>>
        %dma_wait3A_666 = tpu.memref_squeeze %dma_wait3A_665 : memref<1x40xi32, #tpu.memory_space<vmem>> -> memref<40xi32, #tpu.memory_space<vmem>>
        %dma_wait3A_667 = arith.constant 0 : i32
        %dma_wait3A_668 = arith.constant 0 : i32
        %dma_wait3A_669 = tpu.memref_slice %arg9[%dma_wait3A_667, %dma_wait3A_668] : memref<10000x128xf32, #tpu.memory_space<vmem_shared>> -> memref<10000x128xf32, #tpu.memory_space<vmem_shared>>
        tpu.wait_indirect_dma semaphore(%run_scoped3A_649 : memref<!tpu.dma_semaphore, #tpu.memory_space<semaphore_mem>>) src(%dma_wait3A_663 : memref<40x128xf32, #tpu.memory_space<vmem>>) dst(%dma_wait3A_669 : memref<10000x128xf32, #tpu.memory_space<vmem_shared>>)
        tpu.yield
      }) : () -> ()
      %add3A_509 = arith.constant 5 : i32
      %add3A_510 = arith.addi %add3A_482, %add3A_509 : i32
      %dma_start3A_511 = arith.constant 2 : i32
      %dma_start3A_512 = arith.constant 0 : i32
      %dma_start3A_513 = tpu.memref_slice %arg7[%dma_start3A_511, %dma_start3A_512] : memref<5x40xi32, #tpu.memory_space<vmem>> -> memref<1x40xi32, #tpu.memory_space<vmem>>
      %dma_start3A_514 = tpu.memref_squeeze %dma_start3A_513 : memref<1x40xi32, #tpu.memory_space<vmem>> -> memref<40xi32, #tpu.memory_space<vmem>>
      %dma_start3A_515 = arith.constant 0 : i32
      %dma_start3A_516 = tpu.memref_slice %arg4[%add3A, %add3A_510, %dma_start3A_515] : memref<32x250x40xi32, #tpu.memory_space<hbm>> -> memref<1x1x40xi32, #tpu.memory_space<hbm>>
      %dma_start3A_517 = tpu.memref_squeeze %dma_start3A_516 : memref<1x1x40xi32, #tpu.memory_space<hbm>> -> memref<40xi32, #tpu.memory_space<hbm>>
      %dma_start3A_518 = arith.constant 0 : i32
      %dma_start3A_519 = tpu.memref_slice %arg7[%dma_start3A_511, %dma_start3A_518] : memref<5x40xi32, #tpu.memory_space<vmem>> -> memref<1x40xi32, #tpu.memory_space<vmem>>
      %dma_start3A_520 = tpu.memref_squeeze %dma_start3A_519 : memref<1x40xi32, #tpu.memory_space<vmem>> -> memref<40xi32, #tpu.memory_space<vmem>>
      %dma_start3A_521 = arith.constant 0 : i32
      %dma_start3A_522 = tpu.memref_slice %arg4[%add3A, %add3A_510, %dma_start3A_521] : memref<32x250x40xi32, #tpu.memory_space<hbm>> -> memref<1x1x40xi32, #tpu.memory_space<hbm>>
      %dma_start3A_523 = tpu.memref_squeeze %dma_start3A_522 : memref<1x1x40xi32, #tpu.memory_space<hbm>> -> memref<40xi32, #tpu.memory_space<hbm>>
      tpu.enqueue_dma source(%dma_start3A_523 : memref<40xi32, #tpu.memory_space<hbm>>) target(%dma_start3A_520 : memref<40xi32, #tpu.memory_space<vmem>>) target_semaphore(%arg17 : memref<!tpu.dma_semaphore, #tpu.memory_space<semaphore_mem>>)
      %add3A_524 = arith.constant 5 : i32
      %add3A_525 = arith.addi %add3A_482, %add3A_524 : i32
      %dma_start3A_526 = arith.constant 2 : i32
      %dma_start3A_527 = arith.constant 0 : i32
      %dma_start3A_528 = arith.constant 0 : i32
      %dma_start3A_529 = tpu.memref_slice %arg8[%dma_start3A_526, %dma_start3A_527, %dma_start3A_528] : memref<5x40x128xf32, #tpu.memory_space<vmem>> -> memref<1x40x128xf32, #tpu.memory_space<vmem>>
      %dma_start3A_530 = tpu.memref_squeeze %dma_start3A_529 : memref<1x40x128xf32, #tpu.memory_space<vmem>> -> memref<40x128xf32, #tpu.memory_space<vmem>>
      %dma_start3A_531 = arith.constant 0 : i32
      %dma_start3A_532 = tpu.memref_slice %arg6[%add3A_525, %dma_start3A_531] : memref<250x40xi32, #tpu.memory_space<vmem>> -> memref<1x40xi32, #tpu.memory_space<vmem>>
      %dma_start3A_533 = tpu.memref_squeeze %dma_start3A_532 : memref<1x40xi32, #tpu.memory_space<vmem>> -> memref<40xi32, #tpu.memory_space<vmem>>
      %dma_start3A_534 = arith.constant 0 : i32
      %dma_start3A_535 = arith.constant 0 : i32
      %dma_start3A_536 = tpu.memref_slice %arg2[%dma_start3A_534, %dma_start3A_535] : memref<10000x128xf32, #tpu.memory_space<hbm>> -> memref<10000x128xf32, #tpu.memory_space<hbm>>
      tpu.enqueue_indirect_dma source(%dma_start3A_536 : memref<10000x128xf32, #tpu.memory_space<hbm>>) target(%dma_start3A_530 : memref<40x128xf32, #tpu.memory_space<vmem>>) offsets(%dma_start3A_533 : memref<40xi32, #tpu.memory_space<vmem>>) semaphore(%arg12 : memref<!tpu.dma_semaphore, #tpu.memory_space<semaphore_mem>>)
      %add3A_537 = arith.constant 3 : i32
      %add3A_538 = arith.addi %add3A_368, %add3A_537 : i32
      %dma_wait3A_539 = arith.constant 3 : i32
      %dma_wait3A_540 = arith.constant 0 : i32
      %dma_wait3A_541 = arith.constant 0 : i32
      %dma_wait3A_542 = tpu.memref_slice %arg8[%dma_wait3A_539, %dma_wait3A_540, %dma_wait3A_541] : memref<5x40x128xf32, #tpu.memory_space<vmem>> -> memref<1x40x128xf32, #tpu.memory_space<vmem>>
      %dma_wait3A_543 = tpu.memref_squeeze %dma_wait3A_542 : memref<1x40x128xf32, #tpu.memory_space<vmem>> -> memref<40x128xf32, #tpu.memory_space<vmem>>
      %dma_wait3A_544 = arith.constant 0 : i32
      %dma_wait3A_545 = tpu.memref_slice %arg6[%add3A_538, %dma_wait3A_544] : memref<250x40xi32, #tpu.memory_space<vmem>> -> memref<1x40xi32, #tpu.memory_space<vmem>>
      %dma_wait3A_546 = tpu.memref_squeeze %dma_wait3A_545 : memref<1x40xi32, #tpu.memory_space<vmem>> -> memref<40xi32, #tpu.memory_space<vmem>>
      %dma_wait3A_547 = arith.constant 0 : i32
      %dma_wait3A_548 = arith.constant 0 : i32
      %dma_wait3A_549 = tpu.memref_slice %arg2[%dma_wait3A_547, %dma_wait3A_548] : memref<10000x128xf32, #tpu.memory_space<hbm>> -> memref<10000x128xf32, #tpu.memory_space<hbm>>
      tpu.wait_indirect_dma semaphore(%arg13 : memref<!tpu.dma_semaphore, #tpu.memory_space<semaphore_mem>>) src(%dma_wait3A_549 : memref<10000x128xf32, #tpu.memory_space<hbm>>) dst(%dma_wait3A_543 : memref<40x128xf32, #tpu.memory_space<vmem>>)
      %dma_wait3A_550 = arith.constant 3 : i32
      %dma_wait3A_551 = arith.constant 0 : i32
      %dma_wait3A_552 = tpu.memref_slice %arg7[%dma_wait3A_550, %dma_wait3A_551] : memref<5x40xi32, #tpu.memory_space<vmem>> -> memref<1x40xi32, #tpu.memory_space<vmem>>
      %dma_wait3A_553 = tpu.memref_squeeze %dma_wait3A_552 : memref<1x40xi32, #tpu.memory_space<vmem>> -> memref<40xi32, #tpu.memory_space<vmem>>
      %dma_wait3A_554 = arith.constant 0 : i32
      %dma_wait3A_555 = tpu.memref_slice %arg4[%add3A, %add3A_538, %dma_wait3A_554] : memref<32x250x40xi32, #tpu.memory_space<hbm>> -> memref<1x1x40xi32, #tpu.memory_space<hbm>>
      %dma_wait3A_556 = tpu.memref_squeeze %dma_wait3A_555 : memref<1x1x40xi32, #tpu.memory_space<hbm>> -> memref<40xi32, #tpu.memory_space<hbm>>
      %dma_wait3A_557 = arith.constant 0 : i32
      %dma_wait3A_558 = tpu.memref_slice %arg7[%dma_wait3A_550, %dma_wait3A_557] : memref<5x40xi32, #tpu.memory_space<vmem>> -> memref<1x40xi32, #tpu.memory_space<vmem>>
      %dma_wait3A_559 = tpu.memref_squeeze %dma_wait3A_558 : memref<1x40xi32, #tpu.memory_space<vmem>> -> memref<40xi32, #tpu.memory_space<vmem>>
      %dma_wait3A_560 = arith.constant 0 : i32
      %dma_wait3A_561 = tpu.memref_slice %arg4[%add3A, %add3A_538, %dma_wait3A_560] : memref<32x250x40xi32, #tpu.memory_space<hbm>> -> memref<1x1x40xi32, #tpu.memory_space<hbm>>
      %dma_wait3A_562 = tpu.memref_squeeze %dma_wait3A_561 : memref<1x1x40xi32, #tpu.memory_space<hbm>> -> memref<40xi32, #tpu.memory_space<hbm>>
      tpu.wait_dma2 semaphore(%arg18 : memref<!tpu.dma_semaphore, #tpu.memory_space<semaphore_mem>>) src(%dma_wait3A_562 : memref<40xi32, #tpu.memory_space<hbm>>) dst(%dma_wait3A_559 : memref<40xi32, #tpu.memory_space<vmem>>)
      %run_scoped3A_563 = arith.constant 3 : i32
      %run_scoped3A_564 = arith.constant 3 : i32
      "tpu.region"() ({
        %run_scoped3A_649 = tpu.sem_alloc : memref<!tpu.dma_semaphore, #tpu.memory_space<semaphore_mem>>
        %dma_start3A_650 = arith.constant 0 : i32
        %dma_start3A_651 = arith.constant 0 : i32
        %dma_start3A_652 = tpu.memref_slice %arg8[%run_scoped3A_563, %dma_start3A_650, %dma_start3A_651] : memref<5x40x128xf32, #tpu.memory_space<vmem>> -> memref<1x40x128xf32, #tpu.memory_space<vmem>>
        %dma_start3A_653 = tpu.memref_squeeze %dma_start3A_652 : memref<1x40x128xf32, #tpu.memory_space<vmem>> -> memref<40x128xf32, #tpu.memory_space<vmem>>
        %dma_start3A_654 = arith.constant 0 : i32
        %dma_start3A_655 = tpu.memref_slice %arg7[%run_scoped3A_564, %dma_start3A_654] : memref<5x40xi32, #tpu.memory_space<vmem>> -> memref<1x40xi32, #tpu.memory_space<vmem>>
        %dma_start3A_656 = tpu.memref_squeeze %dma_start3A_655 : memref<1x40xi32, #tpu.memory_space<vmem>> -> memref<40xi32, #tpu.memory_space<vmem>>
        %dma_start3A_657 = arith.constant 0 : i32
        %dma_start3A_658 = arith.constant 0 : i32
        %dma_start3A_659 = tpu.memref_slice %arg9[%dma_start3A_657, %dma_start3A_658] : memref<10000x128xf32, #tpu.memory_space<vmem_shared>> -> memref<10000x128xf32, #tpu.memory_space<vmem_shared>>
        tpu.enqueue_indirect_dma source(%dma_start3A_653 : memref<40x128xf32, #tpu.memory_space<vmem>>) target(%dma_start3A_659 : memref<10000x128xf32, #tpu.memory_space<vmem_shared>>) offsets(%dma_start3A_656 : memref<40xi32, #tpu.memory_space<vmem>>) semaphore(%run_scoped3A_649 : memref<!tpu.dma_semaphore, #tpu.memory_space<semaphore_mem>>) {add = true}
        %dma_wait3A_660 = arith.constant 0 : i32
        %dma_wait3A_661 = arith.constant 0 : i32
        %dma_wait3A_662 = tpu.memref_slice %arg8[%run_scoped3A_563, %dma_wait3A_660, %dma_wait3A_661] : memref<5x40x128xf32, #tpu.memory_space<vmem>> -> memref<1x40x128xf32, #tpu.memory_space<vmem>>
        %dma_wait3A_663 = tpu.memref_squeeze %dma_wait3A_662 : memref<1x40x128xf32, #tpu.memory_space<vmem>> -> memref<40x128xf32, #tpu.memory_space<vmem>>
        %dma_wait3A_664 = arith.constant 0 : i32
        %dma_wait3A_665 = tpu.memref_slice %arg7[%run_scoped3A_564, %dma_wait3A_664] : memref<5x40xi32, #tpu.memory_space<vmem>> -> memref<1x40xi32, #tpu.memory_space<vmem>>
        %dma_wait3A_666 = tpu.memref_squeeze %dma_wait3A_665 : memref<1x40xi32, #tpu.memory_space<vmem>> -> memref<40xi32, #tpu.memory_space<vmem>>
        %dma_wait3A_667 = arith.constant 0 : i32
        %dma_wait3A_668 = arith.constant 0 : i32
        %dma_wait3A_669 = tpu.memref_slice %arg9[%dma_wait3A_667, %dma_wait3A_668] : memref<10000x128xf32, #tpu.memory_space<vmem_shared>> -> memref<10000x128xf32, #tpu.memory_space<vmem_shared>>
        tpu.wait_indirect_dma semaphore(%run_scoped3A_649 : memref<!tpu.dma_semaphore, #tpu.memory_space<semaphore_mem>>) src(%dma_wait3A_663 : memref<40x128xf32, #tpu.memory_space<vmem>>) dst(%dma_wait3A_669 : memref<10000x128xf32, #tpu.memory_space<vmem_shared>>)
        tpu.yield
      }) : () -> ()
      %add3A_565 = arith.constant 5 : i32
      %add3A_566 = arith.addi %add3A_538, %add3A_565 : i32
      %dma_start3A_567 = arith.constant 3 : i32
      %dma_start3A_568 = arith.constant 0 : i32
      %dma_start3A_569 = tpu.memref_slice %arg7[%dma_start3A_567, %dma_start3A_568] : memref<5x40xi32, #tpu.memory_space<vmem>> -> memref<1x40xi32, #tpu.memory_space<vmem>>
      %dma_start3A_570 = tpu.memref_squeeze %dma_start3A_569 : memref<1x40xi32, #tpu.memory_space<vmem>> -> memref<40xi32, #tpu.memory_space<vmem>>
      %dma_start3A_571 = arith.constant 0 : i32
      %dma_start3A_572 = tpu.memref_slice %arg4[%add3A, %add3A_566, %dma_start3A_571] : memref<32x250x40xi32, #tpu.memory_space<hbm>> -> memref<1x1x40xi32, #tpu.memory_space<hbm>>
      %dma_start3A_573 = tpu.memref_squeeze %dma_start3A_572 : memref<1x1x40xi32, #tpu.memory_space<hbm>> -> memref<40xi32, #tpu.memory_space<hbm>>
      %dma_start3A_574 = arith.constant 0 : i32
      %dma_start3A_575 = tpu.memref_slice %arg7[%dma_start3A_567, %dma_start3A_574] : memref<5x40xi32, #tpu.memory_space<vmem>> -> memref<1x40xi32, #tpu.memory_space<vmem>>
      %dma_start3A_576 = tpu.memref_squeeze %dma_start3A_575 : memref<1x40xi32, #tpu.memory_space<vmem>> -> memref<40xi32, #tpu.memory_space<vmem>>
      %dma_start3A_577 = arith.constant 0 : i32
      %dma_start3A_578 = tpu.memref_slice %arg4[%add3A, %add3A_566, %dma_start3A_577] : memref<32x250x40xi32, #tpu.memory_space<hbm>> -> memref<1x1x40xi32, #tpu.memory_space<hbm>>
      %dma_start3A_579 = tpu.memref_squeeze %dma_start3A_578 : memref<1x1x40xi32, #tpu.memory_space<hbm>> -> memref<40xi32, #tpu.memory_space<hbm>>
      tpu.enqueue_dma source(%dma_start3A_579 : memref<40xi32, #tpu.memory_space<hbm>>) target(%dma_start3A_576 : memref<40xi32, #tpu.memory_space<vmem>>) target_semaphore(%arg18 : memref<!tpu.dma_semaphore, #tpu.memory_space<semaphore_mem>>)
      %add3A_580 = arith.constant 5 : i32
      %add3A_581 = arith.addi %add3A_538, %add3A_580 : i32
      %dma_start3A_582 = arith.constant 3 : i32
      %dma_start3A_583 = arith.constant 0 : i32
      %dma_start3A_584 = arith.constant 0 : i32
      %dma_start3A_585 = tpu.memref_slice %arg8[%dma_start3A_582, %dma_start3A_583, %dma_start3A_584] : memref<5x40x128xf32, #tpu.memory_space<vmem>> -> memref<1x40x128xf32, #tpu.memory_space<vmem>>
      %dma_start3A_586 = tpu.memref_squeeze %dma_start3A_585 : memref<1x40x128xf32, #tpu.memory_space<vmem>> -> memref<40x128xf32, #tpu.memory_space<vmem>>
      %dma_start3A_587 = arith.constant 0 : i32
      %dma_start3A_588 = tpu.memref_slice %arg6[%add3A_581, %dma_start3A_587] : memref<250x40xi32, #tpu.memory_space<vmem>> -> memref<1x40xi32, #tpu.memory_space<vmem>>
      %dma_start3A_589 = tpu.memref_squeeze %dma_start3A_588 : memref<1x40xi32, #tpu.memory_space<vmem>> -> memref<40xi32, #tpu.memory_space<vmem>>
      %dma_start3A_590 = arith.constant 0 : i32
      %dma_start3A_591 = arith.constant 0 : i32
      %dma_start3A_592 = tpu.memref_slice %arg2[%dma_start3A_590, %dma_start3A_591] : memref<10000x128xf32, #tpu.memory_space<hbm>> -> memref<10000x128xf32, #tpu.memory_space<hbm>>
      tpu.enqueue_indirect_dma source(%dma_start3A_592 : memref<10000x128xf32, #tpu.memory_space<hbm>>) target(%dma_start3A_586 : memref<40x128xf32, #tpu.memory_space<vmem>>) offsets(%dma_start3A_589 : memref<40xi32, #tpu.memory_space<vmem>>) semaphore(%arg13 : memref<!tpu.dma_semaphore, #tpu.memory_space<semaphore_mem>>)
      %add3A_593 = arith.constant 4 : i32
      %add3A_594 = arith.addi %add3A_368, %add3A_593 : i32
      %dma_wait3A_595 = arith.constant 4 : i32
      %dma_wait3A_596 = arith.constant 0 : i32
      %dma_wait3A_597 = arith.constant 0 : i32
      %dma_wait3A_598 = tpu.memref_slice %arg8[%dma_wait3A_595, %dma_wait3A_596, %dma_wait3A_597] : memref<5x40x128xf32, #tpu.memory_space<vmem>> -> memref<1x40x128xf32, #tpu.memory_space<vmem>>
      %dma_wait3A_599 = tpu.memref_squeeze %dma_wait3A_598 : memref<1x40x128xf32, #tpu.memory_space<vmem>> -> memref<40x128xf32, #tpu.memory_space<vmem>>
      %dma_wait3A_600 = arith.constant 0 : i32
      %dma_wait3A_601 = tpu.memref_slice %arg6[%add3A_594, %dma_wait3A_600] : memref<250x40xi32, #tpu.memory_space<vmem>> -> memref<1x40xi32, #tpu.memory_space<vmem>>
      %dma_wait3A_602 = tpu.memref_squeeze %dma_wait3A_601 : memref<1x40xi32, #tpu.memory_space<vmem>> -> memref<40xi32, #tpu.memory_space<vmem>>
      %dma_wait3A_603 = arith.constant 0 : i32
      %dma_wait3A_604 = arith.constant 0 : i32
      %dma_wait3A_605 = tpu.memref_slice %arg2[%dma_wait3A_603, %dma_wait3A_604] : memref<10000x128xf32, #tpu.memory_space<hbm>> -> memref<10000x128xf32, #tpu.memory_space<hbm>>
      tpu.wait_indirect_dma semaphore(%arg14 : memref<!tpu.dma_semaphore, #tpu.memory_space<semaphore_mem>>) src(%dma_wait3A_605 : memref<10000x128xf32, #tpu.memory_space<hbm>>) dst(%dma_wait3A_599 : memref<40x128xf32, #tpu.memory_space<vmem>>)
      %dma_wait3A_606 = arith.constant 4 : i32
      %dma_wait3A_607 = arith.constant 0 : i32
      %dma_wait3A_608 = tpu.memref_slice %arg7[%dma_wait3A_606, %dma_wait3A_607] : memref<5x40xi32, #tpu.memory_space<vmem>> -> memref<1x40xi32, #tpu.memory_space<vmem>>
      %dma_wait3A_609 = tpu.memref_squeeze %dma_wait3A_608 : memref<1x40xi32, #tpu.memory_space<vmem>> -> memref<40xi32, #tpu.memory_space<vmem>>
      %dma_wait3A_610 = arith.constant 0 : i32
      %dma_wait3A_611 = tpu.memref_slice %arg4[%add3A, %add3A_594, %dma_wait3A_610] : memref<32x250x40xi32, #tpu.memory_space<hbm>> -> memref<1x1x40xi32, #tpu.memory_space<hbm>>
      %dma_wait3A_612 = tpu.memref_squeeze %dma_wait3A_611 : memref<1x1x40xi32, #tpu.memory_space<hbm>> -> memref<40xi32, #tpu.memory_space<hbm>>
      %dma_wait3A_613 = arith.constant 0 : i32
      %dma_wait3A_614 = tpu.memref_slice %arg7[%dma_wait3A_606, %dma_wait3A_613] : memref<5x40xi32, #tpu.memory_space<vmem>> -> memref<1x40xi32, #tpu.memory_space<vmem>>
      %dma_wait3A_615 = tpu.memref_squeeze %dma_wait3A_614 : memref<1x40xi32, #tpu.memory_space<vmem>> -> memref<40xi32, #tpu.memory_space<vmem>>
      %dma_wait3A_616 = arith.constant 0 : i32
      %dma_wait3A_617 = tpu.memref_slice %arg4[%add3A, %add3A_594, %dma_wait3A_616] : memref<32x250x40xi32, #tpu.memory_space<hbm>> -> memref<1x1x40xi32, #tpu.memory_space<hbm>>
      %dma_wait3A_618 = tpu.memref_squeeze %dma_wait3A_617 : memref<1x1x40xi32, #tpu.memory_space<hbm>> -> memref<40xi32, #tpu.memory_space<hbm>>
      tpu.wait_dma2 semaphore(%arg19 : memref<!tpu.dma_semaphore, #tpu.memory_space<semaphore_mem>>) src(%dma_wait3A_618 : memref<40xi32, #tpu.memory_space<hbm>>) dst(%dma_wait3A_615 : memref<40xi32, #tpu.memory_space<vmem>>)
      %run_scoped3A_619 = arith.constant 4 : i32
      %run_scoped3A_620 = arith.constant 4 : i32
      "tpu.region"() ({
        %run_scoped3A_649 = tpu.sem_alloc : memref<!tpu.dma_semaphore, #tpu.memory_space<semaphore_mem>>
        %dma_start3A_650 = arith.constant 0 : i32
        %dma_start3A_651 = arith.constant 0 : i32
        %dma_start3A_652 = tpu.memref_slice %arg8[%run_scoped3A_619, %dma_start3A_650, %dma_start3A_651] : memref<5x40x128xf32, #tpu.memory_space<vmem>> -> memref<1x40x128xf32, #tpu.memory_space<vmem>>
        %dma_start3A_653 = tpu.memref_squeeze %dma_start3A_652 : memref<1x40x128xf32, #tpu.memory_space<vmem>> -> memref<40x128xf32, #tpu.memory_space<vmem>>
        %dma_start3A_654 = arith.constant 0 : i32
        %dma_start3A_655 = tpu.memref_slice %arg7[%run_scoped3A_620, %dma_start3A_654] : memref<5x40xi32, #tpu.memory_space<vmem>> -> memref<1x40xi32, #tpu.memory_space<vmem>>
        %dma_start3A_656 = tpu.memref_squeeze %dma_start3A_655 : memref<1x40xi32, #tpu.memory_space<vmem>> -> memref<40xi32, #tpu.memory_space<vmem>>
        %dma_start3A_657 = arith.constant 0 : i32
        %dma_start3A_658 = arith.constant 0 : i32
        %dma_start3A_659 = tpu.memref_slice %arg9[%dma_start3A_657, %dma_start3A_658] : memref<10000x128xf32, #tpu.memory_space<vmem_shared>> -> memref<10000x128xf32, #tpu.memory_space<vmem_shared>>
        tpu.enqueue_indirect_dma source(%dma_start3A_653 : memref<40x128xf32, #tpu.memory_space<vmem>>) target(%dma_start3A_659 : memref<10000x128xf32, #tpu.memory_space<vmem_shared>>) offsets(%dma_start3A_656 : memref<40xi32, #tpu.memory_space<vmem>>) semaphore(%run_scoped3A_649 : memref<!tpu.dma_semaphore, #tpu.memory_space<semaphore_mem>>) {add = true}
        %dma_wait3A_660 = arith.constant 0 : i32
        %dma_wait3A_661 = arith.constant 0 : i32
        %dma_wait3A_662 = tpu.memref_slice %arg8[%run_scoped3A_619, %dma_wait3A_660, %dma_wait3A_661] : memref<5x40x128xf32, #tpu.memory_space<vmem>> -> memref<1x40x128xf32, #tpu.memory_space<vmem>>
        %dma_wait3A_663 = tpu.memref_squeeze %dma_wait3A_662 : memref<1x40x128xf32, #tpu.memory_space<vmem>> -> memref<40x128xf32, #tpu.memory_space<vmem>>
        %dma_wait3A_664 = arith.constant 0 : i32
        %dma_wait3A_665 = tpu.memref_slice %arg7[%run_scoped3A_620, %dma_wait3A_664] : memref<5x40xi32, #tpu.memory_space<vmem>> -> memref<1x40xi32, #tpu.memory_space<vmem>>
        %dma_wait3A_666 = tpu.memref_squeeze %dma_wait3A_665 : memref<1x40xi32, #tpu.memory_space<vmem>> -> memref<40xi32, #tpu.memory_space<vmem>>
        %dma_wait3A_667 = arith.constant 0 : i32
        %dma_wait3A_668 = arith.constant 0 : i32
        %dma_wait3A_669 = tpu.memref_slice %arg9[%dma_wait3A_667, %dma_wait3A_668] : memref<10000x128xf32, #tpu.memory_space<vmem_shared>> -> memref<10000x128xf32, #tpu.memory_space<vmem_shared>>
        tpu.wait_indirect_dma semaphore(%run_scoped3A_649 : memref<!tpu.dma_semaphore, #tpu.memory_space<semaphore_mem>>) src(%dma_wait3A_663 : memref<40x128xf32, #tpu.memory_space<vmem>>) dst(%dma_wait3A_669 : memref<10000x128xf32, #tpu.memory_space<vmem_shared>>)
        tpu.yield
      }) : () -> ()
      %add3A_621 = arith.constant 5 : i32
      %add3A_622 = arith.addi %add3A_594, %add3A_621 : i32
      %dma_start3A_623 = arith.constant 4 : i32
      %dma_start3A_624 = arith.constant 0 : i32
      %dma_start3A_625 = tpu.memref_slice %arg7[%dma_start3A_623, %dma_start3A_624] : memref<5x40xi32, #tpu.memory_space<vmem>> -> memref<1x40xi32, #tpu.memory_space<vmem>>
      %dma_start3A_626 = tpu.memref_squeeze %dma_start3A_625 : memref<1x40xi32, #tpu.memory_space<vmem>> -> memref<40xi32, #tpu.memory_space<vmem>>
      %dma_start3A_627 = arith.constant 0 : i32
      %dma_start3A_628 = tpu.memref_slice %arg4[%add3A, %add3A_622, %dma_start3A_627] : memref<32x250x40xi32, #tpu.memory_space<hbm>> -> memref<1x1x40xi32, #tpu.memory_space<hbm>>
      %dma_start3A_629 = tpu.memref_squeeze %dma_start3A_628 : memref<1x1x40xi32, #tpu.memory_space<hbm>> -> memref<40xi32, #tpu.memory_space<hbm>>
      %dma_start3A_630 = arith.constant 0 : i32
      %dma_start3A_631 = tpu.memref_slice %arg7[%dma_start3A_623, %dma_start3A_630] : memref<5x40xi32, #tpu.memory_space<vmem>> -> memref<1x40xi32, #tpu.memory_space<vmem>>
      %dma_start3A_632 = tpu.memref_squeeze %dma_start3A_631 : memref<1x40xi32, #tpu.memory_space<vmem>> -> memref<40xi32, #tpu.memory_space<vmem>>
      %dma_start3A_633 = arith.constant 0 : i32
      %dma_start3A_634 = tpu.memref_slice %arg4[%add3A, %add3A_622, %dma_start3A_633] : memref<32x250x40xi32, #tpu.memory_space<hbm>> -> memref<1x1x40xi32, #tpu.memory_space<hbm>>
      %dma_start3A_635 = tpu.memref_squeeze %dma_start3A_634 : memref<1x1x40xi32, #tpu.memory_space<hbm>> -> memref<40xi32, #tpu.memory_space<hbm>>
      tpu.enqueue_dma source(%dma_start3A_635 : memref<40xi32, #tpu.memory_space<hbm>>) target(%dma_start3A_632 : memref<40xi32, #tpu.memory_space<vmem>>) target_semaphore(%arg19 : memref<!tpu.dma_semaphore, #tpu.memory_space<semaphore_mem>>)
      %add3A_636 = arith.constant 5 : i32
      %add3A_637 = arith.addi %add3A_594, %add3A_636 : i32
      %dma_start3A_638 = arith.constant 4 : i32
      %dma_start3A_639 = arith.constant 0 : i32
      %dma_start3A_640 = arith.constant 0 : i32
      %dma_start3A_641 = tpu.memref_slice %arg8[%dma_start3A_638, %dma_start3A_639, %dma_start3A_640] : memref<5x40x128xf32, #tpu.memory_space<vmem>> -> memref<1x40x128xf32, #tpu.memory_space<vmem>>
      %dma_start3A_642 = tpu.memref_squeeze %dma_start3A_641 : memref<1x40x128xf32, #tpu.memory_space<vmem>> -> memref<40x128xf32, #tpu.memory_space<vmem>>
      %dma_start3A_643 = arith.constant 0 : i32
      %dma_start3A_644 = tpu.memref_slice %arg6[%add3A_637, %dma_start3A_643] : memref<250x40xi32, #tpu.memory_space<vmem>> -> memref<1x40xi32, #tpu.memory_space<vmem>>
      %dma_start3A_645 = tpu.memref_squeeze %dma_start3A_644 : memref<1x40xi32, #tpu.memory_space<vmem>> -> memref<40xi32, #tpu.memory_space<vmem>>
      %dma_start3A_646 = arith.constant 0 : i32
      %dma_start3A_647 = arith.constant 0 : i32
      %dma_start3A_648 = tpu.memref_slice %arg2[%dma_start3A_646, %dma_start3A_647] : memref<10000x128xf32, #tpu.memory_space<hbm>> -> memref<10000x128xf32, #tpu.memory_space<hbm>>
      tpu.enqueue_indirect_dma source(%dma_start3A_648 : memref<10000x128xf32, #tpu.memory_space<hbm>>) target(%dma_start3A_642 : memref<40x128xf32, #tpu.memory_space<vmem>>) offsets(%dma_start3A_645 : memref<40xi32, #tpu.memory_space<vmem>>) semaphore(%arg14 : memref<!tpu.dma_semaphore, #tpu.memory_space<semaphore_mem>>)
    }
    %scan3A_187 = arith.constant 49 : i32
    %dma_wait3A_188 = arith.constant 245 : i32
    %dma_wait3A_189 = arith.constant 0 : i32
    %dma_wait3A_190 = arith.constant 0 : i32
    %dma_wait3A_191 = arith.constant 0 : i32
    %dma_wait3A_192 = tpu.memref_slice %arg8[%dma_wait3A_189, %dma_wait3A_190, %dma_wait3A_191] : memref<5x40x128xf32, #tpu.memory_space<vmem>> -> memref<1x40x128xf32, #tpu.memory_space<vmem>>
    %dma_wait3A_193 = tpu.memref_squeeze %dma_wait3A_192 : memref<1x40x128xf32, #tpu.memory_space<vmem>> -> memref<40x128xf32, #tpu.memory_space<vmem>>
    %dma_wait3A_194 = arith.constant 0 : i32
    %dma_wait3A_195 = tpu.memref_slice %arg6[%dma_wait3A_188, %dma_wait3A_194] : memref<250x40xi32, #tpu.memory_space<vmem>> -> memref<1x40xi32, #tpu.memory_space<vmem>>
    %dma_wait3A_196 = tpu.memref_squeeze %dma_wait3A_195 : memref<1x40xi32, #tpu.memory_space<vmem>> -> memref<40xi32, #tpu.memory_space<vmem>>
    %dma_wait3A_197 = arith.constant 0 : i32
    %dma_wait3A_198 = arith.constant 0 : i32
    %dma_wait3A_199 = tpu.memref_slice %arg2[%dma_wait3A_197, %dma_wait3A_198] : memref<10000x128xf32, #tpu.memory_space<hbm>> -> memref<10000x128xf32, #tpu.memory_space<hbm>>
    tpu.wait_indirect_dma semaphore(%arg10 : memref<!tpu.dma_semaphore, #tpu.memory_space<semaphore_mem>>) src(%dma_wait3A_199 : memref<10000x128xf32, #tpu.memory_space<hbm>>) dst(%dma_wait3A_193 : memref<40x128xf32, #tpu.memory_space<vmem>>)
    %dma_wait3A_200 = arith.constant 245 : i32
    %dma_wait3A_201 = arith.constant 0 : i32
    %dma_wait3A_202 = arith.constant 0 : i32
    %dma_wait3A_203 = tpu.memref_slice %arg7[%dma_wait3A_201, %dma_wait3A_202] : memref<5x40xi32, #tpu.memory_space<vmem>> -> memref<1x40xi32, #tpu.memory_space<vmem>>
    %dma_wait3A_204 = tpu.memref_squeeze %dma_wait3A_203 : memref<1x40xi32, #tpu.memory_space<vmem>> -> memref<40xi32, #tpu.memory_space<vmem>>
    %dma_wait3A_205 = arith.constant 0 : i32
    %dma_wait3A_206 = tpu.memref_slice %arg4[%add3A, %dma_wait3A_200, %dma_wait3A_205] : memref<32x250x40xi32, #tpu.memory_space<hbm>> -> memref<1x1x40xi32, #tpu.memory_space<hbm>>
    %dma_wait3A_207 = tpu.memref_squeeze %dma_wait3A_206 : memref<1x1x40xi32, #tpu.memory_space<hbm>> -> memref<40xi32, #tpu.memory_space<hbm>>
    %dma_wait3A_208 = arith.constant 0 : i32
    %dma_wait3A_209 = tpu.memref_slice %arg7[%dma_wait3A_201, %dma_wait3A_208] : memref<5x40xi32, #tpu.memory_space<vmem>> -> memref<1x40xi32, #tpu.memory_space<vmem>>
    %dma_wait3A_210 = tpu.memref_squeeze %dma_wait3A_209 : memref<1x40xi32, #tpu.memory_space<vmem>> -> memref<40xi32, #tpu.memory_space<vmem>>
    %dma_wait3A_211 = arith.constant 0 : i32
    %dma_wait3A_212 = tpu.memref_slice %arg4[%add3A, %dma_wait3A_200, %dma_wait3A_211] : memref<32x250x40xi32, #tpu.memory_space<hbm>> -> memref<1x1x40xi32, #tpu.memory_space<hbm>>
    %dma_wait3A_213 = tpu.memref_squeeze %dma_wait3A_212 : memref<1x1x40xi32, #tpu.memory_space<hbm>> -> memref<40xi32, #tpu.memory_space<hbm>>
    tpu.wait_dma2 semaphore(%arg15 : memref<!tpu.dma_semaphore, #tpu.memory_space<semaphore_mem>>) src(%dma_wait3A_213 : memref<40xi32, #tpu.memory_space<hbm>>) dst(%dma_wait3A_210 : memref<40xi32, #tpu.memory_space<vmem>>)
    %run_scoped3A = arith.constant 0 : i32
    %run_scoped3A_214 = arith.constant 0 : i32
    "tpu.region"() ({
      %run_scoped3A_364 = tpu.sem_alloc : memref<!tpu.dma_semaphore, #tpu.memory_space<semaphore_mem>>
      %dma_start3A_365 = arith.constant 0 : i32
      %dma_start3A_366 = arith.constant 0 : i32
      %dma_start3A_367 = tpu.memref_slice %arg8[%run_scoped3A, %dma_start3A_365, %dma_start3A_366] : memref<5x40x128xf32, #tpu.memory_space<vmem>> -> memref<1x40x128xf32, #tpu.memory_space<vmem>>
      %dma_start3A_368 = tpu.memref_squeeze %dma_start3A_367 : memref<1x40x128xf32, #tpu.memory_space<vmem>> -> memref<40x128xf32, #tpu.memory_space<vmem>>
      %dma_start3A_369 = arith.constant 0 : i32
      %dma_start3A_370 = tpu.memref_slice %arg7[%run_scoped3A_214, %dma_start3A_369] : memref<5x40xi32, #tpu.memory_space<vmem>> -> memref<1x40xi32, #tpu.memory_space<vmem>>
      %dma_start3A_371 = tpu.memref_squeeze %dma_start3A_370 : memref<1x40xi32, #tpu.memory_space<vmem>> -> memref<40xi32, #tpu.memory_space<vmem>>
      %dma_start3A_372 = arith.constant 0 : i32
      %dma_start3A_373 = arith.constant 0 : i32
      %dma_start3A_374 = tpu.memref_slice %arg9[%dma_start3A_372, %dma_start3A_373] : memref<10000x128xf32, #tpu.memory_space<vmem_shared>> -> memref<10000x128xf32, #tpu.memory_space<vmem_shared>>
      tpu.enqueue_indirect_dma source(%dma_start3A_368 : memref<40x128xf32, #tpu.memory_space<vmem>>) target(%dma_start3A_374 : memref<10000x128xf32, #tpu.memory_space<vmem_shared>>) offsets(%dma_start3A_371 : memref<40xi32, #tpu.memory_space<vmem>>) semaphore(%run_scoped3A_364 : memref<!tpu.dma_semaphore, #tpu.memory_space<semaphore_mem>>) {add = true}
      %dma_wait3A_375 = arith.constant 0 : i32
      %dma_wait3A_376 = arith.constant 0 : i32
      %dma_wait3A_377 = tpu.memref_slice %arg8[%run_scoped3A, %dma_wait3A_375, %dma_wait3A_376] : memref<5x40x128xf32, #tpu.memory_space<vmem>> -> memref<1x40x128xf32, #tpu.memory_space<vmem>>
      %dma_wait3A_378 = tpu.memref_squeeze %dma_wait3A_377 : memref<1x40x128xf32, #tpu.memory_space<vmem>> -> memref<40x128xf32, #tpu.memory_space<vmem>>
      %dma_wait3A_379 = arith.constant 0 : i32
      %dma_wait3A_380 = tpu.memref_slice %arg7[%run_scoped3A_214, %dma_wait3A_379] : memref<5x40xi32, #tpu.memory_space<vmem>> -> memref<1x40xi32, #tpu.memory_space<vmem>>
      %dma_wait3A_381 = tpu.memref_squeeze %dma_wait3A_380 : memref<1x40xi32, #tpu.memory_space<vmem>> -> memref<40xi32, #tpu.memory_space<vmem>>
      %dma_wait3A_382 = arith.constant 0 : i32
      %dma_wait3A_383 = arith.constant 0 : i32
      %dma_wait3A_384 = tpu.memref_slice %arg9[%dma_wait3A_382, %dma_wait3A_383] : memref<10000x128xf32, #tpu.memory_space<vmem_shared>> -> memref<10000x128xf32, #tpu.memory_space<vmem_shared>>
      tpu.wait_indirect_dma semaphore(%run_scoped3A_364 : memref<!tpu.dma_semaphore, #tpu.memory_space<semaphore_mem>>) src(%dma_wait3A_378 : memref<40x128xf32, #tpu.memory_space<vmem>>) dst(%dma_wait3A_384 : memref<10000x128xf32, #tpu.memory_space<vmem_shared>>)
      tpu.yield
    }) : () -> ()
    %dma_wait3A_215 = arith.constant 246 : i32
    %dma_wait3A_216 = arith.constant 1 : i32
    %dma_wait3A_217 = arith.constant 0 : i32
    %dma_wait3A_218 = arith.constant 0 : i32
    %dma_wait3A_219 = tpu.memref_slice %arg8[%dma_wait3A_216, %dma_wait3A_217, %dma_wait3A_218] : memref<5x40x128xf32, #tpu.memory_space<vmem>> -> memref<1x40x128xf32, #tpu.memory_space<vmem>>
    %dma_wait3A_220 = tpu.memref_squeeze %dma_wait3A_219 : memref<1x40x128xf32, #tpu.memory_space<vmem>> -> memref<40x128xf32, #tpu.memory_space<vmem>>
    %dma_wait3A_221 = arith.constant 0 : i32
    %dma_wait3A_222 = tpu.memref_slice %arg6[%dma_wait3A_215, %dma_wait3A_221] : memref<250x40xi32, #tpu.memory_space<vmem>> -> memref<1x40xi32, #tpu.memory_space<vmem>>
    %dma_wait3A_223 = tpu.memref_squeeze %dma_wait3A_222 : memref<1x40xi32, #tpu.memory_space<vmem>> -> memref<40xi32, #tpu.memory_space<vmem>>
    %dma_wait3A_224 = arith.constant 0 : i32
    %dma_wait3A_225 = arith.constant 0 : i32
    %dma_wait3A_226 = tpu.memref_slice %arg2[%dma_wait3A_224, %dma_wait3A_225] : memref<10000x128xf32, #tpu.memory_space<hbm>> -> memref<10000x128xf32, #tpu.memory_space<hbm>>
    tpu.wait_indirect_dma semaphore(%arg11 : memref<!tpu.dma_semaphore, #tpu.memory_space<semaphore_mem>>) src(%dma_wait3A_226 : memref<10000x128xf32, #tpu.memory_space<hbm>>) dst(%dma_wait3A_220 : memref<40x128xf32, #tpu.memory_space<vmem>>)
    %dma_wait3A_227 = arith.constant 246 : i32
    %dma_wait3A_228 = arith.constant 1 : i32
    %dma_wait3A_229 = arith.constant 0 : i32
    %dma_wait3A_230 = tpu.memref_slice %arg7[%dma_wait3A_228, %dma_wait3A_229] : memref<5x40xi32, #tpu.memory_space<vmem>> -> memref<1x40xi32, #tpu.memory_space<vmem>>
    %dma_wait3A_231 = tpu.memref_squeeze %dma_wait3A_230 : memref<1x40xi32, #tpu.memory_space<vmem>> -> memref<40xi32, #tpu.memory_space<vmem>>
    %dma_wait3A_232 = arith.constant 0 : i32
    %dma_wait3A_233 = tpu.memref_slice %arg4[%add3A, %dma_wait3A_227, %dma_wait3A_232] : memref<32x250x40xi32, #tpu.memory_space<hbm>> -> memref<1x1x40xi32, #tpu.memory_space<hbm>>
    %dma_wait3A_234 = tpu.memref_squeeze %dma_wait3A_233 : memref<1x1x40xi32, #tpu.memory_space<hbm>> -> memref<40xi32, #tpu.memory_space<hbm>>
    %dma_wait3A_235 = arith.constant 0 : i32
    %dma_wait3A_236 = tpu.memref_slice %arg7[%dma_wait3A_228, %dma_wait3A_235] : memref<5x40xi32, #tpu.memory_space<vmem>> -> memref<1x40xi32, #tpu.memory_space<vmem>>
    %dma_wait3A_237 = tpu.memref_squeeze %dma_wait3A_236 : memref<1x40xi32, #tpu.memory_space<vmem>> -> memref<40xi32, #tpu.memory_space<vmem>>
    %dma_wait3A_238 = arith.constant 0 : i32
    %dma_wait3A_239 = tpu.memref_slice %arg4[%add3A, %dma_wait3A_227, %dma_wait3A_238] : memref<32x250x40xi32, #tpu.memory_space<hbm>> -> memref<1x1x40xi32, #tpu.memory_space<hbm>>
    %dma_wait3A_240 = tpu.memref_squeeze %dma_wait3A_239 : memref<1x1x40xi32, #tpu.memory_space<hbm>> -> memref<40xi32, #tpu.memory_space<hbm>>
    tpu.wait_dma2 semaphore(%arg16 : memref<!tpu.dma_semaphore, #tpu.memory_space<semaphore_mem>>) src(%dma_wait3A_240 : memref<40xi32, #tpu.memory_space<hbm>>) dst(%dma_wait3A_237 : memref<40xi32, #tpu.memory_space<vmem>>)
    %run_scoped3A_241 = arith.constant 1 : i32
    %run_scoped3A_242 = arith.constant 1 : i32
    "tpu.region"() ({
      %run_scoped3A_364 = tpu.sem_alloc : memref<!tpu.dma_semaphore, #tpu.memory_space<semaphore_mem>>
      %dma_start3A_365 = arith.constant 0 : i32
      %dma_start3A_366 = arith.constant 0 : i32
      %dma_start3A_367 = tpu.memref_slice %arg8[%run_scoped3A_241, %dma_start3A_365, %dma_start3A_366] : memref<5x40x128xf32, #tpu.memory_space<vmem>> -> memref<1x40x128xf32, #tpu.memory_space<vmem>>
      %dma_start3A_368 = tpu.memref_squeeze %dma_start3A_367 : memref<1x40x128xf32, #tpu.memory_space<vmem>> -> memref<40x128xf32, #tpu.memory_space<vmem>>
      %dma_start3A_369 = arith.constant 0 : i32
      %dma_start3A_370 = tpu.memref_slice %arg7[%run_scoped3A_242, %dma_start3A_369] : memref<5x40xi32, #tpu.memory_space<vmem>> -> memref<1x40xi32, #tpu.memory_space<vmem>>
      %dma_start3A_371 = tpu.memref_squeeze %dma_start3A_370 : memref<1x40xi32, #tpu.memory_space<vmem>> -> memref<40xi32, #tpu.memory_space<vmem>>
      %dma_start3A_372 = arith.constant 0 : i32
      %dma_start3A_373 = arith.constant 0 : i32
      %dma_start3A_374 = tpu.memref_slice %arg9[%dma_start3A_372, %dma_start3A_373] : memref<10000x128xf32, #tpu.memory_space<vmem_shared>> -> memref<10000x128xf32, #tpu.memory_space<vmem_shared>>
      tpu.enqueue_indirect_dma source(%dma_start3A_368 : memref<40x128xf32, #tpu.memory_space<vmem>>) target(%dma_start3A_374 : memref<10000x128xf32, #tpu.memory_space<vmem_shared>>) offsets(%dma_start3A_371 : memref<40xi32, #tpu.memory_space<vmem>>) semaphore(%run_scoped3A_364 : memref<!tpu.dma_semaphore, #tpu.memory_space<semaphore_mem>>) {add = true}
      %dma_wait3A_375 = arith.constant 0 : i32
      %dma_wait3A_376 = arith.constant 0 : i32
      %dma_wait3A_377 = tpu.memref_slice %arg8[%run_scoped3A_241, %dma_wait3A_375, %dma_wait3A_376] : memref<5x40x128xf32, #tpu.memory_space<vmem>> -> memref<1x40x128xf32, #tpu.memory_space<vmem>>
      %dma_wait3A_378 = tpu.memref_squeeze %dma_wait3A_377 : memref<1x40x128xf32, #tpu.memory_space<vmem>> -> memref<40x128xf32, #tpu.memory_space<vmem>>
      %dma_wait3A_379 = arith.constant 0 : i32
      %dma_wait3A_380 = tpu.memref_slice %arg7[%run_scoped3A_242, %dma_wait3A_379] : memref<5x40xi32, #tpu.memory_space<vmem>> -> memref<1x40xi32, #tpu.memory_space<vmem>>
      %dma_wait3A_381 = tpu.memref_squeeze %dma_wait3A_380 : memref<1x40xi32, #tpu.memory_space<vmem>> -> memref<40xi32, #tpu.memory_space<vmem>>
      %dma_wait3A_382 = arith.constant 0 : i32
      %dma_wait3A_383 = arith.constant 0 : i32
      %dma_wait3A_384 = tpu.memref_slice %arg9[%dma_wait3A_382, %dma_wait3A_383] : memref<10000x128xf32, #tpu.memory_space<vmem_shared>> -> memref<10000x128xf32, #tpu.memory_space<vmem_shared>>
      tpu.wait_indirect_dma semaphore(%run_scoped3A_364 : memref<!tpu.dma_semaphore, #tpu.memory_space<semaphore_mem>>) src(%dma_wait3A_378 : memref<40x128xf32, #tpu.memory_space<vmem>>) dst(%dma_wait3A_384 : memref<10000x128xf32, #tpu.memory_space<vmem_shared>>)
      tpu.yield
    }) : () -> ()
    %dma_wait3A_243 = arith.constant 247 : i32
    %dma_wait3A_244 = arith.constant 2 : i32
    %dma_wait3A_245 = arith.constant 0 : i32
    %dma_wait3A_246 = arith.constant 0 : i32
    %dma_wait3A_247 = tpu.memref_slice %arg8[%dma_wait3A_244, %dma_wait3A_245, %dma_wait3A_246] : memref<5x40x128xf32, #tpu.memory_space<vmem>> -> memref<1x40x128xf32, #tpu.memory_space<vmem>>
    %dma_wait3A_248 = tpu.memref_squeeze %dma_wait3A_247 : memref<1x40x128xf32, #tpu.memory_space<vmem>> -> memref<40x128xf32, #tpu.memory_space<vmem>>
    %dma_wait3A_249 = arith.constant 0 : i32
    %dma_wait3A_250 = tpu.memref_slice %arg6[%dma_wait3A_243, %dma_wait3A_249] : memref<250x40xi32, #tpu.memory_space<vmem>> -> memref<1x40xi32, #tpu.memory_space<vmem>>
    %dma_wait3A_251 = tpu.memref_squeeze %dma_wait3A_250 : memref<1x40xi32, #tpu.memory_space<vmem>> -> memref<40xi32, #tpu.memory_space<vmem>>
    %dma_wait3A_252 = arith.constant 0 : i32
    %dma_wait3A_253 = arith.constant 0 : i32
    %dma_wait3A_254 = tpu.memref_slice %arg2[%dma_wait3A_252, %dma_wait3A_253] : memref<10000x128xf32, #tpu.memory_space<hbm>> -> memref<10000x128xf32, #tpu.memory_space<hbm>>
    tpu.wait_indirect_dma semaphore(%arg12 : memref<!tpu.dma_semaphore, #tpu.memory_space<semaphore_mem>>) src(%dma_wait3A_254 : memref<10000x128xf32, #tpu.memory_space<hbm>>) dst(%dma_wait3A_248 : memref<40x128xf32, #tpu.memory_space<vmem>>)
    %dma_wait3A_255 = arith.constant 247 : i32
    %dma_wait3A_256 = arith.constant 2 : i32
    %dma_wait3A_257 = arith.constant 0 : i32
    %dma_wait3A_258 = tpu.memref_slice %arg7[%dma_wait3A_256, %dma_wait3A_257] : memref<5x40xi32, #tpu.memory_space<vmem>> -> memref<1x40xi32, #tpu.memory_space<vmem>>
    %dma_wait3A_259 = tpu.memref_squeeze %dma_wait3A_258 : memref<1x40xi32, #tpu.memory_space<vmem>> -> memref<40xi32, #tpu.memory_space<vmem>>
    %dma_wait3A_260 = arith.constant 0 : i32
    %dma_wait3A_261 = tpu.memref_slice %arg4[%add3A, %dma_wait3A_255, %dma_wait3A_260] : memref<32x250x40xi32, #tpu.memory_space<hbm>> -> memref<1x1x40xi32, #tpu.memory_space<hbm>>
    %dma_wait3A_262 = tpu.memref_squeeze %dma_wait3A_261 : memref<1x1x40xi32, #tpu.memory_space<hbm>> -> memref<40xi32, #tpu.memory_space<hbm>>
    %dma_wait3A_263 = arith.constant 0 : i32
    %dma_wait3A_264 = tpu.memref_slice %arg7[%dma_wait3A_256, %dma_wait3A_263] : memref<5x40xi32, #tpu.memory_space<vmem>> -> memref<1x40xi32, #tpu.memory_space<vmem>>
    %dma_wait3A_265 = tpu.memref_squeeze %dma_wait3A_264 : memref<1x40xi32, #tpu.memory_space<vmem>> -> memref<40xi32, #tpu.memory_space<vmem>>
    %dma_wait3A_266 = arith.constant 0 : i32
    %dma_wait3A_267 = tpu.memref_slice %arg4[%add3A, %dma_wait3A_255, %dma_wait3A_266] : memref<32x250x40xi32, #tpu.memory_space<hbm>> -> memref<1x1x40xi32, #tpu.memory_space<hbm>>
    %dma_wait3A_268 = tpu.memref_squeeze %dma_wait3A_267 : memref<1x1x40xi32, #tpu.memory_space<hbm>> -> memref<40xi32, #tpu.memory_space<hbm>>
    tpu.wait_dma2 semaphore(%arg17 : memref<!tpu.dma_semaphore, #tpu.memory_space<semaphore_mem>>) src(%dma_wait3A_268 : memref<40xi32, #tpu.memory_space<hbm>>) dst(%dma_wait3A_265 : memref<40xi32, #tpu.memory_space<vmem>>)
    %run_scoped3A_269 = arith.constant 2 : i32
    %run_scoped3A_270 = arith.constant 2 : i32
    "tpu.region"() ({
      %run_scoped3A_364 = tpu.sem_alloc : memref<!tpu.dma_semaphore, #tpu.memory_space<semaphore_mem>>
      %dma_start3A_365 = arith.constant 0 : i32
      %dma_start3A_366 = arith.constant 0 : i32
      %dma_start3A_367 = tpu.memref_slice %arg8[%run_scoped3A_269, %dma_start3A_365, %dma_start3A_366] : memref<5x40x128xf32, #tpu.memory_space<vmem>> -> memref<1x40x128xf32, #tpu.memory_space<vmem>>
      %dma_start3A_368 = tpu.memref_squeeze %dma_start3A_367 : memref<1x40x128xf32, #tpu.memory_space<vmem>> -> memref<40x128xf32, #tpu.memory_space<vmem>>
      %dma_start3A_369 = arith.constant 0 : i32
      %dma_start3A_370 = tpu.memref_slice %arg7[%run_scoped3A_270, %dma_start3A_369] : memref<5x40xi32, #tpu.memory_space<vmem>> -> memref<1x40xi32, #tpu.memory_space<vmem>>
      %dma_start3A_371 = tpu.memref_squeeze %dma_start3A_370 : memref<1x40xi32, #tpu.memory_space<vmem>> -> memref<40xi32, #tpu.memory_space<vmem>>
      %dma_start3A_372 = arith.constant 0 : i32
      %dma_start3A_373 = arith.constant 0 : i32
      %dma_start3A_374 = tpu.memref_slice %arg9[%dma_start3A_372, %dma_start3A_373] : memref<10000x128xf32, #tpu.memory_space<vmem_shared>> -> memref<10000x128xf32, #tpu.memory_space<vmem_shared>>
      tpu.enqueue_indirect_dma source(%dma_start3A_368 : memref<40x128xf32, #tpu.memory_space<vmem>>) target(%dma_start3A_374 : memref<10000x128xf32, #tpu.memory_space<vmem_shared>>) offsets(%dma_start3A_371 : memref<40xi32, #tpu.memory_space<vmem>>) semaphore(%run_scoped3A_364 : memref<!tpu.dma_semaphore, #tpu.memory_space<semaphore_mem>>) {add = true}
      %dma_wait3A_375 = arith.constant 0 : i32
      %dma_wait3A_376 = arith.constant 0 : i32
      %dma_wait3A_377 = tpu.memref_slice %arg8[%run_scoped3A_269, %dma_wait3A_375, %dma_wait3A_376] : memref<5x40x128xf32, #tpu.memory_space<vmem>> -> memref<1x40x128xf32, #tpu.memory_space<vmem>>
      %dma_wait3A_378 = tpu.memref_squeeze %dma_wait3A_377 : memref<1x40x128xf32, #tpu.memory_space<vmem>> -> memref<40x128xf32, #tpu.memory_space<vmem>>
      %dma_wait3A_379 = arith.constant 0 : i32
      %dma_wait3A_380 = tpu.memref_slice %arg7[%run_scoped3A_270, %dma_wait3A_379] : memref<5x40xi32, #tpu.memory_space<vmem>> -> memref<1x40xi32, #tpu.memory_space<vmem>>
      %dma_wait3A_381 = tpu.memref_squeeze %dma_wait3A_380 : memref<1x40xi32, #tpu.memory_space<vmem>> -> memref<40xi32, #tpu.memory_space<vmem>>
      %dma_wait3A_382 = arith.constant 0 : i32
      %dma_wait3A_383 = arith.constant 0 : i32
      %dma_wait3A_384 = tpu.memref_slice %arg9[%dma_wait3A_382, %dma_wait3A_383] : memref<10000x128xf32, #tpu.memory_space<vmem_shared>> -> memref<10000x128xf32, #tpu.memory_space<vmem_shared>>
      tpu.wait_indirect_dma semaphore(%run_scoped3A_364 : memref<!tpu.dma_semaphore, #tpu.memory_space<semaphore_mem>>) src(%dma_wait3A_378 : memref<40x128xf32, #tpu.memory_space<vmem>>) dst(%dma_wait3A_384 : memref<10000x128xf32, #tpu.memory_space<vmem_shared>>)
      tpu.yield
    }) : () -> ()
    %dma_wait3A_271 = arith.constant 248 : i32
    %dma_wait3A_272 = arith.constant 3 : i32
    %dma_wait3A_273 = arith.constant 0 : i32
    %dma_wait3A_274 = arith.constant 0 : i32
    %dma_wait3A_275 = tpu.memref_slice %arg8[%dma_wait3A_272, %dma_wait3A_273, %dma_wait3A_274] : memref<5x40x128xf32, #tpu.memory_space<vmem>> -> memref<1x40x128xf32, #tpu.memory_space<vmem>>
    %dma_wait3A_276 = tpu.memref_squeeze %dma_wait3A_275 : memref<1x40x128xf32, #tpu.memory_space<vmem>> -> memref<40x128xf32, #tpu.memory_space<vmem>>
    %dma_wait3A_277 = arith.constant 0 : i32
    %dma_wait3A_278 = tpu.memref_slice %arg6[%dma_wait3A_271, %dma_wait3A_277] : memref<250x40xi32, #tpu.memory_space<vmem>> -> memref<1x40xi32, #tpu.memory_space<vmem>>
    %dma_wait3A_279 = tpu.memref_squeeze %dma_wait3A_278 : memref<1x40xi32, #tpu.memory_space<vmem>> -> memref<40xi32, #tpu.memory_space<vmem>>
    %dma_wait3A_280 = arith.constant 0 : i32
    %dma_wait3A_281 = arith.constant 0 : i32
    %dma_wait3A_282 = tpu.memref_slice %arg2[%dma_wait3A_280, %dma_wait3A_281] : memref<10000x128xf32, #tpu.memory_space<hbm>> -> memref<10000x128xf32, #tpu.memory_space<hbm>>
    tpu.wait_indirect_dma semaphore(%arg13 : memref<!tpu.dma_semaphore, #tpu.memory_space<semaphore_mem>>) src(%dma_wait3A_282 : memref<10000x128xf32, #tpu.memory_space<hbm>>) dst(%dma_wait3A_276 : memref<40x128xf32, #tpu.memory_space<vmem>>)
    %dma_wait3A_283 = arith.constant 248 : i32
    %dma_wait3A_284 = arith.constant 3 : i32
    %dma_wait3A_285 = arith.constant 0 : i32
    %dma_wait3A_286 = tpu.memref_slice %arg7[%dma_wait3A_284, %dma_wait3A_285] : memref<5x40xi32, #tpu.memory_space<vmem>> -> memref<1x40xi32, #tpu.memory_space<vmem>>
    %dma_wait3A_287 = tpu.memref_squeeze %dma_wait3A_286 : memref<1x40xi32, #tpu.memory_space<vmem>> -> memref<40xi32, #tpu.memory_space<vmem>>
    %dma_wait3A_288 = arith.constant 0 : i32
    %dma_wait3A_289 = tpu.memref_slice %arg4[%add3A, %dma_wait3A_283, %dma_wait3A_288] : memref<32x250x40xi32, #tpu.memory_space<hbm>> -> memref<1x1x40xi32, #tpu.memory_space<hbm>>
    %dma_wait3A_290 = tpu.memref_squeeze %dma_wait3A_289 : memref<1x1x40xi32, #tpu.memory_space<hbm>> -> memref<40xi32, #tpu.memory_space<hbm>>
    %dma_wait3A_291 = arith.constant 0 : i32
    %dma_wait3A_292 = tpu.memref_slice %arg7[%dma_wait3A_284, %dma_wait3A_291] : memref<5x40xi32, #tpu.memory_space<vmem>> -> memref<1x40xi32, #tpu.memory_space<vmem>>
    %dma_wait3A_293 = tpu.memref_squeeze %dma_wait3A_292 : memref<1x40xi32, #tpu.memory_space<vmem>> -> memref<40xi32, #tpu.memory_space<vmem>>
    %dma_wait3A_294 = arith.constant 0 : i32
    %dma_wait3A_295 = tpu.memref_slice %arg4[%add3A, %dma_wait3A_283, %dma_wait3A_294] : memref<32x250x40xi32, #tpu.memory_space<hbm>> -> memref<1x1x40xi32, #tpu.memory_space<hbm>>
    %dma_wait3A_296 = tpu.memref_squeeze %dma_wait3A_295 : memref<1x1x40xi32, #tpu.memory_space<hbm>> -> memref<40xi32, #tpu.memory_space<hbm>>
    tpu.wait_dma2 semaphore(%arg18 : memref<!tpu.dma_semaphore, #tpu.memory_space<semaphore_mem>>) src(%dma_wait3A_296 : memref<40xi32, #tpu.memory_space<hbm>>) dst(%dma_wait3A_293 : memref<40xi32, #tpu.memory_space<vmem>>)
    %run_scoped3A_297 = arith.constant 3 : i32
    %run_scoped3A_298 = arith.constant 3 : i32
    "tpu.region"() ({
      %run_scoped3A_364 = tpu.sem_alloc : memref<!tpu.dma_semaphore, #tpu.memory_space<semaphore_mem>>
      %dma_start3A_365 = arith.constant 0 : i32
      %dma_start3A_366 = arith.constant 0 : i32
      %dma_start3A_367 = tpu.memref_slice %arg8[%run_scoped3A_297, %dma_start3A_365, %dma_start3A_366] : memref<5x40x128xf32, #tpu.memory_space<vmem>> -> memref<1x40x128xf32, #tpu.memory_space<vmem>>
      %dma_start3A_368 = tpu.memref_squeeze %dma_start3A_367 : memref<1x40x128xf32, #tpu.memory_space<vmem>> -> memref<40x128xf32, #tpu.memory_space<vmem>>
      %dma_start3A_369 = arith.constant 0 : i32
      %dma_start3A_370 = tpu.memref_slice %arg7[%run_scoped3A_298, %dma_start3A_369] : memref<5x40xi32, #tpu.memory_space<vmem>> -> memref<1x40xi32, #tpu.memory_space<vmem>>
      %dma_start3A_371 = tpu.memref_squeeze %dma_start3A_370 : memref<1x40xi32, #tpu.memory_space<vmem>> -> memref<40xi32, #tpu.memory_space<vmem>>
      %dma_start3A_372 = arith.constant 0 : i32
      %dma_start3A_373 = arith.constant 0 : i32
      %dma_start3A_374 = tpu.memref_slice %arg9[%dma_start3A_372, %dma_start3A_373] : memref<10000x128xf32, #tpu.memory_space<vmem_shared>> -> memref<10000x128xf32, #tpu.memory_space<vmem_shared>>
      tpu.enqueue_indirect_dma source(%dma_start3A_368 : memref<40x128xf32, #tpu.memory_space<vmem>>) target(%dma_start3A_374 : memref<10000x128xf32, #tpu.memory_space<vmem_shared>>) offsets(%dma_start3A_371 : memref<40xi32, #tpu.memory_space<vmem>>) semaphore(%run_scoped3A_364 : memref<!tpu.dma_semaphore, #tpu.memory_space<semaphore_mem>>) {add = true}
      %dma_wait3A_375 = arith.constant 0 : i32
      %dma_wait3A_376 = arith.constant 0 : i32
      %dma_wait3A_377 = tpu.memref_slice %arg8[%run_scoped3A_297, %dma_wait3A_375, %dma_wait3A_376] : memref<5x40x128xf32, #tpu.memory_space<vmem>> -> memref<1x40x128xf32, #tpu.memory_space<vmem>>
      %dma_wait3A_378 = tpu.memref_squeeze %dma_wait3A_377 : memref<1x40x128xf32, #tpu.memory_space<vmem>> -> memref<40x128xf32, #tpu.memory_space<vmem>>
      %dma_wait3A_379 = arith.constant 0 : i32
      %dma_wait3A_380 = tpu.memref_slice %arg7[%run_scoped3A_298, %dma_wait3A_379] : memref<5x40xi32, #tpu.memory_space<vmem>> -> memref<1x40xi32, #tpu.memory_space<vmem>>
      %dma_wait3A_381 = tpu.memref_squeeze %dma_wait3A_380 : memref<1x40xi32, #tpu.memory_space<vmem>> -> memref<40xi32, #tpu.memory_space<vmem>>
      %dma_wait3A_382 = arith.constant 0 : i32
      %dma_wait3A_383 = arith.constant 0 : i32
      %dma_wait3A_384 = tpu.memref_slice %arg9[%dma_wait3A_382, %dma_wait3A_383] : memref<10000x128xf32, #tpu.memory_space<vmem_shared>> -> memref<10000x128xf32, #tpu.memory_space<vmem_shared>>
      tpu.wait_indirect_dma semaphore(%run_scoped3A_364 : memref<!tpu.dma_semaphore, #tpu.memory_space<semaphore_mem>>) src(%dma_wait3A_378 : memref<40x128xf32, #tpu.memory_space<vmem>>) dst(%dma_wait3A_384 : memref<10000x128xf32, #tpu.memory_space<vmem_shared>>)
      tpu.yield
    }) : () -> ()
    %dma_wait3A_299 = arith.constant 249 : i32
    %dma_wait3A_300 = arith.constant 4 : i32
    %dma_wait3A_301 = arith.constant 0 : i32
    %dma_wait3A_302 = arith.constant 0 : i32
    %dma_wait3A_303 = tpu.memref_slice %arg8[%dma_wait3A_300, %dma_wait3A_301, %dma_wait3A_302] : memref<5x40x128xf32, #tpu.memory_space<vmem>> -> memref<1x40x128xf32, #tpu.memory_space<vmem>>
    %dma_wait3A_304 = tpu.memref_squeeze %dma_wait3A_303 : memref<1x40x128xf32, #tpu.memory_space<vmem>> -> memref<40x128xf32, #tpu.memory_space<vmem>>
    %dma_wait3A_305 = arith.constant 0 : i32
    %dma_wait3A_306 = tpu.memref_slice %arg6[%dma_wait3A_299, %dma_wait3A_305] : memref<250x40xi32, #tpu.memory_space<vmem>> -> memref<1x40xi32, #tpu.memory_space<vmem>>
    %dma_wait3A_307 = tpu.memref_squeeze %dma_wait3A_306 : memref<1x40xi32, #tpu.memory_space<vmem>> -> memref<40xi32, #tpu.memory_space<vmem>>
    %dma_wait3A_308 = arith.constant 0 : i32
    %dma_wait3A_309 = arith.constant 0 : i32
    %dma_wait3A_310 = tpu.memref_slice %arg2[%dma_wait3A_308, %dma_wait3A_309] : memref<10000x128xf32, #tpu.memory_space<hbm>> -> memref<10000x128xf32, #tpu.memory_space<hbm>>
    tpu.wait_indirect_dma semaphore(%arg14 : memref<!tpu.dma_semaphore, #tpu.memory_space<semaphore_mem>>) src(%dma_wait3A_310 : memref<10000x128xf32, #tpu.memory_space<hbm>>) dst(%dma_wait3A_304 : memref<40x128xf32, #tpu.memory_space<vmem>>)
    %dma_wait3A_311 = arith.constant 249 : i32
    %dma_wait3A_312 = arith.constant 4 : i32
    %dma_wait3A_313 = arith.constant 0 : i32
    %dma_wait3A_314 = tpu.memref_slice %arg7[%dma_wait3A_312, %dma_wait3A_313] : memref<5x40xi32, #tpu.memory_space<vmem>> -> memref<1x40xi32, #tpu.memory_space<vmem>>
    %dma_wait3A_315 = tpu.memref_squeeze %dma_wait3A_314 : memref<1x40xi32, #tpu.memory_space<vmem>> -> memref<40xi32, #tpu.memory_space<vmem>>
    %dma_wait3A_316 = arith.constant 0 : i32
    %dma_wait3A_317 = tpu.memref_slice %arg4[%add3A, %dma_wait3A_311, %dma_wait3A_316] : memref<32x250x40xi32, #tpu.memory_space<hbm>> -> memref<1x1x40xi32, #tpu.memory_space<hbm>>
    %dma_wait3A_318 = tpu.memref_squeeze %dma_wait3A_317 : memref<1x1x40xi32, #tpu.memory_space<hbm>> -> memref<40xi32, #tpu.memory_space<hbm>>
    %dma_wait3A_319 = arith.constant 0 : i32
    %dma_wait3A_320 = tpu.memref_slice %arg7[%dma_wait3A_312, %dma_wait3A_319] : memref<5x40xi32, #tpu.memory_space<vmem>> -> memref<1x40xi32, #tpu.memory_space<vmem>>
    %dma_wait3A_321 = tpu.memref_squeeze %dma_wait3A_320 : memref<1x40xi32, #tpu.memory_space<vmem>> -> memref<40xi32, #tpu.memory_space<vmem>>
    %dma_wait3A_322 = arith.constant 0 : i32
    %dma_wait3A_323 = tpu.memref_slice %arg4[%add3A, %dma_wait3A_311, %dma_wait3A_322] : memref<32x250x40xi32, #tpu.memory_space<hbm>> -> memref<1x1x40xi32, #tpu.memory_space<hbm>>
    %dma_wait3A_324 = tpu.memref_squeeze %dma_wait3A_323 : memref<1x1x40xi32, #tpu.memory_space<hbm>> -> memref<40xi32, #tpu.memory_space<hbm>>
    tpu.wait_dma2 semaphore(%arg19 : memref<!tpu.dma_semaphore, #tpu.memory_space<semaphore_mem>>) src(%dma_wait3A_324 : memref<40xi32, #tpu.memory_space<hbm>>) dst(%dma_wait3A_321 : memref<40xi32, #tpu.memory_space<vmem>>)
    %run_scoped3A_325 = arith.constant 4 : i32
    %run_scoped3A_326 = arith.constant 4 : i32
    "tpu.region"() ({
      %run_scoped3A_364 = tpu.sem_alloc : memref<!tpu.dma_semaphore, #tpu.memory_space<semaphore_mem>>
      %dma_start3A_365 = arith.constant 0 : i32
      %dma_start3A_366 = arith.constant 0 : i32
      %dma_start3A_367 = tpu.memref_slice %arg8[%run_scoped3A_325, %dma_start3A_365, %dma_start3A_366] : memref<5x40x128xf32, #tpu.memory_space<vmem>> -> memref<1x40x128xf32, #tpu.memory_space<vmem>>
      %dma_start3A_368 = tpu.memref_squeeze %dma_start3A_367 : memref<1x40x128xf32, #tpu.memory_space<vmem>> -> memref<40x128xf32, #tpu.memory_space<vmem>>
      %dma_start3A_369 = arith.constant 0 : i32
      %dma_start3A_370 = tpu.memref_slice %arg7[%run_scoped3A_326, %dma_start3A_369] : memref<5x40xi32, #tpu.memory_space<vmem>> -> memref<1x40xi32, #tpu.memory_space<vmem>>
      %dma_start3A_371 = tpu.memref_squeeze %dma_start3A_370 : memref<1x40xi32, #tpu.memory_space<vmem>> -> memref<40xi32, #tpu.memory_space<vmem>>
      %dma_start3A_372 = arith.constant 0 : i32
      %dma_start3A_373 = arith.constant 0 : i32
      %dma_start3A_374 = tpu.memref_slice %arg9[%dma_start3A_372, %dma_start3A_373] : memref<10000x128xf32, #tpu.memory_space<vmem_shared>> -> memref<10000x128xf32, #tpu.memory_space<vmem_shared>>
      tpu.enqueue_indirect_dma source(%dma_start3A_368 : memref<40x128xf32, #tpu.memory_space<vmem>>) target(%dma_start3A_374 : memref<10000x128xf32, #tpu.memory_space<vmem_shared>>) offsets(%dma_start3A_371 : memref<40xi32, #tpu.memory_space<vmem>>) semaphore(%run_scoped3A_364 : memref<!tpu.dma_semaphore, #tpu.memory_space<semaphore_mem>>) {add = true}
      %dma_wait3A_375 = arith.constant 0 : i32
      %dma_wait3A_376 = arith.constant 0 : i32
      %dma_wait3A_377 = tpu.memref_slice %arg8[%run_scoped3A_325, %dma_wait3A_375, %dma_wait3A_376] : memref<5x40x128xf32, #tpu.memory_space<vmem>> -> memref<1x40x128xf32, #tpu.memory_space<vmem>>
      %dma_wait3A_378 = tpu.memref_squeeze %dma_wait3A_377 : memref<1x40x128xf32, #tpu.memory_space<vmem>> -> memref<40x128xf32, #tpu.memory_space<vmem>>
      %dma_wait3A_379 = arith.constant 0 : i32
      %dma_wait3A_380 = tpu.memref_slice %arg7[%run_scoped3A_326, %dma_wait3A_379] : memref<5x40xi32, #tpu.memory_space<vmem>> -> memref<1x40xi32, #tpu.memory_space<vmem>>
      %dma_wait3A_381 = tpu.memref_squeeze %dma_wait3A_380 : memref<1x40xi32, #tpu.memory_space<vmem>> -> memref<40xi32, #tpu.memory_space<vmem>>
      %dma_wait3A_382 = arith.constant 0 : i32
      %dma_wait3A_383 = arith.constant 0 : i32
      %dma_wait3A_384 = tpu.memref_slice %arg9[%dma_wait3A_382, %dma_wait3A_383] : memref<10000x128xf32, #tpu.memory_space<vmem_shared>> -> memref<10000x128xf32, #tpu.memory_space<vmem_shared>>
      tpu.wait_indirect_dma semaphore(%run_scoped3A_364 : memref<!tpu.dma_semaphore, #tpu.memory_space<semaphore_mem>>) src(%dma_wait3A_378 : memref<40x128xf32, #tpu.memory_space<vmem>>) dst(%dma_wait3A_384 : memref<10000x128xf32, #tpu.memory_space<vmem_shared>>)
      tpu.yield
    }) : () -> ()
    %barrier3A_327 = arith.constant 0 : index
    tpu.barrier barrier_id(%barrier3A_327)
    %sub3A_328 = arith.constant 250 : i32
    %sub3A_329 = arith.subi %sub3A_328, %arg1 : i32
    %sub3A_330 = arith.constant 16 : i32
    %sub3A_331 = arith.constant 1 : i32
    %sub3A_332 = arith.subi %sub3A_330, %sub3A_331 : i32
    %add3A_333 = arith.addi %sub3A_329, %sub3A_332 : i32
    %div3A_334 = arith.constant 16 : i32
    %div3A_335 = arith.divsi %add3A_333, %div3A_334 : i32
    %while3A_336 = arith.constant 16 : i32
    %while3A_337 = arith.constant 0 : i32
    %while3A_338 = arith.subi %div3A_335, %while3A_337 : i32
    %while3A_339 = arith.addi %while3A_337, %while3A_338 : i32
    %while3A_340 = arith.constant 1 : i32
    %while3A_341 = arith.divsi %while3A_338, %while3A_340 : i32
    %while3A_342 = arith.muli %while3A_341, %while3A_340 : i32
    %while3A_343 = arith.addi %while3A_337, %while3A_342 : i32
    %while3A_344 = arith.constant 1 : i32
    scf.for %while3A_364 = %while3A_337 to %while3A_343 step %while3A_344  : i32 {
      %mul3A_365 = arith.muli %while3A_364, %while3A_336 : i32
      %add3A_366 = arith.addi %arg1, %mul3A_365 : i32
      %mul3A_367 = arith.constant 40 : i32
      %mul3A_368 = arith.muli %add3A_366, %mul3A_367 : i32
      %mul3A_369 = arith.constant 40 : i32
      %mul3A_370 = arith.muli %add3A_366, %mul3A_369 : i32
      %dma_start3A_371 = arith.constant 0 : i32
      %dma_start3A_372 = tpu.memref_slice %arg5[%arg0, %mul3A_370, %dma_start3A_371] : memref<2x10000x128xf32, #tpu.memory_space<hbm>> -> memref<1x40x128xf32, #tpu.memory_space<hbm>>
      %dma_start3A_373 = tpu.memref_squeeze %dma_start3A_372 : memref<1x40x128xf32, #tpu.memory_space<hbm>> -> memref<40x128xf32, #tpu.memory_space<hbm>>
      %dma_start3A_374 = arith.constant 0 : i32
      %dma_start3A_375 = tpu.memref_slice %arg9[%mul3A_368, %dma_start3A_374] : memref<10000x128xf32, #tpu.memory_space<vmem_shared>> -> memref<40x128xf32, #tpu.memory_space<vmem_shared>>
      tpu.enqueue_dma source(%dma_start3A_375 : memref<40x128xf32, #tpu.memory_space<vmem_shared>>) target(%dma_start3A_373 : memref<40x128xf32, #tpu.memory_space<hbm>>) target_semaphore(%arg10 : memref<!tpu.dma_semaphore, #tpu.memory_space<semaphore_mem>>)
    }
    %while3A_345 = arith.constant 1 : i32
    scf.for %while3A_364 = %while3A_343 to %while3A_339 step %while3A_345  : i32 {
      %mul3A_365 = arith.muli %while3A_364, %while3A_336 : i32
      %add3A_366 = arith.addi %arg1, %mul3A_365 : i32
      %mul3A_367 = arith.constant 40 : i32
      %mul3A_368 = arith.muli %add3A_366, %mul3A_367 : i32
      %mul3A_369 = arith.constant 40 : i32
      %mul3A_370 = arith.muli %add3A_366, %mul3A_369 : i32
      %dma_start3A_371 = arith.constant 0 : i32
      %dma_start3A_372 = tpu.memref_slice %arg5[%arg0, %mul3A_370, %dma_start3A_371] : memref<2x10000x128xf32, #tpu.memory_space<hbm>> -> memref<1x40x128xf32, #tpu.memory_space<hbm>>
      %dma_start3A_373 = tpu.memref_squeeze %dma_start3A_372 : memref<1x40x128xf32, #tpu.memory_space<hbm>> -> memref<40x128xf32, #tpu.memory_space<hbm>>
      %dma_start3A_374 = arith.constant 0 : i32
      %dma_start3A_375 = tpu.memref_slice %arg9[%mul3A_368, %dma_start3A_374] : memref<10000x128xf32, #tpu.memory_space<vmem_shared>> -> memref<40x128xf32, #tpu.memory_space<vmem_shared>>
      tpu.enqueue_dma source(%dma_start3A_375 : memref<40x128xf32, #tpu.memory_space<vmem_shared>>) target(%dma_start3A_373 : memref<40x128xf32, #tpu.memory_space<hbm>>) target_semaphore(%arg10 : memref<!tpu.dma_semaphore, #tpu.memory_space<semaphore_mem>>)
    }
    %sub3A_346 = arith.constant 250 : i32
    %sub3A_347 = arith.subi %sub3A_346, %arg1 : i32
    %sub3A_348 = arith.constant 16 : i32
    %sub3A_349 = arith.constant 1 : i32
    %sub3A_350 = arith.subi %sub3A_348, %sub3A_349 : i32
    %add3A_351 = arith.addi %sub3A_347, %sub3A_350 : i32
    %div3A_352 = arith.constant 16 : i32
    %div3A_353 = arith.divsi %add3A_351, %div3A_352 : i32
    %while3A_354 = arith.constant 16 : i32
    %while3A_355 = arith.constant 0 : i32
    %while3A_356 = arith.subi %div3A_353, %while3A_355 : i32
    %while3A_357 = arith.addi %while3A_355, %while3A_356 : i32
    %while3A_358 = arith.constant 1 : i32
    %while3A_359 = arith.divsi %while3A_356, %while3A_358 : i32
    %while3A_360 = arith.muli %while3A_359, %while3A_358 : i32
    %while3A_361 = arith.addi %while3A_355, %while3A_360 : i32
    %while3A_362 = arith.constant 1 : i32
    scf.for %while3A_364 = %while3A_355 to %while3A_361 step %while3A_362  : i32 {
      %mul3A_365 = arith.muli %while3A_364, %while3A_354 : i32
      %add3A_366 = arith.addi %arg1, %mul3A_365 : i32
      %mul3A_367 = arith.constant 40 : i32
      %mul3A_368 = arith.muli %add3A_366, %mul3A_367 : i32
      %mul3A_369 = arith.constant 40 : i32
      %mul3A_370 = arith.muli %add3A_366, %mul3A_369 : i32
      %dma_wait3A_371 = arith.constant 0 : i32
      %dma_wait3A_372 = tpu.memref_slice %arg5[%arg0, %mul3A_370, %dma_wait3A_371] : memref<2x10000x128xf32, #tpu.memory_space<hbm>> -> memref<1x40x128xf32, #tpu.memory_space<hbm>>
      %dma_wait3A_373 = tpu.memref_squeeze %dma_wait3A_372 : memref<1x40x128xf32, #tpu.memory_space<hbm>> -> memref<40x128xf32, #tpu.memory_space<hbm>>
      %dma_wait3A_374 = arith.constant 0 : i32
      %dma_wait3A_375 = tpu.memref_slice %arg9[%mul3A_368, %dma_wait3A_374] : memref<10000x128xf32, #tpu.memory_space<vmem_shared>> -> memref<40x128xf32, #tpu.memory_space<vmem_shared>>
      tpu.wait_dma2 semaphore(%arg10 : memref<!tpu.dma_semaphore, #tpu.memory_space<semaphore_mem>>) src(%dma_wait3A_375 : memref<40x128xf32, #tpu.memory_space<vmem_shared>>) dst(%dma_wait3A_373 : memref<40x128xf32, #tpu.memory_space<hbm>>)
    }
    %while3A_363 = arith.constant 1 : i32
    scf.for %while3A_364 = %while3A_361 to %while3A_357 step %while3A_363  : i32 {
      %mul3A_365 = arith.muli %while3A_364, %while3A_354 : i32
      %add3A_366 = arith.addi %arg1, %mul3A_365 : i32
      %mul3A_367 = arith.constant 40 : i32
      %mul3A_368 = arith.muli %add3A_366, %mul3A_367 : i32
      %mul3A_369 = arith.constant 40 : i32
      %mul3A_370 = arith.muli %add3A_366, %mul3A_369 : i32
      %dma_wait3A_371 = arith.constant 0 : i32
      %dma_wait3A_372 = tpu.memref_slice %arg5[%arg0, %mul3A_370, %dma_wait3A_371] : memref<2x10000x128xf32, #tpu.memory_space<hbm>> -> memref<1x40x128xf32, #tpu.memory_space<hbm>>
      %dma_wait3A_373 = tpu.memref_squeeze %dma_wait3A_372 : memref<1x40x128xf32, #tpu.memory_space<hbm>> -> memref<40x128xf32, #tpu.memory_space<hbm>>
      %dma_wait3A_374 = arith.constant 0 : i32
      %dma_wait3A_375 = tpu.memref_slice %arg9[%mul3A_368, %dma_wait3A_374] : memref<10000x128xf32, #tpu.memory_space<vmem_shared>> -> memref<40x128xf32, #tpu.memory_space<vmem_shared>>
      tpu.wait_dma2 semaphore(%arg10 : memref<!tpu.dma_semaphore, #tpu.memory_space<semaphore_mem>>) src(%dma_wait3A_375 : memref<40x128xf32, #tpu.memory_space<vmem_shared>>) dst(%dma_wait3A_373 : memref<40x128xf32, #tpu.memory_space<hbm>>)
    }
    return
  }
}

#map = affine_map<(d0, d1) -> (0, 0, 0)>
module attributes {stable_mosaic.version = 14 : i64} {
  func.func @seg_kernel(%arg0: i32, %arg1: i32, %arg2: memref<2x10000x32xf32, #tpu.memory_space<hbm>>, %arg3: memref<16x250x80xi32, #tpu.memory_space<hbm>>, %arg4: memref<16x250x80xi32, #tpu.memory_space<hbm>>, %arg5: memref<2x10000x32xf32, #tpu.memory_space<hbm>>, %arg6: memref<250x80xi32, #tpu.memory_space<vmem>>, %arg7: memref<5x80xi32, #tpu.memory_space<vmem>>, %arg8: memref<5x80x32xf32, #tpu.memory_space<vmem>>, %arg9: memref<10000x32xf32, #tpu.memory_space<vmem_shared>>, %arg10: memref<!tpu.dma_semaphore, #tpu.memory_space<semaphore_mem>>, %arg11: memref<!tpu.dma_semaphore, #tpu.memory_space<semaphore_mem>>, %arg12: memref<!tpu.dma_semaphore, #tpu.memory_space<semaphore_mem>>, %arg13: memref<!tpu.dma_semaphore, #tpu.memory_space<semaphore_mem>>, %arg14: memref<!tpu.dma_semaphore, #tpu.memory_space<semaphore_mem>>, %arg15: memref<!tpu.dma_semaphore, #tpu.memory_space<semaphore_mem>>, %arg16: memref<!tpu.dma_semaphore, #tpu.memory_space<semaphore_mem>>, %arg17: memref<!tpu.dma_semaphore, #tpu.memory_space<semaphore_mem>>, %arg18: memref<!tpu.dma_semaphore, #tpu.memory_space<semaphore_mem>>, %arg19: memref<!tpu.dma_semaphore, #tpu.memory_space<semaphore_mem>>) attributes {dimension_semantics = [#tpu.dimension_semantics<core_parallel>, #tpu.dimension_semantics<subcore_parallel>], iteration_bounds = array<i64: 2, 16>, scalar_prefetch = 0 : i64, scratch_operands = 14 : i64, tpu.core_type = #tpu.core_type<sc_vector_subcore>, window_params = [{transform_indices = #map}, {transform_indices = #map}, {transform_indices = #map}, {transform_indices = #map}]} {
    %dma_start3A = arith.constant 0 : i32
    %dma_start3A_0 = arith.constant 0 : i32
    %dma_start3A_1 = tpu.memref_slice %arg3[%arg1, %dma_start3A, %dma_start3A_0] : memref<16x250x80xi32, #tpu.memory_space<hbm>> -> memref<1x250x80xi32, #tpu.memory_space<hbm>>
    %dma_start3A_2 = tpu.memref_squeeze %dma_start3A_1 : memref<1x250x80xi32, #tpu.memory_space<hbm>> -> memref<250x80xi32, #tpu.memory_space<hbm>>
    %dma_start3A_3 = arith.constant 0 : i32
    %dma_start3A_4 = arith.constant 0 : i32
    %dma_start3A_5 = tpu.memref_slice %arg3[%arg1, %dma_start3A_3, %dma_start3A_4] : memref<16x250x80xi32, #tpu.memory_space<hbm>> -> memref<1x250x80xi32, #tpu.memory_space<hbm>>
    %dma_start3A_6 = tpu.memref_squeeze %dma_start3A_5 : memref<1x250x80xi32, #tpu.memory_space<hbm>> -> memref<250x80xi32, #tpu.memory_space<hbm>>
    tpu.enqueue_dma source(%dma_start3A_6 : memref<250x80xi32, #tpu.memory_space<hbm>>) target(%arg6 : memref<250x80xi32, #tpu.memory_space<vmem>>) target_semaphore(%arg10 : memref<!tpu.dma_semaphore, #tpu.memory_space<semaphore_mem>>)
    %broadcast_in_dim3A = arith.constant 0.000000e+00 : f32
    %broadcast_in_dim3A_7 = vector.broadcast %broadcast_in_dim3A : f32 to vector<16xf32>
    %scan3A = arith.constant 0 : i32
    %scan3A_8 = arith.constant 80 : i32
    %scan3A_9 = arith.addi %scan3A, %scan3A_8 : i32
    %scan3A_10 = arith.constant 1 : i32
    scf.for %scan3A_402 = %scan3A to %scan3A_9 step %scan3A_10  : i32 {
      %mul3A = arith.constant 1 : i32
      %mul3A_403 = arith.muli %scan3A_402, %mul3A : i32
      %add3A_404 = arith.constant 0 : i32
      %add3A_405 = arith.addi %add3A_404, %mul3A_403 : i32
      %scan3A_406 = arith.constant 0 : i32
      %scan3A_407 = arith.constant 2 : i32
      %scan3A_408 = arith.addi %scan3A_406, %scan3A_407 : i32
      %scan3A_409 = arith.constant 1 : i32
      scf.for %scan3A_411 = %scan3A_406 to %scan3A_408 step %scan3A_409  : i32 {
        %mul3A_412 = arith.constant 1 : i32
        %mul3A_413 = arith.muli %scan3A_411, %mul3A_412 : i32
        %add3A_414 = arith.constant 0 : i32
        %add3A_415 = arith.addi %add3A_414, %mul3A_413 : i32
        %mul3A_416 = arith.constant 16 : i32
        %mul3A_417 = arith.muli %add3A_415, %mul3A_416 : i32
        %swap3A = arith.constant 0 : i32
        %swap3A_418 = arith.index_cast %swap3A : i32 to index
        %swap3A_419 = arith.index_cast %add3A_405 : i32 to index
        %swap3A_420 = arith.index_cast %mul3A_417 : i32 to index
        %swap3A_421 = tpu.vector_load %arg8[%swap3A_418, %swap3A_419, %swap3A_420] {strides = array<i32>} : memref<5x80x32xf32, #tpu.memory_space<vmem>>, vector<1x1x16xf32>,
        %swap3A_422 = vector.shape_cast %swap3A_421 : vector<1x1x16xf32> to vector<16xf32>
        %swap3A_423 = vector.shape_cast %broadcast_in_dim3A_7 : vector<16xf32> to vector<1x1x16xf32>
        tpu.vector_store %arg8[%swap3A_418, %swap3A_419, %swap3A_420], %swap3A_423 {strides = array<i32>} : memref<5x80x32xf32, #tpu.memory_space<vmem>>, vector<1x1x16xf32>,
      }
      %scan3A_410 = arith.constant 2 : i32
    }
    %scan3A_11 = arith.constant 80 : i32
    %sub3A = arith.constant 125 : i32
    %sub3A_12 = arith.subi %sub3A, %arg1 : i32
    %sub3A_13 = arith.constant 16 : i32
    %sub3A_14 = arith.constant 1 : i32
    %sub3A_15 = arith.subi %sub3A_13, %sub3A_14 : i32
    %add3A = arith.addi %sub3A_12, %sub3A_15 : i32
    %div3A = arith.constant 16 : i32
    %div3A_16 = arith.divsi %add3A, %div3A : i32
    %while3A = arith.constant 16 : i32
    %while3A_17 = arith.constant 0 : i32
    %while3A_18 = arith.subi %div3A_16, %while3A_17 : i32
    %while3A_19 = arith.addi %while3A_17, %while3A_18 : i32
    %while3A_20 = arith.constant 1 : i32
    %while3A_21 = arith.divsi %while3A_18, %while3A_20 : i32
    %while3A_22 = arith.muli %while3A_21, %while3A_20 : i32
    %while3A_23 = arith.addi %while3A_17, %while3A_22 : i32
    %while3A_24 = arith.constant 1 : i32
    scf.for %while3A_402 = %while3A_17 to %while3A_23 step %while3A_24  : i32 {
      %mul3A = arith.muli %while3A_402, %while3A : i32
      %add3A_403 = arith.addi %arg1, %mul3A : i32
      %mul3A_404 = arith.constant 80 : i32
      %mul3A_405 = arith.muli %add3A_403, %mul3A_404 : i32
      %dma_start3A_406 = arith.constant 0 : i32
      %dma_start3A_407 = arith.constant 0 : i32
      %dma_start3A_408 = arith.constant 0 : i32
      %dma_start3A_409 = tpu.memref_slice %arg8[%dma_start3A_406, %dma_start3A_407, %dma_start3A_408] : memref<5x80x32xf32, #tpu.memory_space<vmem>> -> memref<1x80x32xf32, #tpu.memory_space<vmem>>
      %dma_start3A_410 = tpu.memref_squeeze %dma_start3A_409 : memref<1x80x32xf32, #tpu.memory_space<vmem>> -> memref<80x32xf32, #tpu.memory_space<vmem>>
      %dma_start3A_411 = arith.constant 0 : i32
      %dma_start3A_412 = tpu.memref_slice %arg9[%mul3A_405, %dma_start3A_411] : memref<10000x32xf32, #tpu.memory_space<vmem_shared>> -> memref<80x32xf32, #tpu.memory_space<vmem_shared>>
      %dma_start3A_413 = arith.constant 0 : i32
      %dma_start3A_414 = tpu.memref_slice %arg9[%mul3A_405, %dma_start3A_413] : memref<10000x32xf32, #tpu.memory_space<vmem_shared>> -> memref<80x32xf32, #tpu.memory_space<vmem_shared>>
      %dma_start3A_415 = arith.constant 0 : i32
      %dma_start3A_416 = arith.constant 0 : i32
      %dma_start3A_417 = tpu.memref_slice %arg8[%dma_start3A_406, %dma_start3A_415, %dma_start3A_416] : memref<5x80x32xf32, #tpu.memory_space<vmem>> -> memref<1x80x32xf32, #tpu.memory_space<vmem>>
      %dma_start3A_418 = tpu.memref_squeeze %dma_start3A_417 : memref<1x80x32xf32, #tpu.memory_space<vmem>> -> memref<80x32xf32, #tpu.memory_space<vmem>>
      tpu.enqueue_dma source(%dma_start3A_418 : memref<80x32xf32, #tpu.memory_space<vmem>>) target(%dma_start3A_414 : memref<80x32xf32, #tpu.memory_space<vmem_shared>>) target_semaphore(%arg15 : memref<!tpu.dma_semaphore, #tpu.memory_space<semaphore_mem>>)
    }
    %while3A_25 = arith.constant 1 : i32
    scf.for %while3A_402 = %while3A_23 to %while3A_19 step %while3A_25  : i32 {
      %mul3A = arith.muli %while3A_402, %while3A : i32
      %add3A_403 = arith.addi %arg1, %mul3A : i32
      %mul3A_404 = arith.constant 80 : i32
      %mul3A_405 = arith.muli %add3A_403, %mul3A_404 : i32
      %dma_start3A_406 = arith.constant 0 : i32
      %dma_start3A_407 = arith.constant 0 : i32
      %dma_start3A_408 = arith.constant 0 : i32
      %dma_start3A_409 = tpu.memref_slice %arg8[%dma_start3A_406, %dma_start3A_407, %dma_start3A_408] : memref<5x80x32xf32, #tpu.memory_space<vmem>> -> memref<1x80x32xf32, #tpu.memory_space<vmem>>
      %dma_start3A_410 = tpu.memref_squeeze %dma_start3A_409 : memref<1x80x32xf32, #tpu.memory_space<vmem>> -> memref<80x32xf32, #tpu.memory_space<vmem>>
      %dma_start3A_411 = arith.constant 0 : i32
      %dma_start3A_412 = tpu.memref_slice %arg9[%mul3A_405, %dma_start3A_411] : memref<10000x32xf32, #tpu.memory_space<vmem_shared>> -> memref<80x32xf32, #tpu.memory_space<vmem_shared>>
      %dma_start3A_413 = arith.constant 0 : i32
      %dma_start3A_414 = tpu.memref_slice %arg9[%mul3A_405, %dma_start3A_413] : memref<10000x32xf32, #tpu.memory_space<vmem_shared>> -> memref<80x32xf32, #tpu.memory_space<vmem_shared>>
      %dma_start3A_415 = arith.constant 0 : i32
      %dma_start3A_416 = arith.constant 0 : i32
      %dma_start3A_417 = tpu.memref_slice %arg8[%dma_start3A_406, %dma_start3A_415, %dma_start3A_416] : memref<5x80x32xf32, #tpu.memory_space<vmem>> -> memref<1x80x32xf32, #tpu.memory_space<vmem>>
      %dma_start3A_418 = tpu.memref_squeeze %dma_start3A_417 : memref<1x80x32xf32, #tpu.memory_space<vmem>> -> memref<80x32xf32, #tpu.memory_space<vmem>>
      tpu.enqueue_dma source(%dma_start3A_418 : memref<80x32xf32, #tpu.memory_space<vmem>>) target(%dma_start3A_414 : memref<80x32xf32, #tpu.memory_space<vmem_shared>>) target_semaphore(%arg15 : memref<!tpu.dma_semaphore, #tpu.memory_space<semaphore_mem>>)
    }
    %sub3A_26 = arith.constant 125 : i32
    %sub3A_27 = arith.subi %sub3A_26, %arg1 : i32
    %sub3A_28 = arith.constant 16 : i32
    %sub3A_29 = arith.constant 1 : i32
    %sub3A_30 = arith.subi %sub3A_28, %sub3A_29 : i32
    %add3A_31 = arith.addi %sub3A_27, %sub3A_30 : i32
    %div3A_32 = arith.constant 16 : i32
    %div3A_33 = arith.divsi %add3A_31, %div3A_32 : i32
    %while3A_34 = arith.constant 16 : i32
    %while3A_35 = arith.constant 0 : i32
    %while3A_36 = arith.subi %div3A_33, %while3A_35 : i32
    %while3A_37 = arith.addi %while3A_35, %while3A_36 : i32
    %while3A_38 = arith.constant 1 : i32
    %while3A_39 = arith.divsi %while3A_36, %while3A_38 : i32
    %while3A_40 = arith.muli %while3A_39, %while3A_38 : i32
    %while3A_41 = arith.addi %while3A_35, %while3A_40 : i32
    %while3A_42 = arith.constant 1 : i32
    scf.for %while3A_402 = %while3A_35 to %while3A_41 step %while3A_42  : i32 {
      %mul3A = arith.muli %while3A_402, %while3A_34 : i32
      %add3A_403 = arith.addi %arg1, %mul3A : i32
      %mul3A_404 = arith.constant 80 : i32
      %mul3A_405 = arith.muli %add3A_403, %mul3A_404 : i32
      %dma_wait3A_406 = arith.constant 0 : i32
      %dma_wait3A_407 = arith.constant 0 : i32
      %dma_wait3A_408 = arith.constant 0 : i32
      %dma_wait3A_409 = tpu.memref_slice %arg8[%dma_wait3A_406, %dma_wait3A_407, %dma_wait3A_408] : memref<5x80x32xf32, #tpu.memory_space<vmem>> -> memref<1x80x32xf32, #tpu.memory_space<vmem>>
      %dma_wait3A_410 = tpu.memref_squeeze %dma_wait3A_409 : memref<1x80x32xf32, #tpu.memory_space<vmem>> -> memref<80x32xf32, #tpu.memory_space<vmem>>
      %dma_wait3A_411 = arith.constant 0 : i32
      %dma_wait3A_412 = tpu.memref_slice %arg9[%mul3A_405, %dma_wait3A_411] : memref<10000x32xf32, #tpu.memory_space<vmem_shared>> -> memref<80x32xf32, #tpu.memory_space<vmem_shared>>
      %dma_wait3A_413 = arith.constant 0 : i32
      %dma_wait3A_414 = tpu.memref_slice %arg9[%mul3A_405, %dma_wait3A_413] : memref<10000x32xf32, #tpu.memory_space<vmem_shared>> -> memref<80x32xf32, #tpu.memory_space<vmem_shared>>
      %dma_wait3A_415 = arith.constant 0 : i32
      %dma_wait3A_416 = arith.constant 0 : i32
      %dma_wait3A_417 = tpu.memref_slice %arg8[%dma_wait3A_406, %dma_wait3A_415, %dma_wait3A_416] : memref<5x80x32xf32, #tpu.memory_space<vmem>> -> memref<1x80x32xf32, #tpu.memory_space<vmem>>
      %dma_wait3A_418 = tpu.memref_squeeze %dma_wait3A_417 : memref<1x80x32xf32, #tpu.memory_space<vmem>> -> memref<80x32xf32, #tpu.memory_space<vmem>>
      tpu.wait_dma2 semaphore(%arg15 : memref<!tpu.dma_semaphore, #tpu.memory_space<semaphore_mem>>) src(%dma_wait3A_418 : memref<80x32xf32, #tpu.memory_space<vmem>>) dst(%dma_wait3A_414 : memref<80x32xf32, #tpu.memory_space<vmem_shared>>)
    }
    %while3A_43 = arith.constant 1 : i32
    scf.for %while3A_402 = %while3A_41 to %while3A_37 step %while3A_43  : i32 {
      %mul3A = arith.muli %while3A_402, %while3A_34 : i32
      %add3A_403 = arith.addi %arg1, %mul3A : i32
      %mul3A_404 = arith.constant 80 : i32
      %mul3A_405 = arith.muli %add3A_403, %mul3A_404 : i32
      %dma_wait3A_406 = arith.constant 0 : i32
      %dma_wait3A_407 = arith.constant 0 : i32
      %dma_wait3A_408 = arith.constant 0 : i32
      %dma_wait3A_409 = tpu.memref_slice %arg8[%dma_wait3A_406, %dma_wait3A_407, %dma_wait3A_408] : memref<5x80x32xf32, #tpu.memory_space<vmem>> -> memref<1x80x32xf32, #tpu.memory_space<vmem>>
      %dma_wait3A_410 = tpu.memref_squeeze %dma_wait3A_409 : memref<1x80x32xf32, #tpu.memory_space<vmem>> -> memref<80x32xf32, #tpu.memory_space<vmem>>
      %dma_wait3A_411 = arith.constant 0 : i32
      %dma_wait3A_412 = tpu.memref_slice %arg9[%mul3A_405, %dma_wait3A_411] : memref<10000x32xf32, #tpu.memory_space<vmem_shared>> -> memref<80x32xf32, #tpu.memory_space<vmem_shared>>
      %dma_wait3A_413 = arith.constant 0 : i32
      %dma_wait3A_414 = tpu.memref_slice %arg9[%mul3A_405, %dma_wait3A_413] : memref<10000x32xf32, #tpu.memory_space<vmem_shared>> -> memref<80x32xf32, #tpu.memory_space<vmem_shared>>
      %dma_wait3A_415 = arith.constant 0 : i32
      %dma_wait3A_416 = arith.constant 0 : i32
      %dma_wait3A_417 = tpu.memref_slice %arg8[%dma_wait3A_406, %dma_wait3A_415, %dma_wait3A_416] : memref<5x80x32xf32, #tpu.memory_space<vmem>> -> memref<1x80x32xf32, #tpu.memory_space<vmem>>
      %dma_wait3A_418 = tpu.memref_squeeze %dma_wait3A_417 : memref<1x80x32xf32, #tpu.memory_space<vmem>> -> memref<80x32xf32, #tpu.memory_space<vmem>>
      tpu.wait_dma2 semaphore(%arg15 : memref<!tpu.dma_semaphore, #tpu.memory_space<semaphore_mem>>) src(%dma_wait3A_418 : memref<80x32xf32, #tpu.memory_space<vmem>>) dst(%dma_wait3A_414 : memref<80x32xf32, #tpu.memory_space<vmem_shared>>)
    }
    %dma_wait3A = arith.constant 0 : i32
    %dma_wait3A_44 = arith.constant 0 : i32
    %dma_wait3A_45 = tpu.memref_slice %arg3[%arg1, %dma_wait3A, %dma_wait3A_44] : memref<16x250x80xi32, #tpu.memory_space<hbm>> -> memref<1x250x80xi32, #tpu.memory_space<hbm>>
    %dma_wait3A_46 = tpu.memref_squeeze %dma_wait3A_45 : memref<1x250x80xi32, #tpu.memory_space<hbm>> -> memref<250x80xi32, #tpu.memory_space<hbm>>
    %dma_wait3A_47 = arith.constant 0 : i32
    %dma_wait3A_48 = arith.constant 0 : i32
    %dma_wait3A_49 = tpu.memref_slice %arg3[%arg1, %dma_wait3A_47, %dma_wait3A_48] : memref<16x250x80xi32, #tpu.memory_space<hbm>> -> memref<1x250x80xi32, #tpu.memory_space<hbm>>
    %dma_wait3A_50 = tpu.memref_squeeze %dma_wait3A_49 : memref<1x250x80xi32, #tpu.memory_space<hbm>> -> memref<250x80xi32, #tpu.memory_space<hbm>>
    tpu.wait_dma2 semaphore(%arg10 : memref<!tpu.dma_semaphore, #tpu.memory_space<semaphore_mem>>) src(%dma_wait3A_50 : memref<250x80xi32, #tpu.memory_space<hbm>>) dst(%arg6 : memref<250x80xi32, #tpu.memory_space<vmem>>)
    %barrier3A = arith.constant 0 : index
    tpu.barrier barrier_id(%barrier3A)
    %dma_start3A_51 = arith.constant 0 : i32
    %dma_start3A_52 = arith.constant 0 : i32
    %dma_start3A_53 = arith.constant 0 : i32
    %dma_start3A_54 = tpu.memref_slice %arg7[%dma_start3A_52, %dma_start3A_53] : memref<5x80xi32, #tpu.memory_space<vmem>> -> memref<1x80xi32, #tpu.memory_space<vmem>>
    %dma_start3A_55 = tpu.memref_squeeze %dma_start3A_54 : memref<1x80xi32, #tpu.memory_space<vmem>> -> memref<80xi32, #tpu.memory_space<vmem>>
    %dma_start3A_56 = arith.constant 0 : i32
    %dma_start3A_57 = tpu.memref_slice %arg4[%arg1, %dma_start3A_51, %dma_start3A_56] : memref<16x250x80xi32, #tpu.memory_space<hbm>> -> memref<1x1x80xi32, #tpu.memory_space<hbm>>
    %dma_start3A_58 = tpu.memref_squeeze %dma_start3A_57 : memref<1x1x80xi32, #tpu.memory_space<hbm>> -> memref<80xi32, #tpu.memory_space<hbm>>
    %dma_start3A_59 = arith.constant 0 : i32
    %dma_start3A_60 = tpu.memref_slice %arg7[%dma_start3A_52, %dma_start3A_59] : memref<5x80xi32, #tpu.memory_space<vmem>> -> memref<1x80xi32, #tpu.memory_space<vmem>>
    %dma_start3A_61 = tpu.memref_squeeze %dma_start3A_60 : memref<1x80xi32, #tpu.memory_space<vmem>> -> memref<80xi32, #tpu.memory_space<vmem>>
    %dma_start3A_62 = arith.constant 0 : i32
    %dma_start3A_63 = tpu.memref_slice %arg4[%arg1, %dma_start3A_51, %dma_start3A_62] : memref<16x250x80xi32, #tpu.memory_space<hbm>> -> memref<1x1x80xi32, #tpu.memory_space<hbm>>
    %dma_start3A_64 = tpu.memref_squeeze %dma_start3A_63 : memref<1x1x80xi32, #tpu.memory_space<hbm>> -> memref<80xi32, #tpu.memory_space<hbm>>
    tpu.enqueue_dma source(%dma_start3A_64 : memref<80xi32, #tpu.memory_space<hbm>>) target(%dma_start3A_61 : memref<80xi32, #tpu.memory_space<vmem>>) target_semaphore(%arg15 : memref<!tpu.dma_semaphore, #tpu.memory_space<semaphore_mem>>)
    %dma_start3A_65 = arith.constant 0 : i32
    %dma_start3A_66 = arith.constant 0 : i32
    %dma_start3A_67 = arith.constant 0 : i32
    %dma_start3A_68 = arith.constant 0 : i32
    %dma_start3A_69 = tpu.memref_slice %arg8[%dma_start3A_66, %dma_start3A_67, %dma_start3A_68] : memref<5x80x32xf32, #tpu.memory_space<vmem>> -> memref<1x80x32xf32, #tpu.memory_space<vmem>>
    %dma_start3A_70 = tpu.memref_squeeze %dma_start3A_69 : memref<1x80x32xf32, #tpu.memory_space<vmem>> -> memref<80x32xf32, #tpu.memory_space<vmem>>
    %dma_start3A_71 = arith.constant 0 : i32
    %dma_start3A_72 = tpu.memref_slice %arg6[%dma_start3A_65, %dma_start3A_71] : memref<250x80xi32, #tpu.memory_space<vmem>> -> memref<1x80xi32, #tpu.memory_space<vmem>>
    %dma_start3A_73 = tpu.memref_squeeze %dma_start3A_72 : memref<1x80xi32, #tpu.memory_space<vmem>> -> memref<80xi32, #tpu.memory_space<vmem>>
    %dma_start3A_74 = arith.constant 0 : i32
    %dma_start3A_75 = arith.constant 0 : i32
    %dma_start3A_76 = tpu.memref_slice %arg2[%arg0, %dma_start3A_74, %dma_start3A_75] : memref<2x10000x32xf32, #tpu.memory_space<hbm>> -> memref<1x10000x32xf32, #tpu.memory_space<hbm>>
    %dma_start3A_77 = tpu.memref_squeeze %dma_start3A_76 : memref<1x10000x32xf32, #tpu.memory_space<hbm>> -> memref<10000x32xf32, #tpu.memory_space<hbm>>
    %dma_start3A_78 = arith.constant 0 : i32
    %dma_start3A_79 = arith.constant 0 : i32
    %dma_start3A_80 = tpu.memref_slice %dma_start3A_77[%dma_start3A_78, %dma_start3A_79] : memref<10000x32xf32, #tpu.memory_space<hbm>> -> memref<10000x32xf32, #tpu.memory_space<hbm>>
    tpu.enqueue_indirect_dma source(%dma_start3A_80 : memref<10000x32xf32, #tpu.memory_space<hbm>>) target(%dma_start3A_70 : memref<80x32xf32, #tpu.memory_space<vmem>>) offsets(%dma_start3A_73 : memref<80xi32, #tpu.memory_space<vmem>>) semaphore(%arg10 : memref<!tpu.dma_semaphore, #tpu.memory_space<semaphore_mem>>)
    %dma_start3A_81 = arith.constant 1 : i32
    %dma_start3A_82 = arith.constant 1 : i32
    %dma_start3A_83 = arith.constant 0 : i32
    %dma_start3A_84 = tpu.memref_slice %arg7[%dma_start3A_82, %dma_start3A_83] : memref<5x80xi32, #tpu.memory_space<vmem>> -> memref<1x80xi32, #tpu.memory_space<vmem>>
    %dma_start3A_85 = tpu.memref_squeeze %dma_start3A_84 : memref<1x80xi32, #tpu.memory_space<vmem>> -> memref<80xi32, #tpu.memory_space<vmem>>
    %dma_start3A_86 = arith.constant 0 : i32
    %dma_start3A_87 = tpu.memref_slice %arg4[%arg1, %dma_start3A_81, %dma_start3A_86] : memref<16x250x80xi32, #tpu.memory_space<hbm>> -> memref<1x1x80xi32, #tpu.memory_space<hbm>>
    %dma_start3A_88 = tpu.memref_squeeze %dma_start3A_87 : memref<1x1x80xi32, #tpu.memory_space<hbm>> -> memref<80xi32, #tpu.memory_space<hbm>>
    %dma_start3A_89 = arith.constant 0 : i32
    %dma_start3A_90 = tpu.memref_slice %arg7[%dma_start3A_82, %dma_start3A_89] : memref<5x80xi32, #tpu.memory_space<vmem>> -> memref<1x80xi32, #tpu.memory_space<vmem>>
    %dma_start3A_91 = tpu.memref_squeeze %dma_start3A_90 : memref<1x80xi32, #tpu.memory_space<vmem>> -> memref<80xi32, #tpu.memory_space<vmem>>
    %dma_start3A_92 = arith.constant 0 : i32
    %dma_start3A_93 = tpu.memref_slice %arg4[%arg1, %dma_start3A_81, %dma_start3A_92] : memref<16x250x80xi32, #tpu.memory_space<hbm>> -> memref<1x1x80xi32, #tpu.memory_space<hbm>>
    %dma_start3A_94 = tpu.memref_squeeze %dma_start3A_93 : memref<1x1x80xi32, #tpu.memory_space<hbm>> -> memref<80xi32, #tpu.memory_space<hbm>>
    tpu.enqueue_dma source(%dma_start3A_94 : memref<80xi32, #tpu.memory_space<hbm>>) target(%dma_start3A_91 : memref<80xi32, #tpu.memory_space<vmem>>) target_semaphore(%arg16 : memref<!tpu.dma_semaphore, #tpu.memory_space<semaphore_mem>>)
    %dma_start3A_95 = arith.constant 1 : i32
    %dma_start3A_96 = arith.constant 1 : i32
    %dma_start3A_97 = arith.constant 0 : i32
    %dma_start3A_98 = arith.constant 0 : i32
    %dma_start3A_99 = tpu.memref_slice %arg8[%dma_start3A_96, %dma_start3A_97, %dma_start3A_98] : memref<5x80x32xf32, #tpu.memory_space<vmem>> -> memref<1x80x32xf32, #tpu.memory_space<vmem>>
    %dma_start3A_100 = tpu.memref_squeeze %dma_start3A_99 : memref<1x80x32xf32, #tpu.memory_space<vmem>> -> memref<80x32xf32, #tpu.memory_space<vmem>>
    %dma_start3A_101 = arith.constant 0 : i32
    %dma_start3A_102 = tpu.memref_slice %arg6[%dma_start3A_95, %dma_start3A_101] : memref<250x80xi32, #tpu.memory_space<vmem>> -> memref<1x80xi32, #tpu.memory_space<vmem>>
    %dma_start3A_103 = tpu.memref_squeeze %dma_start3A_102 : memref<1x80xi32, #tpu.memory_space<vmem>> -> memref<80xi32, #tpu.memory_space<vmem>>
    %dma_start3A_104 = arith.constant 0 : i32
    %dma_start3A_105 = arith.constant 0 : i32
    %dma_start3A_106 = tpu.memref_slice %arg2[%arg0, %dma_start3A_104, %dma_start3A_105] : memref<2x10000x32xf32, #tpu.memory_space<hbm>> -> memref<1x10000x32xf32, #tpu.memory_space<hbm>>
    %dma_start3A_107 = tpu.memref_squeeze %dma_start3A_106 : memref<1x10000x32xf32, #tpu.memory_space<hbm>> -> memref<10000x32xf32, #tpu.memory_space<hbm>>
    %dma_start3A_108 = arith.constant 0 : i32
    %dma_start3A_109 = arith.constant 0 : i32
    %dma_start3A_110 = tpu.memref_slice %dma_start3A_107[%dma_start3A_108, %dma_start3A_109] : memref<10000x32xf32, #tpu.memory_space<hbm>> -> memref<10000x32xf32, #tpu.memory_space<hbm>>
    tpu.enqueue_indirect_dma source(%dma_start3A_110 : memref<10000x32xf32, #tpu.memory_space<hbm>>) target(%dma_start3A_100 : memref<80x32xf32, #tpu.memory_space<vmem>>) offsets(%dma_start3A_103 : memref<80xi32, #tpu.memory_space<vmem>>) semaphore(%arg11 : memref<!tpu.dma_semaphore, #tpu.memory_space<semaphore_mem>>)
    %dma_start3A_111 = arith.constant 2 : i32
    %dma_start3A_112 = arith.constant 2 : i32
    %dma_start3A_113 = arith.constant 0 : i32
    %dma_start3A_114 = tpu.memref_slice %arg7[%dma_start3A_112, %dma_start3A_113] : memref<5x80xi32, #tpu.memory_space<vmem>> -> memref<1x80xi32, #tpu.memory_space<vmem>>
    %dma_start3A_115 = tpu.memref_squeeze %dma_start3A_114 : memref<1x80xi32, #tpu.memory_space<vmem>> -> memref<80xi32, #tpu.memory_space<vmem>>
    %dma_start3A_116 = arith.constant 0 : i32
    %dma_start3A_117 = tpu.memref_slice %arg4[%arg1, %dma_start3A_111, %dma_start3A_116] : memref<16x250x80xi32, #tpu.memory_space<hbm>> -> memref<1x1x80xi32, #tpu.memory_space<hbm>>
    %dma_start3A_118 = tpu.memref_squeeze %dma_start3A_117 : memref<1x1x80xi32, #tpu.memory_space<hbm>> -> memref<80xi32, #tpu.memory_space<hbm>>
    %dma_start3A_119 = arith.constant 0 : i32
    %dma_start3A_120 = tpu.memref_slice %arg7[%dma_start3A_112, %dma_start3A_119] : memref<5x80xi32, #tpu.memory_space<vmem>> -> memref<1x80xi32, #tpu.memory_space<vmem>>
    %dma_start3A_121 = tpu.memref_squeeze %dma_start3A_120 : memref<1x80xi32, #tpu.memory_space<vmem>> -> memref<80xi32, #tpu.memory_space<vmem>>
    %dma_start3A_122 = arith.constant 0 : i32
    %dma_start3A_123 = tpu.memref_slice %arg4[%arg1, %dma_start3A_111, %dma_start3A_122] : memref<16x250x80xi32, #tpu.memory_space<hbm>> -> memref<1x1x80xi32, #tpu.memory_space<hbm>>
    %dma_start3A_124 = tpu.memref_squeeze %dma_start3A_123 : memref<1x1x80xi32, #tpu.memory_space<hbm>> -> memref<80xi32, #tpu.memory_space<hbm>>
    tpu.enqueue_dma source(%dma_start3A_124 : memref<80xi32, #tpu.memory_space<hbm>>) target(%dma_start3A_121 : memref<80xi32, #tpu.memory_space<vmem>>) target_semaphore(%arg17 : memref<!tpu.dma_semaphore, #tpu.memory_space<semaphore_mem>>)
    %dma_start3A_125 = arith.constant 2 : i32
    %dma_start3A_126 = arith.constant 2 : i32
    %dma_start3A_127 = arith.constant 0 : i32
    %dma_start3A_128 = arith.constant 0 : i32
    %dma_start3A_129 = tpu.memref_slice %arg8[%dma_start3A_126, %dma_start3A_127, %dma_start3A_128] : memref<5x80x32xf32, #tpu.memory_space<vmem>> -> memref<1x80x32xf32, #tpu.memory_space<vmem>>
    %dma_start3A_130 = tpu.memref_squeeze %dma_start3A_129 : memref<1x80x32xf32, #tpu.memory_space<vmem>> -> memref<80x32xf32, #tpu.memory_space<vmem>>
    %dma_start3A_131 = arith.constant 0 : i32
    %dma_start3A_132 = tpu.memref_slice %arg6[%dma_start3A_125, %dma_start3A_131] : memref<250x80xi32, #tpu.memory_space<vmem>> -> memref<1x80xi32, #tpu.memory_space<vmem>>
    %dma_start3A_133 = tpu.memref_squeeze %dma_start3A_132 : memref<1x80xi32, #tpu.memory_space<vmem>> -> memref<80xi32, #tpu.memory_space<vmem>>
    %dma_start3A_134 = arith.constant 0 : i32
    %dma_start3A_135 = arith.constant 0 : i32
    %dma_start3A_136 = tpu.memref_slice %arg2[%arg0, %dma_start3A_134, %dma_start3A_135] : memref<2x10000x32xf32, #tpu.memory_space<hbm>> -> memref<1x10000x32xf32, #tpu.memory_space<hbm>>
    %dma_start3A_137 = tpu.memref_squeeze %dma_start3A_136 : memref<1x10000x32xf32, #tpu.memory_space<hbm>> -> memref<10000x32xf32, #tpu.memory_space<hbm>>
    %dma_start3A_138 = arith.constant 0 : i32
    %dma_start3A_139 = arith.constant 0 : i32
    %dma_start3A_140 = tpu.memref_slice %dma_start3A_137[%dma_start3A_138, %dma_start3A_139] : memref<10000x32xf32, #tpu.memory_space<hbm>> -> memref<10000x32xf32, #tpu.memory_space<hbm>>
    tpu.enqueue_indirect_dma source(%dma_start3A_140 : memref<10000x32xf32, #tpu.memory_space<hbm>>) target(%dma_start3A_130 : memref<80x32xf32, #tpu.memory_space<vmem>>) offsets(%dma_start3A_133 : memref<80xi32, #tpu.memory_space<vmem>>) semaphore(%arg12 : memref<!tpu.dma_semaphore, #tpu.memory_space<semaphore_mem>>)
    %dma_start3A_141 = arith.constant 3 : i32
    %dma_start3A_142 = arith.constant 3 : i32
    %dma_start3A_143 = arith.constant 0 : i32
    %dma_start3A_144 = tpu.memref_slice %arg7[%dma_start3A_142, %dma_start3A_143] : memref<5x80xi32, #tpu.memory_space<vmem>> -> memref<1x80xi32, #tpu.memory_space<vmem>>
    %dma_start3A_145 = tpu.memref_squeeze %dma_start3A_144 : memref<1x80xi32, #tpu.memory_space<vmem>> -> memref<80xi32, #tpu.memory_space<vmem>>
    %dma_start3A_146 = arith.constant 0 : i32
    %dma_start3A_147 = tpu.memref_slice %arg4[%arg1, %dma_start3A_141, %dma_start3A_146] : memref<16x250x80xi32, #tpu.memory_space<hbm>> -> memref<1x1x80xi32, #tpu.memory_space<hbm>>
    %dma_start3A_148 = tpu.memref_squeeze %dma_start3A_147 : memref<1x1x80xi32, #tpu.memory_space<hbm>> -> memref<80xi32, #tpu.memory_space<hbm>>
    %dma_start3A_149 = arith.constant 0 : i32
    %dma_start3A_150 = tpu.memref_slice %arg7[%dma_start3A_142, %dma_start3A_149] : memref<5x80xi32, #tpu.memory_space<vmem>> -> memref<1x80xi32, #tpu.memory_space<vmem>>
    %dma_start3A_151 = tpu.memref_squeeze %dma_start3A_150 : memref<1x80xi32, #tpu.memory_space<vmem>> -> memref<80xi32, #tpu.memory_space<vmem>>
    %dma_start3A_152 = arith.constant 0 : i32
    %dma_start3A_153 = tpu.memref_slice %arg4[%arg1, %dma_start3A_141, %dma_start3A_152] : memref<16x250x80xi32, #tpu.memory_space<hbm>> -> memref<1x1x80xi32, #tpu.memory_space<hbm>>
    %dma_start3A_154 = tpu.memref_squeeze %dma_start3A_153 : memref<1x1x80xi32, #tpu.memory_space<hbm>> -> memref<80xi32, #tpu.memory_space<hbm>>
    tpu.enqueue_dma source(%dma_start3A_154 : memref<80xi32, #tpu.memory_space<hbm>>) target(%dma_start3A_151 : memref<80xi32, #tpu.memory_space<vmem>>) target_semaphore(%arg18 : memref<!tpu.dma_semaphore, #tpu.memory_space<semaphore_mem>>)
    %dma_start3A_155 = arith.constant 3 : i32
    %dma_start3A_156 = arith.constant 3 : i32
    %dma_start3A_157 = arith.constant 0 : i32
    %dma_start3A_158 = arith.constant 0 : i32
    %dma_start3A_159 = tpu.memref_slice %arg8[%dma_start3A_156, %dma_start3A_157, %dma_start3A_158] : memref<5x80x32xf32, #tpu.memory_space<vmem>> -> memref<1x80x32xf32, #tpu.memory_space<vmem>>
    %dma_start3A_160 = tpu.memref_squeeze %dma_start3A_159 : memref<1x80x32xf32, #tpu.memory_space<vmem>> -> memref<80x32xf32, #tpu.memory_space<vmem>>
    %dma_start3A_161 = arith.constant 0 : i32
    %dma_start3A_162 = tpu.memref_slice %arg6[%dma_start3A_155, %dma_start3A_161] : memref<250x80xi32, #tpu.memory_space<vmem>> -> memref<1x80xi32, #tpu.memory_space<vmem>>
    %dma_start3A_163 = tpu.memref_squeeze %dma_start3A_162 : memref<1x80xi32, #tpu.memory_space<vmem>> -> memref<80xi32, #tpu.memory_space<vmem>>
    %dma_start3A_164 = arith.constant 0 : i32
    %dma_start3A_165 = arith.constant 0 : i32
    %dma_start3A_166 = tpu.memref_slice %arg2[%arg0, %dma_start3A_164, %dma_start3A_165] : memref<2x10000x32xf32, #tpu.memory_space<hbm>> -> memref<1x10000x32xf32, #tpu.memory_space<hbm>>
    %dma_start3A_167 = tpu.memref_squeeze %dma_start3A_166 : memref<1x10000x32xf32, #tpu.memory_space<hbm>> -> memref<10000x32xf32, #tpu.memory_space<hbm>>
    %dma_start3A_168 = arith.constant 0 : i32
    %dma_start3A_169 = arith.constant 0 : i32
    %dma_start3A_170 = tpu.memref_slice %dma_start3A_167[%dma_start3A_168, %dma_start3A_169] : memref<10000x32xf32, #tpu.memory_space<hbm>> -> memref<10000x32xf32, #tpu.memory_space<hbm>>
    tpu.enqueue_indirect_dma source(%dma_start3A_170 : memref<10000x32xf32, #tpu.memory_space<hbm>>) target(%dma_start3A_160 : memref<80x32xf32, #tpu.memory_space<vmem>>) offsets(%dma_start3A_163 : memref<80xi32, #tpu.memory_space<vmem>>) semaphore(%arg13 : memref<!tpu.dma_semaphore, #tpu.memory_space<semaphore_mem>>)
    %dma_start3A_171 = arith.constant 4 : i32
    %dma_start3A_172 = arith.constant 4 : i32
    %dma_start3A_173 = arith.constant 0 : i32
    %dma_start3A_174 = tpu.memref_slice %arg7[%dma_start3A_172, %dma_start3A_173] : memref<5x80xi32, #tpu.memory_space<vmem>> -> memref<1x80xi32, #tpu.memory_space<vmem>>
    %dma_start3A_175 = tpu.memref_squeeze %dma_start3A_174 : memref<1x80xi32, #tpu.memory_space<vmem>> -> memref<80xi32, #tpu.memory_space<vmem>>
    %dma_start3A_176 = arith.constant 0 : i32
    %dma_start3A_177 = tpu.memref_slice %arg4[%arg1, %dma_start3A_171, %dma_start3A_176] : memref<16x250x80xi32, #tpu.memory_space<hbm>> -> memref<1x1x80xi32, #tpu.memory_space<hbm>>
    %dma_start3A_178 = tpu.memref_squeeze %dma_start3A_177 : memref<1x1x80xi32, #tpu.memory_space<hbm>> -> memref<80xi32, #tpu.memory_space<hbm>>
    %dma_start3A_179 = arith.constant 0 : i32
    %dma_start3A_180 = tpu.memref_slice %arg7[%dma_start3A_172, %dma_start3A_179] : memref<5x80xi32, #tpu.memory_space<vmem>> -> memref<1x80xi32, #tpu.memory_space<vmem>>
    %dma_start3A_181 = tpu.memref_squeeze %dma_start3A_180 : memref<1x80xi32, #tpu.memory_space<vmem>> -> memref<80xi32, #tpu.memory_space<vmem>>
    %dma_start3A_182 = arith.constant 0 : i32
    %dma_start3A_183 = tpu.memref_slice %arg4[%arg1, %dma_start3A_171, %dma_start3A_182] : memref<16x250x80xi32, #tpu.memory_space<hbm>> -> memref<1x1x80xi32, #tpu.memory_space<hbm>>
    %dma_start3A_184 = tpu.memref_squeeze %dma_start3A_183 : memref<1x1x80xi32, #tpu.memory_space<hbm>> -> memref<80xi32, #tpu.memory_space<hbm>>
    tpu.enqueue_dma source(%dma_start3A_184 : memref<80xi32, #tpu.memory_space<hbm>>) target(%dma_start3A_181 : memref<80xi32, #tpu.memory_space<vmem>>) target_semaphore(%arg19 : memref<!tpu.dma_semaphore, #tpu.memory_space<semaphore_mem>>)
    %dma_start3A_185 = arith.constant 4 : i32
    %dma_start3A_186 = arith.constant 4 : i32
    %dma_start3A_187 = arith.constant 0 : i32
    %dma_start3A_188 = arith.constant 0 : i32
    %dma_start3A_189 = tpu.memref_slice %arg8[%dma_start3A_186, %dma_start3A_187, %dma_start3A_188] : memref<5x80x32xf32, #tpu.memory_space<vmem>> -> memref<1x80x32xf32, #tpu.memory_space<vmem>>
    %dma_start3A_190 = tpu.memref_squeeze %dma_start3A_189 : memref<1x80x32xf32, #tpu.memory_space<vmem>> -> memref<80x32xf32, #tpu.memory_space<vmem>>
    %dma_start3A_191 = arith.constant 0 : i32
    %dma_start3A_192 = tpu.memref_slice %arg6[%dma_start3A_185, %dma_start3A_191] : memref<250x80xi32, #tpu.memory_space<vmem>> -> memref<1x80xi32, #tpu.memory_space<vmem>>
    %dma_start3A_193 = tpu.memref_squeeze %dma_start3A_192 : memref<1x80xi32, #tpu.memory_space<vmem>> -> memref<80xi32, #tpu.memory_space<vmem>>
    %dma_start3A_194 = arith.constant 0 : i32
    %dma_start3A_195 = arith.constant 0 : i32
    %dma_start3A_196 = tpu.memref_slice %arg2[%arg0, %dma_start3A_194, %dma_start3A_195] : memref<2x10000x32xf32, #tpu.memory_space<hbm>> -> memref<1x10000x32xf32, #tpu.memory_space<hbm>>
    %dma_start3A_197 = tpu.memref_squeeze %dma_start3A_196 : memref<1x10000x32xf32, #tpu.memory_space<hbm>> -> memref<10000x32xf32, #tpu.memory_space<hbm>>
    %dma_start3A_198 = arith.constant 0 : i32
    %dma_start3A_199 = arith.constant 0 : i32
    %dma_start3A_200 = tpu.memref_slice %dma_start3A_197[%dma_start3A_198, %dma_start3A_199] : memref<10000x32xf32, #tpu.memory_space<hbm>> -> memref<10000x32xf32, #tpu.memory_space<hbm>>
    tpu.enqueue_indirect_dma source(%dma_start3A_200 : memref<10000x32xf32, #tpu.memory_space<hbm>>) target(%dma_start3A_190 : memref<80x32xf32, #tpu.memory_space<vmem>>) offsets(%dma_start3A_193 : memref<80xi32, #tpu.memory_space<vmem>>) semaphore(%arg14 : memref<!tpu.dma_semaphore, #tpu.memory_space<semaphore_mem>>)
    %scan3A_201 = arith.constant 0 : i32
    %scan3A_202 = arith.constant 49 : i32
    %scan3A_203 = arith.addi %scan3A_201, %scan3A_202 : i32
    %scan3A_204 = arith.constant 1 : i32
    scf.for %scan3A_402 = %scan3A_201 to %scan3A_203 step %scan3A_204  : i32 {
      %mul3A = arith.constant 5 : i32
      %mul3A_403 = arith.muli %scan3A_402, %mul3A : i32
      %add3A_404 = arith.constant 0 : i32
      %add3A_405 = arith.addi %add3A_404, %mul3A_403 : i32
      %add3A_406 = arith.constant 0 : i32
      %add3A_407 = arith.addi %add3A_405, %add3A_406 : i32
      %dma_wait3A_408 = arith.constant 0 : i32
      %dma_wait3A_409 = arith.constant 0 : i32
      %dma_wait3A_410 = arith.constant 0 : i32
      %dma_wait3A_411 = tpu.memref_slice %arg8[%dma_wait3A_408, %dma_wait3A_409, %dma_wait3A_410] : memref<5x80x32xf32, #tpu.memory_space<vmem>> -> memref<1x80x32xf32, #tpu.memory_space<vmem>>
      %dma_wait3A_412 = tpu.memref_squeeze %dma_wait3A_411 : memref<1x80x32xf32, #tpu.memory_space<vmem>> -> memref<80x32xf32, #tpu.memory_space<vmem>>
      %dma_wait3A_413 = arith.constant 0 : i32
      %dma_wait3A_414 = tpu.memref_slice %arg6[%add3A_407, %dma_wait3A_413] : memref<250x80xi32, #tpu.memory_space<vmem>> -> memref<1x80xi32, #tpu.memory_space<vmem>>
      %dma_wait3A_415 = tpu.memref_squeeze %dma_wait3A_414 : memref<1x80xi32, #tpu.memory_space<vmem>> -> memref<80xi32, #tpu.memory_space<vmem>>
      %dma_wait3A_416 = arith.constant 0 : i32
      %dma_wait3A_417 = arith.constant 0 : i32
      %dma_wait3A_418 = tpu.memref_slice %arg2[%arg0, %dma_wait3A_416, %dma_wait3A_417] : memref<2x10000x32xf32, #tpu.memory_space<hbm>> -> memref<1x10000x32xf32, #tpu.memory_space<hbm>>
      %dma_wait3A_419 = tpu.memref_squeeze %dma_wait3A_418 : memref<1x10000x32xf32, #tpu.memory_space<hbm>> -> memref<10000x32xf32, #tpu.memory_space<hbm>>
      %dma_wait3A_420 = arith.constant 0 : i32
      %dma_wait3A_421 = arith.constant 0 : i32
      %dma_wait3A_422 = tpu.memref_slice %dma_wait3A_419[%dma_wait3A_420, %dma_wait3A_421] : memref<10000x32xf32, #tpu.memory_space<hbm>> -> memref<10000x32xf32, #tpu.memory_space<hbm>>
      tpu.wait_indirect_dma semaphore(%arg10 : memref<!tpu.dma_semaphore, #tpu.memory_space<semaphore_mem>>) src(%dma_wait3A_422 : memref<10000x32xf32, #tpu.memory_space<hbm>>) dst(%dma_wait3A_412 : memref<80x32xf32, #tpu.memory_space<vmem>>)
      %dma_wait3A_423 = arith.constant 0 : i32
      %dma_wait3A_424 = arith.constant 0 : i32
      %dma_wait3A_425 = tpu.memref_slice %arg7[%dma_wait3A_423, %dma_wait3A_424] : memref<5x80xi32, #tpu.memory_space<vmem>> -> memref<1x80xi32, #tpu.memory_space<vmem>>
      %dma_wait3A_426 = tpu.memref_squeeze %dma_wait3A_425 : memref<1x80xi32, #tpu.memory_space<vmem>> -> memref<80xi32, #tpu.memory_space<vmem>>
      %dma_wait3A_427 = arith.constant 0 : i32
      %dma_wait3A_428 = tpu.memref_slice %arg4[%arg1, %add3A_407, %dma_wait3A_427] : memref<16x250x80xi32, #tpu.memory_space<hbm>> -> memref<1x1x80xi32, #tpu.memory_space<hbm>>
      %dma_wait3A_429 = tpu.memref_squeeze %dma_wait3A_428 : memref<1x1x80xi32, #tpu.memory_space<hbm>> -> memref<80xi32, #tpu.memory_space<hbm>>
      %dma_wait3A_430 = arith.constant 0 : i32
      %dma_wait3A_431 = tpu.memref_slice %arg7[%dma_wait3A_423, %dma_wait3A_430] : memref<5x80xi32, #tpu.memory_space<vmem>> -> memref<1x80xi32, #tpu.memory_space<vmem>>
      %dma_wait3A_432 = tpu.memref_squeeze %dma_wait3A_431 : memref<1x80xi32, #tpu.memory_space<vmem>> -> memref<80xi32, #tpu.memory_space<vmem>>
      %dma_wait3A_433 = arith.constant 0 : i32
      %dma_wait3A_434 = tpu.memref_slice %arg4[%arg1, %add3A_407, %dma_wait3A_433] : memref<16x250x80xi32, #tpu.memory_space<hbm>> -> memref<1x1x80xi32, #tpu.memory_space<hbm>>
      %dma_wait3A_435 = tpu.memref_squeeze %dma_wait3A_434 : memref<1x1x80xi32, #tpu.memory_space<hbm>> -> memref<80xi32, #tpu.memory_space<hbm>>
      tpu.wait_dma2 semaphore(%arg15 : memref<!tpu.dma_semaphore, #tpu.memory_space<semaphore_mem>>) src(%dma_wait3A_435 : memref<80xi32, #tpu.memory_space<hbm>>) dst(%dma_wait3A_432 : memref<80xi32, #tpu.memory_space<vmem>>)
      %run_scoped3A_436 = arith.constant 0 : i32
      %run_scoped3A_437 = arith.constant 0 : i32
      "tpu.region"() ({
        %run_scoped3A_726 = tpu.sem_alloc : memref<!tpu.dma_semaphore, #tpu.memory_space<semaphore_mem>>
        %dma_start3A_727 = arith.constant 0 : i32
        %dma_start3A_728 = arith.constant 0 : i32
        %dma_start3A_729 = tpu.memref_slice %arg8[%run_scoped3A_436, %dma_start3A_727, %dma_start3A_728] : memref<5x80x32xf32, #tpu.memory_space<vmem>> -> memref<1x80x32xf32, #tpu.memory_space<vmem>>
        %dma_start3A_730 = tpu.memref_squeeze %dma_start3A_729 : memref<1x80x32xf32, #tpu.memory_space<vmem>> -> memref<80x32xf32, #tpu.memory_space<vmem>>
        %dma_start3A_731 = arith.constant 0 : i32
        %dma_start3A_732 = tpu.memref_slice %arg7[%run_scoped3A_437, %dma_start3A_731] : memref<5x80xi32, #tpu.memory_space<vmem>> -> memref<1x80xi32, #tpu.memory_space<vmem>>
        %dma_start3A_733 = tpu.memref_squeeze %dma_start3A_732 : memref<1x80xi32, #tpu.memory_space<vmem>> -> memref<80xi32, #tpu.memory_space<vmem>>
        %dma_start3A_734 = arith.constant 0 : i32
        %dma_start3A_735 = arith.constant 0 : i32
        %dma_start3A_736 = tpu.memref_slice %arg9[%dma_start3A_734, %dma_start3A_735] : memref<10000x32xf32, #tpu.memory_space<vmem_shared>> -> memref<10000x32xf32, #tpu.memory_space<vmem_shared>>
        tpu.enqueue_indirect_dma source(%dma_start3A_730 : memref<80x32xf32, #tpu.memory_space<vmem>>) target(%dma_start3A_736 : memref<10000x32xf32, #tpu.memory_space<vmem_shared>>) offsets(%dma_start3A_733 : memref<80xi32, #tpu.memory_space<vmem>>) semaphore(%run_scoped3A_726 : memref<!tpu.dma_semaphore, #tpu.memory_space<semaphore_mem>>) {add = true}
        %dma_wait3A_737 = arith.constant 0 : i32
        %dma_wait3A_738 = arith.constant 0 : i32
        %dma_wait3A_739 = tpu.memref_slice %arg8[%run_scoped3A_436, %dma_wait3A_737, %dma_wait3A_738] : memref<5x80x32xf32, #tpu.memory_space<vmem>> -> memref<1x80x32xf32, #tpu.memory_space<vmem>>
        %dma_wait3A_740 = tpu.memref_squeeze %dma_wait3A_739 : memref<1x80x32xf32, #tpu.memory_space<vmem>> -> memref<80x32xf32, #tpu.memory_space<vmem>>
        %dma_wait3A_741 = arith.constant 0 : i32
        %dma_wait3A_742 = tpu.memref_slice %arg7[%run_scoped3A_437, %dma_wait3A_741] : memref<5x80xi32, #tpu.memory_space<vmem>> -> memref<1x80xi32, #tpu.memory_space<vmem>>
        %dma_wait3A_743 = tpu.memref_squeeze %dma_wait3A_742 : memref<1x80xi32, #tpu.memory_space<vmem>> -> memref<80xi32, #tpu.memory_space<vmem>>
        %dma_wait3A_744 = arith.constant 0 : i32
        %dma_wait3A_745 = arith.constant 0 : i32
        %dma_wait3A_746 = tpu.memref_slice %arg9[%dma_wait3A_744, %dma_wait3A_745] : memref<10000x32xf32, #tpu.memory_space<vmem_shared>> -> memref<10000x32xf32, #tpu.memory_space<vmem_shared>>
        tpu.wait_indirect_dma semaphore(%run_scoped3A_726 : memref<!tpu.dma_semaphore, #tpu.memory_space<semaphore_mem>>) src(%dma_wait3A_740 : memref<80x32xf32, #tpu.memory_space<vmem>>) dst(%dma_wait3A_746 : memref<10000x32xf32, #tpu.memory_space<vmem_shared>>)
        tpu.yield
      }) : () -> ()
      %add3A_438 = arith.constant 5 : i32
      %add3A_439 = arith.addi %add3A_407, %add3A_438 : i32
      %dma_start3A_440 = arith.constant 0 : i32
      %dma_start3A_441 = arith.constant 0 : i32
      %dma_start3A_442 = tpu.memref_slice %arg7[%dma_start3A_440, %dma_start3A_441] : memref<5x80xi32, #tpu.memory_space<vmem>> -> memref<1x80xi32, #tpu.memory_space<vmem>>
      %dma_start3A_443 = tpu.memref_squeeze %dma_start3A_442 : memref<1x80xi32, #tpu.memory_space<vmem>> -> memref<80xi32, #tpu.memory_space<vmem>>
      %dma_start3A_444 = arith.constant 0 : i32
      %dma_start3A_445 = tpu.memref_slice %arg4[%arg1, %add3A_439, %dma_start3A_444] : memref<16x250x80xi32, #tpu.memory_space<hbm>> -> memref<1x1x80xi32, #tpu.memory_space<hbm>>
      %dma_start3A_446 = tpu.memref_squeeze %dma_start3A_445 : memref<1x1x80xi32, #tpu.memory_space<hbm>> -> memref<80xi32, #tpu.memory_space<hbm>>
      %dma_start3A_447 = arith.constant 0 : i32
      %dma_start3A_448 = tpu.memref_slice %arg7[%dma_start3A_440, %dma_start3A_447] : memref<5x80xi32, #tpu.memory_space<vmem>> -> memref<1x80xi32, #tpu.memory_space<vmem>>
      %dma_start3A_449 = tpu.memref_squeeze %dma_start3A_448 : memref<1x80xi32, #tpu.memory_space<vmem>> -> memref<80xi32, #tpu.memory_space<vmem>>
      %dma_start3A_450 = arith.constant 0 : i32
      %dma_start3A_451 = tpu.memref_slice %arg4[%arg1, %add3A_439, %dma_start3A_450] : memref<16x250x80xi32, #tpu.memory_space<hbm>> -> memref<1x1x80xi32, #tpu.memory_space<hbm>>
      %dma_start3A_452 = tpu.memref_squeeze %dma_start3A_451 : memref<1x1x80xi32, #tpu.memory_space<hbm>> -> memref<80xi32, #tpu.memory_space<hbm>>
      tpu.enqueue_dma source(%dma_start3A_452 : memref<80xi32, #tpu.memory_space<hbm>>) target(%dma_start3A_449 : memref<80xi32, #tpu.memory_space<vmem>>) target_semaphore(%arg15 : memref<!tpu.dma_semaphore, #tpu.memory_space<semaphore_mem>>)
      %add3A_453 = arith.constant 5 : i32
      %add3A_454 = arith.addi %add3A_407, %add3A_453 : i32
      %dma_start3A_455 = arith.constant 0 : i32
      %dma_start3A_456 = arith.constant 0 : i32
      %dma_start3A_457 = arith.constant 0 : i32
      %dma_start3A_458 = tpu.memref_slice %arg8[%dma_start3A_455, %dma_start3A_456, %dma_start3A_457] : memref<5x80x32xf32, #tpu.memory_space<vmem>> -> memref<1x80x32xf32, #tpu.memory_space<vmem>>
      %dma_start3A_459 = tpu.memref_squeeze %dma_start3A_458 : memref<1x80x32xf32, #tpu.memory_space<vmem>> -> memref<80x32xf32, #tpu.memory_space<vmem>>
      %dma_start3A_460 = arith.constant 0 : i32
      %dma_start3A_461 = tpu.memref_slice %arg6[%add3A_454, %dma_start3A_460] : memref<250x80xi32, #tpu.memory_space<vmem>> -> memref<1x80xi32, #tpu.memory_space<vmem>>
      %dma_start3A_462 = tpu.memref_squeeze %dma_start3A_461 : memref<1x80xi32, #tpu.memory_space<vmem>> -> memref<80xi32, #tpu.memory_space<vmem>>
      %dma_start3A_463 = arith.constant 0 : i32
      %dma_start3A_464 = arith.constant 0 : i32
      %dma_start3A_465 = tpu.memref_slice %arg2[%arg0, %dma_start3A_463, %dma_start3A_464] : memref<2x10000x32xf32, #tpu.memory_space<hbm>> -> memref<1x10000x32xf32, #tpu.memory_space<hbm>>
      %dma_start3A_466 = tpu.memref_squeeze %dma_start3A_465 : memref<1x10000x32xf32, #tpu.memory_space<hbm>> -> memref<10000x32xf32, #tpu.memory_space<hbm>>
      %dma_start3A_467 = arith.constant 0 : i32
      %dma_start3A_468 = arith.constant 0 : i32
      %dma_start3A_469 = tpu.memref_slice %dma_start3A_466[%dma_start3A_467, %dma_start3A_468] : memref<10000x32xf32, #tpu.memory_space<hbm>> -> memref<10000x32xf32, #tpu.memory_space<hbm>>
      tpu.enqueue_indirect_dma source(%dma_start3A_469 : memref<10000x32xf32, #tpu.memory_space<hbm>>) target(%dma_start3A_459 : memref<80x32xf32, #tpu.memory_space<vmem>>) offsets(%dma_start3A_462 : memref<80xi32, #tpu.memory_space<vmem>>) semaphore(%arg10 : memref<!tpu.dma_semaphore, #tpu.memory_space<semaphore_mem>>)
      %add3A_470 = arith.constant 1 : i32
      %add3A_471 = arith.addi %add3A_405, %add3A_470 : i32
      %dma_wait3A_472 = arith.constant 1 : i32
      %dma_wait3A_473 = arith.constant 0 : i32
      %dma_wait3A_474 = arith.constant 0 : i32
      %dma_wait3A_475 = tpu.memref_slice %arg8[%dma_wait3A_472, %dma_wait3A_473, %dma_wait3A_474] : memref<5x80x32xf32, #tpu.memory_space<vmem>> -> memref<1x80x32xf32, #tpu.memory_space<vmem>>
      %dma_wait3A_476 = tpu.memref_squeeze %dma_wait3A_475 : memref<1x80x32xf32, #tpu.memory_space<vmem>> -> memref<80x32xf32, #tpu.memory_space<vmem>>
      %dma_wait3A_477 = arith.constant 0 : i32
      %dma_wait3A_478 = tpu.memref_slice %arg6[%add3A_471, %dma_wait3A_477] : memref<250x80xi32, #tpu.memory_space<vmem>> -> memref<1x80xi32, #tpu.memory_space<vmem>>
      %dma_wait3A_479 = tpu.memref_squeeze %dma_wait3A_478 : memref<1x80xi32, #tpu.memory_space<vmem>> -> memref<80xi32, #tpu.memory_space<vmem>>
      %dma_wait3A_480 = arith.constant 0 : i32
      %dma_wait3A_481 = arith.constant 0 : i32
      %dma_wait3A_482 = tpu.memref_slice %arg2[%arg0, %dma_wait3A_480, %dma_wait3A_481] : memref<2x10000x32xf32, #tpu.memory_space<hbm>> -> memref<1x10000x32xf32, #tpu.memory_space<hbm>>
      %dma_wait3A_483 = tpu.memref_squeeze %dma_wait3A_482 : memref<1x10000x32xf32, #tpu.memory_space<hbm>> -> memref<10000x32xf32, #tpu.memory_space<hbm>>
      %dma_wait3A_484 = arith.constant 0 : i32
      %dma_wait3A_485 = arith.constant 0 : i32
      %dma_wait3A_486 = tpu.memref_slice %dma_wait3A_483[%dma_wait3A_484, %dma_wait3A_485] : memref<10000x32xf32, #tpu.memory_space<hbm>> -> memref<10000x32xf32, #tpu.memory_space<hbm>>
      tpu.wait_indirect_dma semaphore(%arg11 : memref<!tpu.dma_semaphore, #tpu.memory_space<semaphore_mem>>) src(%dma_wait3A_486 : memref<10000x32xf32, #tpu.memory_space<hbm>>) dst(%dma_wait3A_476 : memref<80x32xf32, #tpu.memory_space<vmem>>)
      %dma_wait3A_487 = arith.constant 1 : i32
      %dma_wait3A_488 = arith.constant 0 : i32
      %dma_wait3A_489 = tpu.memref_slice %arg7[%dma_wait3A_487, %dma_wait3A_488] : memref<5x80xi32, #tpu.memory_space<vmem>> -> memref<1x80xi32, #tpu.memory_space<vmem>>
      %dma_wait3A_490 = tpu.memref_squeeze %dma_wait3A_489 : memref<1x80xi32, #tpu.memory_space<vmem>> -> memref<80xi32, #tpu.memory_space<vmem>>
      %dma_wait3A_491 = arith.constant 0 : i32
      %dma_wait3A_492 = tpu.memref_slice %arg4[%arg1, %add3A_471, %dma_wait3A_491] : memref<16x250x80xi32, #tpu.memory_space<hbm>> -> memref<1x1x80xi32, #tpu.memory_space<hbm>>
      %dma_wait3A_493 = tpu.memref_squeeze %dma_wait3A_492 : memref<1x1x80xi32, #tpu.memory_space<hbm>> -> memref<80xi32, #tpu.memory_space<hbm>>
      %dma_wait3A_494 = arith.constant 0 : i32
      %dma_wait3A_495 = tpu.memref_slice %arg7[%dma_wait3A_487, %dma_wait3A_494] : memref<5x80xi32, #tpu.memory_space<vmem>> -> memref<1x80xi32, #tpu.memory_space<vmem>>
      %dma_wait3A_496 = tpu.memref_squeeze %dma_wait3A_495 : memref<1x80xi32, #tpu.memory_space<vmem>> -> memref<80xi32, #tpu.memory_space<vmem>>
      %dma_wait3A_497 = arith.constant 0 : i32
      %dma_wait3A_498 = tpu.memref_slice %arg4[%arg1, %add3A_471, %dma_wait3A_497] : memref<16x250x80xi32, #tpu.memory_space<hbm>> -> memref<1x1x80xi32, #tpu.memory_space<hbm>>
      %dma_wait3A_499 = tpu.memref_squeeze %dma_wait3A_498 : memref<1x1x80xi32, #tpu.memory_space<hbm>> -> memref<80xi32, #tpu.memory_space<hbm>>
      tpu.wait_dma2 semaphore(%arg16 : memref<!tpu.dma_semaphore, #tpu.memory_space<semaphore_mem>>) src(%dma_wait3A_499 : memref<80xi32, #tpu.memory_space<hbm>>) dst(%dma_wait3A_496 : memref<80xi32, #tpu.memory_space<vmem>>)
      %run_scoped3A_500 = arith.constant 1 : i32
      %run_scoped3A_501 = arith.constant 1 : i32
      "tpu.region"() ({
        %run_scoped3A_726 = tpu.sem_alloc : memref<!tpu.dma_semaphore, #tpu.memory_space<semaphore_mem>>
        %dma_start3A_727 = arith.constant 0 : i32
        %dma_start3A_728 = arith.constant 0 : i32
        %dma_start3A_729 = tpu.memref_slice %arg8[%run_scoped3A_500, %dma_start3A_727, %dma_start3A_728] : memref<5x80x32xf32, #tpu.memory_space<vmem>> -> memref<1x80x32xf32, #tpu.memory_space<vmem>>
        %dma_start3A_730 = tpu.memref_squeeze %dma_start3A_729 : memref<1x80x32xf32, #tpu.memory_space<vmem>> -> memref<80x32xf32, #tpu.memory_space<vmem>>
        %dma_start3A_731 = arith.constant 0 : i32
        %dma_start3A_732 = tpu.memref_slice %arg7[%run_scoped3A_501, %dma_start3A_731] : memref<5x80xi32, #tpu.memory_space<vmem>> -> memref<1x80xi32, #tpu.memory_space<vmem>>
        %dma_start3A_733 = tpu.memref_squeeze %dma_start3A_732 : memref<1x80xi32, #tpu.memory_space<vmem>> -> memref<80xi32, #tpu.memory_space<vmem>>
        %dma_start3A_734 = arith.constant 0 : i32
        %dma_start3A_735 = arith.constant 0 : i32
        %dma_start3A_736 = tpu.memref_slice %arg9[%dma_start3A_734, %dma_start3A_735] : memref<10000x32xf32, #tpu.memory_space<vmem_shared>> -> memref<10000x32xf32, #tpu.memory_space<vmem_shared>>
        tpu.enqueue_indirect_dma source(%dma_start3A_730 : memref<80x32xf32, #tpu.memory_space<vmem>>) target(%dma_start3A_736 : memref<10000x32xf32, #tpu.memory_space<vmem_shared>>) offsets(%dma_start3A_733 : memref<80xi32, #tpu.memory_space<vmem>>) semaphore(%run_scoped3A_726 : memref<!tpu.dma_semaphore, #tpu.memory_space<semaphore_mem>>) {add = true}
        %dma_wait3A_737 = arith.constant 0 : i32
        %dma_wait3A_738 = arith.constant 0 : i32
        %dma_wait3A_739 = tpu.memref_slice %arg8[%run_scoped3A_500, %dma_wait3A_737, %dma_wait3A_738] : memref<5x80x32xf32, #tpu.memory_space<vmem>> -> memref<1x80x32xf32, #tpu.memory_space<vmem>>
        %dma_wait3A_740 = tpu.memref_squeeze %dma_wait3A_739 : memref<1x80x32xf32, #tpu.memory_space<vmem>> -> memref<80x32xf32, #tpu.memory_space<vmem>>
        %dma_wait3A_741 = arith.constant 0 : i32
        %dma_wait3A_742 = tpu.memref_slice %arg7[%run_scoped3A_501, %dma_wait3A_741] : memref<5x80xi32, #tpu.memory_space<vmem>> -> memref<1x80xi32, #tpu.memory_space<vmem>>
        %dma_wait3A_743 = tpu.memref_squeeze %dma_wait3A_742 : memref<1x80xi32, #tpu.memory_space<vmem>> -> memref<80xi32, #tpu.memory_space<vmem>>
        %dma_wait3A_744 = arith.constant 0 : i32
        %dma_wait3A_745 = arith.constant 0 : i32
        %dma_wait3A_746 = tpu.memref_slice %arg9[%dma_wait3A_744, %dma_wait3A_745] : memref<10000x32xf32, #tpu.memory_space<vmem_shared>> -> memref<10000x32xf32, #tpu.memory_space<vmem_shared>>
        tpu.wait_indirect_dma semaphore(%run_scoped3A_726 : memref<!tpu.dma_semaphore, #tpu.memory_space<semaphore_mem>>) src(%dma_wait3A_740 : memref<80x32xf32, #tpu.memory_space<vmem>>) dst(%dma_wait3A_746 : memref<10000x32xf32, #tpu.memory_space<vmem_shared>>)
        tpu.yield
      }) : () -> ()
      %add3A_502 = arith.constant 5 : i32
      %add3A_503 = arith.addi %add3A_471, %add3A_502 : i32
      %dma_start3A_504 = arith.constant 1 : i32
      %dma_start3A_505 = arith.constant 0 : i32
      %dma_start3A_506 = tpu.memref_slice %arg7[%dma_start3A_504, %dma_start3A_505] : memref<5x80xi32, #tpu.memory_space<vmem>> -> memref<1x80xi32, #tpu.memory_space<vmem>>
      %dma_start3A_507 = tpu.memref_squeeze %dma_start3A_506 : memref<1x80xi32, #tpu.memory_space<vmem>> -> memref<80xi32, #tpu.memory_space<vmem>>
      %dma_start3A_508 = arith.constant 0 : i32
      %dma_start3A_509 = tpu.memref_slice %arg4[%arg1, %add3A_503, %dma_start3A_508] : memref<16x250x80xi32, #tpu.memory_space<hbm>> -> memref<1x1x80xi32, #tpu.memory_space<hbm>>
      %dma_start3A_510 = tpu.memref_squeeze %dma_start3A_509 : memref<1x1x80xi32, #tpu.memory_space<hbm>> -> memref<80xi32, #tpu.memory_space<hbm>>
      %dma_start3A_511 = arith.constant 0 : i32
      %dma_start3A_512 = tpu.memref_slice %arg7[%dma_start3A_504, %dma_start3A_511] : memref<5x80xi32, #tpu.memory_space<vmem>> -> memref<1x80xi32, #tpu.memory_space<vmem>>
      %dma_start3A_513 = tpu.memref_squeeze %dma_start3A_512 : memref<1x80xi32, #tpu.memory_space<vmem>> -> memref<80xi32, #tpu.memory_space<vmem>>
      %dma_start3A_514 = arith.constant 0 : i32
      %dma_start3A_515 = tpu.memref_slice %arg4[%arg1, %add3A_503, %dma_start3A_514] : memref<16x250x80xi32, #tpu.memory_space<hbm>> -> memref<1x1x80xi32, #tpu.memory_space<hbm>>
      %dma_start3A_516 = tpu.memref_squeeze %dma_start3A_515 : memref<1x1x80xi32, #tpu.memory_space<hbm>> -> memref<80xi32, #tpu.memory_space<hbm>>
      tpu.enqueue_dma source(%dma_start3A_516 : memref<80xi32, #tpu.memory_space<hbm>>) target(%dma_start3A_513 : memref<80xi32, #tpu.memory_space<vmem>>) target_semaphore(%arg16 : memref<!tpu.dma_semaphore, #tpu.memory_space<semaphore_mem>>)
      %add3A_517 = arith.constant 5 : i32
      %add3A_518 = arith.addi %add3A_471, %add3A_517 : i32
      %dma_start3A_519 = arith.constant 1 : i32
      %dma_start3A_520 = arith.constant 0 : i32
      %dma_start3A_521 = arith.constant 0 : i32
      %dma_start3A_522 = tpu.memref_slice %arg8[%dma_start3A_519, %dma_start3A_520, %dma_start3A_521] : memref<5x80x32xf32, #tpu.memory_space<vmem>> -> memref<1x80x32xf32, #tpu.memory_space<vmem>>
      %dma_start3A_523 = tpu.memref_squeeze %dma_start3A_522 : memref<1x80x32xf32, #tpu.memory_space<vmem>> -> memref<80x32xf32, #tpu.memory_space<vmem>>
      %dma_start3A_524 = arith.constant 0 : i32
      %dma_start3A_525 = tpu.memref_slice %arg6[%add3A_518, %dma_start3A_524] : memref<250x80xi32, #tpu.memory_space<vmem>> -> memref<1x80xi32, #tpu.memory_space<vmem>>
      %dma_start3A_526 = tpu.memref_squeeze %dma_start3A_525 : memref<1x80xi32, #tpu.memory_space<vmem>> -> memref<80xi32, #tpu.memory_space<vmem>>
      %dma_start3A_527 = arith.constant 0 : i32
      %dma_start3A_528 = arith.constant 0 : i32
      %dma_start3A_529 = tpu.memref_slice %arg2[%arg0, %dma_start3A_527, %dma_start3A_528] : memref<2x10000x32xf32, #tpu.memory_space<hbm>> -> memref<1x10000x32xf32, #tpu.memory_space<hbm>>
      %dma_start3A_530 = tpu.memref_squeeze %dma_start3A_529 : memref<1x10000x32xf32, #tpu.memory_space<hbm>> -> memref<10000x32xf32, #tpu.memory_space<hbm>>
      %dma_start3A_531 = arith.constant 0 : i32
      %dma_start3A_532 = arith.constant 0 : i32
      %dma_start3A_533 = tpu.memref_slice %dma_start3A_530[%dma_start3A_531, %dma_start3A_532] : memref<10000x32xf32, #tpu.memory_space<hbm>> -> memref<10000x32xf32, #tpu.memory_space<hbm>>
      tpu.enqueue_indirect_dma source(%dma_start3A_533 : memref<10000x32xf32, #tpu.memory_space<hbm>>) target(%dma_start3A_523 : memref<80x32xf32, #tpu.memory_space<vmem>>) offsets(%dma_start3A_526 : memref<80xi32, #tpu.memory_space<vmem>>) semaphore(%arg11 : memref<!tpu.dma_semaphore, #tpu.memory_space<semaphore_mem>>)
      %add3A_534 = arith.constant 2 : i32
      %add3A_535 = arith.addi %add3A_405, %add3A_534 : i32
      %dma_wait3A_536 = arith.constant 2 : i32
      %dma_wait3A_537 = arith.constant 0 : i32
      %dma_wait3A_538 = arith.constant 0 : i32
      %dma_wait3A_539 = tpu.memref_slice %arg8[%dma_wait3A_536, %dma_wait3A_537, %dma_wait3A_538] : memref<5x80x32xf32, #tpu.memory_space<vmem>> -> memref<1x80x32xf32, #tpu.memory_space<vmem>>
      %dma_wait3A_540 = tpu.memref_squeeze %dma_wait3A_539 : memref<1x80x32xf32, #tpu.memory_space<vmem>> -> memref<80x32xf32, #tpu.memory_space<vmem>>
      %dma_wait3A_541 = arith.constant 0 : i32
      %dma_wait3A_542 = tpu.memref_slice %arg6[%add3A_535, %dma_wait3A_541] : memref<250x80xi32, #tpu.memory_space<vmem>> -> memref<1x80xi32, #tpu.memory_space<vmem>>
      %dma_wait3A_543 = tpu.memref_squeeze %dma_wait3A_542 : memref<1x80xi32, #tpu.memory_space<vmem>> -> memref<80xi32, #tpu.memory_space<vmem>>
      %dma_wait3A_544 = arith.constant 0 : i32
      %dma_wait3A_545 = arith.constant 0 : i32
      %dma_wait3A_546 = tpu.memref_slice %arg2[%arg0, %dma_wait3A_544, %dma_wait3A_545] : memref<2x10000x32xf32, #tpu.memory_space<hbm>> -> memref<1x10000x32xf32, #tpu.memory_space<hbm>>
      %dma_wait3A_547 = tpu.memref_squeeze %dma_wait3A_546 : memref<1x10000x32xf32, #tpu.memory_space<hbm>> -> memref<10000x32xf32, #tpu.memory_space<hbm>>
      %dma_wait3A_548 = arith.constant 0 : i32
      %dma_wait3A_549 = arith.constant 0 : i32
      %dma_wait3A_550 = tpu.memref_slice %dma_wait3A_547[%dma_wait3A_548, %dma_wait3A_549] : memref<10000x32xf32, #tpu.memory_space<hbm>> -> memref<10000x32xf32, #tpu.memory_space<hbm>>
      tpu.wait_indirect_dma semaphore(%arg12 : memref<!tpu.dma_semaphore, #tpu.memory_space<semaphore_mem>>) src(%dma_wait3A_550 : memref<10000x32xf32, #tpu.memory_space<hbm>>) dst(%dma_wait3A_540 : memref<80x32xf32, #tpu.memory_space<vmem>>)
      %dma_wait3A_551 = arith.constant 2 : i32
      %dma_wait3A_552 = arith.constant 0 : i32
      %dma_wait3A_553 = tpu.memref_slice %arg7[%dma_wait3A_551, %dma_wait3A_552] : memref<5x80xi32, #tpu.memory_space<vmem>> -> memref<1x80xi32, #tpu.memory_space<vmem>>
      %dma_wait3A_554 = tpu.memref_squeeze %dma_wait3A_553 : memref<1x80xi32, #tpu.memory_space<vmem>> -> memref<80xi32, #tpu.memory_space<vmem>>
      %dma_wait3A_555 = arith.constant 0 : i32
      %dma_wait3A_556 = tpu.memref_slice %arg4[%arg1, %add3A_535, %dma_wait3A_555] : memref<16x250x80xi32, #tpu.memory_space<hbm>> -> memref<1x1x80xi32, #tpu.memory_space<hbm>>
      %dma_wait3A_557 = tpu.memref_squeeze %dma_wait3A_556 : memref<1x1x80xi32, #tpu.memory_space<hbm>> -> memref<80xi32, #tpu.memory_space<hbm>>
      %dma_wait3A_558 = arith.constant 0 : i32
      %dma_wait3A_559 = tpu.memref_slice %arg7[%dma_wait3A_551, %dma_wait3A_558] : memref<5x80xi32, #tpu.memory_space<vmem>> -> memref<1x80xi32, #tpu.memory_space<vmem>>
      %dma_wait3A_560 = tpu.memref_squeeze %dma_wait3A_559 : memref<1x80xi32, #tpu.memory_space<vmem>> -> memref<80xi32, #tpu.memory_space<vmem>>
      %dma_wait3A_561 = arith.constant 0 : i32
      %dma_wait3A_562 = tpu.memref_slice %arg4[%arg1, %add3A_535, %dma_wait3A_561] : memref<16x250x80xi32, #tpu.memory_space<hbm>> -> memref<1x1x80xi32, #tpu.memory_space<hbm>>
      %dma_wait3A_563 = tpu.memref_squeeze %dma_wait3A_562 : memref<1x1x80xi32, #tpu.memory_space<hbm>> -> memref<80xi32, #tpu.memory_space<hbm>>
      tpu.wait_dma2 semaphore(%arg17 : memref<!tpu.dma_semaphore, #tpu.memory_space<semaphore_mem>>) src(%dma_wait3A_563 : memref<80xi32, #tpu.memory_space<hbm>>) dst(%dma_wait3A_560 : memref<80xi32, #tpu.memory_space<vmem>>)
      %run_scoped3A_564 = arith.constant 2 : i32
      %run_scoped3A_565 = arith.constant 2 : i32
      "tpu.region"() ({
        %run_scoped3A_726 = tpu.sem_alloc : memref<!tpu.dma_semaphore, #tpu.memory_space<semaphore_mem>>
        %dma_start3A_727 = arith.constant 0 : i32
        %dma_start3A_728 = arith.constant 0 : i32
        %dma_start3A_729 = tpu.memref_slice %arg8[%run_scoped3A_564, %dma_start3A_727, %dma_start3A_728] : memref<5x80x32xf32, #tpu.memory_space<vmem>> -> memref<1x80x32xf32, #tpu.memory_space<vmem>>
        %dma_start3A_730 = tpu.memref_squeeze %dma_start3A_729 : memref<1x80x32xf32, #tpu.memory_space<vmem>> -> memref<80x32xf32, #tpu.memory_space<vmem>>
        %dma_start3A_731 = arith.constant 0 : i32
        %dma_start3A_732 = tpu.memref_slice %arg7[%run_scoped3A_565, %dma_start3A_731] : memref<5x80xi32, #tpu.memory_space<vmem>> -> memref<1x80xi32, #tpu.memory_space<vmem>>
        %dma_start3A_733 = tpu.memref_squeeze %dma_start3A_732 : memref<1x80xi32, #tpu.memory_space<vmem>> -> memref<80xi32, #tpu.memory_space<vmem>>
        %dma_start3A_734 = arith.constant 0 : i32
        %dma_start3A_735 = arith.constant 0 : i32
        %dma_start3A_736 = tpu.memref_slice %arg9[%dma_start3A_734, %dma_start3A_735] : memref<10000x32xf32, #tpu.memory_space<vmem_shared>> -> memref<10000x32xf32, #tpu.memory_space<vmem_shared>>
        tpu.enqueue_indirect_dma source(%dma_start3A_730 : memref<80x32xf32, #tpu.memory_space<vmem>>) target(%dma_start3A_736 : memref<10000x32xf32, #tpu.memory_space<vmem_shared>>) offsets(%dma_start3A_733 : memref<80xi32, #tpu.memory_space<vmem>>) semaphore(%run_scoped3A_726 : memref<!tpu.dma_semaphore, #tpu.memory_space<semaphore_mem>>) {add = true}
        %dma_wait3A_737 = arith.constant 0 : i32
        %dma_wait3A_738 = arith.constant 0 : i32
        %dma_wait3A_739 = tpu.memref_slice %arg8[%run_scoped3A_564, %dma_wait3A_737, %dma_wait3A_738] : memref<5x80x32xf32, #tpu.memory_space<vmem>> -> memref<1x80x32xf32, #tpu.memory_space<vmem>>
        %dma_wait3A_740 = tpu.memref_squeeze %dma_wait3A_739 : memref<1x80x32xf32, #tpu.memory_space<vmem>> -> memref<80x32xf32, #tpu.memory_space<vmem>>
        %dma_wait3A_741 = arith.constant 0 : i32
        %dma_wait3A_742 = tpu.memref_slice %arg7[%run_scoped3A_565, %dma_wait3A_741] : memref<5x80xi32, #tpu.memory_space<vmem>> -> memref<1x80xi32, #tpu.memory_space<vmem>>
        %dma_wait3A_743 = tpu.memref_squeeze %dma_wait3A_742 : memref<1x80xi32, #tpu.memory_space<vmem>> -> memref<80xi32, #tpu.memory_space<vmem>>
        %dma_wait3A_744 = arith.constant 0 : i32
        %dma_wait3A_745 = arith.constant 0 : i32
        %dma_wait3A_746 = tpu.memref_slice %arg9[%dma_wait3A_744, %dma_wait3A_745] : memref<10000x32xf32, #tpu.memory_space<vmem_shared>> -> memref<10000x32xf32, #tpu.memory_space<vmem_shared>>
        tpu.wait_indirect_dma semaphore(%run_scoped3A_726 : memref<!tpu.dma_semaphore, #tpu.memory_space<semaphore_mem>>) src(%dma_wait3A_740 : memref<80x32xf32, #tpu.memory_space<vmem>>) dst(%dma_wait3A_746 : memref<10000x32xf32, #tpu.memory_space<vmem_shared>>)
        tpu.yield
      }) : () -> ()
      %add3A_566 = arith.constant 5 : i32
      %add3A_567 = arith.addi %add3A_535, %add3A_566 : i32
      %dma_start3A_568 = arith.constant 2 : i32
      %dma_start3A_569 = arith.constant 0 : i32
      %dma_start3A_570 = tpu.memref_slice %arg7[%dma_start3A_568, %dma_start3A_569] : memref<5x80xi32, #tpu.memory_space<vmem>> -> memref<1x80xi32, #tpu.memory_space<vmem>>
      %dma_start3A_571 = tpu.memref_squeeze %dma_start3A_570 : memref<1x80xi32, #tpu.memory_space<vmem>> -> memref<80xi32, #tpu.memory_space<vmem>>
      %dma_start3A_572 = arith.constant 0 : i32
      %dma_start3A_573 = tpu.memref_slice %arg4[%arg1, %add3A_567, %dma_start3A_572] : memref<16x250x80xi32, #tpu.memory_space<hbm>> -> memref<1x1x80xi32, #tpu.memory_space<hbm>>
      %dma_start3A_574 = tpu.memref_squeeze %dma_start3A_573 : memref<1x1x80xi32, #tpu.memory_space<hbm>> -> memref<80xi32, #tpu.memory_space<hbm>>
      %dma_start3A_575 = arith.constant 0 : i32
      %dma_start3A_576 = tpu.memref_slice %arg7[%dma_start3A_568, %dma_start3A_575] : memref<5x80xi32, #tpu.memory_space<vmem>> -> memref<1x80xi32, #tpu.memory_space<vmem>>
      %dma_start3A_577 = tpu.memref_squeeze %dma_start3A_576 : memref<1x80xi32, #tpu.memory_space<vmem>> -> memref<80xi32, #tpu.memory_space<vmem>>
      %dma_start3A_578 = arith.constant 0 : i32
      %dma_start3A_579 = tpu.memref_slice %arg4[%arg1, %add3A_567, %dma_start3A_578] : memref<16x250x80xi32, #tpu.memory_space<hbm>> -> memref<1x1x80xi32, #tpu.memory_space<hbm>>
      %dma_start3A_580 = tpu.memref_squeeze %dma_start3A_579 : memref<1x1x80xi32, #tpu.memory_space<hbm>> -> memref<80xi32, #tpu.memory_space<hbm>>
      tpu.enqueue_dma source(%dma_start3A_580 : memref<80xi32, #tpu.memory_space<hbm>>) target(%dma_start3A_577 : memref<80xi32, #tpu.memory_space<vmem>>) target_semaphore(%arg17 : memref<!tpu.dma_semaphore, #tpu.memory_space<semaphore_mem>>)
      %add3A_581 = arith.constant 5 : i32
      %add3A_582 = arith.addi %add3A_535, %add3A_581 : i32
      %dma_start3A_583 = arith.constant 2 : i32
      %dma_start3A_584 = arith.constant 0 : i32
      %dma_start3A_585 = arith.constant 0 : i32
      %dma_start3A_586 = tpu.memref_slice %arg8[%dma_start3A_583, %dma_start3A_584, %dma_start3A_585] : memref<5x80x32xf32, #tpu.memory_space<vmem>> -> memref<1x80x32xf32, #tpu.memory_space<vmem>>
      %dma_start3A_587 = tpu.memref_squeeze %dma_start3A_586 : memref<1x80x32xf32, #tpu.memory_space<vmem>> -> memref<80x32xf32, #tpu.memory_space<vmem>>
      %dma_start3A_588 = arith.constant 0 : i32
      %dma_start3A_589 = tpu.memref_slice %arg6[%add3A_582, %dma_start3A_588] : memref<250x80xi32, #tpu.memory_space<vmem>> -> memref<1x80xi32, #tpu.memory_space<vmem>>
      %dma_start3A_590 = tpu.memref_squeeze %dma_start3A_589 : memref<1x80xi32, #tpu.memory_space<vmem>> -> memref<80xi32, #tpu.memory_space<vmem>>
      %dma_start3A_591 = arith.constant 0 : i32
      %dma_start3A_592 = arith.constant 0 : i32
      %dma_start3A_593 = tpu.memref_slice %arg2[%arg0, %dma_start3A_591, %dma_start3A_592] : memref<2x10000x32xf32, #tpu.memory_space<hbm>> -> memref<1x10000x32xf32, #tpu.memory_space<hbm>>
      %dma_start3A_594 = tpu.memref_squeeze %dma_start3A_593 : memref<1x10000x32xf32, #tpu.memory_space<hbm>> -> memref<10000x32xf32, #tpu.memory_space<hbm>>
      %dma_start3A_595 = arith.constant 0 : i32
      %dma_start3A_596 = arith.constant 0 : i32
      %dma_start3A_597 = tpu.memref_slice %dma_start3A_594[%dma_start3A_595, %dma_start3A_596] : memref<10000x32xf32, #tpu.memory_space<hbm>> -> memref<10000x32xf32, #tpu.memory_space<hbm>>
      tpu.enqueue_indirect_dma source(%dma_start3A_597 : memref<10000x32xf32, #tpu.memory_space<hbm>>) target(%dma_start3A_587 : memref<80x32xf32, #tpu.memory_space<vmem>>) offsets(%dma_start3A_590 : memref<80xi32, #tpu.memory_space<vmem>>) semaphore(%arg12 : memref<!tpu.dma_semaphore, #tpu.memory_space<semaphore_mem>>)
      %add3A_598 = arith.constant 3 : i32
      %add3A_599 = arith.addi %add3A_405, %add3A_598 : i32
      %dma_wait3A_600 = arith.constant 3 : i32
      %dma_wait3A_601 = arith.constant 0 : i32
      %dma_wait3A_602 = arith.constant 0 : i32
      %dma_wait3A_603 = tpu.memref_slice %arg8[%dma_wait3A_600, %dma_wait3A_601, %dma_wait3A_602] : memref<5x80x32xf32, #tpu.memory_space<vmem>> -> memref<1x80x32xf32, #tpu.memory_space<vmem>>
      %dma_wait3A_604 = tpu.memref_squeeze %dma_wait3A_603 : memref<1x80x32xf32, #tpu.memory_space<vmem>> -> memref<80x32xf32, #tpu.memory_space<vmem>>
      %dma_wait3A_605 = arith.constant 0 : i32
      %dma_wait3A_606 = tpu.memref_slice %arg6[%add3A_599, %dma_wait3A_605] : memref<250x80xi32, #tpu.memory_space<vmem>> -> memref<1x80xi32, #tpu.memory_space<vmem>>
      %dma_wait3A_607 = tpu.memref_squeeze %dma_wait3A_606 : memref<1x80xi32, #tpu.memory_space<vmem>> -> memref<80xi32, #tpu.memory_space<vmem>>
      %dma_wait3A_608 = arith.constant 0 : i32
      %dma_wait3A_609 = arith.constant 0 : i32
      %dma_wait3A_610 = tpu.memref_slice %arg2[%arg0, %dma_wait3A_608, %dma_wait3A_609] : memref<2x10000x32xf32, #tpu.memory_space<hbm>> -> memref<1x10000x32xf32, #tpu.memory_space<hbm>>
      %dma_wait3A_611 = tpu.memref_squeeze %dma_wait3A_610 : memref<1x10000x32xf32, #tpu.memory_space<hbm>> -> memref<10000x32xf32, #tpu.memory_space<hbm>>
      %dma_wait3A_612 = arith.constant 0 : i32
      %dma_wait3A_613 = arith.constant 0 : i32
      %dma_wait3A_614 = tpu.memref_slice %dma_wait3A_611[%dma_wait3A_612, %dma_wait3A_613] : memref<10000x32xf32, #tpu.memory_space<hbm>> -> memref<10000x32xf32, #tpu.memory_space<hbm>>
      tpu.wait_indirect_dma semaphore(%arg13 : memref<!tpu.dma_semaphore, #tpu.memory_space<semaphore_mem>>) src(%dma_wait3A_614 : memref<10000x32xf32, #tpu.memory_space<hbm>>) dst(%dma_wait3A_604 : memref<80x32xf32, #tpu.memory_space<vmem>>)
      %dma_wait3A_615 = arith.constant 3 : i32
      %dma_wait3A_616 = arith.constant 0 : i32
      %dma_wait3A_617 = tpu.memref_slice %arg7[%dma_wait3A_615, %dma_wait3A_616] : memref<5x80xi32, #tpu.memory_space<vmem>> -> memref<1x80xi32, #tpu.memory_space<vmem>>
      %dma_wait3A_618 = tpu.memref_squeeze %dma_wait3A_617 : memref<1x80xi32, #tpu.memory_space<vmem>> -> memref<80xi32, #tpu.memory_space<vmem>>
      %dma_wait3A_619 = arith.constant 0 : i32
      %dma_wait3A_620 = tpu.memref_slice %arg4[%arg1, %add3A_599, %dma_wait3A_619] : memref<16x250x80xi32, #tpu.memory_space<hbm>> -> memref<1x1x80xi32, #tpu.memory_space<hbm>>
      %dma_wait3A_621 = tpu.memref_squeeze %dma_wait3A_620 : memref<1x1x80xi32, #tpu.memory_space<hbm>> -> memref<80xi32, #tpu.memory_space<hbm>>
      %dma_wait3A_622 = arith.constant 0 : i32
      %dma_wait3A_623 = tpu.memref_slice %arg7[%dma_wait3A_615, %dma_wait3A_622] : memref<5x80xi32, #tpu.memory_space<vmem>> -> memref<1x80xi32, #tpu.memory_space<vmem>>
      %dma_wait3A_624 = tpu.memref_squeeze %dma_wait3A_623 : memref<1x80xi32, #tpu.memory_space<vmem>> -> memref<80xi32, #tpu.memory_space<vmem>>
      %dma_wait3A_625 = arith.constant 0 : i32
      %dma_wait3A_626 = tpu.memref_slice %arg4[%arg1, %add3A_599, %dma_wait3A_625] : memref<16x250x80xi32, #tpu.memory_space<hbm>> -> memref<1x1x80xi32, #tpu.memory_space<hbm>>
      %dma_wait3A_627 = tpu.memref_squeeze %dma_wait3A_626 : memref<1x1x80xi32, #tpu.memory_space<hbm>> -> memref<80xi32, #tpu.memory_space<hbm>>
      tpu.wait_dma2 semaphore(%arg18 : memref<!tpu.dma_semaphore, #tpu.memory_space<semaphore_mem>>) src(%dma_wait3A_627 : memref<80xi32, #tpu.memory_space<hbm>>) dst(%dma_wait3A_624 : memref<80xi32, #tpu.memory_space<vmem>>)
      %run_scoped3A_628 = arith.constant 3 : i32
      %run_scoped3A_629 = arith.constant 3 : i32
      "tpu.region"() ({
        %run_scoped3A_726 = tpu.sem_alloc : memref<!tpu.dma_semaphore, #tpu.memory_space<semaphore_mem>>
        %dma_start3A_727 = arith.constant 0 : i32
        %dma_start3A_728 = arith.constant 0 : i32
        %dma_start3A_729 = tpu.memref_slice %arg8[%run_scoped3A_628, %dma_start3A_727, %dma_start3A_728] : memref<5x80x32xf32, #tpu.memory_space<vmem>> -> memref<1x80x32xf32, #tpu.memory_space<vmem>>
        %dma_start3A_730 = tpu.memref_squeeze %dma_start3A_729 : memref<1x80x32xf32, #tpu.memory_space<vmem>> -> memref<80x32xf32, #tpu.memory_space<vmem>>
        %dma_start3A_731 = arith.constant 0 : i32
        %dma_start3A_732 = tpu.memref_slice %arg7[%run_scoped3A_629, %dma_start3A_731] : memref<5x80xi32, #tpu.memory_space<vmem>> -> memref<1x80xi32, #tpu.memory_space<vmem>>
        %dma_start3A_733 = tpu.memref_squeeze %dma_start3A_732 : memref<1x80xi32, #tpu.memory_space<vmem>> -> memref<80xi32, #tpu.memory_space<vmem>>
        %dma_start3A_734 = arith.constant 0 : i32
        %dma_start3A_735 = arith.constant 0 : i32
        %dma_start3A_736 = tpu.memref_slice %arg9[%dma_start3A_734, %dma_start3A_735] : memref<10000x32xf32, #tpu.memory_space<vmem_shared>> -> memref<10000x32xf32, #tpu.memory_space<vmem_shared>>
        tpu.enqueue_indirect_dma source(%dma_start3A_730 : memref<80x32xf32, #tpu.memory_space<vmem>>) target(%dma_start3A_736 : memref<10000x32xf32, #tpu.memory_space<vmem_shared>>) offsets(%dma_start3A_733 : memref<80xi32, #tpu.memory_space<vmem>>) semaphore(%run_scoped3A_726 : memref<!tpu.dma_semaphore, #tpu.memory_space<semaphore_mem>>) {add = true}
        %dma_wait3A_737 = arith.constant 0 : i32
        %dma_wait3A_738 = arith.constant 0 : i32
        %dma_wait3A_739 = tpu.memref_slice %arg8[%run_scoped3A_628, %dma_wait3A_737, %dma_wait3A_738] : memref<5x80x32xf32, #tpu.memory_space<vmem>> -> memref<1x80x32xf32, #tpu.memory_space<vmem>>
        %dma_wait3A_740 = tpu.memref_squeeze %dma_wait3A_739 : memref<1x80x32xf32, #tpu.memory_space<vmem>> -> memref<80x32xf32, #tpu.memory_space<vmem>>
        %dma_wait3A_741 = arith.constant 0 : i32
        %dma_wait3A_742 = tpu.memref_slice %arg7[%run_scoped3A_629, %dma_wait3A_741] : memref<5x80xi32, #tpu.memory_space<vmem>> -> memref<1x80xi32, #tpu.memory_space<vmem>>
        %dma_wait3A_743 = tpu.memref_squeeze %dma_wait3A_742 : memref<1x80xi32, #tpu.memory_space<vmem>> -> memref<80xi32, #tpu.memory_space<vmem>>
        %dma_wait3A_744 = arith.constant 0 : i32
        %dma_wait3A_745 = arith.constant 0 : i32
        %dma_wait3A_746 = tpu.memref_slice %arg9[%dma_wait3A_744, %dma_wait3A_745] : memref<10000x32xf32, #tpu.memory_space<vmem_shared>> -> memref<10000x32xf32, #tpu.memory_space<vmem_shared>>
        tpu.wait_indirect_dma semaphore(%run_scoped3A_726 : memref<!tpu.dma_semaphore, #tpu.memory_space<semaphore_mem>>) src(%dma_wait3A_740 : memref<80x32xf32, #tpu.memory_space<vmem>>) dst(%dma_wait3A_746 : memref<10000x32xf32, #tpu.memory_space<vmem_shared>>)
        tpu.yield
      }) : () -> ()
      %add3A_630 = arith.constant 5 : i32
      %add3A_631 = arith.addi %add3A_599, %add3A_630 : i32
      %dma_start3A_632 = arith.constant 3 : i32
      %dma_start3A_633 = arith.constant 0 : i32
      %dma_start3A_634 = tpu.memref_slice %arg7[%dma_start3A_632, %dma_start3A_633] : memref<5x80xi32, #tpu.memory_space<vmem>> -> memref<1x80xi32, #tpu.memory_space<vmem>>
      %dma_start3A_635 = tpu.memref_squeeze %dma_start3A_634 : memref<1x80xi32, #tpu.memory_space<vmem>> -> memref<80xi32, #tpu.memory_space<vmem>>
      %dma_start3A_636 = arith.constant 0 : i32
      %dma_start3A_637 = tpu.memref_slice %arg4[%arg1, %add3A_631, %dma_start3A_636] : memref<16x250x80xi32, #tpu.memory_space<hbm>> -> memref<1x1x80xi32, #tpu.memory_space<hbm>>
      %dma_start3A_638 = tpu.memref_squeeze %dma_start3A_637 : memref<1x1x80xi32, #tpu.memory_space<hbm>> -> memref<80xi32, #tpu.memory_space<hbm>>
      %dma_start3A_639 = arith.constant 0 : i32
      %dma_start3A_640 = tpu.memref_slice %arg7[%dma_start3A_632, %dma_start3A_639] : memref<5x80xi32, #tpu.memory_space<vmem>> -> memref<1x80xi32, #tpu.memory_space<vmem>>
      %dma_start3A_641 = tpu.memref_squeeze %dma_start3A_640 : memref<1x80xi32, #tpu.memory_space<vmem>> -> memref<80xi32, #tpu.memory_space<vmem>>
      %dma_start3A_642 = arith.constant 0 : i32
      %dma_start3A_643 = tpu.memref_slice %arg4[%arg1, %add3A_631, %dma_start3A_642] : memref<16x250x80xi32, #tpu.memory_space<hbm>> -> memref<1x1x80xi32, #tpu.memory_space<hbm>>
      %dma_start3A_644 = tpu.memref_squeeze %dma_start3A_643 : memref<1x1x80xi32, #tpu.memory_space<hbm>> -> memref<80xi32, #tpu.memory_space<hbm>>
      tpu.enqueue_dma source(%dma_start3A_644 : memref<80xi32, #tpu.memory_space<hbm>>) target(%dma_start3A_641 : memref<80xi32, #tpu.memory_space<vmem>>) target_semaphore(%arg18 : memref<!tpu.dma_semaphore, #tpu.memory_space<semaphore_mem>>)
      %add3A_645 = arith.constant 5 : i32
      %add3A_646 = arith.addi %add3A_599, %add3A_645 : i32
      %dma_start3A_647 = arith.constant 3 : i32
      %dma_start3A_648 = arith.constant 0 : i32
      %dma_start3A_649 = arith.constant 0 : i32
      %dma_start3A_650 = tpu.memref_slice %arg8[%dma_start3A_647, %dma_start3A_648, %dma_start3A_649] : memref<5x80x32xf32, #tpu.memory_space<vmem>> -> memref<1x80x32xf32, #tpu.memory_space<vmem>>
      %dma_start3A_651 = tpu.memref_squeeze %dma_start3A_650 : memref<1x80x32xf32, #tpu.memory_space<vmem>> -> memref<80x32xf32, #tpu.memory_space<vmem>>
      %dma_start3A_652 = arith.constant 0 : i32
      %dma_start3A_653 = tpu.memref_slice %arg6[%add3A_646, %dma_start3A_652] : memref<250x80xi32, #tpu.memory_space<vmem>> -> memref<1x80xi32, #tpu.memory_space<vmem>>
      %dma_start3A_654 = tpu.memref_squeeze %dma_start3A_653 : memref<1x80xi32, #tpu.memory_space<vmem>> -> memref<80xi32, #tpu.memory_space<vmem>>
      %dma_start3A_655 = arith.constant 0 : i32
      %dma_start3A_656 = arith.constant 0 : i32
      %dma_start3A_657 = tpu.memref_slice %arg2[%arg0, %dma_start3A_655, %dma_start3A_656] : memref<2x10000x32xf32, #tpu.memory_space<hbm>> -> memref<1x10000x32xf32, #tpu.memory_space<hbm>>
      %dma_start3A_658 = tpu.memref_squeeze %dma_start3A_657 : memref<1x10000x32xf32, #tpu.memory_space<hbm>> -> memref<10000x32xf32, #tpu.memory_space<hbm>>
      %dma_start3A_659 = arith.constant 0 : i32
      %dma_start3A_660 = arith.constant 0 : i32
      %dma_start3A_661 = tpu.memref_slice %dma_start3A_658[%dma_start3A_659, %dma_start3A_660] : memref<10000x32xf32, #tpu.memory_space<hbm>> -> memref<10000x32xf32, #tpu.memory_space<hbm>>
      tpu.enqueue_indirect_dma source(%dma_start3A_661 : memref<10000x32xf32, #tpu.memory_space<hbm>>) target(%dma_start3A_651 : memref<80x32xf32, #tpu.memory_space<vmem>>) offsets(%dma_start3A_654 : memref<80xi32, #tpu.memory_space<vmem>>) semaphore(%arg13 : memref<!tpu.dma_semaphore, #tpu.memory_space<semaphore_mem>>)
      %add3A_662 = arith.constant 4 : i32
      %add3A_663 = arith.addi %add3A_405, %add3A_662 : i32
      %dma_wait3A_664 = arith.constant 4 : i32
      %dma_wait3A_665 = arith.constant 0 : i32
      %dma_wait3A_666 = arith.constant 0 : i32
      %dma_wait3A_667 = tpu.memref_slice %arg8[%dma_wait3A_664, %dma_wait3A_665, %dma_wait3A_666] : memref<5x80x32xf32, #tpu.memory_space<vmem>> -> memref<1x80x32xf32, #tpu.memory_space<vmem>>
      %dma_wait3A_668 = tpu.memref_squeeze %dma_wait3A_667 : memref<1x80x32xf32, #tpu.memory_space<vmem>> -> memref<80x32xf32, #tpu.memory_space<vmem>>
      %dma_wait3A_669 = arith.constant 0 : i32
      %dma_wait3A_670 = tpu.memref_slice %arg6[%add3A_663, %dma_wait3A_669] : memref<250x80xi32, #tpu.memory_space<vmem>> -> memref<1x80xi32, #tpu.memory_space<vmem>>
      %dma_wait3A_671 = tpu.memref_squeeze %dma_wait3A_670 : memref<1x80xi32, #tpu.memory_space<vmem>> -> memref<80xi32, #tpu.memory_space<vmem>>
      %dma_wait3A_672 = arith.constant 0 : i32
      %dma_wait3A_673 = arith.constant 0 : i32
      %dma_wait3A_674 = tpu.memref_slice %arg2[%arg0, %dma_wait3A_672, %dma_wait3A_673] : memref<2x10000x32xf32, #tpu.memory_space<hbm>> -> memref<1x10000x32xf32, #tpu.memory_space<hbm>>
      %dma_wait3A_675 = tpu.memref_squeeze %dma_wait3A_674 : memref<1x10000x32xf32, #tpu.memory_space<hbm>> -> memref<10000x32xf32, #tpu.memory_space<hbm>>
      %dma_wait3A_676 = arith.constant 0 : i32
      %dma_wait3A_677 = arith.constant 0 : i32
      %dma_wait3A_678 = tpu.memref_slice %dma_wait3A_675[%dma_wait3A_676, %dma_wait3A_677] : memref<10000x32xf32, #tpu.memory_space<hbm>> -> memref<10000x32xf32, #tpu.memory_space<hbm>>
      tpu.wait_indirect_dma semaphore(%arg14 : memref<!tpu.dma_semaphore, #tpu.memory_space<semaphore_mem>>) src(%dma_wait3A_678 : memref<10000x32xf32, #tpu.memory_space<hbm>>) dst(%dma_wait3A_668 : memref<80x32xf32, #tpu.memory_space<vmem>>)
      %dma_wait3A_679 = arith.constant 4 : i32
      %dma_wait3A_680 = arith.constant 0 : i32
      %dma_wait3A_681 = tpu.memref_slice %arg7[%dma_wait3A_679, %dma_wait3A_680] : memref<5x80xi32, #tpu.memory_space<vmem>> -> memref<1x80xi32, #tpu.memory_space<vmem>>
      %dma_wait3A_682 = tpu.memref_squeeze %dma_wait3A_681 : memref<1x80xi32, #tpu.memory_space<vmem>> -> memref<80xi32, #tpu.memory_space<vmem>>
      %dma_wait3A_683 = arith.constant 0 : i32
      %dma_wait3A_684 = tpu.memref_slice %arg4[%arg1, %add3A_663, %dma_wait3A_683] : memref<16x250x80xi32, #tpu.memory_space<hbm>> -> memref<1x1x80xi32, #tpu.memory_space<hbm>>
      %dma_wait3A_685 = tpu.memref_squeeze %dma_wait3A_684 : memref<1x1x80xi32, #tpu.memory_space<hbm>> -> memref<80xi32, #tpu.memory_space<hbm>>
      %dma_wait3A_686 = arith.constant 0 : i32
      %dma_wait3A_687 = tpu.memref_slice %arg7[%dma_wait3A_679, %dma_wait3A_686] : memref<5x80xi32, #tpu.memory_space<vmem>> -> memref<1x80xi32, #tpu.memory_space<vmem>>
      %dma_wait3A_688 = tpu.memref_squeeze %dma_wait3A_687 : memref<1x80xi32, #tpu.memory_space<vmem>> -> memref<80xi32, #tpu.memory_space<vmem>>
      %dma_wait3A_689 = arith.constant 0 : i32
      %dma_wait3A_690 = tpu.memref_slice %arg4[%arg1, %add3A_663, %dma_wait3A_689] : memref<16x250x80xi32, #tpu.memory_space<hbm>> -> memref<1x1x80xi32, #tpu.memory_space<hbm>>
      %dma_wait3A_691 = tpu.memref_squeeze %dma_wait3A_690 : memref<1x1x80xi32, #tpu.memory_space<hbm>> -> memref<80xi32, #tpu.memory_space<hbm>>
      tpu.wait_dma2 semaphore(%arg19 : memref<!tpu.dma_semaphore, #tpu.memory_space<semaphore_mem>>) src(%dma_wait3A_691 : memref<80xi32, #tpu.memory_space<hbm>>) dst(%dma_wait3A_688 : memref<80xi32, #tpu.memory_space<vmem>>)
      %run_scoped3A_692 = arith.constant 4 : i32
      %run_scoped3A_693 = arith.constant 4 : i32
      "tpu.region"() ({
        %run_scoped3A_726 = tpu.sem_alloc : memref<!tpu.dma_semaphore, #tpu.memory_space<semaphore_mem>>
        %dma_start3A_727 = arith.constant 0 : i32
        %dma_start3A_728 = arith.constant 0 : i32
        %dma_start3A_729 = tpu.memref_slice %arg8[%run_scoped3A_692, %dma_start3A_727, %dma_start3A_728] : memref<5x80x32xf32, #tpu.memory_space<vmem>> -> memref<1x80x32xf32, #tpu.memory_space<vmem>>
        %dma_start3A_730 = tpu.memref_squeeze %dma_start3A_729 : memref<1x80x32xf32, #tpu.memory_space<vmem>> -> memref<80x32xf32, #tpu.memory_space<vmem>>
        %dma_start3A_731 = arith.constant 0 : i32
        %dma_start3A_732 = tpu.memref_slice %arg7[%run_scoped3A_693, %dma_start3A_731] : memref<5x80xi32, #tpu.memory_space<vmem>> -> memref<1x80xi32, #tpu.memory_space<vmem>>
        %dma_start3A_733 = tpu.memref_squeeze %dma_start3A_732 : memref<1x80xi32, #tpu.memory_space<vmem>> -> memref<80xi32, #tpu.memory_space<vmem>>
        %dma_start3A_734 = arith.constant 0 : i32
        %dma_start3A_735 = arith.constant 0 : i32
        %dma_start3A_736 = tpu.memref_slice %arg9[%dma_start3A_734, %dma_start3A_735] : memref<10000x32xf32, #tpu.memory_space<vmem_shared>> -> memref<10000x32xf32, #tpu.memory_space<vmem_shared>>
        tpu.enqueue_indirect_dma source(%dma_start3A_730 : memref<80x32xf32, #tpu.memory_space<vmem>>) target(%dma_start3A_736 : memref<10000x32xf32, #tpu.memory_space<vmem_shared>>) offsets(%dma_start3A_733 : memref<80xi32, #tpu.memory_space<vmem>>) semaphore(%run_scoped3A_726 : memref<!tpu.dma_semaphore, #tpu.memory_space<semaphore_mem>>) {add = true}
        %dma_wait3A_737 = arith.constant 0 : i32
        %dma_wait3A_738 = arith.constant 0 : i32
        %dma_wait3A_739 = tpu.memref_slice %arg8[%run_scoped3A_692, %dma_wait3A_737, %dma_wait3A_738] : memref<5x80x32xf32, #tpu.memory_space<vmem>> -> memref<1x80x32xf32, #tpu.memory_space<vmem>>
        %dma_wait3A_740 = tpu.memref_squeeze %dma_wait3A_739 : memref<1x80x32xf32, #tpu.memory_space<vmem>> -> memref<80x32xf32, #tpu.memory_space<vmem>>
        %dma_wait3A_741 = arith.constant 0 : i32
        %dma_wait3A_742 = tpu.memref_slice %arg7[%run_scoped3A_693, %dma_wait3A_741] : memref<5x80xi32, #tpu.memory_space<vmem>> -> memref<1x80xi32, #tpu.memory_space<vmem>>
        %dma_wait3A_743 = tpu.memref_squeeze %dma_wait3A_742 : memref<1x80xi32, #tpu.memory_space<vmem>> -> memref<80xi32, #tpu.memory_space<vmem>>
        %dma_wait3A_744 = arith.constant 0 : i32
        %dma_wait3A_745 = arith.constant 0 : i32
        %dma_wait3A_746 = tpu.memref_slice %arg9[%dma_wait3A_744, %dma_wait3A_745] : memref<10000x32xf32, #tpu.memory_space<vmem_shared>> -> memref<10000x32xf32, #tpu.memory_space<vmem_shared>>
        tpu.wait_indirect_dma semaphore(%run_scoped3A_726 : memref<!tpu.dma_semaphore, #tpu.memory_space<semaphore_mem>>) src(%dma_wait3A_740 : memref<80x32xf32, #tpu.memory_space<vmem>>) dst(%dma_wait3A_746 : memref<10000x32xf32, #tpu.memory_space<vmem_shared>>)
        tpu.yield
      }) : () -> ()
      %add3A_694 = arith.constant 5 : i32
      %add3A_695 = arith.addi %add3A_663, %add3A_694 : i32
      %dma_start3A_696 = arith.constant 4 : i32
      %dma_start3A_697 = arith.constant 0 : i32
      %dma_start3A_698 = tpu.memref_slice %arg7[%dma_start3A_696, %dma_start3A_697] : memref<5x80xi32, #tpu.memory_space<vmem>> -> memref<1x80xi32, #tpu.memory_space<vmem>>
      %dma_start3A_699 = tpu.memref_squeeze %dma_start3A_698 : memref<1x80xi32, #tpu.memory_space<vmem>> -> memref<80xi32, #tpu.memory_space<vmem>>
      %dma_start3A_700 = arith.constant 0 : i32
      %dma_start3A_701 = tpu.memref_slice %arg4[%arg1, %add3A_695, %dma_start3A_700] : memref<16x250x80xi32, #tpu.memory_space<hbm>> -> memref<1x1x80xi32, #tpu.memory_space<hbm>>
      %dma_start3A_702 = tpu.memref_squeeze %dma_start3A_701 : memref<1x1x80xi32, #tpu.memory_space<hbm>> -> memref<80xi32, #tpu.memory_space<hbm>>
      %dma_start3A_703 = arith.constant 0 : i32
      %dma_start3A_704 = tpu.memref_slice %arg7[%dma_start3A_696, %dma_start3A_703] : memref<5x80xi32, #tpu.memory_space<vmem>> -> memref<1x80xi32, #tpu.memory_space<vmem>>
      %dma_start3A_705 = tpu.memref_squeeze %dma_start3A_704 : memref<1x80xi32, #tpu.memory_space<vmem>> -> memref<80xi32, #tpu.memory_space<vmem>>
      %dma_start3A_706 = arith.constant 0 : i32
      %dma_start3A_707 = tpu.memref_slice %arg4[%arg1, %add3A_695, %dma_start3A_706] : memref<16x250x80xi32, #tpu.memory_space<hbm>> -> memref<1x1x80xi32, #tpu.memory_space<hbm>>
      %dma_start3A_708 = tpu.memref_squeeze %dma_start3A_707 : memref<1x1x80xi32, #tpu.memory_space<hbm>> -> memref<80xi32, #tpu.memory_space<hbm>>
      tpu.enqueue_dma source(%dma_start3A_708 : memref<80xi32, #tpu.memory_space<hbm>>) target(%dma_start3A_705 : memref<80xi32, #tpu.memory_space<vmem>>) target_semaphore(%arg19 : memref<!tpu.dma_semaphore, #tpu.memory_space<semaphore_mem>>)
      %add3A_709 = arith.constant 5 : i32
      %add3A_710 = arith.addi %add3A_663, %add3A_709 : i32
      %dma_start3A_711 = arith.constant 4 : i32
      %dma_start3A_712 = arith.constant 0 : i32
      %dma_start3A_713 = arith.constant 0 : i32
      %dma_start3A_714 = tpu.memref_slice %arg8[%dma_start3A_711, %dma_start3A_712, %dma_start3A_713] : memref<5x80x32xf32, #tpu.memory_space<vmem>> -> memref<1x80x32xf32, #tpu.memory_space<vmem>>
      %dma_start3A_715 = tpu.memref_squeeze %dma_start3A_714 : memref<1x80x32xf32, #tpu.memory_space<vmem>> -> memref<80x32xf32, #tpu.memory_space<vmem>>
      %dma_start3A_716 = arith.constant 0 : i32
      %dma_start3A_717 = tpu.memref_slice %arg6[%add3A_710, %dma_start3A_716] : memref<250x80xi32, #tpu.memory_space<vmem>> -> memref<1x80xi32, #tpu.memory_space<vmem>>
      %dma_start3A_718 = tpu.memref_squeeze %dma_start3A_717 : memref<1x80xi32, #tpu.memory_space<vmem>> -> memref<80xi32, #tpu.memory_space<vmem>>
      %dma_start3A_719 = arith.constant 0 : i32
      %dma_start3A_720 = arith.constant 0 : i32
      %dma_start3A_721 = tpu.memref_slice %arg2[%arg0, %dma_start3A_719, %dma_start3A_720] : memref<2x10000x32xf32, #tpu.memory_space<hbm>> -> memref<1x10000x32xf32, #tpu.memory_space<hbm>>
      %dma_start3A_722 = tpu.memref_squeeze %dma_start3A_721 : memref<1x10000x32xf32, #tpu.memory_space<hbm>> -> memref<10000x32xf32, #tpu.memory_space<hbm>>
      %dma_start3A_723 = arith.constant 0 : i32
      %dma_start3A_724 = arith.constant 0 : i32
      %dma_start3A_725 = tpu.memref_slice %dma_start3A_722[%dma_start3A_723, %dma_start3A_724] : memref<10000x32xf32, #tpu.memory_space<hbm>> -> memref<10000x32xf32, #tpu.memory_space<hbm>>
      tpu.enqueue_indirect_dma source(%dma_start3A_725 : memref<10000x32xf32, #tpu.memory_space<hbm>>) target(%dma_start3A_715 : memref<80x32xf32, #tpu.memory_space<vmem>>) offsets(%dma_start3A_718 : memref<80xi32, #tpu.memory_space<vmem>>) semaphore(%arg14 : memref<!tpu.dma_semaphore, #tpu.memory_space<semaphore_mem>>)
    }
    %scan3A_205 = arith.constant 49 : i32
    %dma_wait3A_206 = arith.constant 245 : i32
    %dma_wait3A_207 = arith.constant 0 : i32
    %dma_wait3A_208 = arith.constant 0 : i32
    %dma_wait3A_209 = arith.constant 0 : i32
    %dma_wait3A_210 = tpu.memref_slice %arg8[%dma_wait3A_207, %dma_wait3A_208, %dma_wait3A_209] : memref<5x80x32xf32, #tpu.memory_space<vmem>> -> memref<1x80x32xf32, #tpu.memory_space<vmem>>
    %dma_wait3A_211 = tpu.memref_squeeze %dma_wait3A_210 : memref<1x80x32xf32, #tpu.memory_space<vmem>> -> memref<80x32xf32, #tpu.memory_space<vmem>>
    %dma_wait3A_212 = arith.constant 0 : i32
    %dma_wait3A_213 = tpu.memref_slice %arg6[%dma_wait3A_206, %dma_wait3A_212] : memref<250x80xi32, #tpu.memory_space<vmem>> -> memref<1x80xi32, #tpu.memory_space<vmem>>
    %dma_wait3A_214 = tpu.memref_squeeze %dma_wait3A_213 : memref<1x80xi32, #tpu.memory_space<vmem>> -> memref<80xi32, #tpu.memory_space<vmem>>
    %dma_wait3A_215 = arith.constant 0 : i32
    %dma_wait3A_216 = arith.constant 0 : i32
    %dma_wait3A_217 = tpu.memref_slice %arg2[%arg0, %dma_wait3A_215, %dma_wait3A_216] : memref<2x10000x32xf32, #tpu.memory_space<hbm>> -> memref<1x10000x32xf32, #tpu.memory_space<hbm>>
    %dma_wait3A_218 = tpu.memref_squeeze %dma_wait3A_217 : memref<1x10000x32xf32, #tpu.memory_space<hbm>> -> memref<10000x32xf32, #tpu.memory_space<hbm>>
    %dma_wait3A_219 = arith.constant 0 : i32
    %dma_wait3A_220 = arith.constant 0 : i32
    %dma_wait3A_221 = tpu.memref_slice %dma_wait3A_218[%dma_wait3A_219, %dma_wait3A_220] : memref<10000x32xf32, #tpu.memory_space<hbm>> -> memref<10000x32xf32, #tpu.memory_space<hbm>>
    tpu.wait_indirect_dma semaphore(%arg10 : memref<!tpu.dma_semaphore, #tpu.memory_space<semaphore_mem>>) src(%dma_wait3A_221 : memref<10000x32xf32, #tpu.memory_space<hbm>>) dst(%dma_wait3A_211 : memref<80x32xf32, #tpu.memory_space<vmem>>)
    %dma_wait3A_222 = arith.constant 245 : i32
    %dma_wait3A_223 = arith.constant 0 : i32
    %dma_wait3A_224 = arith.constant 0 : i32
    %dma_wait3A_225 = tpu.memref_slice %arg7[%dma_wait3A_223, %dma_wait3A_224] : memref<5x80xi32, #tpu.memory_space<vmem>> -> memref<1x80xi32, #tpu.memory_space<vmem>>
    %dma_wait3A_226 = tpu.memref_squeeze %dma_wait3A_225 : memref<1x80xi32, #tpu.memory_space<vmem>> -> memref<80xi32, #tpu.memory_space<vmem>>
    %dma_wait3A_227 = arith.constant 0 : i32
    %dma_wait3A_228 = tpu.memref_slice %arg4[%arg1, %dma_wait3A_222, %dma_wait3A_227] : memref<16x250x80xi32, #tpu.memory_space<hbm>> -> memref<1x1x80xi32, #tpu.memory_space<hbm>>
    %dma_wait3A_229 = tpu.memref_squeeze %dma_wait3A_228 : memref<1x1x80xi32, #tpu.memory_space<hbm>> -> memref<80xi32, #tpu.memory_space<hbm>>
    %dma_wait3A_230 = arith.constant 0 : i32
    %dma_wait3A_231 = tpu.memref_slice %arg7[%dma_wait3A_223, %dma_wait3A_230] : memref<5x80xi32, #tpu.memory_space<vmem>> -> memref<1x80xi32, #tpu.memory_space<vmem>>
    %dma_wait3A_232 = tpu.memref_squeeze %dma_wait3A_231 : memref<1x80xi32, #tpu.memory_space<vmem>> -> memref<80xi32, #tpu.memory_space<vmem>>
    %dma_wait3A_233 = arith.constant 0 : i32
    %dma_wait3A_234 = tpu.memref_slice %arg4[%arg1, %dma_wait3A_222, %dma_wait3A_233] : memref<16x250x80xi32, #tpu.memory_space<hbm>> -> memref<1x1x80xi32, #tpu.memory_space<hbm>>
    %dma_wait3A_235 = tpu.memref_squeeze %dma_wait3A_234 : memref<1x1x80xi32, #tpu.memory_space<hbm>> -> memref<80xi32, #tpu.memory_space<hbm>>
    tpu.wait_dma2 semaphore(%arg15 : memref<!tpu.dma_semaphore, #tpu.memory_space<semaphore_mem>>) src(%dma_wait3A_235 : memref<80xi32, #tpu.memory_space<hbm>>) dst(%dma_wait3A_232 : memref<80xi32, #tpu.memory_space<vmem>>)
    %run_scoped3A = arith.constant 0 : i32
    %run_scoped3A_236 = arith.constant 0 : i32
    "tpu.region"() ({
      %run_scoped3A_402 = tpu.sem_alloc : memref<!tpu.dma_semaphore, #tpu.memory_space<semaphore_mem>>
      %dma_start3A_403 = arith.constant 0 : i32
      %dma_start3A_404 = arith.constant 0 : i32
      %dma_start3A_405 = tpu.memref_slice %arg8[%run_scoped3A, %dma_start3A_403, %dma_start3A_404] : memref<5x80x32xf32, #tpu.memory_space<vmem>> -> memref<1x80x32xf32, #tpu.memory_space<vmem>>
      %dma_start3A_406 = tpu.memref_squeeze %dma_start3A_405 : memref<1x80x32xf32, #tpu.memory_space<vmem>> -> memref<80x32xf32, #tpu.memory_space<vmem>>
      %dma_start3A_407 = arith.constant 0 : i32
      %dma_start3A_408 = tpu.memref_slice %arg7[%run_scoped3A_236, %dma_start3A_407] : memref<5x80xi32, #tpu.memory_space<vmem>> -> memref<1x80xi32, #tpu.memory_space<vmem>>
      %dma_start3A_409 = tpu.memref_squeeze %dma_start3A_408 : memref<1x80xi32, #tpu.memory_space<vmem>> -> memref<80xi32, #tpu.memory_space<vmem>>
      %dma_start3A_410 = arith.constant 0 : i32
      %dma_start3A_411 = arith.constant 0 : i32
      %dma_start3A_412 = tpu.memref_slice %arg9[%dma_start3A_410, %dma_start3A_411] : memref<10000x32xf32, #tpu.memory_space<vmem_shared>> -> memref<10000x32xf32, #tpu.memory_space<vmem_shared>>
      tpu.enqueue_indirect_dma source(%dma_start3A_406 : memref<80x32xf32, #tpu.memory_space<vmem>>) target(%dma_start3A_412 : memref<10000x32xf32, #tpu.memory_space<vmem_shared>>) offsets(%dma_start3A_409 : memref<80xi32, #tpu.memory_space<vmem>>) semaphore(%run_scoped3A_402 : memref<!tpu.dma_semaphore, #tpu.memory_space<semaphore_mem>>) {add = true}
      %dma_wait3A_413 = arith.constant 0 : i32
      %dma_wait3A_414 = arith.constant 0 : i32
      %dma_wait3A_415 = tpu.memref_slice %arg8[%run_scoped3A, %dma_wait3A_413, %dma_wait3A_414] : memref<5x80x32xf32, #tpu.memory_space<vmem>> -> memref<1x80x32xf32, #tpu.memory_space<vmem>>
      %dma_wait3A_416 = tpu.memref_squeeze %dma_wait3A_415 : memref<1x80x32xf32, #tpu.memory_space<vmem>> -> memref<80x32xf32, #tpu.memory_space<vmem>>
      %dma_wait3A_417 = arith.constant 0 : i32
      %dma_wait3A_418 = tpu.memref_slice %arg7[%run_scoped3A_236, %dma_wait3A_417] : memref<5x80xi32, #tpu.memory_space<vmem>> -> memref<1x80xi32, #tpu.memory_space<vmem>>
      %dma_wait3A_419 = tpu.memref_squeeze %dma_wait3A_418 : memref<1x80xi32, #tpu.memory_space<vmem>> -> memref<80xi32, #tpu.memory_space<vmem>>
      %dma_wait3A_420 = arith.constant 0 : i32
      %dma_wait3A_421 = arith.constant 0 : i32
      %dma_wait3A_422 = tpu.memref_slice %arg9[%dma_wait3A_420, %dma_wait3A_421] : memref<10000x32xf32, #tpu.memory_space<vmem_shared>> -> memref<10000x32xf32, #tpu.memory_space<vmem_shared>>
      tpu.wait_indirect_dma semaphore(%run_scoped3A_402 : memref<!tpu.dma_semaphore, #tpu.memory_space<semaphore_mem>>) src(%dma_wait3A_416 : memref<80x32xf32, #tpu.memory_space<vmem>>) dst(%dma_wait3A_422 : memref<10000x32xf32, #tpu.memory_space<vmem_shared>>)
      tpu.yield
    }) : () -> ()
    %dma_wait3A_237 = arith.constant 246 : i32
    %dma_wait3A_238 = arith.constant 1 : i32
    %dma_wait3A_239 = arith.constant 0 : i32
    %dma_wait3A_240 = arith.constant 0 : i32
    %dma_wait3A_241 = tpu.memref_slice %arg8[%dma_wait3A_238, %dma_wait3A_239, %dma_wait3A_240] : memref<5x80x32xf32, #tpu.memory_space<vmem>> -> memref<1x80x32xf32, #tpu.memory_space<vmem>>
    %dma_wait3A_242 = tpu.memref_squeeze %dma_wait3A_241 : memref<1x80x32xf32, #tpu.memory_space<vmem>> -> memref<80x32xf32, #tpu.memory_space<vmem>>
    %dma_wait3A_243 = arith.constant 0 : i32
    %dma_wait3A_244 = tpu.memref_slice %arg6[%dma_wait3A_237, %dma_wait3A_243] : memref<250x80xi32, #tpu.memory_space<vmem>> -> memref<1x80xi32, #tpu.memory_space<vmem>>
    %dma_wait3A_245 = tpu.memref_squeeze %dma_wait3A_244 : memref<1x80xi32, #tpu.memory_space<vmem>> -> memref<80xi32, #tpu.memory_space<vmem>>
    %dma_wait3A_246 = arith.constant 0 : i32
    %dma_wait3A_247 = arith.constant 0 : i32
    %dma_wait3A_248 = tpu.memref_slice %arg2[%arg0, %dma_wait3A_246, %dma_wait3A_247] : memref<2x10000x32xf32, #tpu.memory_space<hbm>> -> memref<1x10000x32xf32, #tpu.memory_space<hbm>>
    %dma_wait3A_249 = tpu.memref_squeeze %dma_wait3A_248 : memref<1x10000x32xf32, #tpu.memory_space<hbm>> -> memref<10000x32xf32, #tpu.memory_space<hbm>>
    %dma_wait3A_250 = arith.constant 0 : i32
    %dma_wait3A_251 = arith.constant 0 : i32
    %dma_wait3A_252 = tpu.memref_slice %dma_wait3A_249[%dma_wait3A_250, %dma_wait3A_251] : memref<10000x32xf32, #tpu.memory_space<hbm>> -> memref<10000x32xf32, #tpu.memory_space<hbm>>
    tpu.wait_indirect_dma semaphore(%arg11 : memref<!tpu.dma_semaphore, #tpu.memory_space<semaphore_mem>>) src(%dma_wait3A_252 : memref<10000x32xf32, #tpu.memory_space<hbm>>) dst(%dma_wait3A_242 : memref<80x32xf32, #tpu.memory_space<vmem>>)
    %dma_wait3A_253 = arith.constant 246 : i32
    %dma_wait3A_254 = arith.constant 1 : i32
    %dma_wait3A_255 = arith.constant 0 : i32
    %dma_wait3A_256 = tpu.memref_slice %arg7[%dma_wait3A_254, %dma_wait3A_255] : memref<5x80xi32, #tpu.memory_space<vmem>> -> memref<1x80xi32, #tpu.memory_space<vmem>>
    %dma_wait3A_257 = tpu.memref_squeeze %dma_wait3A_256 : memref<1x80xi32, #tpu.memory_space<vmem>> -> memref<80xi32, #tpu.memory_space<vmem>>
    %dma_wait3A_258 = arith.constant 0 : i32
    %dma_wait3A_259 = tpu.memref_slice %arg4[%arg1, %dma_wait3A_253, %dma_wait3A_258] : memref<16x250x80xi32, #tpu.memory_space<hbm>> -> memref<1x1x80xi32, #tpu.memory_space<hbm>>
    %dma_wait3A_260 = tpu.memref_squeeze %dma_wait3A_259 : memref<1x1x80xi32, #tpu.memory_space<hbm>> -> memref<80xi32, #tpu.memory_space<hbm>>
    %dma_wait3A_261 = arith.constant 0 : i32
    %dma_wait3A_262 = tpu.memref_slice %arg7[%dma_wait3A_254, %dma_wait3A_261] : memref<5x80xi32, #tpu.memory_space<vmem>> -> memref<1x80xi32, #tpu.memory_space<vmem>>
    %dma_wait3A_263 = tpu.memref_squeeze %dma_wait3A_262 : memref<1x80xi32, #tpu.memory_space<vmem>> -> memref<80xi32, #tpu.memory_space<vmem>>
    %dma_wait3A_264 = arith.constant 0 : i32
    %dma_wait3A_265 = tpu.memref_slice %arg4[%arg1, %dma_wait3A_253, %dma_wait3A_264] : memref<16x250x80xi32, #tpu.memory_space<hbm>> -> memref<1x1x80xi32, #tpu.memory_space<hbm>>
    %dma_wait3A_266 = tpu.memref_squeeze %dma_wait3A_265 : memref<1x1x80xi32, #tpu.memory_space<hbm>> -> memref<80xi32, #tpu.memory_space<hbm>>
    tpu.wait_dma2 semaphore(%arg16 : memref<!tpu.dma_semaphore, #tpu.memory_space<semaphore_mem>>) src(%dma_wait3A_266 : memref<80xi32, #tpu.memory_space<hbm>>) dst(%dma_wait3A_263 : memref<80xi32, #tpu.memory_space<vmem>>)
    %run_scoped3A_267 = arith.constant 1 : i32
    %run_scoped3A_268 = arith.constant 1 : i32
    "tpu.region"() ({
      %run_scoped3A_402 = tpu.sem_alloc : memref<!tpu.dma_semaphore, #tpu.memory_space<semaphore_mem>>
      %dma_start3A_403 = arith.constant 0 : i32
      %dma_start3A_404 = arith.constant 0 : i32
      %dma_start3A_405 = tpu.memref_slice %arg8[%run_scoped3A_267, %dma_start3A_403, %dma_start3A_404] : memref<5x80x32xf32, #tpu.memory_space<vmem>> -> memref<1x80x32xf32, #tpu.memory_space<vmem>>
      %dma_start3A_406 = tpu.memref_squeeze %dma_start3A_405 : memref<1x80x32xf32, #tpu.memory_space<vmem>> -> memref<80x32xf32, #tpu.memory_space<vmem>>
      %dma_start3A_407 = arith.constant 0 : i32
      %dma_start3A_408 = tpu.memref_slice %arg7[%run_scoped3A_268, %dma_start3A_407] : memref<5x80xi32, #tpu.memory_space<vmem>> -> memref<1x80xi32, #tpu.memory_space<vmem>>
      %dma_start3A_409 = tpu.memref_squeeze %dma_start3A_408 : memref<1x80xi32, #tpu.memory_space<vmem>> -> memref<80xi32, #tpu.memory_space<vmem>>
      %dma_start3A_410 = arith.constant 0 : i32
      %dma_start3A_411 = arith.constant 0 : i32
      %dma_start3A_412 = tpu.memref_slice %arg9[%dma_start3A_410, %dma_start3A_411] : memref<10000x32xf32, #tpu.memory_space<vmem_shared>> -> memref<10000x32xf32, #tpu.memory_space<vmem_shared>>
      tpu.enqueue_indirect_dma source(%dma_start3A_406 : memref<80x32xf32, #tpu.memory_space<vmem>>) target(%dma_start3A_412 : memref<10000x32xf32, #tpu.memory_space<vmem_shared>>) offsets(%dma_start3A_409 : memref<80xi32, #tpu.memory_space<vmem>>) semaphore(%run_scoped3A_402 : memref<!tpu.dma_semaphore, #tpu.memory_space<semaphore_mem>>) {add = true}
      %dma_wait3A_413 = arith.constant 0 : i32
      %dma_wait3A_414 = arith.constant 0 : i32
      %dma_wait3A_415 = tpu.memref_slice %arg8[%run_scoped3A_267, %dma_wait3A_413, %dma_wait3A_414] : memref<5x80x32xf32, #tpu.memory_space<vmem>> -> memref<1x80x32xf32, #tpu.memory_space<vmem>>
      %dma_wait3A_416 = tpu.memref_squeeze %dma_wait3A_415 : memref<1x80x32xf32, #tpu.memory_space<vmem>> -> memref<80x32xf32, #tpu.memory_space<vmem>>
      %dma_wait3A_417 = arith.constant 0 : i32
      %dma_wait3A_418 = tpu.memref_slice %arg7[%run_scoped3A_268, %dma_wait3A_417] : memref<5x80xi32, #tpu.memory_space<vmem>> -> memref<1x80xi32, #tpu.memory_space<vmem>>
      %dma_wait3A_419 = tpu.memref_squeeze %dma_wait3A_418 : memref<1x80xi32, #tpu.memory_space<vmem>> -> memref<80xi32, #tpu.memory_space<vmem>>
      %dma_wait3A_420 = arith.constant 0 : i32
      %dma_wait3A_421 = arith.constant 0 : i32
      %dma_wait3A_422 = tpu.memref_slice %arg9[%dma_wait3A_420, %dma_wait3A_421] : memref<10000x32xf32, #tpu.memory_space<vmem_shared>> -> memref<10000x32xf32, #tpu.memory_space<vmem_shared>>
      tpu.wait_indirect_dma semaphore(%run_scoped3A_402 : memref<!tpu.dma_semaphore, #tpu.memory_space<semaphore_mem>>) src(%dma_wait3A_416 : memref<80x32xf32, #tpu.memory_space<vmem>>) dst(%dma_wait3A_422 : memref<10000x32xf32, #tpu.memory_space<vmem_shared>>)
      tpu.yield
    }) : () -> ()
    %dma_wait3A_269 = arith.constant 247 : i32
    %dma_wait3A_270 = arith.constant 2 : i32
    %dma_wait3A_271 = arith.constant 0 : i32
    %dma_wait3A_272 = arith.constant 0 : i32
    %dma_wait3A_273 = tpu.memref_slice %arg8[%dma_wait3A_270, %dma_wait3A_271, %dma_wait3A_272] : memref<5x80x32xf32, #tpu.memory_space<vmem>> -> memref<1x80x32xf32, #tpu.memory_space<vmem>>
    %dma_wait3A_274 = tpu.memref_squeeze %dma_wait3A_273 : memref<1x80x32xf32, #tpu.memory_space<vmem>> -> memref<80x32xf32, #tpu.memory_space<vmem>>
    %dma_wait3A_275 = arith.constant 0 : i32
    %dma_wait3A_276 = tpu.memref_slice %arg6[%dma_wait3A_269, %dma_wait3A_275] : memref<250x80xi32, #tpu.memory_space<vmem>> -> memref<1x80xi32, #tpu.memory_space<vmem>>
    %dma_wait3A_277 = tpu.memref_squeeze %dma_wait3A_276 : memref<1x80xi32, #tpu.memory_space<vmem>> -> memref<80xi32, #tpu.memory_space<vmem>>
    %dma_wait3A_278 = arith.constant 0 : i32
    %dma_wait3A_279 = arith.constant 0 : i32
    %dma_wait3A_280 = tpu.memref_slice %arg2[%arg0, %dma_wait3A_278, %dma_wait3A_279] : memref<2x10000x32xf32, #tpu.memory_space<hbm>> -> memref<1x10000x32xf32, #tpu.memory_space<hbm>>
    %dma_wait3A_281 = tpu.memref_squeeze %dma_wait3A_280 : memref<1x10000x32xf32, #tpu.memory_space<hbm>> -> memref<10000x32xf32, #tpu.memory_space<hbm>>
    %dma_wait3A_282 = arith.constant 0 : i32
    %dma_wait3A_283 = arith.constant 0 : i32
    %dma_wait3A_284 = tpu.memref_slice %dma_wait3A_281[%dma_wait3A_282, %dma_wait3A_283] : memref<10000x32xf32, #tpu.memory_space<hbm>> -> memref<10000x32xf32, #tpu.memory_space<hbm>>
    tpu.wait_indirect_dma semaphore(%arg12 : memref<!tpu.dma_semaphore, #tpu.memory_space<semaphore_mem>>) src(%dma_wait3A_284 : memref<10000x32xf32, #tpu.memory_space<hbm>>) dst(%dma_wait3A_274 : memref<80x32xf32, #tpu.memory_space<vmem>>)
    %dma_wait3A_285 = arith.constant 247 : i32
    %dma_wait3A_286 = arith.constant 2 : i32
    %dma_wait3A_287 = arith.constant 0 : i32
    %dma_wait3A_288 = tpu.memref_slice %arg7[%dma_wait3A_286, %dma_wait3A_287] : memref<5x80xi32, #tpu.memory_space<vmem>> -> memref<1x80xi32, #tpu.memory_space<vmem>>
    %dma_wait3A_289 = tpu.memref_squeeze %dma_wait3A_288 : memref<1x80xi32, #tpu.memory_space<vmem>> -> memref<80xi32, #tpu.memory_space<vmem>>
    %dma_wait3A_290 = arith.constant 0 : i32
    %dma_wait3A_291 = tpu.memref_slice %arg4[%arg1, %dma_wait3A_285, %dma_wait3A_290] : memref<16x250x80xi32, #tpu.memory_space<hbm>> -> memref<1x1x80xi32, #tpu.memory_space<hbm>>
    %dma_wait3A_292 = tpu.memref_squeeze %dma_wait3A_291 : memref<1x1x80xi32, #tpu.memory_space<hbm>> -> memref<80xi32, #tpu.memory_space<hbm>>
    %dma_wait3A_293 = arith.constant 0 : i32
    %dma_wait3A_294 = tpu.memref_slice %arg7[%dma_wait3A_286, %dma_wait3A_293] : memref<5x80xi32, #tpu.memory_space<vmem>> -> memref<1x80xi32, #tpu.memory_space<vmem>>
    %dma_wait3A_295 = tpu.memref_squeeze %dma_wait3A_294 : memref<1x80xi32, #tpu.memory_space<vmem>> -> memref<80xi32, #tpu.memory_space<vmem>>
    %dma_wait3A_296 = arith.constant 0 : i32
    %dma_wait3A_297 = tpu.memref_slice %arg4[%arg1, %dma_wait3A_285, %dma_wait3A_296] : memref<16x250x80xi32, #tpu.memory_space<hbm>> -> memref<1x1x80xi32, #tpu.memory_space<hbm>>
    %dma_wait3A_298 = tpu.memref_squeeze %dma_wait3A_297 : memref<1x1x80xi32, #tpu.memory_space<hbm>> -> memref<80xi32, #tpu.memory_space<hbm>>
    tpu.wait_dma2 semaphore(%arg17 : memref<!tpu.dma_semaphore, #tpu.memory_space<semaphore_mem>>) src(%dma_wait3A_298 : memref<80xi32, #tpu.memory_space<hbm>>) dst(%dma_wait3A_295 : memref<80xi32, #tpu.memory_space<vmem>>)
    %run_scoped3A_299 = arith.constant 2 : i32
    %run_scoped3A_300 = arith.constant 2 : i32
    "tpu.region"() ({
      %run_scoped3A_402 = tpu.sem_alloc : memref<!tpu.dma_semaphore, #tpu.memory_space<semaphore_mem>>
      %dma_start3A_403 = arith.constant 0 : i32
      %dma_start3A_404 = arith.constant 0 : i32
      %dma_start3A_405 = tpu.memref_slice %arg8[%run_scoped3A_299, %dma_start3A_403, %dma_start3A_404] : memref<5x80x32xf32, #tpu.memory_space<vmem>> -> memref<1x80x32xf32, #tpu.memory_space<vmem>>
      %dma_start3A_406 = tpu.memref_squeeze %dma_start3A_405 : memref<1x80x32xf32, #tpu.memory_space<vmem>> -> memref<80x32xf32, #tpu.memory_space<vmem>>
      %dma_start3A_407 = arith.constant 0 : i32
      %dma_start3A_408 = tpu.memref_slice %arg7[%run_scoped3A_300, %dma_start3A_407] : memref<5x80xi32, #tpu.memory_space<vmem>> -> memref<1x80xi32, #tpu.memory_space<vmem>>
      %dma_start3A_409 = tpu.memref_squeeze %dma_start3A_408 : memref<1x80xi32, #tpu.memory_space<vmem>> -> memref<80xi32, #tpu.memory_space<vmem>>
      %dma_start3A_410 = arith.constant 0 : i32
      %dma_start3A_411 = arith.constant 0 : i32
      %dma_start3A_412 = tpu.memref_slice %arg9[%dma_start3A_410, %dma_start3A_411] : memref<10000x32xf32, #tpu.memory_space<vmem_shared>> -> memref<10000x32xf32, #tpu.memory_space<vmem_shared>>
      tpu.enqueue_indirect_dma source(%dma_start3A_406 : memref<80x32xf32, #tpu.memory_space<vmem>>) target(%dma_start3A_412 : memref<10000x32xf32, #tpu.memory_space<vmem_shared>>) offsets(%dma_start3A_409 : memref<80xi32, #tpu.memory_space<vmem>>) semaphore(%run_scoped3A_402 : memref<!tpu.dma_semaphore, #tpu.memory_space<semaphore_mem>>) {add = true}
      %dma_wait3A_413 = arith.constant 0 : i32
      %dma_wait3A_414 = arith.constant 0 : i32
      %dma_wait3A_415 = tpu.memref_slice %arg8[%run_scoped3A_299, %dma_wait3A_413, %dma_wait3A_414] : memref<5x80x32xf32, #tpu.memory_space<vmem>> -> memref<1x80x32xf32, #tpu.memory_space<vmem>>
      %dma_wait3A_416 = tpu.memref_squeeze %dma_wait3A_415 : memref<1x80x32xf32, #tpu.memory_space<vmem>> -> memref<80x32xf32, #tpu.memory_space<vmem>>
      %dma_wait3A_417 = arith.constant 0 : i32
      %dma_wait3A_418 = tpu.memref_slice %arg7[%run_scoped3A_300, %dma_wait3A_417] : memref<5x80xi32, #tpu.memory_space<vmem>> -> memref<1x80xi32, #tpu.memory_space<vmem>>
      %dma_wait3A_419 = tpu.memref_squeeze %dma_wait3A_418 : memref<1x80xi32, #tpu.memory_space<vmem>> -> memref<80xi32, #tpu.memory_space<vmem>>
      %dma_wait3A_420 = arith.constant 0 : i32
      %dma_wait3A_421 = arith.constant 0 : i32
      %dma_wait3A_422 = tpu.memref_slice %arg9[%dma_wait3A_420, %dma_wait3A_421] : memref<10000x32xf32, #tpu.memory_space<vmem_shared>> -> memref<10000x32xf32, #tpu.memory_space<vmem_shared>>
      tpu.wait_indirect_dma semaphore(%run_scoped3A_402 : memref<!tpu.dma_semaphore, #tpu.memory_space<semaphore_mem>>) src(%dma_wait3A_416 : memref<80x32xf32, #tpu.memory_space<vmem>>) dst(%dma_wait3A_422 : memref<10000x32xf32, #tpu.memory_space<vmem_shared>>)
      tpu.yield
    }) : () -> ()
    %dma_wait3A_301 = arith.constant 248 : i32
    %dma_wait3A_302 = arith.constant 3 : i32
    %dma_wait3A_303 = arith.constant 0 : i32
    %dma_wait3A_304 = arith.constant 0 : i32
    %dma_wait3A_305 = tpu.memref_slice %arg8[%dma_wait3A_302, %dma_wait3A_303, %dma_wait3A_304] : memref<5x80x32xf32, #tpu.memory_space<vmem>> -> memref<1x80x32xf32, #tpu.memory_space<vmem>>
    %dma_wait3A_306 = tpu.memref_squeeze %dma_wait3A_305 : memref<1x80x32xf32, #tpu.memory_space<vmem>> -> memref<80x32xf32, #tpu.memory_space<vmem>>
    %dma_wait3A_307 = arith.constant 0 : i32
    %dma_wait3A_308 = tpu.memref_slice %arg6[%dma_wait3A_301, %dma_wait3A_307] : memref<250x80xi32, #tpu.memory_space<vmem>> -> memref<1x80xi32, #tpu.memory_space<vmem>>
    %dma_wait3A_309 = tpu.memref_squeeze %dma_wait3A_308 : memref<1x80xi32, #tpu.memory_space<vmem>> -> memref<80xi32, #tpu.memory_space<vmem>>
    %dma_wait3A_310 = arith.constant 0 : i32
    %dma_wait3A_311 = arith.constant 0 : i32
    %dma_wait3A_312 = tpu.memref_slice %arg2[%arg0, %dma_wait3A_310, %dma_wait3A_311] : memref<2x10000x32xf32, #tpu.memory_space<hbm>> -> memref<1x10000x32xf32, #tpu.memory_space<hbm>>
    %dma_wait3A_313 = tpu.memref_squeeze %dma_wait3A_312 : memref<1x10000x32xf32, #tpu.memory_space<hbm>> -> memref<10000x32xf32, #tpu.memory_space<hbm>>
    %dma_wait3A_314 = arith.constant 0 : i32
    %dma_wait3A_315 = arith.constant 0 : i32
    %dma_wait3A_316 = tpu.memref_slice %dma_wait3A_313[%dma_wait3A_314, %dma_wait3A_315] : memref<10000x32xf32, #tpu.memory_space<hbm>> -> memref<10000x32xf32, #tpu.memory_space<hbm>>
    tpu.wait_indirect_dma semaphore(%arg13 : memref<!tpu.dma_semaphore, #tpu.memory_space<semaphore_mem>>) src(%dma_wait3A_316 : memref<10000x32xf32, #tpu.memory_space<hbm>>) dst(%dma_wait3A_306 : memref<80x32xf32, #tpu.memory_space<vmem>>)
    %dma_wait3A_317 = arith.constant 248 : i32
    %dma_wait3A_318 = arith.constant 3 : i32
    %dma_wait3A_319 = arith.constant 0 : i32
    %dma_wait3A_320 = tpu.memref_slice %arg7[%dma_wait3A_318, %dma_wait3A_319] : memref<5x80xi32, #tpu.memory_space<vmem>> -> memref<1x80xi32, #tpu.memory_space<vmem>>
    %dma_wait3A_321 = tpu.memref_squeeze %dma_wait3A_320 : memref<1x80xi32, #tpu.memory_space<vmem>> -> memref<80xi32, #tpu.memory_space<vmem>>
    %dma_wait3A_322 = arith.constant 0 : i32
    %dma_wait3A_323 = tpu.memref_slice %arg4[%arg1, %dma_wait3A_317, %dma_wait3A_322] : memref<16x250x80xi32, #tpu.memory_space<hbm>> -> memref<1x1x80xi32, #tpu.memory_space<hbm>>
    %dma_wait3A_324 = tpu.memref_squeeze %dma_wait3A_323 : memref<1x1x80xi32, #tpu.memory_space<hbm>> -> memref<80xi32, #tpu.memory_space<hbm>>
    %dma_wait3A_325 = arith.constant 0 : i32
    %dma_wait3A_326 = tpu.memref_slice %arg7[%dma_wait3A_318, %dma_wait3A_325] : memref<5x80xi32, #tpu.memory_space<vmem>> -> memref<1x80xi32, #tpu.memory_space<vmem>>
    %dma_wait3A_327 = tpu.memref_squeeze %dma_wait3A_326 : memref<1x80xi32, #tpu.memory_space<vmem>> -> memref<80xi32, #tpu.memory_space<vmem>>
    %dma_wait3A_328 = arith.constant 0 : i32
    %dma_wait3A_329 = tpu.memref_slice %arg4[%arg1, %dma_wait3A_317, %dma_wait3A_328] : memref<16x250x80xi32, #tpu.memory_space<hbm>> -> memref<1x1x80xi32, #tpu.memory_space<hbm>>
    %dma_wait3A_330 = tpu.memref_squeeze %dma_wait3A_329 : memref<1x1x80xi32, #tpu.memory_space<hbm>> -> memref<80xi32, #tpu.memory_space<hbm>>
    tpu.wait_dma2 semaphore(%arg18 : memref<!tpu.dma_semaphore, #tpu.memory_space<semaphore_mem>>) src(%dma_wait3A_330 : memref<80xi32, #tpu.memory_space<hbm>>) dst(%dma_wait3A_327 : memref<80xi32, #tpu.memory_space<vmem>>)
    %run_scoped3A_331 = arith.constant 3 : i32
    %run_scoped3A_332 = arith.constant 3 : i32
    "tpu.region"() ({
      %run_scoped3A_402 = tpu.sem_alloc : memref<!tpu.dma_semaphore, #tpu.memory_space<semaphore_mem>>
      %dma_start3A_403 = arith.constant 0 : i32
      %dma_start3A_404 = arith.constant 0 : i32
      %dma_start3A_405 = tpu.memref_slice %arg8[%run_scoped3A_331, %dma_start3A_403, %dma_start3A_404] : memref<5x80x32xf32, #tpu.memory_space<vmem>> -> memref<1x80x32xf32, #tpu.memory_space<vmem>>
      %dma_start3A_406 = tpu.memref_squeeze %dma_start3A_405 : memref<1x80x32xf32, #tpu.memory_space<vmem>> -> memref<80x32xf32, #tpu.memory_space<vmem>>
      %dma_start3A_407 = arith.constant 0 : i32
      %dma_start3A_408 = tpu.memref_slice %arg7[%run_scoped3A_332, %dma_start3A_407] : memref<5x80xi32, #tpu.memory_space<vmem>> -> memref<1x80xi32, #tpu.memory_space<vmem>>
      %dma_start3A_409 = tpu.memref_squeeze %dma_start3A_408 : memref<1x80xi32, #tpu.memory_space<vmem>> -> memref<80xi32, #tpu.memory_space<vmem>>
      %dma_start3A_410 = arith.constant 0 : i32
      %dma_start3A_411 = arith.constant 0 : i32
      %dma_start3A_412 = tpu.memref_slice %arg9[%dma_start3A_410, %dma_start3A_411] : memref<10000x32xf32, #tpu.memory_space<vmem_shared>> -> memref<10000x32xf32, #tpu.memory_space<vmem_shared>>
      tpu.enqueue_indirect_dma source(%dma_start3A_406 : memref<80x32xf32, #tpu.memory_space<vmem>>) target(%dma_start3A_412 : memref<10000x32xf32, #tpu.memory_space<vmem_shared>>) offsets(%dma_start3A_409 : memref<80xi32, #tpu.memory_space<vmem>>) semaphore(%run_scoped3A_402 : memref<!tpu.dma_semaphore, #tpu.memory_space<semaphore_mem>>) {add = true}
      %dma_wait3A_413 = arith.constant 0 : i32
      %dma_wait3A_414 = arith.constant 0 : i32
      %dma_wait3A_415 = tpu.memref_slice %arg8[%run_scoped3A_331, %dma_wait3A_413, %dma_wait3A_414] : memref<5x80x32xf32, #tpu.memory_space<vmem>> -> memref<1x80x32xf32, #tpu.memory_space<vmem>>
      %dma_wait3A_416 = tpu.memref_squeeze %dma_wait3A_415 : memref<1x80x32xf32, #tpu.memory_space<vmem>> -> memref<80x32xf32, #tpu.memory_space<vmem>>
      %dma_wait3A_417 = arith.constant 0 : i32
      %dma_wait3A_418 = tpu.memref_slice %arg7[%run_scoped3A_332, %dma_wait3A_417] : memref<5x80xi32, #tpu.memory_space<vmem>> -> memref<1x80xi32, #tpu.memory_space<vmem>>
      %dma_wait3A_419 = tpu.memref_squeeze %dma_wait3A_418 : memref<1x80xi32, #tpu.memory_space<vmem>> -> memref<80xi32, #tpu.memory_space<vmem>>
      %dma_wait3A_420 = arith.constant 0 : i32
      %dma_wait3A_421 = arith.constant 0 : i32
      %dma_wait3A_422 = tpu.memref_slice %arg9[%dma_wait3A_420, %dma_wait3A_421] : memref<10000x32xf32, #tpu.memory_space<vmem_shared>> -> memref<10000x32xf32, #tpu.memory_space<vmem_shared>>
      tpu.wait_indirect_dma semaphore(%run_scoped3A_402 : memref<!tpu.dma_semaphore, #tpu.memory_space<semaphore_mem>>) src(%dma_wait3A_416 : memref<80x32xf32, #tpu.memory_space<vmem>>) dst(%dma_wait3A_422 : memref<10000x32xf32, #tpu.memory_space<vmem_shared>>)
      tpu.yield
    }) : () -> ()
    %dma_wait3A_333 = arith.constant 249 : i32
    %dma_wait3A_334 = arith.constant 4 : i32
    %dma_wait3A_335 = arith.constant 0 : i32
    %dma_wait3A_336 = arith.constant 0 : i32
    %dma_wait3A_337 = tpu.memref_slice %arg8[%dma_wait3A_334, %dma_wait3A_335, %dma_wait3A_336] : memref<5x80x32xf32, #tpu.memory_space<vmem>> -> memref<1x80x32xf32, #tpu.memory_space<vmem>>
    %dma_wait3A_338 = tpu.memref_squeeze %dma_wait3A_337 : memref<1x80x32xf32, #tpu.memory_space<vmem>> -> memref<80x32xf32, #tpu.memory_space<vmem>>
    %dma_wait3A_339 = arith.constant 0 : i32
    %dma_wait3A_340 = tpu.memref_slice %arg6[%dma_wait3A_333, %dma_wait3A_339] : memref<250x80xi32, #tpu.memory_space<vmem>> -> memref<1x80xi32, #tpu.memory_space<vmem>>
    %dma_wait3A_341 = tpu.memref_squeeze %dma_wait3A_340 : memref<1x80xi32, #tpu.memory_space<vmem>> -> memref<80xi32, #tpu.memory_space<vmem>>
    %dma_wait3A_342 = arith.constant 0 : i32
    %dma_wait3A_343 = arith.constant 0 : i32
    %dma_wait3A_344 = tpu.memref_slice %arg2[%arg0, %dma_wait3A_342, %dma_wait3A_343] : memref<2x10000x32xf32, #tpu.memory_space<hbm>> -> memref<1x10000x32xf32, #tpu.memory_space<hbm>>
    %dma_wait3A_345 = tpu.memref_squeeze %dma_wait3A_344 : memref<1x10000x32xf32, #tpu.memory_space<hbm>> -> memref<10000x32xf32, #tpu.memory_space<hbm>>
    %dma_wait3A_346 = arith.constant 0 : i32
    %dma_wait3A_347 = arith.constant 0 : i32
    %dma_wait3A_348 = tpu.memref_slice %dma_wait3A_345[%dma_wait3A_346, %dma_wait3A_347] : memref<10000x32xf32, #tpu.memory_space<hbm>> -> memref<10000x32xf32, #tpu.memory_space<hbm>>
    tpu.wait_indirect_dma semaphore(%arg14 : memref<!tpu.dma_semaphore, #tpu.memory_space<semaphore_mem>>) src(%dma_wait3A_348 : memref<10000x32xf32, #tpu.memory_space<hbm>>) dst(%dma_wait3A_338 : memref<80x32xf32, #tpu.memory_space<vmem>>)
    %dma_wait3A_349 = arith.constant 249 : i32
    %dma_wait3A_350 = arith.constant 4 : i32
    %dma_wait3A_351 = arith.constant 0 : i32
    %dma_wait3A_352 = tpu.memref_slice %arg7[%dma_wait3A_350, %dma_wait3A_351] : memref<5x80xi32, #tpu.memory_space<vmem>> -> memref<1x80xi32, #tpu.memory_space<vmem>>
    %dma_wait3A_353 = tpu.memref_squeeze %dma_wait3A_352 : memref<1x80xi32, #tpu.memory_space<vmem>> -> memref<80xi32, #tpu.memory_space<vmem>>
    %dma_wait3A_354 = arith.constant 0 : i32
    %dma_wait3A_355 = tpu.memref_slice %arg4[%arg1, %dma_wait3A_349, %dma_wait3A_354] : memref<16x250x80xi32, #tpu.memory_space<hbm>> -> memref<1x1x80xi32, #tpu.memory_space<hbm>>
    %dma_wait3A_356 = tpu.memref_squeeze %dma_wait3A_355 : memref<1x1x80xi32, #tpu.memory_space<hbm>> -> memref<80xi32, #tpu.memory_space<hbm>>
    %dma_wait3A_357 = arith.constant 0 : i32
    %dma_wait3A_358 = tpu.memref_slice %arg7[%dma_wait3A_350, %dma_wait3A_357] : memref<5x80xi32, #tpu.memory_space<vmem>> -> memref<1x80xi32, #tpu.memory_space<vmem>>
    %dma_wait3A_359 = tpu.memref_squeeze %dma_wait3A_358 : memref<1x80xi32, #tpu.memory_space<vmem>> -> memref<80xi32, #tpu.memory_space<vmem>>
    %dma_wait3A_360 = arith.constant 0 : i32
    %dma_wait3A_361 = tpu.memref_slice %arg4[%arg1, %dma_wait3A_349, %dma_wait3A_360] : memref<16x250x80xi32, #tpu.memory_space<hbm>> -> memref<1x1x80xi32, #tpu.memory_space<hbm>>
    %dma_wait3A_362 = tpu.memref_squeeze %dma_wait3A_361 : memref<1x1x80xi32, #tpu.memory_space<hbm>> -> memref<80xi32, #tpu.memory_space<hbm>>
    tpu.wait_dma2 semaphore(%arg19 : memref<!tpu.dma_semaphore, #tpu.memory_space<semaphore_mem>>) src(%dma_wait3A_362 : memref<80xi32, #tpu.memory_space<hbm>>) dst(%dma_wait3A_359 : memref<80xi32, #tpu.memory_space<vmem>>)
    %run_scoped3A_363 = arith.constant 4 : i32
    %run_scoped3A_364 = arith.constant 4 : i32
    "tpu.region"() ({
      %run_scoped3A_402 = tpu.sem_alloc : memref<!tpu.dma_semaphore, #tpu.memory_space<semaphore_mem>>
      %dma_start3A_403 = arith.constant 0 : i32
      %dma_start3A_404 = arith.constant 0 : i32
      %dma_start3A_405 = tpu.memref_slice %arg8[%run_scoped3A_363, %dma_start3A_403, %dma_start3A_404] : memref<5x80x32xf32, #tpu.memory_space<vmem>> -> memref<1x80x32xf32, #tpu.memory_space<vmem>>
      %dma_start3A_406 = tpu.memref_squeeze %dma_start3A_405 : memref<1x80x32xf32, #tpu.memory_space<vmem>> -> memref<80x32xf32, #tpu.memory_space<vmem>>
      %dma_start3A_407 = arith.constant 0 : i32
      %dma_start3A_408 = tpu.memref_slice %arg7[%run_scoped3A_364, %dma_start3A_407] : memref<5x80xi32, #tpu.memory_space<vmem>> -> memref<1x80xi32, #tpu.memory_space<vmem>>
      %dma_start3A_409 = tpu.memref_squeeze %dma_start3A_408 : memref<1x80xi32, #tpu.memory_space<vmem>> -> memref<80xi32, #tpu.memory_space<vmem>>
      %dma_start3A_410 = arith.constant 0 : i32
      %dma_start3A_411 = arith.constant 0 : i32
      %dma_start3A_412 = tpu.memref_slice %arg9[%dma_start3A_410, %dma_start3A_411] : memref<10000x32xf32, #tpu.memory_space<vmem_shared>> -> memref<10000x32xf32, #tpu.memory_space<vmem_shared>>
      tpu.enqueue_indirect_dma source(%dma_start3A_406 : memref<80x32xf32, #tpu.memory_space<vmem>>) target(%dma_start3A_412 : memref<10000x32xf32, #tpu.memory_space<vmem_shared>>) offsets(%dma_start3A_409 : memref<80xi32, #tpu.memory_space<vmem>>) semaphore(%run_scoped3A_402 : memref<!tpu.dma_semaphore, #tpu.memory_space<semaphore_mem>>) {add = true}
      %dma_wait3A_413 = arith.constant 0 : i32
      %dma_wait3A_414 = arith.constant 0 : i32
      %dma_wait3A_415 = tpu.memref_slice %arg8[%run_scoped3A_363, %dma_wait3A_413, %dma_wait3A_414] : memref<5x80x32xf32, #tpu.memory_space<vmem>> -> memref<1x80x32xf32, #tpu.memory_space<vmem>>
      %dma_wait3A_416 = tpu.memref_squeeze %dma_wait3A_415 : memref<1x80x32xf32, #tpu.memory_space<vmem>> -> memref<80x32xf32, #tpu.memory_space<vmem>>
      %dma_wait3A_417 = arith.constant 0 : i32
      %dma_wait3A_418 = tpu.memref_slice %arg7[%run_scoped3A_364, %dma_wait3A_417] : memref<5x80xi32, #tpu.memory_space<vmem>> -> memref<1x80xi32, #tpu.memory_space<vmem>>
      %dma_wait3A_419 = tpu.memref_squeeze %dma_wait3A_418 : memref<1x80xi32, #tpu.memory_space<vmem>> -> memref<80xi32, #tpu.memory_space<vmem>>
      %dma_wait3A_420 = arith.constant 0 : i32
      %dma_wait3A_421 = arith.constant 0 : i32
      %dma_wait3A_422 = tpu.memref_slice %arg9[%dma_wait3A_420, %dma_wait3A_421] : memref<10000x32xf32, #tpu.memory_space<vmem_shared>> -> memref<10000x32xf32, #tpu.memory_space<vmem_shared>>
      tpu.wait_indirect_dma semaphore(%run_scoped3A_402 : memref<!tpu.dma_semaphore, #tpu.memory_space<semaphore_mem>>) src(%dma_wait3A_416 : memref<80x32xf32, #tpu.memory_space<vmem>>) dst(%dma_wait3A_422 : memref<10000x32xf32, #tpu.memory_space<vmem_shared>>)
      tpu.yield
    }) : () -> ()
    %barrier3A_365 = arith.constant 0 : index
    tpu.barrier barrier_id(%barrier3A_365)
    %sub3A_366 = arith.constant 125 : i32
    %sub3A_367 = arith.subi %sub3A_366, %arg1 : i32
    %sub3A_368 = arith.constant 16 : i32
    %sub3A_369 = arith.constant 1 : i32
    %sub3A_370 = arith.subi %sub3A_368, %sub3A_369 : i32
    %add3A_371 = arith.addi %sub3A_367, %sub3A_370 : i32
    %div3A_372 = arith.constant 16 : i32
    %div3A_373 = arith.divsi %add3A_371, %div3A_372 : i32
    %while3A_374 = arith.constant 16 : i32
    %while3A_375 = arith.constant 0 : i32
    %while3A_376 = arith.subi %div3A_373, %while3A_375 : i32
    %while3A_377 = arith.addi %while3A_375, %while3A_376 : i32
    %while3A_378 = arith.constant 1 : i32
    %while3A_379 = arith.divsi %while3A_376, %while3A_378 : i32
    %while3A_380 = arith.muli %while3A_379, %while3A_378 : i32
    %while3A_381 = arith.addi %while3A_375, %while3A_380 : i32
    %while3A_382 = arith.constant 1 : i32
    scf.for %while3A_402 = %while3A_375 to %while3A_381 step %while3A_382  : i32 {
      %mul3A = arith.muli %while3A_402, %while3A_374 : i32
      %add3A_403 = arith.addi %arg1, %mul3A : i32
      %mul3A_404 = arith.constant 80 : i32
      %mul3A_405 = arith.muli %add3A_403, %mul3A_404 : i32
      %mul3A_406 = arith.constant 80 : i32
      %mul3A_407 = arith.muli %add3A_403, %mul3A_406 : i32
      %dma_start3A_408 = arith.constant 0 : i32
      %dma_start3A_409 = tpu.memref_slice %arg5[%arg0, %mul3A_407, %dma_start3A_408] : memref<2x10000x32xf32, #tpu.memory_space<hbm>> -> memref<1x80x32xf32, #tpu.memory_space<hbm>>
      %dma_start3A_410 = tpu.memref_squeeze %dma_start3A_409 : memref<1x80x32xf32, #tpu.memory_space<hbm>> -> memref<80x32xf32, #tpu.memory_space<hbm>>
      %dma_start3A_411 = arith.constant 0 : i32
      %dma_start3A_412 = tpu.memref_slice %arg9[%mul3A_405, %dma_start3A_411] : memref<10000x32xf32, #tpu.memory_space<vmem_shared>> -> memref<80x32xf32, #tpu.memory_space<vmem_shared>>
      tpu.enqueue_dma source(%dma_start3A_412 : memref<80x32xf32, #tpu.memory_space<vmem_shared>>) target(%dma_start3A_410 : memref<80x32xf32, #tpu.memory_space<hbm>>) target_semaphore(%arg10 : memref<!tpu.dma_semaphore, #tpu.memory_space<semaphore_mem>>)
    }
    %while3A_383 = arith.constant 1 : i32
    scf.for %while3A_402 = %while3A_381 to %while3A_377 step %while3A_383  : i32 {
      %mul3A = arith.muli %while3A_402, %while3A_374 : i32
      %add3A_403 = arith.addi %arg1, %mul3A : i32
      %mul3A_404 = arith.constant 80 : i32
      %mul3A_405 = arith.muli %add3A_403, %mul3A_404 : i32
      %mul3A_406 = arith.constant 80 : i32
      %mul3A_407 = arith.muli %add3A_403, %mul3A_406 : i32
      %dma_start3A_408 = arith.constant 0 : i32
      %dma_start3A_409 = tpu.memref_slice %arg5[%arg0, %mul3A_407, %dma_start3A_408] : memref<2x10000x32xf32, #tpu.memory_space<hbm>> -> memref<1x80x32xf32, #tpu.memory_space<hbm>>
      %dma_start3A_410 = tpu.memref_squeeze %dma_start3A_409 : memref<1x80x32xf32, #tpu.memory_space<hbm>> -> memref<80x32xf32, #tpu.memory_space<hbm>>
      %dma_start3A_411 = arith.constant 0 : i32
      %dma_start3A_412 = tpu.memref_slice %arg9[%mul3A_405, %dma_start3A_411] : memref<10000x32xf32, #tpu.memory_space<vmem_shared>> -> memref<80x32xf32, #tpu.memory_space<vmem_shared>>
      tpu.enqueue_dma source(%dma_start3A_412 : memref<80x32xf32, #tpu.memory_space<vmem_shared>>) target(%dma_start3A_410 : memref<80x32xf32, #tpu.memory_space<hbm>>) target_semaphore(%arg10 : memref<!tpu.dma_semaphore, #tpu.memory_space<semaphore_mem>>)
    }
    %sub3A_384 = arith.constant 125 : i32
    %sub3A_385 = arith.subi %sub3A_384, %arg1 : i32
    %sub3A_386 = arith.constant 16 : i32
    %sub3A_387 = arith.constant 1 : i32
    %sub3A_388 = arith.subi %sub3A_386, %sub3A_387 : i32
    %add3A_389 = arith.addi %sub3A_385, %sub3A_388 : i32
    %div3A_390 = arith.constant 16 : i32
    %div3A_391 = arith.divsi %add3A_389, %div3A_390 : i32
    %while3A_392 = arith.constant 16 : i32
    %while3A_393 = arith.constant 0 : i32
    %while3A_394 = arith.subi %div3A_391, %while3A_393 : i32
    %while3A_395 = arith.addi %while3A_393, %while3A_394 : i32
    %while3A_396 = arith.constant 1 : i32
    %while3A_397 = arith.divsi %while3A_394, %while3A_396 : i32
    %while3A_398 = arith.muli %while3A_397, %while3A_396 : i32
    %while3A_399 = arith.addi %while3A_393, %while3A_398 : i32
    %while3A_400 = arith.constant 1 : i32
    scf.for %while3A_402 = %while3A_393 to %while3A_399 step %while3A_400  : i32 {
      %mul3A = arith.muli %while3A_402, %while3A_392 : i32
      %add3A_403 = arith.addi %arg1, %mul3A : i32
      %mul3A_404 = arith.constant 80 : i32
      %mul3A_405 = arith.muli %add3A_403, %mul3A_404 : i32
      %mul3A_406 = arith.constant 80 : i32
      %mul3A_407 = arith.muli %add3A_403, %mul3A_406 : i32
      %dma_wait3A_408 = arith.constant 0 : i32
      %dma_wait3A_409 = tpu.memref_slice %arg5[%arg0, %mul3A_407, %dma_wait3A_408] : memref<2x10000x32xf32, #tpu.memory_space<hbm>> -> memref<1x80x32xf32, #tpu.memory_space<hbm>>
      %dma_wait3A_410 = tpu.memref_squeeze %dma_wait3A_409 : memref<1x80x32xf32, #tpu.memory_space<hbm>> -> memref<80x32xf32, #tpu.memory_space<hbm>>
      %dma_wait3A_411 = arith.constant 0 : i32
      %dma_wait3A_412 = tpu.memref_slice %arg9[%mul3A_405, %dma_wait3A_411] : memref<10000x32xf32, #tpu.memory_space<vmem_shared>> -> memref<80x32xf32, #tpu.memory_space<vmem_shared>>
      tpu.wait_dma2 semaphore(%arg10 : memref<!tpu.dma_semaphore, #tpu.memory_space<semaphore_mem>>) src(%dma_wait3A_412 : memref<80x32xf32, #tpu.memory_space<vmem_shared>>) dst(%dma_wait3A_410 : memref<80x32xf32, #tpu.memory_space<hbm>>)
    }
    %while3A_401 = arith.constant 1 : i32
    scf.for %while3A_402 = %while3A_399 to %while3A_395 step %while3A_401  : i32 {
      %mul3A = arith.muli %while3A_402, %while3A_392 : i32
      %add3A_403 = arith.addi %arg1, %mul3A : i32
      %mul3A_404 = arith.constant 80 : i32
      %mul3A_405 = arith.muli %add3A_403, %mul3A_404 : i32
      %mul3A_406 = arith.constant 80 : i32
      %mul3A_407 = arith.muli %add3A_403, %mul3A_406 : i32
      %dma_wait3A_408 = arith.constant 0 : i32
      %dma_wait3A_409 = tpu.memref_slice %arg5[%arg0, %mul3A_407, %dma_wait3A_408] : memref<2x10000x32xf32, #tpu.memory_space<hbm>> -> memref<1x80x32xf32, #tpu.memory_space<hbm>>
      %dma_wait3A_410 = tpu.memref_squeeze %dma_wait3A_409 : memref<1x80x32xf32, #tpu.memory_space<hbm>> -> memref<80x32xf32, #tpu.memory_space<hbm>>
      %dma_wait3A_411 = arith.constant 0 : i32
      %dma_wait3A_412 = tpu.memref_slice %arg9[%mul3A_405, %dma_wait3A_411] : memref<10000x32xf32, #tpu.memory_space<vmem_shared>> -> memref<80x32xf32, #tpu.memory_space<vmem_shared>>
      tpu.wait_dma2 semaphore(%arg10 : memref<!tpu.dma_semaphore, #tpu.memory_space<semaphore_mem>>) src(%dma_wait3A_412 : memref<80x32xf32, #tpu.memory_space<vmem_shared>>) dst(%dma_wait3A_410 : memref<80x32xf32, #tpu.memory_space<hbm>>)
    }
    return
  }
}

module attributes {stable_mosaic.version = 14 : i64} {
  func.func @body(%arg0: memref<2x10000x128xf32, #tpu.memory_space<vmem>>, %arg1: memref<128x128xf32, #tpu.memory_space<vmem>>, %arg2: memref<128x64xf32, #tpu.memory_space<vmem>>, %arg3: memref<2x10000x32xf32, #tpu.memory_space<vmem>>) attributes {dimension_semantics = [], scalar_prefetch = 0 : i64, scratch_operands = 0 : i64, tpu.core_type = #tpu.core_type<tc>} {
    %get3A = arith.constant 0 : index
    %get3A_0 = arith.constant 0 : index
    %get3A_1 = arith.constant 0 : index
    %get3A_2 = vector.load %arg0[%get3A, %get3A_0, %get3A_1] : memref<2x10000x128xf32, #tpu.memory_space<vmem>>, vector<1x10000x128xf32>
    %get3A_3 = vector.shape_cast %get3A_2 : vector<1x10000x128xf32> to vector<10000x128xf32>
    %get3A_4 = arith.constant 1 : index
    %get3A_5 = arith.constant 0 : index
    %get3A_6 = arith.constant 0 : index
    %get3A_7 = vector.load %arg0[%get3A_4, %get3A_5, %get3A_6] : memref<2x10000x128xf32, #tpu.memory_space<vmem>>, vector<1x10000x128xf32>
    %get3A_8 = vector.shape_cast %get3A_7 : vector<1x10000x128xf32> to vector<10000x128xf32>
    %add3A = arith.addf %get3A_3, %get3A_8 : vector<10000x128xf32>
    %get3A_9 = arith.constant 0 : index
    %get3A_10 = arith.constant 0 : index
    %get3A_11 = vector.load %arg1[%get3A_9, %get3A_10] : memref<128x128xf32, #tpu.memory_space<vmem>>, vector<128x128xf32>
    %dot_general3A = arith.constant dense<0.000000e+00> : vector<10000x128xf32>
    %dot_general3A_12 = tpu.matmul %add3A, %get3A_11, %dot_general3A {dimension_numbers = #tpu.dot_dimension_numbers<[1], [0], [0], [1], [0, 0, 1, 1], [], []>, precision = #tpu.contract_precision<fp32>, transpose_lhs_hint = false} : vector<10000x128xf32>, vector<128x128xf32>, vector<10000x128xf32> -> vector<10000x128xf32>
    %max3A = arith.constant 0.000000e+00 : f32
    %max3A_13 = vector.broadcast %max3A : f32 to vector<10000x128xf32>
    %max3A_14 = arith.maximumf %dot_general3A_12, %max3A_13 : vector<10000x128xf32>
    %get3A_15 = arith.constant 0 : index
    %get3A_16 = arith.constant 0 : index
    %get3A_17 = vector.load %arg2[%get3A_15, %get3A_16] : memref<128x64xf32, #tpu.memory_space<vmem>>, vector<128x64xf32>
    %dot_general3A_18 = arith.constant dense<0.000000e+00> : vector<10000x64xf32>
    %dot_general3A_19 = tpu.matmul %max3A_14, %get3A_17, %dot_general3A_18 {dimension_numbers = #tpu.dot_dimension_numbers<[1], [0], [0], [1], [0, 0, 1, 1], [], []>, precision = #tpu.contract_precision<fp32>, transpose_lhs_hint = false} : vector<10000x128xf32>, vector<128x64xf32>, vector<10000x64xf32> -> vector<10000x64xf32>
    %slice3A = vector.extract_strided_slice %dot_general3A_19 {offsets = [0, 0], sizes = [10000, 32], strides = [1, 1]} : vector<10000x64xf32> to vector<10000x32xf32>
    %swap3A = arith.constant 0 : index
    %swap3A_20 = arith.constant 0 : index
    %swap3A_21 = arith.constant 0 : index
    %swap3A_22 = vector.load %arg3[%swap3A, %swap3A_20, %swap3A_21] : memref<2x10000x32xf32, #tpu.memory_space<vmem>>, vector<1x10000x32xf32>
    %swap3A_23 = vector.shape_cast %swap3A_22 : vector<1x10000x32xf32> to vector<10000x32xf32>
    %swap3A_24 = vector.shape_cast %slice3A : vector<10000x32xf32> to vector<1x10000x32xf32>
    tpu.vector_store %arg3[%swap3A, %swap3A_20, %swap3A_21], %swap3A_24 {strides = array<i32>} : memref<2x10000x32xf32, #tpu.memory_space<vmem>>, vector<1x10000x32xf32>,
    %slice3A_25 = vector.extract_strided_slice %dot_general3A_19 {offsets = [0, 32], sizes = [10000, 32], strides = [1, 1]} : vector<10000x64xf32> to vector<10000x32xf32>
    %swap3A_26 = arith.constant 1 : index
    %swap3A_27 = arith.constant 0 : index
    %swap3A_28 = arith.constant 0 : index
    %swap3A_29 = vector.load %arg3[%swap3A_26, %swap3A_27, %swap3A_28] : memref<2x10000x32xf32, #tpu.memory_space<vmem>>, vector<1x10000x32xf32>
    %swap3A_30 = vector.shape_cast %swap3A_29 : vector<1x10000x32xf32> to vector<10000x32xf32>
    %swap3A_31 = vector.shape_cast %slice3A_25 : vector<10000x32xf32> to vector<1x10000x32xf32>
    tpu.vector_store %arg3[%swap3A_26, %swap3A_27, %swap3A_28], %swap3A_31 {strides = array<i32>} : memref<2x10000x32xf32, #tpu.memory_space<vmem>>, vector<1x10000x32xf32>,
    return
  }
}

</mosaic_0001>

<sc_bundles>
// kernel: kernel.5.cloned.1.call-start
scs
__scs_entry_jumppad:
0x0: {  	(pc) =	sbr.rel $0x88, $3  }
0x1: {  	(tag) =	ssettag $0x0;
	lr =	simm.s32 $0x1  }
0x2: {  	[smem:$0x3F9D] =	sst lr;
	_ =	strace $0xD0000000  }
0x3: {  	_ = 	snop  }
0x4: {  	_ = 	snop  }
0x5: {  	_ = 	snop  }
0x6: {  	_ = 	snop  }
0x7: {  	_ = 	snop  }
__scs_overlays_trampoline_lowered:
0x8: {  	[smem:$0x3FAC] =	sst s0  }
0x9: {  	[smem:$0x3FAD] =	sst s1  }
0xa: {  	[smem:$0x3FAE] =	sst s2  }
0xb: {  	[smem:$0x3FAF] =	sst s3  }
0xc: {  	[smem:$0x3FB0] =	sst s4  }
0xd: {  	[smem:$0x3FB1] =	sst s5  }
0xe: {  	[smem:$0x3FB2] =	sst s6  }
0xf: {  	[smem:$0x3FB3] =	sst s7  }
0x10: {  	[smem:$0x3FB4] =	sst s8  }
0x11: {  	[smem:$0x3FB5] =	sst s9;
	s0 =	simm.s32 @!p0 $0x0  }
0x12: {  	s1 =	sld [smem:$0x3F9B];
	s0 =	simm.s32 @p0 $0x1  }
0x13: {  	[smem:$0x3FB6] =	sst s0;
	s0 =	simm.s32 @!p1 $0x0  }
0x14: {  	s2 =	sld [smem:$0x3F9A];
	s0 =	simm.s32 @p1 $0x1  }
0x15: {  	[smem:$0x3FB7] =	sst s0;
	s0 =	simm.s32 @!p2 $0x0  }
0x16: {  	s3 =	sld [smem:$0x3FDB];
	s0 =	simm.s32 @p2 $0x1  }
0x17: {  	s4 =	simm.s32 $0x1BF5;
	[smem:$0x3FB9] =	sst s0  }
0x18: {  	s0 =	sld [smem:$0x3F9C];
	_ =	swait.ge [sflag:s4], $0x0  }
0x19: {  	s7 =	sld [smem:$0x3F9D]  }
0x1a: {  	s8 =	sadd.s32 $0xFFFFE003, lr  }
0x1b: {  	s9 =	sadd.s32 $0xFFFFFEF7, lr;
	s5 =	simm.s32 $0xFFFFFFFF;
	p2 =	slt.u32 s8, $0xFFFFF086  }
0x1c: {  	p1 =	slt.u32 s9, $0xF7A;
	s5 =	simm.s32 @!p2 $0x0  }
0x1d: {  	s5 =	simm.s32 @p1 $0x1;
	p0 =	seq.s32 s7, s2  }
0x1e: {  	s7 =	smul.u32 @!p0 $0xF7A, s2;
	p2 =	seq.s32 @!p0 s5, $0x0  }
0x1f: {  	s9 =	smul.u32 $0xF7A, s1;
	s8 =	simm.s32 @!p0 $0x1BF5;
	p2 =	por !p2, p0  }
0x20: {  	[sflag:s8] =	ssyncset.s32 @!p0 $0xFFFFF086;
	s6 =	sadd.s32 @!p0 s3, s7;
	s7 =	simm.s32 @!p0 $0x108  }
0x21: {  	s3 =	sadd.s32 s3, s9;
	s6 =	sadd.s32 @!p0 $0x88, s6;
	s7 =	simm.s32 @p2 $0x1082  }
0x22: {  	[simem:s7], [sflag:s8] =	dma.local @!p0 [hbm:s6], $0xF7A  }
0x23: {  	s9 =	sor.u32 $0xD0000000, s2;
	s6 =	simm.s32 $0x108;
	_ =	swait.ge @!p0 [sflag:s8], $0x0  }
0x24: {  	s3 =	sadd.s32 $0x88, s3;
	s6 =	simm.s32 @!p1 $0x1082;
	[sflag:s4] =	ssyncset.s32 $0xFFFFF086  }
0x25: {  	[simem:s6], [sflag:s4] =	dma.local [hbm:s3], $0xF7A  }
0x26: {  	[smem:$0x3F9D] =	sst s1;
	(tag) =	ssettag s2;
	_ =	strace s9  }
0x27: {  	s1 =	sld [smem:$0x3FAD]  }
0x28: {  	s2 =	sld [smem:$0x3FAE]  }
0x29: {  	s4 =	sld [smem:$0x3FB0]  }
0x2a: {  	p0 =	seq.s32 s5, $0x0;
	s5 =	sld [smem:$0x3FB1]  }
0x2b: {  	s6 =	sld [smem:$0x3FB2]  }
0x2c: {  	s7 =	sld [smem:$0x3FB3]  }
0x2d: {  	s3 =	simm.s32 $0x108;
	s8 =	sld [smem:$0x3FB4]  }
0x2e: {  	s3 =	simm.s32 @!p0 $0x1082;
	s9 =	sld [smem:$0x3FB5]  }
0x2f: {  	lr =	sadd.s32 s0, s3;
	s0 =	sld [smem:$0x3FAC]  }
0x30: {  	s3 =	sld [smem:$0x3FAF]  }
0x31: {  	[smem:$0x3FB8] =	sst s10  }
0x32: {  	s10 =	sld [smem:$0x3FB6];
	_ =	sdelay $0x3  }
0x33: {  	p0 =	seq.s32 s10, $0x1;
	s10 =	sld [smem:$0x3FB8];
	_ =	sdelay $0x3  }
0x34: {  	[smem:$0x3FB8] =	sst s10  }
0x35: {  	s10 =	sld [smem:$0x3FB7];
	_ =	sdelay $0x3  }
0x36: {  	p1 =	seq.s32 s10, $0x1;
	s10 =	sld [smem:$0x3FB8];
	_ =	sdelay $0x3  }
0x37: {  	[smem:$0x3FB8] =	sst s10  }
0x38: {  	s10 =	sld [smem:$0x3FB9]  }
0x39: {  	_ = 	snop;
	(pc) =	sbr.ind lr, $3  }
0x3a: {  	_ = 	snop  }
0x3b: {  	_ = 	snop  }
0x3c: {  	p2 =	seq.s32 s10, $0x1;
	s10 =	sld [smem:$0x3FB8]  }
0x3d: {  	_ =	shalt  }
0x3e: {  	_ =	shalt  }
0x3f: {  	_ =	shalt  }
0x40: {  	_ =	shalt  }
0x41: {  	_ =	shalt  }
0x42: {  	_ =	shalt  }
0x43: {  	_ =	shalt  }
0x44: {  	_ =	shalt  }
0x45: {  	_ =	shalt  }
0x46: {  	_ =	shalt  }
0x47: {  	_ =	shalt  }
0x48: {  	_ =	shalt  }
0x49: {  	_ =	shalt  }
0x4a: {  	_ =	shalt  }
0x4b: {  	_ =	shalt  }
0x4c: {  	_ =	shalt  }
0x4d: {  	_ =	shalt  }
0x4e: {  	_ =	shalt  }
0x4f: {  	_ =	shalt  }
0x50: {  	_ =	shalt  }
0x51: {  	_ =	shalt  }
0x52: {  	_ =	shalt  }
0x53: {  	_ =	shalt  }
0x54: {  	_ =	shalt  }
0x55: {  	_ =	shalt  }
0x56: {  	_ =	shalt  }
0x57: {  	_ =	shalt  }
0x58: {  	_ =	shalt  }
0x59: {  	_ =	shalt  }
0x5a: {  	_ =	shalt  }
0x5b: {  	_ =	shalt  }
0x5c: {  	_ =	shalt  }
0x5d: {  	_ =	shalt  }
0x5e: {  	_ =	shalt  }
0x5f: {  	_ =	shalt  }
0x60: {  	_ =	shalt  }
0x61: {  	_ =	shalt  }
0x62: {  	_ =	shalt  }
0x63: {  	_ =	shalt  }
0x64: {  	_ =	shalt  }
0x65: {  	_ =	shalt  }
0x66: {  	_ =	shalt  }
0x67: {  	_ =	shalt  }
0x68: {  	_ =	shalt  }
0x69: {  	_ =	shalt  }
0x6a: {  	_ =	shalt  }
0x6b: {  	_ =	shalt  }
0x6c: {  	_ =	shalt  }
0x6d: {  	_ =	shalt  }
0x6e: {  	_ =	shalt  }
0x6f: {  	_ =	shalt  }
0x70: {  	_ =	shalt  }
0x71: {  	_ =	shalt  }
0x72: {  	_ =	shalt  }
0x73: {  	_ =	shalt  }
0x74: {  	_ =	shalt  }
0x75: {  	_ =	shalt  }
0x76: {  	_ =	shalt  }
0x77: {  	_ =	shalt  }
0x78: {  	_ =	shalt  }
0x79: {  	_ =	shalt  }
0x7a: {  	_ =	shalt  }
0x7b: {  	_ =	shalt  }
0x7c: {  	_ =	shalt  }
0x7d: {  	_ =	shalt  }
0x7e: {  	_ =	shalt  }
0x7f: {  	_ =	shalt  }
0x80: {  	_ =	shalt  }
0x81: {  	_ =	shalt  }
0x82: {  	_ =	shalt  }
0x83: {  	_ =	shalt  }
0x84: {  	_ =	shalt  }
0x85: {  	_ =	shalt  }
0x86: {  	_ =	shalt  }
0x87: {  	_ =	shalt  }
.Lfunc_end0:
.L_simem_size_0:
called_computation_lowered:
.L_overlay_start_0:
0x88: {  	s2 =	sld [smem:$0x3FD9]  }
0x89: {  	s3 =	sld [smem:$0x3FFE];
	_ =	sdelay $0x1  }
0x8a: {  	s1 =	srdreg.scid  }
0x8b: {  	s0 =	sand.u32 $0x1, s1  }
0x8c: {  	s17 =	sshll.u32 s0, $0xA;
	s2 =	sadd.s32 s3, s2  }
0x8d: {  	s2 =	sadd.s32 s2, s17  }
0x8e: {  	[smem:$0x3FC4] =	sst s2  }
0x8f: {  	_ = 	snop  }
0x90: {  	s2 =	sld [smem:$0x3FC9];
	(tm) =	ssettm $0x1  }
0x91: {  	s18 =	sld [smem:$0x3FFB];
	_ =	sdelay $0x3  }
0x92: {  	_ =	strace s18  }
0x93: {  	s3 =	sld [smem:$0x3FFC];
	_ =	sdelay $0x3  }
0x94: {  	_ =	strace s3  }
0x95: {  	s3 =	sld [smem:$0x3FFD];
	_ =	sdelay $0x3  }
0x96: {  	_ =	strace s3  }
0x97: {  	_ =	strace $0x8FFFFFFF  }
0x98: {  	s19 =	sld [smem:$0x3FDB];
	_ =	sdelay $0x1  }
0x99: {  	s4 =	simm.s32 $_scs_section_size  }
0x9a: {  	s5 =	simm.s32 $_size__tile_overlayer_lowered;
	s6 =	simm.s32 $_tile_overlayer_lowered  }
0x9b: {  	s22 =	simm.s32 $0x1BFF;
	s21 =	sshll.u32 s6, $0x1;
	s3 =	sadd.s32 s4, s19  }
0x9c: {  	s7 =	simm.s32 $0x0;
	s20 =	sshll.u32 s5, $0x1;
	s5 =	sadd.s32 s21, s3  }
0x9d: {  	[timem:s7], [sflag:s22] =	dma.local [hbm:s5], s20  }
0x9e: {  	_ =	swait.ge [sflag:s22], s20  }
0x9f: {  	s4 =	ssub.s32 $0x0, s20;
	[sflag:s22] =	ssyncset.done $0x0  }
0xa0: {  	[sflag:s22] =	ssyncadd.s32 s4;
	_ =	sdelay $0x1  }
0xa1: {  	s23 =	simm.s32 $0x1B8B  }
0xa2: {  	_ =	swait.ge [sflag:s23], $0x1  }
0xa3: {  	[sflag:s23] =	ssyncset.done $0x0  }
0xa4: {  	s25 =	simm.s32 $0x1B8E;
	s24 =	sld [smem:$0x3FFE];
	[sflag:s23] =	ssyncadd.s32 $0xFFFFFFFF  }
0xa5: {  	s26 =	simm.s32 $execute0_lowered;
	[smem:$0x3FD2] =	sst s25  }
0xa6: {  	s5 =	sshll.u32 s26, $0x1;
	_ =	strace $0x80000046;
	[dreg:$0x1] =	wrdreg $0xFFFFFFFF  }
0xa7: {  	s28 =	simm.s32 $_size_execute0_lowered;
	s3 =	sadd.s32 s3, s5;
	[dreg:$0x0] =	wrdreg $0x0  }
0xa8: {  	s5 =	sshll.u32 s28, $0x1;
	[dreg:$0x2] =	wrdreg s3  }
0xa9: {  	[dreg:$0x3] =	wrdreg s5  }
0xaa: {  	[dreg:$0x4] =	wrdreg $0xC0  }
0xab: {  	_ =	task [dreg:s7], $0x5FFFF  }
0xac: {  	[dreg:$0x1] =	wrdreg $0xFFFFFFFF  }
0xad: {  	[dreg:$0x0] =	wrdreg $0x60  }
0xae: {  	[dreg:$0x2] =	wrdreg s2  }
0xaf: {  	[dreg:$0x3] =	wrdreg s24  }
0xb0: {  	[dreg:$0x4] =	wrdreg $0x8BD80  }
0xb1: {  	[dreg:$0x5] =	wrdreg $0x9  }
0xb2: {  	_ =	task.clear_ibuf [dreg:s7], $0x6FFFF;
	_ =	strace $0x90000046  }
0xb3: {  	s29 =	simm.s32 $0x9;
	_ =	strace $0x80000048  }
0xb4: {  	_ =	swait.ge [sflag:s29], $0x1  }
0xb5: {  	[sflag:s29] =	ssyncadd.s32 $0xFFFFFFFF  }
0xb6: {  	_ =	strace $0x90000048  }
0xb7: {  	_ =	sfence  }
0xb8: {  	s30 =	sld [smem:$0x0];
	_ =	sdelay $0x2  }
0xb9: {  	s31 =	sshll.u32 s1, $0xD;
	s1 =	sshrl.u32 s1, $0x2  }
0xba: {  	s3 =	sand.u32 $0x4000, s31;
	s1 =	sadd.s32 s1, s30  }
0xbb: {  	s0 =	sor.u32 s3, s0;
	s1 =	sshll.u32 s1, $0x11  }
0xbc: {  	s0 =	sor.u32 s1, s0  }
0xbd: {  	s0 =	sadd.s32 $0x8F2B, s0  }
0xbe: {  	[sflag:s0] =	ssyncadd.remote.s32 $0x1  }
0xbf: {  	_ =	sfence.sel $0xFFFF  }
0xc0: {  	[dreg:$0x0] =	wrdreg $0xFFFFFFFF;
	(pc) =	sbr.abs _section_cstart, $3  }
0xc1: {  	[dreg:$0x1] =	wrdreg $0xFFFFFFFF  }
0xc2: {  	_ =	task.clear_ibuf [dreg:s7], $0x2FFFF;
	_ =	strace $0x9FFFFFFF  }
0xc3: {  	(tm) =	ssettm $0x7FFFFFFF  }
tec
execute0_lowered:
.L_overlay_start_1:
0x0: {  	(tag) =	ssettag $0x1  }
0x1: {  	s0 =	srdreg.scid  }
0x2: {  	s10 =	stileid.u32;
	s5 =	rddreg [dreg:$0x1]  }
0x3: {  	s2 =	rddreg [dreg:$0x2];
	s4 =	simm.s32 $0x0;
	s30 =	simm.s32 $0x2760  }
0x4: {  	s31 =	simm.s32 $0x9;
	s29 =	simm.s32 $0xA;
	s28 =	simm.s32 $0x3BD8  }
0x5: {  	s0 =	sand.u32 $0x1, s0;
	s1 =	sshll.u32 s10, $0x1;
	s7 =	smul.u32 $0x1400, s10  }
0x6: {  	[smem:$0x7FF] =	sst s4;
	s14 =	sadd.s32 $0x800, s5;
	s11 =	smul.u32 $0x4E20, s10  }
0x7: {  	s3 =	ssub.s32 $0x109, s10;
	s13 =	smul.u32 $0x5000, s10;
	s10 =	simm.s32 $0x27D8  }
0x8: {  	s1 =	sor.u32 s0, s1;
	s6 =	smul.u32 $0x138800, s0;
	_ =	strace $0x80000047  }
0x9: {  	s9 =	ssub.s32 $0x2, s0;
	s20 =	sshrl.u32 s3, $0x4;
	s0 =	smul.u32 $0x2710, s0  }
0xa: {  	s3 =	simm.s32 $0x7;
	[dreg:$0x4] =	wrdreg s14;
	s1 =	smul.u32 $0x2710, s1  }
0xb: {  	s26 =	sshrl.u32 s9, $0x1;
	s17 =	sshrl.u32 s13, $0x2;
	s13 =	simm.s32 $0x2  }
0xc: {  	[dreg:$0x6] =	wrdreg s20;
	s6 =	sadd.s32 s7, s6;
	s0 =	sadd.s32 s0, s11  }
0xd: {  	s24 =	sadd.s32 s17, s2;
	s11 =	simm.s32 $0x27B0;
	s17 =	simm.s32 $0x4  }
0xe: {  	s8 =	sshrl.u32 s1, $0x3;
	s6 =	sshrl.u32 s6, $0x3;
	s16 =	sadd.s32 $0x168, s0  }
0xf: {  	s18 =	sadd.s32 $0x140, s0;
	s19 =	sadd.s32 $0x118, s0;
	s21 =	sadd.s32 $0xF0, s0  }
0x10: {  	s0 =	sadd.s32 $0xC8, s0;
	[dreg:$0xd] =	wrdreg s24;
	s25 =	sadd.s32 s8, s5  }
0x11: {  	s5 =	sadd.s32 s6, s5;
	s6 =	ssub.s32 s9, s26;
	s9 =	sadd.s32 $0x28, s1  }
0x12: {  	s8 =	sadd.s32 s14, s8;
	s1 =	sadd.s32 $0x78, s1;
	s22 =	sshrl.u32 s19, $0x3  }
0x13: {  	s23 =	sshrl.u32 s21, $0x3;
	[dreg:$0x12] =	wrdreg s0;
	s0 =	simm.s32 $0x4FD8  }
0x14: {  	s21 =	simm.s32 $0x63D8;
	s7 =	sadd.s32 $0xA600, s25;
	[dreg:$0x7] =	wrdreg s8  }
0x15: {  	s19 =	simm.s32 $0x5;
	s12 =	sadd.s32 $0xA, s8;
	[dreg:$0x5] =	wrdreg s7  }
0x16: {  	s1 =	sshrl.u32 s1, $0x3;
	s15 =	sadd.s32 $0x14, s8;
	[dreg:$0x9] =	wrdreg s12  }
0x17: {  	s6 =	smax.u32 s6, $0x1;
	s25 =	sadd.s32 s23, s14;
	[dreg:$0xb] =	wrdreg s15  }
0x18: {  	s26 =	sadd.s32 $0x14400, s5;
	s8 =	simm.s32 $0x6;
	[dreg:$0xc] =	wrdreg s6  }
0x19: {  	s23 =	simm.s32 $0x1;
	s7 =	sshrl.u32 s9, $0x3;
	[dreg:$0x11] =	wrdreg s25  }
0x1a: {  	s1 =	sadd.s32 s14, s1;
	[dreg:$0x13] =	wrdreg s26;
	s25 =	simm.s32 $0x28  }
0x1b: {  	s26 =	simm.s32 $0x2738;
	s6 =	simm.s32 $0x2788;
	s12 =	simm.s32 $0x77D8  }
0x1c: {  	s9 =	simm.s32 $0xB;
	[dreg:$0xa] =	wrdreg s1;
	s1 =	sshrl.u32 s16, $0x3  }
0x1d: {  	s15 =	simm.s32 $0x3;
	s7 =	sadd.s32 s14, s7;
	s1 =	sadd.s32 s1, s14  }
0x1e: {  	s16 =	simm.s32 $0x8;
	[dreg:$0xe] =	wrdreg s1;
	s1 =	sshrl.u32 s18, $0x3  }
0x1f: {  	[dreg:$0x8] =	wrdreg s7;
	s7 =	simm.s32 $0x0;
	s1 =	sadd.s32 s1, s14  }
0x20: {  	s18 =	simm.s32 $0x2710;
	[dreg:$0xf] =	wrdreg s1;
	s1 =	sadd.s32 s22, s14  }
0x21: {  	v0 =	vimm.f32 $0.0e+00;
	s22 =	simm.s32 $0x2738;
	[dreg:$0x10] =	wrdreg s1;
	s1 =	simm.s32 $0x3BD8  }
.LBB2_1:
0x22: {  	s5 =	rddreg [dreg:$0x5]  }
0x23: {  	[tilespmem:s4], [sflag:$0x1] =	stream.linear.gather [hbm4b:s5+s4], $0x2710, $0x38;
	[tilespmem:$0x1C458] =	vst v63  }
0x24: {  	[dreg:$0x14] =	wrdreg s7;
	s7 =	simm.s32 $0x3C0;
	s5 =	simm.s32 $0x70  }
.LBB2_2:
0x25: {  	p0 =	sne.s32 s7, $0x4FC0;
	[tilespmem:s5+$0x27D8] =	vst v0  }
0x26: {  	[tilespmem:s5+$0x2768] =	vst v0  }
0x27: {  	[tilespmem:s5+$0x2778] =	vst v0  }
.Ltmp0:
0x28: {  	[tilespmem:s5+$0x2788] =	vst v0;
	(pc) =	sbr.rel @p0 .LBB2_2-.Ltmp0, $4  }
0x29: {  	[tilespmem:s5+$0x2798] =	vst v0  }
0x2a: {  	[tilespmem:s5+$0x27A8] =	vst v0  }
0x2b: {  	[tilespmem:s5+$0x27B8] =	vst v0  }
0x2c: {  	[tilespmem:s5+$0x27C8] =	vst v0;
	s5 =	sshra.s32 s7, $0x2;
	s7 =	sadd.s32 $0x200, s7  }
0x2d: {  	[tilespmem:s5+$0x27D8] =	vst v0  }
0x2e: {  	[tilespmem:s5+$0x2768] =	vst v0  }
0x2f: {  	[tilespmem:s5+$0x2778] =	vst v0  }
0x30: {  	[tilespmem:s5+$0x2788] =	vst v0;
	p0 =	sne.s32 s20, $0x1  }
.Ltmp1:
0x31: {  	[tilespmem:s5+$0x2798] =	vst v0;
	(pc) =	sbr.rel @!p0 .LBB2_5-.Ltmp1, $4  }
0x32: {  	[tilespmem:s5+$0x27A8] =	vst v0  }
0x33: {  	[tilespmem:s5+$0x27B8] =	vst v0  }
0x34: {  	[tilespmem:s5+$0x27C8] =	vst v0;
	s5 =	sadd.s32 $0xFFFFFFFF, s20;
	s7 =	smov.u32 s24  }
0x35: {  	[spmem:s24] =	stream.linear.scatter [tilespmem:s10], [sflag:$0x6], $0x1400, $0x38;
	[tilespmem:$0x1C458] =	vst v63  }
.LBB2_4:
0x36: {  	p1 =	sne.s32 s5, $0x1  }
.Ltmp2:
0x37: {  	_ = 	snop;
	(pc) =	sbr.rel @p1 .LBB2_4-.Ltmp2, $3  }
0x38: {  	_ = 	snop  }
0x39: {  	s5 =	sadd.s32 $0xFFFFFFFF, s5;
	s7 =	sadd.s32 $0x14000, s7;
	_ =	sdelay $0x1  }
0x3a: {  	[spmem:s7] =	stream.linear.scatter [tilespmem:s10], [sflag:$0x6], $0x1400, $0x38;
	[tilespmem:$0x1C458] =	vst v63  }
.LBB2_5:
.Ltmp3:
0x3b: {  	(pc) =	sbr.rel @!p0 .LBB2_7-.Ltmp3, $3  }
0x3c: {  	_ =	sdelay $0x1  }
0x3d: {  	_ =	swait.ge [sflag:s8], $0x1400  }
0x3e: {  	s5 =	sadd.s32 $0xFFFFFFFF, s20;
	[sflag:s8] =	ssyncset.done $0x0  }
.LBB2_6:
0x3f: {  	p1 =	sne.s32 s5, $0x1;
	s5 =	sadd.s32 $0xFFFFFFFF, s5;
	[sflag:s8] =	ssyncadd.s32 $0xFFFFEC00  }
.Ltmp4:
0x40: {  	(pc) =	sbr.rel @p1 .LBB2_6-.Ltmp4, $3  }
0x41: {  	_ =	sdelay $0x1  }
0x42: {  	_ =	swait.ge [sflag:s8], $0x1400  }
0x43: {  	[sflag:s8] =	ssyncset.done $0x0  }
.LBB2_7:
0x44: {  	[sflag:s8] =	ssyncadd.s32 $0xFFFFEC00  }
0x45: {  	_ =	swait.ge [sflag:s23], $0x2710  }
0x46: {  	[sflag:s23] =	ssyncset.done $0x0  }
0x47: {  	[sflag:s23] =	ssyncadd.s32 $0xFFFFD8F0  }
0x48: {  	[bflag:$0x0] =	sbarrier.arrive $0xFFFF  }
0x49: {  	s5 =	simm.s32 $0x0;
	s7 =	rddreg [dreg:$0x7]  }
0x4a: {  	[tilespmem:s18], [sflag:$0x6] =	stream.linear.gather [hbm4b:s7+s5], $0x28, $0x38;
	[tilespmem:$0x1C458] =	vst v63  }
0x4b: {  	s2 =	rddreg [dreg:$0x0]  }
0x4c: {  	[tilespmem:s10], [sflag:$0x1] =	stream.indirect.gather [hbm4b:s2+s25], $0x80, s5, s25, $0xb8;
	[tilespmem:$0x1C458] =	vst v63  }
0x4d: {  	s24 =	rddreg [dreg:$0x8]  }
0x4e: {  	[tilespmem:s26], [sflag:$0x7] =	stream.linear.gather [hbm4b:s24+s5], $0x28, $0x38;
	[tilespmem:$0x1C458] =	vst v63  }
0x4f: {  	_ = 	snop  }
0x50: {  	[tilespmem:s1], [sflag:$0x2] =	stream.indirect.gather [hbm4b:s2+s25], $0x80, s25, s25, $0xb8;
	[tilespmem:$0x1C458] =	vst v63  }
0x51: {  	s4 =	rddreg [dreg:$0x9]  }
0x52: {  	[tilespmem:s30], [sflag:$0x8] =	stream.linear.gather [hbm4b:s4+s5], $0x28, $0x38;
	[tilespmem:$0x1C458] =	vst v63  }
0x53: {  	s20 =	simm.s32 $0x50  }
0x54: {  	[tilespmem:s0], [sflag:$0x3] =	stream.indirect.gather [hbm4b:s2+s25], $0x80, s20, s25, $0xb8;
	[tilespmem:$0x1C458] =	vst v63  }
0x55: {  	s24 =	rddreg [dreg:$0xa]  }
0x56: {  	[tilespmem:s6], [sflag:$0x9] =	stream.linear.gather [hbm4b:s24+s5], $0x28, $0x38;
	[tilespmem:$0x1C458] =	vst v63  }
0x57: {  	s4 =	simm.s32 $0x78  }
0x58: {  	[tilespmem:s21], [sflag:$0x4] =	stream.indirect.gather [hbm4b:s2+s25], $0x80, s4, s25, $0xb8;
	[tilespmem:$0x1C458] =	vst v63  }
0x59: {  	s6 =	rddreg [dreg:$0xb]  }
0x5a: {  	[tilespmem:s11], [sflag:$0xA] =	stream.linear.gather [hbm4b:s6+s5], $0x28, $0x38;
	[tilespmem:$0x1C458] =	vst v63  }
0x5b: {  	s7 =	simm.s32 $0xA0  }
0x5c: {  	[tilespmem:s12], [sflag:$0x5] =	stream.indirect.gather [hbm4b:s2+s25], $0x80, s7, s25, $0xb8;
	[tilespmem:$0x1C458] =	vst v63  }
0x5d: {  	_ =	swait.ge [sflag:s23], $0x1400  }
0x5e: {  	[sflag:s23] =	ssyncset.done $0x0  }
0x5f: {  	[sflag:s23] =	ssyncadd.s32 $0xFFFFEC00  }
0x60: {  	_ =	swait.ge [sflag:s8], $0x28  }
0x61: {  	[sflag:s8] =	ssyncset.done $0x0  }
0x62: {  	[sflag:s8] =	ssyncadd.s32 $0xFFFFFFD8  }
0x63: {  	s4 =	rddreg [dreg:$0x2]  }
0x64: {  	[spmem:s4] =	stream.indirect.scatter.add.f32 [tilespmem:s10], [sflag:$0xB], $0x80, s18, s25, $0xb8;
	[tilespmem:$0x1C458] =	vst v63  }
0x65: {  	_ =	swait.ge [sflag:s9], $0x1400  }
0x66: {  	s20 =	rddreg [dreg:$0x12]  }
0x67: {  	[sflag:s9] =	ssyncset.done $0x0;
	s11 =	sshrl.u32 s20, $0x3  }
0x68: {  	s8 =	simm.s32 $0x0;
	[sflag:s9] =	ssyncadd.s32 $0xFFFFEC00;
	s5 =	sadd.s32 s14, s11  }
0x69: {  	[tilespmem:s18], [sflag:$0x6] =	stream.linear.gather [hbm4b:s5+s8], $0x28, $0x38;
	[tilespmem:$0x1C458] =	vst v63  }
0x6a: {  	s18 =	simm.s32 $0xC8  }
0x6b: {  	[tilespmem:s10], [sflag:$0x1] =	stream.indirect.gather [hbm4b:s2+s25], $0x80, s18, s25, $0xb8;
	[tilespmem:$0x1C458] =	vst v63  }
0x6c: {  	_ =	swait.ge [sflag:s13], $0x1400  }
0x6d: {  	[sflag:s13] =	ssyncset.done $0x0  }
0x6e: {  	[sflag:s13] =	ssyncadd.s32 $0xFFFFEC00  }
0x6f: {  	_ =	swait.ge [sflag:s3], $0x28  }
0x70: {  	[sflag:s3] =	ssyncset.done $0x0  }
0x71: {  	[sflag:s3] =	ssyncadd.s32 $0xFFFFFFD8  }
0x72: {  	[spmem:s4] =	stream.indirect.scatter.add.f32 [tilespmem:s1], [sflag:$0xB], $0x80, s26, s25, $0xb8;
	[tilespmem:$0x1C458] =	vst v63  }
0x73: {  	_ =	swait.ge [sflag:s9], $0x1400  }
0x74: {  	[sflag:s9] =	ssyncset.done $0x0  }
0x75: {  	s18 =	rddreg [dreg:$0x11];
	[sflag:s9] =	ssyncadd.s32 $0xFFFFEC00  }
0x76: {  	[tilespmem:s26], [sflag:$0x7] =	stream.linear.gather [hbm4b:s18+s8], $0x28, $0x38;
	[tilespmem:$0x1C458] =	vst v63  }
0x77: {  	s24 =	simm.s32 $0xF0  }
0x78: {  	[tilespmem:s1], [sflag:$0x2] =	stream.indirect.gather [hbm4b:s2+s25], $0x80, s24, s25, $0xb8;
	[tilespmem:$0x1C458] =	vst v63  }
0x79: {  	_ =	swait.ge [sflag:s15], $0x1400  }
0x7a: {  	[sflag:s15] =	ssyncset.done $0x0  }
0x7b: {  	[sflag:s15] =	ssyncadd.s32 $0xFFFFEC00  }
0x7c: {  	_ =	swait.ge [sflag:s16], $0x28  }
0x7d: {  	[sflag:s16] =	ssyncset.done $0x0  }
0x7e: {  	[sflag:s16] =	ssyncadd.s32 $0xFFFFFFD8  }
0x7f: {  	[spmem:s4] =	stream.indirect.scatter.add.f32 [tilespmem:s0], [sflag:$0xB], $0x80, s30, s25, $0xb8;
	[tilespmem:$0x1C458] =	vst v63  }
0x80: {  	_ =	swait.ge [sflag:s9], $0x1400  }
0x81: {  	[sflag:s9] =	ssyncset.done $0x0  }
0x82: {  	s26 =	rddreg [dreg:$0x10];
	[sflag:s9] =	ssyncadd.s32 $0xFFFFEC00  }
0x83: {  	[tilespmem:s30], [sflag:$0x8] =	stream.linear.gather [hbm4b:s26+s8], $0x28, $0x38;
	[tilespmem:$0x1C458] =	vst v63  }
0x84: {  	s1 =	simm.s32 $0x118  }
0x85: {  	[tilespmem:s0], [sflag:$0x3] =	stream.indirect.gather [hbm4b:s2+s25], $0x80, s1, s25, $0xb8;
	[tilespmem:$0x1C458] =	vst v63  }
0x86: {  	_ =	swait.ge [sflag:s17], $0x1400  }
0x87: {  	[sflag:s17] =	ssyncset.done $0x0  }
0x88: {  	[sflag:s17] =	ssyncadd.s32 $0xFFFFEC00  }
0x89: {  	_ =	swait.ge [sflag:s31], $0x28  }
0x8a: {  	[sflag:s31] =	ssyncset.done $0x0  }
0x8b: {  	s21 =	simm.s32 $0x2788;
	s7 =	simm.s32 $0x63D8;
	[sflag:s31] =	ssyncadd.s32 $0xFFFFFFD8  }
0x8c: {  	[spmem:s4] =	stream.indirect.scatter.add.f32 [tilespmem:s7], [sflag:$0xB], $0x80, s21, s25, $0xb8;
	[tilespmem:$0x1C458] =	vst v63  }
0x8d: {  	_ =	swait.ge [sflag:s9], $0x1400  }
0x8e: {  	[sflag:s9] =	ssyncset.done $0x0  }
0x8f: {  	s3 =	rddreg [dreg:$0xf];
	[sflag:s9] =	ssyncadd.s32 $0xFFFFEC00  }
0x90: {  	[tilespmem:s21], [sflag:$0x9] =	stream.linear.gather [hbm4b:s3+s8], $0x28, $0x38;
	[tilespmem:$0x1C458] =	vst v63  }
0x91: {  	s24 =	simm.s32 $0x140  }
0x92: {  	[tilespmem:s7], [sflag:$0x4] =	stream.indirect.gather [hbm4b:s2+s25], $0x80, s24, s25, $0xb8;
	[tilespmem:$0x1C458] =	vst v63  }
0x93: {  	_ =	swait.ge [sflag:s19], $0x1400  }
0x94: {  	[sflag:s19] =	ssyncset.done $0x0  }
0x95: {  	s6 =	simm.s32 $0x5;
	s20 =	sadd.s32 $0xC8, s20;
	[sflag:s19] =	ssyncadd.s32 $0xFFFFEC00  }
0x96: {  	s14 =	simm.s32 $0x27B0;
	s11 =	simm.s32 $0x9;
	_ =	swait.ge [sflag:s29], $0x28  }
0x97: {  	s13 =	simm.s32 $0x2;
	s15 =	simm.s32 $0x3;
	[sflag:s29] =	ssyncset.done $0x0  }
0x98: {  	s16 =	simm.s32 $0x8;
	s30 =	smov.u32 s2;
	[sflag:s29] =	ssyncadd.s32 $0xFFFFFFD8  }
0x99: {  	[spmem:s4] =	stream.indirect.scatter.add.f32 [tilespmem:s12], [sflag:$0xB], $0x80, s14, s25, $0xb8;
	[tilespmem:$0x1C458] =	vst v63  }
0x9a: {  	s17 =	simm.s32 $0x4;
	s5 =	sadd.s32 $0x19, s3;
	_ =	swait.ge [sflag:s9], $0x1400  }
0x9b: {  	s21 =	simm.s32 $0xA;
	s7 =	sadd.s32 $0x19, s18;
	[sflag:s9] =	ssyncset.done $0x0  }
0x9c: {  	s24 =	simm.s32 $0x168;
	s31 =	rddreg [dreg:$0xe];
	[sflag:s9] =	ssyncadd.s32 $0xFFFFEC00  }
0x9d: {  	[tilespmem:s14], [sflag:$0xA] =	stream.linear.gather [hbm4b:s31+s8], $0x28, $0x38;
	[tilespmem:$0x1C458] =	vst v63  }
0x9e: {  	s19 =	simm.s32 $0x320;
	s18 =	sadd.s32 $0x19, s31;
	s14 =	sadd.s32 $0x19, s26  }
.LBB2_8:
0x9f: {  	s0 =	simm.s32 $0x77D8  }
0xa0: {  	[tilespmem:s0], [sflag:$0x5] =	stream.indirect.gather [hbm4b:s30+s25], $0x80, s24, s25, $0xb8;
	[tilespmem:$0x1C458] =	vst v63  }
0xa1: {  	_ =	swait.ge [sflag:s23], $0x1400  }
0xa2: {  	[sflag:s23] =	ssyncset.done $0x0  }
0xa3: {  	s1 =	simm.s32 $0x6;
	[sflag:s23] =	ssyncadd.s32 $0xFFFFEC00  }
0xa4: {  	_ =	swait.ge [sflag:s1], $0x28  }
0xa5: {  	[sflag:s1] =	ssyncset.done $0x0  }
0xa6: {  	s10 =	simm.s32 $0x27D8;
	s12 =	simm.s32 $0x2710;
	[sflag:s1] =	ssyncadd.s32 $0xFFFFFFD8  }
0xa7: {  	[spmem:s4] =	stream.indirect.scatter.add.f32 [tilespmem:s10], [sflag:$0xB], $0x80, s12, s25, $0xb8;
	[tilespmem:$0x1C458] =	vst v63  }
0xa8: {  	s2 =	smov.u32 s19;
	_ =	swait.ge [sflag:s9], $0x1400  }
0xa9: {  	s26 =	sshrl.u32 s20, $0x3;
	[sflag:s9] =	ssyncset.done $0x0;
	s3 =	rddreg [dreg:$0x4]  }
0xaa: {  	s24 =	sshra.s32 s2, $0x2;
	[sflag:s9] =	ssyncadd.s32 $0xFFFFEC00;
	s26 =	sadd.s32 s3, s26  }
0xab: {  	[tilespmem:s12], [sflag:$0x6] =	stream.linear.gather [hbm4b:s26+s8], $0x28, $0x38;
	[tilespmem:$0x1C458] =	vst v63  }
0xac: {  	s12 =	sadd.s32 $0xC8, s24  }
0xad: {  	[tilespmem:s10], [sflag:$0x1] =	stream.indirect.gather [hbm4b:s30+s25], $0x80, s12, s25, $0xb8;
	[tilespmem:$0x1C458] =	vst v63  }
0xae: {  	_ =	swait.ge [sflag:s13], $0x1400  }
0xaf: {  	[sflag:s13] =	ssyncset.done $0x0  }
0xb0: {  	s2 =	simm.s32 $0x7;
	[sflag:s13] =	ssyncadd.s32 $0xFFFFEC00  }
0xb1: {  	_ =	swait.ge [sflag:s2], $0x28  }
0xb2: {  	[sflag:s2] =	ssyncset.done $0x0  }
0xb3: {  	s3 =	simm.s32 $0x2738;
	s26 =	simm.s32 $0x3BD8;
	[sflag:s2] =	ssyncadd.s32 $0xFFFFFFD8  }
0xb4: {  	[spmem:s4] =	stream.indirect.scatter.add.f32 [tilespmem:s26], [sflag:$0xB], $0x80, s3, s25, $0xb8;
	[tilespmem:$0x1C458] =	vst v63  }
0xb5: {  	_ =	swait.ge [sflag:s9], $0x1400  }
0xb6: {  	[sflag:s9] =	ssyncset.done $0x0  }
0xb7: {  	[sflag:s9] =	ssyncadd.s32 $0xFFFFEC00  }
0xb8: {  	[tilespmem:s3], [sflag:$0x7] =	stream.linear.gather [hbm4b:s7+s8], $0x28, $0x38;
	[tilespmem:$0x1C458] =	vst v63  }
0xb9: {  	s10 =	sadd.s32 $0xF0, s24  }
0xba: {  	[tilespmem:s26], [sflag:$0x2] =	stream.indirect.gather [hbm4b:s30+s25], $0x80, s10, s25, $0xb8;
	[tilespmem:$0x1C458] =	vst v63  }
0xbb: {  	_ =	swait.ge [sflag:s15], $0x1400  }
0xbc: {  	[sflag:s15] =	ssyncset.done $0x0  }
0xbd: {  	[sflag:s15] =	ssyncadd.s32 $0xFFFFEC00  }
0xbe: {  	_ =	swait.ge [sflag:s16], $0x28  }
0xbf: {  	[sflag:s16] =	ssyncset.done $0x0  }
0xc0: {  	s12 =	simm.s32 $0x2760;
	s26 =	simm.s32 $0x4FD8;
	[sflag:s16] =	ssyncadd.s32 $0xFFFFFFD8  }
0xc1: {  	[spmem:s4] =	stream.indirect.scatter.add.f32 [tilespmem:s26], [sflag:$0xB], $0x80, s12, s25, $0xb8;
	[tilespmem:$0x1C458] =	vst v63  }
0xc2: {  	_ =	swait.ge [sflag:s9], $0x1400  }
0xc3: {  	[sflag:s9] =	ssyncset.done $0x0  }
0xc4: {  	[sflag:s9] =	ssyncadd.s32 $0xFFFFEC00  }
0xc5: {  	[tilespmem:s12], [sflag:$0x8] =	stream.linear.gather [hbm4b:s14+s8], $0x28, $0x38;
	[tilespmem:$0x1C458] =	vst v63  }
0xc6: {  	s10 =	sadd.s32 $0x118, s24  }
0xc7: {  	[tilespmem:s26], [sflag:$0x3] =	stream.indirect.gather [hbm4b:s30+s25], $0x80, s10, s25, $0xb8;
	[tilespmem:$0x1C458] =	vst v63  }
0xc8: {  	_ =	swait.ge [sflag:s17], $0x1400  }
0xc9: {  	[sflag:s17] =	ssyncset.done $0x0  }
0xca: {  	[sflag:s17] =	ssyncadd.s32 $0xFFFFEC00  }
0xcb: {  	_ =	swait.ge [sflag:s11], $0x28  }
0xcc: {  	[sflag:s11] =	ssyncset.done $0x0  }
0xcd: {  	s26 =	simm.s32 $0x2788;
	s30 =	simm.s32 $0x63D8;
	[sflag:s11] =	ssyncadd.s32 $0xFFFFFFD8  }
0xce: {  	[spmem:s4] =	stream.indirect.scatter.add.f32 [tilespmem:s30], [sflag:$0xB], $0x80, s26, s25, $0xb8;
	[tilespmem:$0x1C458] =	vst v63  }
0xcf: {  	_ =	swait.ge [sflag:s9], $0x1400  }
0xd0: {  	[sflag:s9] =	ssyncset.done $0x0  }
0xd1: {  	[sflag:s9] =	ssyncadd.s32 $0xFFFFEC00  }
0xd2: {  	[tilespmem:s26], [sflag:$0x9] =	stream.linear.gather [hbm4b:s5+s8], $0x28, $0x38;
	[tilespmem:$0x1C458] =	vst v63  }
0xd3: {  	s26 =	sadd.s32 $0x140, s24;
	s12 =	rddreg [dreg:$0x0]  }
0xd4: {  	[tilespmem:s30], [sflag:$0x4] =	stream.indirect.gather [hbm4b:s12+s25], $0x80, s26, s25, $0xb8;
	[tilespmem:$0x1C458] =	vst v63  }
0xd5: {  	s30 =	rddreg [dreg:$0x0];
	_ =	swait.ge [sflag:s6], $0x1400  }
0xd6: {  	[sflag:s6] =	ssyncset.done $0x0  }
0xd7: {  	p1 =	sne.s32 s19, $0x9600;
	s19 =	sadd.s32 $0x320, s19;
	[sflag:s6] =	ssyncadd.s32 $0xFFFFEC00  }
0xd8: {  	s31 =	simm.s32 $0x27D8;
	s29 =	simm.s32 $0x2788;
	_ =	swait.ge [sflag:s21], $0x28  }
0xd9: {  	s20 =	sadd.s32 $0xC8, s20;
	s1 =	simm.s32 $0x2710;
	[sflag:s21] =	ssyncset.done $0x0  }
0xda: {  	s2 =	simm.s32 $0x2760;
	s12 =	simm.s32 $0x27B0;
	[sflag:s21] =	ssyncadd.s32 $0xFFFFFFD8  }
0xdb: {  	[spmem:s4] =	stream.indirect.scatter.add.f32 [tilespmem:s0], [sflag:$0xB], $0x80, s12, s25, $0xb8;
	[tilespmem:$0x1C458] =	vst v63  }
.Ltmp5:
0xdc: {  	s3 =	simm.s32 $0x4FD8;
	_ =	swait.ge [sflag:s9], $0x1400;
	(pc) =	sbr.rel @p1 .LBB2_8-.Ltmp5, $4  }
0xdd: {  	s7 =	sadd.s32 $0x19, s7;
	s14 =	sadd.s32 $0x19, s14;
	[sflag:s9] =	ssyncset.done $0x0  }
0xde: {  	s10 =	simm.s32 $0x63D8;
	s24 =	sadd.s32 $0x168, s24;
	[sflag:s9] =	ssyncadd.s32 $0xFFFFEC00  }
0xdf: {  	[tilespmem:s12], [sflag:$0xA] =	stream.linear.gather [hbm4b:s18+s8], $0x28, $0x38;
	[tilespmem:$0x1C458] =	vst v63  }
0xe0: {  	s5 =	sadd.s32 $0x19, s5;
	s26 =	simm.s32 $0x27B0;
	s18 =	sadd.s32 $0x19, s18  }
0xe1: {  	s0 =	simm.s32 $0x77D8  }
0xe2: {  	[tilespmem:s0], [sflag:$0x5] =	stream.indirect.gather [hbm4b:s30+s25], $0x80, s24, s25, $0xb8;
	[tilespmem:$0x1C458] =	vst v63  }
0xe3: {  	s8 =	rddreg [dreg:$0x4];
	_ =	swait.ge [sflag:s23], $0x1400  }
0xe4: {  	[sflag:s23] =	ssyncset.done $0x0  }
0xe5: {  	s5 =	simm.s32 $0x6;
	[sflag:s23] =	ssyncadd.s32 $0xFFFFEC00  }
0xe6: {  	_ =	swait.ge [sflag:s5], $0x28  }
0xe7: {  	[sflag:s5] =	ssyncset.done $0x0  }
0xe8: {  	[sflag:s5] =	ssyncadd.s32 $0xFFFFFFD8  }
0xe9: {  	[spmem:s4] =	stream.indirect.scatter.add.f32 [tilespmem:s31], [sflag:$0xB], $0x80, s1, s25, $0xb8;
	[tilespmem:$0x1C458] =	vst v63  }
0xea: {  	_ =	swait.ge [sflag:s9], $0x1400  }
0xeb: {  	[sflag:s9] =	ssyncset.done $0x0  }
0xec: {  	[sflag:s9] =	ssyncadd.s32 $0xFFFFEC00  }
0xed: {  	_ =	swait.ge [sflag:s13], $0x1400  }
0xee: {  	[sflag:s13] =	ssyncset.done $0x0  }
0xef: {  	s24 =	simm.s32 $0x7;
	[sflag:s13] =	ssyncadd.s32 $0xFFFFEC00  }
0xf0: {  	_ =	swait.ge [sflag:s24], $0x28  }
0xf1: {  	[sflag:s24] =	ssyncset.done $0x0  }
0xf2: {  	[sflag:s24] =	ssyncadd.s32 $0xFFFFFFD8  }
0xf3: {  	[spmem:s4] =	stream.indirect.scatter.add.f32 [tilespmem:s28], [sflag:$0xB], $0x80, s22, s25, $0xb8;
	[tilespmem:$0x1C458] =	vst v63  }
0xf4: {  	_ =	swait.ge [sflag:s9], $0x1400  }
0xf5: {  	[sflag:s9] =	ssyncset.done $0x0  }
0xf6: {  	[sflag:s9] =	ssyncadd.s32 $0xFFFFEC00  }
0xf7: {  	_ =	swait.ge [sflag:s15], $0x1400  }
0xf8: {  	[sflag:s15] =	ssyncset.done $0x0  }
0xf9: {  	[sflag:s15] =	ssyncadd.s32 $0xFFFFEC00  }
0xfa: {  	_ =	swait.ge [sflag:s16], $0x28  }
0xfb: {  	[sflag:s16] =	ssyncset.done $0x0  }
0xfc: {  	[sflag:s16] =	ssyncadd.s32 $0xFFFFFFD8  }
0xfd: {  	[spmem:s4] =	stream.indirect.scatter.add.f32 [tilespmem:s3], [sflag:$0xB], $0x80, s2, s25, $0xb8;
	[tilespmem:$0x1C458] =	vst v63  }
0xfe: {  	_ =	swait.ge [sflag:s9], $0x1400  }
0xff: {  	[sflag:s9] =	ssyncset.done $0x0  }
0x100: {  	[sflag:s9] =	ssyncadd.s32 $0xFFFFEC00  }
0x101: {  	_ =	swait.ge [sflag:s17], $0x1400  }
0x102: {  	[sflag:s17] =	ssyncset.done $0x0  }
0x103: {  	[sflag:s17] =	ssyncadd.s32 $0xFFFFEC00  }
0x104: {  	_ =	swait.ge [sflag:s11], $0x28  }
0x105: {  	[sflag:s11] =	ssyncset.done $0x0  }
0x106: {  	[sflag:s11] =	ssyncadd.s32 $0xFFFFFFD8  }
0x107: {  	[spmem:s4] =	stream.indirect.scatter.add.f32 [tilespmem:s10], [sflag:$0xB], $0x80, s29, s25, $0xb8;
	[tilespmem:$0x1C458] =	vst v63  }
0x108: {  	_ =	swait.ge [sflag:s9], $0x1400  }
0x109: {  	[sflag:s9] =	ssyncset.done $0x0  }
0x10a: {  	[sflag:s9] =	ssyncadd.s32 $0xFFFFEC00  }
0x10b: {  	_ =	swait.ge [sflag:s6], $0x1400  }
0x10c: {  	[sflag:s6] =	ssyncset.done $0x0  }
0x10d: {  	[sflag:s6] =	ssyncadd.s32 $0xFFFFEC00  }
0x10e: {  	_ =	swait.ge [sflag:s21], $0x28  }
0x10f: {  	s30 =	simm.s32 $0x2760;
	s1 =	simm.s32 $0x3BD8;
	[sflag:s21] =	ssyncset.done $0x0  }
0x110: {  	s31 =	simm.s32 $0x9;
	s13 =	simm.s32 $0x2;
	[sflag:s21] =	ssyncadd.s32 $0xFFFFFFD8  }
0x111: {  	[spmem:s4] =	stream.indirect.scatter.add.f32 [tilespmem:s0], [sflag:$0xB], $0x80, s26, s25, $0xb8;
	[tilespmem:$0x1C458] =	vst v63  }
0x112: {  	s15 =	simm.s32 $0x3;
	s16 =	simm.s32 $0x8;
	_ =	swait.ge [sflag:s9], $0x1400  }
0x113: {  	s3 =	simm.s32 $0x7;
	s17 =	simm.s32 $0x4;
	[sflag:s9] =	ssyncset.done $0x0  }
0x114: {  	s11 =	simm.s32 $0x27B0;
	s29 =	stileid.u32;
	[sflag:s9] =	ssyncadd.s32 $0xFFFFEC00  }
0x115: {  	s10 =	simm.s32 $0x27D8;
	s5 =	sshll.u32 s29, $0x6;
	[bflag:$0x0] =	sbarrier.arrive $0xFFFF  }
.Ltmp6:
0x116: {  	s5 =	sor.u32 $0x1C01, s5;
	s24 =	rddreg [dreg:$0xd];
	(pc) =	sbr.rel @!p0 .LBB2_11-.Ltmp6, $4  }
0x117: {  	s6 =	simm.s32 $0x2788;
	s18 =	rddreg [dreg:$0x13];
	s7 =	sshrl.u32 s24, $0x3  }
0x118: {  	[hbm:s18], [sflag:s5] =	dma.local [spmem:s7], $0x280  }
0x119: {  	s21 =	simm.s32 $0x63D8;
	s26 =	simm.s32 $0x2738;
	s20 =	rddreg [dreg:$0x6]  }
0x11a: {  	s0 =	simm.s32 $0x4FD8;
	s14 =	sadd.s32 $0x14000, s24;
	s7 =	sadd.s32 $0xFFFFFFFF, s20  }
.LBB2_10:
0x11b: {  	p1 =	sne.s32 s7, $0x1;
	s7 =	sadd.s32 $0xFFFFFFFF, s7  }
.Ltmp7:
0x11c: {  	s19 =	sshrl.u32 s14, $0x3;
	s18 =	sadd.s32 $0x2800, s18;
	(pc) =	sbr.rel @p1 .LBB2_10-.Ltmp7, $3  }
0x11d: {  	[hbm:s18], [sflag:s5] =	dma.local [spmem:s19], $0x280  }
0x11e: {  	_ =	sdelay $0x1  }
0x11f: {  	s14 =	sadd.s32 $0x14000, s14  }
.LBB2_11:
.Ltmp8:
0x120: {  	(pc) =	sbr.rel @!p0 .LBB2_13-.Ltmp8, $3  }
0x121: {  	_ =	sdelay $0x1  }
0x122: {  	_ =	swait.ge [sflag:s23], $0x280  }
0x123: {  	s5 =	sadd.s32 $0xFFFFFFFF, s20;
	s4 =	simm.s32 $0x0;
	[sflag:s23] =	ssyncset.done $0x0  }
.LBB2_12:
0x124: {  	p0 =	sne.s32 s5, $0x1;
	s5 =	sadd.s32 $0xFFFFFFFF, s5;
	[sflag:s23] =	ssyncadd.s32 $0xFFFFFD80  }
.Ltmp9:
0x125: {  	(pc) =	sbr.rel @p0 .LBB2_12-.Ltmp9, $3  }
0x126: {  	_ =	sdelay $0x1  }
0x127: {  	_ =	swait.ge [sflag:s23], $0x280  }
0x128: {  	[sflag:s23] =	ssyncset.done $0x0  }
.LBB2_13:
0x129: {  	s7 =	rddreg [dreg:$0x14]  }
0x12a: {  	s5 =	rddreg [dreg:$0xc];
	s7 =	sadd.s32 $0x1, s7  }
0x12b: {  	p0 =	sne.s32 s7, s5  }
.Ltmp10:
0x12c: {  	_ = 	snop;
	(pc) =	sbr.rel @p0 .LBB2_1-.Ltmp10, $4  }
0x12d: {  	_ = 	snop  }
0x12e: {  	[sflag:s23] =	ssyncadd.s32 $0xFFFFFD80  }
0x12f: {  	s14 =	smov.u32 s8;
	s18 =	simm.s32 $0x2710;
	s12 =	simm.s32 $0x77D8  }
0x130: {  	s19 =	simm.s32 $0x5;
	s29 =	simm.s32 $0xA;
	s8 =	simm.s32 $0x6  }
0x131: {  	_ =	sfence.sel $0x180000  }
0x132: {  	[bflag:$0x0] =	sbarrier.arrive $0xFFFF  }
0x133: {  	_ =	strace $0x90000047  }
0x134: {  	s0 =	stileid.u32;
	[bflag:$0x2] =	sbarrier.arrive $0xFFFF  }
0x135: {  	p0 =	sne.s32 s0, $0x0;
	s0 =	rddreg [dreg:$0x3]  }
0x136: {  	s0 =	sadd.s32 @!p0 $0x100000, s0  }
0x137: {  	[sflag:s0] =	ssyncadd.tile.s32 @!p0 $0x1;
	_ =	shalt  }
.Lfunc_end2:
_tile_overlayer_lowered:
.L_overlay_start_2:
0x138: {  	(tag) =	ssettag $0x2  }
0x139: {  	s0 =	rddreg [dreg:$0x0];
	s2 =	stileid.u32  }
0x13a: {  	s1 =	rddreg [dreg:$0x1];
	p0 =	sne.s32 s2, $0x0  }
0x13b: {  	s3 =	rddreg [dreg:$0x2];
	[bflag:$0x3] =	sbarrier.arrive $0xFFFF;
	s2 =	simm.s32 @!p0 $0x1C0B  }
0x13c: {  	[timem:s3], [sflag:s2] =	dma.local @!p0 [hbm:s0], s1  }
0x13d: {  	s0 =	simm.s32 @!p0 $0xB  }
0x13e: {  	_ =	swait.ge @!p0 [sflag:s0], s1  }
0x13f: {  	s1 =	ssub.s32 @!p0 $0x0, s1;
	[sflag:s0] =	ssyncset.done @!p0 $0x0  }
0x140: {  	[sflag:s0] =	ssyncadd.s32 @!p0 s1  }
0x141: {  	[bflag:$0x3] =	sbarrier.arrive $0xFFFF  }
0x142: {  	_ =	shalt  }

// kernel: kernel.8.cloned.1.call-start
scs
__scs_entry_jumppad:
0x0: {  	(pc) =	sbr.rel $0x88, $3  }
0x1: {  	(tag) =	ssettag $0x0;
	lr =	simm.s32 $0x1  }
0x2: {  	[smem:$0x3F9D] =	sst lr;
	_ =	strace $0xD0000000  }
0x3: {  	_ = 	snop  }
0x4: {  	_ = 	snop  }
0x5: {  	_ = 	snop  }
0x6: {  	_ = 	snop  }
0x7: {  	_ = 	snop  }
__scs_overlays_trampoline_lowered:
0x8: {  	[smem:$0x3FAC] =	sst s0  }
0x9: {  	[smem:$0x3FAD] =	sst s1  }
0xa: {  	[smem:$0x3FAE] =	sst s2  }
0xb: {  	[smem:$0x3FAF] =	sst s3  }
0xc: {  	[smem:$0x3FB0] =	sst s4  }
0xd: {  	[smem:$0x3FB1] =	sst s5  }
0xe: {  	[smem:$0x3FB2] =	sst s6  }
0xf: {  	[smem:$0x3FB3] =	sst s7  }
0x10: {  	[smem:$0x3FB4] =	sst s8  }
0x11: {  	[smem:$0x3FB5] =	sst s9;
	s0 =	simm.s32 @!p0 $0x0  }
0x12: {  	s1 =	sld [smem:$0x3F9B];
	s0 =	simm.s32 @p0 $0x1  }
0x13: {  	[smem:$0x3FB6] =	sst s0;
	s0 =	simm.s32 @!p1 $0x0  }
0x14: {  	s2 =	sld [smem:$0x3F9A];
	s0 =	simm.s32 @p1 $0x1  }
0x15: {  	[smem:$0x3FB7] =	sst s0;
	s0 =	simm.s32 @!p2 $0x0  }
0x16: {  	s3 =	sld [smem:$0x3FDB];
	s0 =	simm.s32 @p2 $0x1  }
0x17: {  	s4 =	simm.s32 $0x1BF5;
	[smem:$0x3FB9] =	sst s0  }
0x18: {  	s0 =	sld [smem:$0x3F9C];
	_ =	swait.ge [sflag:s4], $0x0  }
0x19: {  	s7 =	sld [smem:$0x3F9D]  }
0x1a: {  	s8 =	sadd.s32 $0xFFFFE003, lr  }
0x1b: {  	s9 =	sadd.s32 $0xFFFFFEF7, lr;
	s5 =	simm.s32 $0xFFFFFFFF;
	p2 =	slt.u32 s8, $0xFFFFF086  }
0x1c: {  	p1 =	slt.u32 s9, $0xF7A;
	s5 =	simm.s32 @!p2 $0x0  }
0x1d: {  	s5 =	simm.s32 @p1 $0x1;
	p0 =	seq.s32 s7, s2  }
0x1e: {  	s7 =	smul.u32 @!p0 $0xF7A, s2;
	p2 =	seq.s32 @!p0 s5, $0x0  }
0x1f: {  	s9 =	smul.u32 $0xF7A, s1;
	s8 =	simm.s32 @!p0 $0x1BF5;
	p2 =	por !p2, p0  }
0x20: {  	[sflag:s8] =	ssyncset.s32 @!p0 $0xFFFFF086;
	s6 =	sadd.s32 @!p0 s3, s7;
	s7 =	simm.s32 @!p0 $0x108  }
0x21: {  	s3 =	sadd.s32 s3, s9;
	s6 =	sadd.s32 @!p0 $0x88, s6;
	s7 =	simm.s32 @p2 $0x1082  }
0x22: {  	[simem:s7], [sflag:s8] =	dma.local @!p0 [hbm:s6], $0xF7A  }
0x23: {  	s9 =	sor.u32 $0xD0000000, s2;
	s6 =	simm.s32 $0x108;
	_ =	swait.ge @!p0 [sflag:s8], $0x0  }
0x24: {  	s3 =	sadd.s32 $0x88, s3;
	s6 =	simm.s32 @!p1 $0x1082;
	[sflag:s4] =	ssyncset.s32 $0xFFFFF086  }
0x25: {  	[simem:s6], [sflag:s4] =	dma.local [hbm:s3], $0xF7A  }
0x26: {  	[smem:$0x3F9D] =	sst s1;
	(tag) =	ssettag s2;
	_ =	strace s9  }
0x27: {  	s1 =	sld [smem:$0x3FAD]  }
0x28: {  	s2 =	sld [smem:$0x3FAE]  }
0x29: {  	s4 =	sld [smem:$0x3FB0]  }
0x2a: {  	p0 =	seq.s32 s5, $0x0;
	s5 =	sld [smem:$0x3FB1]  }
0x2b: {  	s6 =	sld [smem:$0x3FB2]  }
0x2c: {  	s7 =	sld [smem:$0x3FB3]  }
0x2d: {  	s3 =	simm.s32 $0x108;
	s8 =	sld [smem:$0x3FB4]  }
0x2e: {  	s3 =	simm.s32 @!p0 $0x1082;
	s9 =	sld [smem:$0x3FB5]  }
0x2f: {  	lr =	sadd.s32 s0, s3;
	s0 =	sld [smem:$0x3FAC]  }
0x30: {  	s3 =	sld [smem:$0x3FAF]  }
0x31: {  	[smem:$0x3FB8] =	sst s10  }
0x32: {  	s10 =	sld [smem:$0x3FB6];
	_ =	sdelay $0x3  }
0x33: {  	p0 =	seq.s32 s10, $0x1;
	s10 =	sld [smem:$0x3FB8];
	_ =	sdelay $0x3  }
0x34: {  	[smem:$0x3FB8] =	sst s10  }
0x35: {  	s10 =	sld [smem:$0x3FB7];
	_ =	sdelay $0x3  }
0x36: {  	p1 =	seq.s32 s10, $0x1;
	s10 =	sld [smem:$0x3FB8];
	_ =	sdelay $0x3  }
0x37: {  	[smem:$0x3FB8] =	sst s10  }
0x38: {  	s10 =	sld [smem:$0x3FB9]  }
0x39: {  	_ = 	snop;
	(pc) =	sbr.ind lr, $3  }
0x3a: {  	_ = 	snop  }
0x3b: {  	_ = 	snop  }
0x3c: {  	p2 =	seq.s32 s10, $0x1;
	s10 =	sld [smem:$0x3FB8]  }
0x3d: {  	_ =	shalt  }
0x3e: {  	_ =	shalt  }
0x3f: {  	_ =	shalt  }
0x40: {  	_ =	shalt  }
0x41: {  	_ =	shalt  }
0x42: {  	_ =	shalt  }
0x43: {  	_ =	shalt  }
0x44: {  	_ =	shalt  }
0x45: {  	_ =	shalt  }
0x46: {  	_ =	shalt  }
0x47: {  	_ =	shalt  }
0x48: {  	_ =	shalt  }
0x49: {  	_ =	shalt  }
0x4a: {  	_ =	shalt  }
0x4b: {  	_ =	shalt  }
0x4c: {  	_ =	shalt  }
0x4d: {  	_ =	shalt  }
0x4e: {  	_ =	shalt  }
0x4f: {  	_ =	shalt  }
0x50: {  	_ =	shalt  }
0x51: {  	_ =	shalt  }
0x52: {  	_ =	shalt  }
0x53: {  	_ =	shalt  }
0x54: {  	_ =	shalt  }
0x55: {  	_ =	shalt  }
0x56: {  	_ =	shalt  }
0x57: {  	_ =	shalt  }
0x58: {  	_ =	shalt  }
0x59: {  	_ =	shalt  }
0x5a: {  	_ =	shalt  }
0x5b: {  	_ =	shalt  }
0x5c: {  	_ =	shalt  }
0x5d: {  	_ =	shalt  }
0x5e: {  	_ =	shalt  }
0x5f: {  	_ =	shalt  }
0x60: {  	_ =	shalt  }
0x61: {  	_ =	shalt  }
0x62: {  	_ =	shalt  }
0x63: {  	_ =	shalt  }
0x64: {  	_ =	shalt  }
0x65: {  	_ =	shalt  }
0x66: {  	_ =	shalt  }
0x67: {  	_ =	shalt  }
0x68: {  	_ =	shalt  }
0x69: {  	_ =	shalt  }
0x6a: {  	_ =	shalt  }
0x6b: {  	_ =	shalt  }
0x6c: {  	_ =	shalt  }
0x6d: {  	_ =	shalt  }
0x6e: {  	_ =	shalt  }
0x6f: {  	_ =	shalt  }
0x70: {  	_ =	shalt  }
0x71: {  	_ =	shalt  }
0x72: {  	_ =	shalt  }
0x73: {  	_ =	shalt  }
0x74: {  	_ =	shalt  }
0x75: {  	_ =	shalt  }
0x76: {  	_ =	shalt  }
0x77: {  	_ =	shalt  }
0x78: {  	_ =	shalt  }
0x79: {  	_ =	shalt  }
0x7a: {  	_ =	shalt  }
0x7b: {  	_ =	shalt  }
0x7c: {  	_ =	shalt  }
0x7d: {  	_ =	shalt  }
0x7e: {  	_ =	shalt  }
0x7f: {  	_ =	shalt  }
0x80: {  	_ =	shalt  }
0x81: {  	_ =	shalt  }
0x82: {  	_ =	shalt  }
0x83: {  	_ =	shalt  }
0x84: {  	_ =	shalt  }
0x85: {  	_ =	shalt  }
0x86: {  	_ =	shalt  }
0x87: {  	_ =	shalt  }
.Lfunc_end0:
.L_simem_size_0:
called_computation.1_lowered:
.L_overlay_start_0:
0x88: {  	s2 =	sld [smem:$0x3FD9]  }
0x89: {  	s3 =	sld [smem:$0x3FFE];
	_ =	sdelay $0x1  }
0x8a: {  	s1 =	srdreg.scid  }
0x8b: {  	s0 =	sand.u32 $0x1, s1  }
0x8c: {  	s17 =	sshll.u32 s0, $0xA;
	s2 =	sadd.s32 s3, s2  }
0x8d: {  	s2 =	sadd.s32 s2, s17  }
0x8e: {  	[smem:$0x3FC4] =	sst s2  }
0x8f: {  	_ = 	snop  }
0x90: {  	s2 =	sld [smem:$0x3FD0];
	(tm) =	ssettm $0x1  }
0x91: {  	s18 =	sld [smem:$0x3FFB];
	_ =	sdelay $0x3  }
0x92: {  	_ =	strace s18  }
0x93: {  	s3 =	sld [smem:$0x3FFC];
	_ =	sdelay $0x3  }
0x94: {  	_ =	strace s3  }
0x95: {  	s3 =	sld [smem:$0x3FFD];
	_ =	sdelay $0x3  }
0x96: {  	_ =	strace s3  }
0x97: {  	_ =	strace $0x8FFFFFFF  }
0x98: {  	s19 =	sld [smem:$0x3FDB];
	_ =	sdelay $0x1  }
0x99: {  	s4 =	simm.s32 $_scs_section_size  }
0x9a: {  	s5 =	simm.s32 $_size__tile_overlayer_lowered;
	s6 =	simm.s32 $_tile_overlayer_lowered  }
0x9b: {  	s22 =	simm.s32 $0x1BFF;
	s21 =	sshll.u32 s6, $0x1;
	s3 =	sadd.s32 s4, s19  }
0x9c: {  	s7 =	simm.s32 $0x0;
	s20 =	sshll.u32 s5, $0x1;
	s5 =	sadd.s32 s21, s3  }
0x9d: {  	[timem:s7], [sflag:s22] =	dma.local [hbm:s5], s20  }
0x9e: {  	_ =	swait.ge [sflag:s22], s20  }
0x9f: {  	s4 =	ssub.s32 $0x0, s20;
	[sflag:s22] =	ssyncset.done $0x0  }
0xa0: {  	[sflag:s22] =	ssyncadd.s32 s4;
	_ =	sdelay $0x1  }
0xa1: {  	s23 =	simm.s32 $0x1B8B  }
0xa2: {  	_ =	swait.ge [sflag:s23], $0x1  }
0xa3: {  	[sflag:s23] =	ssyncset.done $0x0  }
0xa4: {  	s25 =	simm.s32 $0x1B8E;
	s24 =	sld [smem:$0x3FFE];
	[sflag:s23] =	ssyncadd.s32 $0xFFFFFFFF  }
0xa5: {  	s26 =	simm.s32 $execute0_lowered;
	[smem:$0x3FD2] =	sst s25  }
0xa6: {  	s5 =	sshll.u32 s26, $0x1;
	_ =	strace $0x80000049;
	[dreg:$0x1] =	wrdreg $0xFFFFFFFF  }
0xa7: {  	s28 =	simm.s32 $_size_execute0_lowered;
	s3 =	sadd.s32 s3, s5;
	[dreg:$0x0] =	wrdreg $0x0  }
0xa8: {  	s5 =	sshll.u32 s28, $0x1;
	[dreg:$0x2] =	wrdreg s3  }
0xa9: {  	[dreg:$0x3] =	wrdreg s5  }
0xaa: {  	[dreg:$0x4] =	wrdreg $0xC0  }
0xab: {  	_ =	task [dreg:s7], $0x5FFFF  }
0xac: {  	[dreg:$0x1] =	wrdreg $0xFFFFFFFF  }
0xad: {  	[dreg:$0x0] =	wrdreg $0x60  }
0xae: {  	[dreg:$0x2] =	wrdreg s2  }
0xaf: {  	[dreg:$0x3] =	wrdreg s24  }
0xb0: {  	[dreg:$0x4] =	wrdreg $0x81B00  }
0xb1: {  	[dreg:$0x5] =	wrdreg $0x9  }
0xb2: {  	_ =	task.clear_ibuf [dreg:s7], $0x6FFFF;
	_ =	strace $0x90000049  }
0xb3: {  	s29 =	simm.s32 $0x9;
	_ =	strace $0x8000004B  }
0xb4: {  	_ =	swait.ge [sflag:s29], $0x1  }
0xb5: {  	[sflag:s29] =	ssyncadd.s32 $0xFFFFFFFF  }
0xb6: {  	_ =	strace $0x9000004B  }
0xb7: {  	_ =	sfence  }
0xb8: {  	s30 =	sld [smem:$0x0];
	_ =	sdelay $0x2  }
0xb9: {  	s31 =	sshll.u32 s1, $0xD;
	s1 =	sshrl.u32 s1, $0x2  }
0xba: {  	s3 =	sand.u32 $0x4000, s31;
	s1 =	sadd.s32 s1, s30  }
0xbb: {  	s0 =	sor.u32 s3, s0;
	s1 =	sshll.u32 s1, $0x11  }
0xbc: {  	s0 =	sor.u32 s1, s0  }
0xbd: {  	s0 =	sadd.s32 $0x8F2B, s0  }
0xbe: {  	[sflag:s0] =	ssyncadd.remote.s32 $0x1  }
0xbf: {  	_ =	sfence.sel $0xFFFF  }
0xc0: {  	[dreg:$0x0] =	wrdreg $0xFFFFFFFF;
	(pc) =	sbr.abs _section_cstart, $3  }
0xc1: {  	[dreg:$0x1] =	wrdreg $0xFFFFFFFF  }
0xc2: {  	_ =	task.clear_ibuf [dreg:s7], $0x2FFFF;
	_ =	strace $0x9FFFFFFF  }
0xc3: {  	(tm) =	ssettm $0x7FFFFFFF  }
tec
execute0_lowered:
.L_overlay_start_1:
0x0: {  	(tag) =	ssettag $0x1  }
0x1: {  	s0 =	rddreg [dreg:$0x0]  }
0x2: {  	s11 =	stileid.u32;
	s4 =	rddreg [dreg:$0x1]  }
0x3: {  	s1 =	srdreg.scid;
	s2 =	rddreg [dreg:$0x2];
	s3 =	simm.s32 $0x0  }
0x4: {  	s28 =	simm.s32 $0x6DB0;
	s29 =	simm.s32 $0x4F60;
	s5 =	smul.u32 $0x4E20, s11  }
0x5: {  	s31 =	simm.s32 $0x77B0;
	s30 =	simm.s32 $0x3;
	s7 =	smul.u32 $0xA00, s11  }
0x6: {  	s1 =	sand.u32 $0x1, s1;
	[smem:$0x7FF] =	sst s3;
	s10 =	smul.u32 $0x2800, s11  }
0x7: {  	s9 =	sadd.s32 $0x800, s4;
	s18 =	ssub.s32 $0x8C, s11;
	s20 =	smul.u32 $0x9C4, s11  }
0x8: {  	s11 =	simm.s32 $0x0;
	s6 =	smul.u32 $0x4E200, s1;
	s1 =	ssub.s32 $0x2, s1  }
0x9: {  	_ =	strace $0x8000004A;
	s8 =	sshrl.u32 s5, $0x3;
	s16 =	sshrl.u32 s1, $0x1  }
0xa: {  	s24 =	sshrl.u32 s10, $0x2;
	s10 =	simm.s32 $0xA;
	s14 =	sadd.s32 s7, s6  }
0xb: {  	s15 =	sadd.s32 s8, s4;
	s1 =	ssub.s32 s1, s16;
	s6 =	sshrl.u32 s6, $0x3  }
0xc: {  	s19 =	sadd.s32 s9, s8;
	s25 =	sadd.s32 s24, s2;
	s16 =	simm.s32 $0x6  }
0xd: {  	s24 =	simm.s32 $0x63B0;
	s8 =	simm.s32 $0x9;
	s5 =	sshrl.u32 s14, $0x3  }
0xe: {  	s17 =	sadd.s32 $0xA600, s15;
	s14 =	sshrl.u32 s18, $0x4;
	[dreg:$0x7] =	wrdreg s19  }
0xf: {  	s7 =	sadd.s32 s0, s6;
	s21 =	sadd.s32 $0xA, s19;
	[dreg:$0xd] =	wrdreg s25  }
0x10: {  	s22 =	sadd.s32 $0x14, s19;
	s23 =	sadd.s32 $0x1E, s19;
	[dreg:$0x5] =	wrdreg s17  }
0x11: {  	s0 =	sadd.s32 s20, s9;
	s1 =	smax.u32 s1, $0x1;
	[dreg:$0x8] =	wrdreg s21  }
0x12: {  	s15 =	simm.s32 $0x4FB0;
	s18 =	simm.s32 $0x4E20;
	[dreg:$0x9] =	wrdreg s22  }
0x13: {  	s20 =	simm.s32 $0x4E70;
	s25 =	simm.s32 $0x4F10;
	[dreg:$0xa] =	wrdreg s23  }
0x14: {  	s9 =	simm.s32 $0x5;
	s4 =	sadd.s32 s5, s4;
	[dreg:$0xc] =	wrdreg s1  }
0x15: {  	s5 =	sadd.s32 $0x28, s19;
	[dreg:$0x4] =	wrdreg s0;
	s17 =	simm.s32 $0x1  }
0x16: {  	s19 =	simm.s32 $0x50;
	s21 =	simm.s32 $0x59B0;
	s22 =	simm.s32 $0x4EC0  }
0x17: {  	s1 =	simm.s32 $0xB;
	s23 =	simm.s32 $0x2;
	[dreg:$0x6] =	wrdreg s14  }
0x18: {  	s0 =	simm.s32 $0x8;
	[dreg:$0xb] =	wrdreg s5;
	s26 =	sadd.s32 $0x14400, s4  }
0x19: {  	v0 =	vimm.f32 $0.0e+00;
	s4 =	simm.s32 $0x4;
	[dreg:$0xe] =	wrdreg s26;
	s26 =	simm.s32 $0x7  }
.LBB2_1:
0x1a: {  	s5 =	rddreg [dreg:$0x5];
	s6 =	simm.s32 $0x80;
	s12 =	simm.s32 $0x0  }
0x1b: {  	[tilespmem:s3], [sflag:$0x1] =	stream.linear.gather [hbm4b:s5+s3], $0x4E20, $0x38;
	[tilespmem:$0xCFD0] =	vst v63  }
.LBB2_2:
0x1c: {  	p0 =	sne.s32 s6, $0x2780;
	[tilespmem:s12+$0x4FB0] =	vst v0;
	s13 =	smov.u32 s6;
	s6 =	sadd.s32 $0x80, s6  }
.Ltmp0:
0x1d: {  	[tilespmem:s12+$0x4FC0] =	vst v0;
	(pc) =	sbr.rel @p0 .LBB2_2-.Ltmp0, $2  }
0x1e: {  	_ =	sdelay $0x2  }
0x1f: {  	s12 =	sshra.s32 s13, $0x2  }
0x20: {  	p0 =	sne.s32 s14, $0x1  }
.Ltmp1:
0x21: {  	_ = 	snop;
	(pc) =	sbr.rel @!p0 .LBB2_5-.Ltmp1, $4  }
0x22: {  	_ = 	snop  }
0x23: {  	[tilespmem:s12+$0x4FB0] =	vst v0  }
0x24: {  	[tilespmem:s12+$0x4FC0] =	vst v0;
	s12 =	rddreg [dreg:$0xd];
	s6 =	sadd.s32 $0xFFFFFFFF, s14  }
0x25: {  	[spmem:s12] =	stream.linear.scatter [tilespmem:s15], [sflag:$0x6], $0xA00, $0x38;
	[tilespmem:$0xCFD0] =	vst v63  }
.LBB2_4:
0x26: {  	p1 =	sne.s32 s6, $0x1  }
.Ltmp2:
0x27: {  	_ = 	snop;
	(pc) =	sbr.rel @p1 .LBB2_4-.Ltmp2, $3  }
0x28: {  	_ = 	snop  }
0x29: {  	s6 =	sadd.s32 $0xFFFFFFFF, s6;
	s12 =	sadd.s32 $0xA000, s12;
	_ =	sdelay $0x1  }
0x2a: {  	[spmem:s12] =	stream.linear.scatter [tilespmem:s15], [sflag:$0x6], $0xA00, $0x38;
	[tilespmem:$0xCFD0] =	vst v63  }
.LBB2_5:
.Ltmp3:
0x2b: {  	(pc) =	sbr.rel @!p0 .LBB2_7-.Ltmp3, $3  }
0x2c: {  	_ =	sdelay $0x1  }
0x2d: {  	_ =	swait.ge [sflag:s16], $0xA00  }
0x2e: {  	s6 =	sadd.s32 $0xFFFFFFFF, s14;
	[sflag:s16] =	ssyncset.done $0x0  }
.LBB2_6:
0x2f: {  	p1 =	sne.s32 s6, $0x1;
	s6 =	sadd.s32 $0xFFFFFFFF, s6;
	[sflag:s16] =	ssyncadd.s32 $0xFFFFF600  }
.Ltmp4:
0x30: {  	(pc) =	sbr.rel @p1 .LBB2_6-.Ltmp4, $3  }
0x31: {  	_ =	sdelay $0x1  }
0x32: {  	_ =	swait.ge [sflag:s16], $0xA00  }
0x33: {  	[sflag:s16] =	ssyncset.done $0x0  }
.LBB2_7:
0x34: {  	[sflag:s16] =	ssyncadd.s32 $0xFFFFF600  }
0x35: {  	_ =	swait.ge [sflag:s17], $0x4E20  }
0x36: {  	[sflag:s17] =	ssyncset.done $0x0  }
0x37: {  	[sflag:s17] =	ssyncadd.s32 $0xFFFFB1E0  }
0x38: {  	[bflag:$0x0] =	sbarrier.arrive $0xFFFF  }
0x39: {  	s6 =	simm.s32 $0x0;
	s5 =	rddreg [dreg:$0x7]  }
0x3a: {  	[tilespmem:s18], [sflag:$0x6] =	stream.linear.gather [hbm4b:s5+s6], $0x50, $0x38;
	[tilespmem:$0xCFD0] =	vst v63  }
0x3b: {  	_ = 	snop  }
0x3c: {  	[tilespmem:s15], [sflag:$0x1] =	stream.indirect.gather [hbm4b:s7+s19], $0x20, s6, s19, $0xb8;
	[tilespmem:$0xCFD0] =	vst v63  }
0x3d: {  	s12 =	rddreg [dreg:$0x8]  }
0x3e: {  	[tilespmem:s20], [sflag:$0x7] =	stream.linear.gather [hbm4b:s12+s6], $0x50, $0x38;
	[tilespmem:$0xCFD0] =	vst v63  }
0x3f: {  	_ = 	snop  }
0x40: {  	[tilespmem:s21], [sflag:$0x2] =	stream.indirect.gather [hbm4b:s7+s19], $0x20, s19, s19, $0xb8;
	[tilespmem:$0xCFD0] =	vst v63  }
0x41: {  	s13 =	rddreg [dreg:$0x9]  }
0x42: {  	[tilespmem:s22], [sflag:$0x8] =	stream.linear.gather [hbm4b:s13+s6], $0x50, $0x38;
	[tilespmem:$0xCFD0] =	vst v63  }
0x43: {  	s14 =	simm.s32 $0xA0  }
0x44: {  	[tilespmem:s24], [sflag:$0x3] =	stream.indirect.gather [hbm4b:s7+s19], $0x20, s14, s19, $0xb8;
	[tilespmem:$0xCFD0] =	vst v63  }
0x45: {  	s12 =	rddreg [dreg:$0xa]  }
0x46: {  	[tilespmem:s25], [sflag:$0x9] =	stream.linear.gather [hbm4b:s12+s6], $0x50, $0x38;
	[tilespmem:$0xCFD0] =	vst v63  }
0x47: {  	s13 =	simm.s32 $0xF0  }
0x48: {  	[tilespmem:s28], [sflag:$0x4] =	stream.indirect.gather [hbm4b:s7+s19], $0x20, s13, s19, $0xb8;
	[tilespmem:$0xCFD0] =	vst v63  }
0x49: {  	s14 =	rddreg [dreg:$0xb]  }
0x4a: {  	[tilespmem:s29], [sflag:$0xA] =	stream.linear.gather [hbm4b:s14+s6], $0x50, $0x38;
	[tilespmem:$0xCFD0] =	vst v63  }
0x4b: {  	s12 =	simm.s32 $0x140  }
0x4c: {  	[tilespmem:s31], [sflag:$0x5] =	stream.indirect.gather [hbm4b:s7+s19], $0x20, s12, s19, $0xb8;
	[tilespmem:$0xCFD0] =	vst v63  }
0x4d: {  	_ =	swait.ge [sflag:s17], $0xA00  }
0x4e: {  	[sflag:s17] =	ssyncset.done $0x0  }
0x4f: {  	[sflag:s17] =	ssyncadd.s32 $0xFFFFF600  }
0x50: {  	_ =	swait.ge [sflag:s16], $0x50  }
0x51: {  	[sflag:s16] =	ssyncset.done $0x0  }
0x52: {  	[sflag:s16] =	ssyncadd.s32 $0xFFFFFFB0  }
0x53: {  	[spmem:s2] =	stream.indirect.scatter.add.f32 [tilespmem:s15], [sflag:$0xB], $0x20, s18, s19, $0xb8;
	[tilespmem:$0xCFD0] =	vst v63  }
0x54: {  	_ =	swait.ge [sflag:s1], $0xA00  }
0x55: {  	s13 =	rddreg [dreg:$0x4]  }
0x56: {  	[sflag:s1] =	ssyncset.done $0x0;
	s6 =	sadd.s32 $0x0, s13  }
0x57: {  	[sflag:s1] =	ssyncadd.s32 $0xFFFFF600;
	s12 =	sadd.s32 $0x32, s6  }
0x58: {  	[tilespmem:s18], [sflag:$0x6] =	stream.linear.gather [hbm4b:s12+s3], $0x50, $0x38;
	[tilespmem:$0xCFD0] =	vst v63  }
0x59: {  	s14 =	simm.s32 $0x190  }
0x5a: {  	[tilespmem:s15], [sflag:$0x1] =	stream.indirect.gather [hbm4b:s7+s19], $0x20, s14, s19, $0xb8;
	[tilespmem:$0xCFD0] =	vst v63  }
0x5b: {  	_ =	swait.ge [sflag:s23], $0xA00  }
0x5c: {  	[sflag:s23] =	ssyncset.done $0x0  }
0x5d: {  	[sflag:s23] =	ssyncadd.s32 $0xFFFFF600  }
0x5e: {  	_ =	swait.ge [sflag:s26], $0x50  }
0x5f: {  	[sflag:s26] =	ssyncset.done $0x0  }
0x60: {  	[sflag:s26] =	ssyncadd.s32 $0xFFFFFFB0  }
0x61: {  	[spmem:s2] =	stream.indirect.scatter.add.f32 [tilespmem:s21], [sflag:$0xB], $0x20, s20, s19, $0xb8;
	[tilespmem:$0xCFD0] =	vst v63  }
0x62: {  	_ =	swait.ge [sflag:s1], $0xA00  }
0x63: {  	[sflag:s1] =	ssyncset.done $0x0  }
0x64: {  	s5 =	sadd.s32 $0x3C, s6;
	[sflag:s1] =	ssyncadd.s32 $0xFFFFF600  }
0x65: {  	[tilespmem:s20], [sflag:$0x7] =	stream.linear.gather [hbm4b:s5+s3], $0x50, $0x38;
	[tilespmem:$0xCFD0] =	vst v63  }
0x66: {  	s13 =	simm.s32 $0x1E0  }
0x67: {  	[tilespmem:s21], [sflag:$0x2] =	stream.indirect.gather [hbm4b:s7+s19], $0x20, s13, s19, $0xb8;
	[tilespmem:$0xCFD0] =	vst v63  }
0x68: {  	_ =	swait.ge [sflag:s30], $0xA00  }
0x69: {  	[sflag:s30] =	ssyncset.done $0x0  }
0x6a: {  	[sflag:s30] =	ssyncadd.s32 $0xFFFFF600  }
0x6b: {  	_ =	swait.ge [sflag:s0], $0x50  }
0x6c: {  	[sflag:s0] =	ssyncset.done $0x0  }
0x6d: {  	[sflag:s0] =	ssyncadd.s32 $0xFFFFFFB0  }
0x6e: {  	[spmem:s2] =	stream.indirect.scatter.add.f32 [tilespmem:s24], [sflag:$0xB], $0x20, s22, s19, $0xb8;
	[tilespmem:$0xCFD0] =	vst v63  }
0x6f: {  	_ =	swait.ge [sflag:s1], $0xA00  }
0x70: {  	[sflag:s1] =	ssyncset.done $0x0  }
0x71: {  	s14 =	sadd.s32 $0x46, s6;
	[sflag:s1] =	ssyncadd.s32 $0xFFFFF600  }
0x72: {  	[tilespmem:s22], [sflag:$0x8] =	stream.linear.gather [hbm4b:s14+s3], $0x50, $0x38;
	[tilespmem:$0xCFD0] =	vst v63  }
0x73: {  	s5 =	simm.s32 $0x230  }
0x74: {  	[tilespmem:s24], [sflag:$0x3] =	stream.indirect.gather [hbm4b:s7+s19], $0x20, s5, s19, $0xb8;
	[tilespmem:$0xCFD0] =	vst v63  }
0x75: {  	_ =	swait.ge [sflag:s4], $0xA00  }
0x76: {  	[sflag:s4] =	ssyncset.done $0x0  }
0x77: {  	[sflag:s4] =	ssyncadd.s32 $0xFFFFF600  }
0x78: {  	_ =	swait.ge [sflag:s8], $0x50  }
0x79: {  	[sflag:s8] =	ssyncset.done $0x0  }
0x7a: {  	[sflag:s8] =	ssyncadd.s32 $0xFFFFFFB0  }
0x7b: {  	[spmem:s2] =	stream.indirect.scatter.add.f32 [tilespmem:s28], [sflag:$0xB], $0x20, s25, s19, $0xb8;
	[tilespmem:$0xCFD0] =	vst v63  }
0x7c: {  	_ =	swait.ge [sflag:s1], $0xA00  }
0x7d: {  	[sflag:s1] =	ssyncset.done $0x0  }
0x7e: {  	s13 =	sadd.s32 $0x50, s6;
	[sflag:s1] =	ssyncadd.s32 $0xFFFFF600  }
0x7f: {  	[tilespmem:s25], [sflag:$0x9] =	stream.linear.gather [hbm4b:s13+s3], $0x50, $0x38;
	[tilespmem:$0xCFD0] =	vst v63  }
0x80: {  	s14 =	simm.s32 $0x280  }
0x81: {  	[tilespmem:s28], [sflag:$0x4] =	stream.indirect.gather [hbm4b:s7+s19], $0x20, s14, s19, $0xb8;
	[tilespmem:$0xCFD0] =	vst v63  }
0x82: {  	_ =	swait.ge [sflag:s9], $0xA00  }
0x83: {  	[sflag:s9] =	ssyncset.done $0x0  }
0x84: {  	[sflag:s9] =	ssyncadd.s32 $0xFFFFF600  }
0x85: {  	_ =	swait.ge [sflag:s10], $0x50  }
0x86: {  	[sflag:s10] =	ssyncset.done $0x0  }
0x87: {  	[sflag:s10] =	ssyncadd.s32 $0xFFFFFFB0  }
0x88: {  	[spmem:s2] =	stream.indirect.scatter.add.f32 [tilespmem:s31], [sflag:$0xB], $0x20, s29, s19, $0xb8;
	[tilespmem:$0xCFD0] =	vst v63  }
0x89: {  	_ =	swait.ge [sflag:s1], $0xA00  }
0x8a: {  	[sflag:s1] =	ssyncset.done $0x0  }
0x8b: {  	s6 =	sadd.s32 $0x5A, s6;
	[sflag:s1] =	ssyncadd.s32 $0xFFFFF600  }
0x8c: {  	[tilespmem:s29], [sflag:$0xA] =	stream.linear.gather [hbm4b:s6+s3], $0x50, $0x38;
	[tilespmem:$0xCFD0] =	vst v63  }
0x8d: {  	s12 =	simm.s32 $0x2D0;
	s14 =	simm.s32 $0x460;
	s6 =	simm.s32 $0x32  }
.LBB2_8:
0x8e: {  	[tilespmem:s31], [sflag:$0x5] =	stream.indirect.gather [hbm4b:s7+s19], $0x20, s12, s19, $0xb8;
	[tilespmem:$0xCFD0] =	vst v63  }
0x8f: {  	_ =	swait.ge [sflag:s17], $0xA00  }
0x90: {  	[sflag:s17] =	ssyncset.done $0x0  }
0x91: {  	[sflag:s17] =	ssyncadd.s32 $0xFFFFF600  }
0x92: {  	_ =	swait.ge [sflag:s16], $0x50  }
0x93: {  	[sflag:s16] =	ssyncset.done $0x0  }
0x94: {  	[sflag:s16] =	ssyncadd.s32 $0xFFFFFFB0  }
0x95: {  	[spmem:s2] =	stream.indirect.scatter.add.f32 [tilespmem:s15], [sflag:$0xB], $0x20, s18, s19, $0xb8;
	[tilespmem:$0xCFD0] =	vst v63  }
0x96: {  	_ =	swait.ge [sflag:s1], $0xA00  }
0x97: {  	s13 =	smov.u32 s6;
	s5 =	rddreg [dreg:$0x4]  }
0x98: {  	[sflag:s1] =	ssyncset.done $0x0;
	s13 =	sadd.s32 s13, s5  }
0x99: {  	[sflag:s1] =	ssyncadd.s32 $0xFFFFF600;
	s5 =	sadd.s32 $0x32, s13  }
0x9a: {  	[tilespmem:s18], [sflag:$0x6] =	stream.linear.gather [hbm4b:s5+s3], $0x50, $0x38;
	[tilespmem:$0xCFD0] =	vst v63  }
0x9b: {  	s5 =	sadd.s32 $0xFFFFFEC0, s14  }
0x9c: {  	[tilespmem:s15], [sflag:$0x1] =	stream.indirect.gather [hbm4b:s7+s19], $0x20, s5, s19, $0xb8;
	[tilespmem:$0xCFD0] =	vst v63  }
0x9d: {  	_ =	swait.ge [sflag:s23], $0xA00  }
0x9e: {  	[sflag:s23] =	ssyncset.done $0x0  }
0x9f: {  	[sflag:s23] =	ssyncadd.s32 $0xFFFFF600  }
0xa0: {  	_ =	swait.ge [sflag:s26], $0x50  }
0xa1: {  	[sflag:s26] =	ssyncset.done $0x0  }
0xa2: {  	[sflag:s26] =	ssyncadd.s32 $0xFFFFFFB0  }
0xa3: {  	[spmem:s2] =	stream.indirect.scatter.add.f32 [tilespmem:s21], [sflag:$0xB], $0x20, s20, s19, $0xb8;
	[tilespmem:$0xCFD0] =	vst v63  }
0xa4: {  	_ =	swait.ge [sflag:s1], $0xA00  }
0xa5: {  	[sflag:s1] =	ssyncset.done $0x0  }
0xa6: {  	s5 =	sadd.s32 $0x3C, s13;
	[sflag:s1] =	ssyncadd.s32 $0xFFFFF600  }
0xa7: {  	[tilespmem:s20], [sflag:$0x7] =	stream.linear.gather [hbm4b:s5+s3], $0x50, $0x38;
	[tilespmem:$0xCFD0] =	vst v63  }
0xa8: {  	s5 =	sadd.s32 $0xFFFFFF10, s14  }
0xa9: {  	[tilespmem:s21], [sflag:$0x2] =	stream.indirect.gather [hbm4b:s7+s19], $0x20, s5, s19, $0xb8;
	[tilespmem:$0xCFD0] =	vst v63  }
0xaa: {  	_ =	swait.ge [sflag:s30], $0xA00  }
0xab: {  	[sflag:s30] =	ssyncset.done $0x0  }
0xac: {  	[sflag:s30] =	ssyncadd.s32 $0xFFFFF600  }
0xad: {  	_ =	swait.ge [sflag:s0], $0x50  }
0xae: {  	[sflag:s0] =	ssyncset.done $0x0  }
0xaf: {  	[sflag:s0] =	ssyncadd.s32 $0xFFFFFFB0  }
0xb0: {  	[spmem:s2] =	stream.indirect.scatter.add.f32 [tilespmem:s24], [sflag:$0xB], $0x20, s22, s19, $0xb8;
	[tilespmem:$0xCFD0] =	vst v63  }
0xb1: {  	_ =	swait.ge [sflag:s1], $0xA00  }
0xb2: {  	[sflag:s1] =	ssyncset.done $0x0  }
0xb3: {  	s5 =	sadd.s32 $0x46, s13;
	[sflag:s1] =	ssyncadd.s32 $0xFFFFF600  }
0xb4: {  	[tilespmem:s22], [sflag:$0x8] =	stream.linear.gather [hbm4b:s5+s3], $0x50, $0x38;
	[tilespmem:$0xCFD0] =	vst v63  }
0xb5: {  	s5 =	sadd.s32 $0xFFFFFF60, s14  }
0xb6: {  	[tilespmem:s24], [sflag:$0x3] =	stream.indirect.gather [hbm4b:s7+s19], $0x20, s5, s19, $0xb8;
	[tilespmem:$0xCFD0] =	vst v63  }
0xb7: {  	_ =	swait.ge [sflag:s4], $0xA00  }
0xb8: {  	[sflag:s4] =	ssyncset.done $0x0  }
0xb9: {  	[sflag:s4] =	ssyncadd.s32 $0xFFFFF600  }
0xba: {  	_ =	swait.ge [sflag:s8], $0x50  }
0xbb: {  	[sflag:s8] =	ssyncset.done $0x0  }
0xbc: {  	[sflag:s8] =	ssyncadd.s32 $0xFFFFFFB0  }
0xbd: {  	[spmem:s2] =	stream.indirect.scatter.add.f32 [tilespmem:s28], [sflag:$0xB], $0x20, s25, s19, $0xb8;
	[tilespmem:$0xCFD0] =	vst v63  }
0xbe: {  	_ =	swait.ge [sflag:s1], $0xA00  }
0xbf: {  	[sflag:s1] =	ssyncset.done $0x0  }
0xc0: {  	s5 =	sadd.s32 $0x50, s13;
	[sflag:s1] =	ssyncadd.s32 $0xFFFFF600  }
0xc1: {  	[tilespmem:s25], [sflag:$0x9] =	stream.linear.gather [hbm4b:s5+s3], $0x50, $0x38;
	[tilespmem:$0xCFD0] =	vst v63  }
0xc2: {  	s5 =	sadd.s32 $0xFFFFFFB0, s14  }
0xc3: {  	[tilespmem:s28], [sflag:$0x4] =	stream.indirect.gather [hbm4b:s7+s19], $0x20, s5, s19, $0xb8;
	[tilespmem:$0xCFD0] =	vst v63  }
0xc4: {  	_ =	swait.ge [sflag:s9], $0xA00  }
0xc5: {  	[sflag:s9] =	ssyncset.done $0x0  }
0xc6: {  	[sflag:s9] =	ssyncadd.s32 $0xFFFFF600  }
0xc7: {  	_ =	swait.ge [sflag:s10], $0x50  }
0xc8: {  	[sflag:s10] =	ssyncset.done $0x0  }
0xc9: {  	p1 =	sne.s32 s6, $0x960;
	[sflag:s10] =	ssyncadd.s32 $0xFFFFFFB0  }
0xca: {  	[spmem:s2] =	stream.indirect.scatter.add.f32 [tilespmem:s31], [sflag:$0xB], $0x20, s29, s19, $0xb8;
	[tilespmem:$0xCFD0] =	vst v63  }
.Ltmp5:
0xcb: {  	_ = 	snop;
	(pc) =	sbr.rel @p1 .LBB2_8-.Ltmp5, $4  }
0xcc: {  	_ =	swait.ge [sflag:s1], $0xA00  }
0xcd: {  	s12 =	smov.u32 s14;
	s6 =	sadd.s32 $0x32, s6;
	[sflag:s1] =	ssyncset.done $0x0  }
0xce: {  	s13 =	sadd.s32 $0x5A, s13;
	s14 =	sadd.s32 $0x190, s14;
	[sflag:s1] =	ssyncadd.s32 $0xFFFFF600  }
0xcf: {  	[tilespmem:s29], [sflag:$0xA] =	stream.linear.gather [hbm4b:s13+s3], $0x50, $0x38;
	[tilespmem:$0xCFD0] =	vst v63  }
0xd0: {  	[tilespmem:s31], [sflag:$0x5] =	stream.indirect.gather [hbm4b:s7+s19], $0x20, s12, s19, $0xb8;
	[tilespmem:$0xCFD0] =	vst v63  }
0xd1: {  	_ =	swait.ge [sflag:s17], $0xA00  }
0xd2: {  	[sflag:s17] =	ssyncset.done $0x0  }
0xd3: {  	[sflag:s17] =	ssyncadd.s32 $0xFFFFF600  }
0xd4: {  	_ =	swait.ge [sflag:s16], $0x50  }
0xd5: {  	[sflag:s16] =	ssyncset.done $0x0  }
0xd6: {  	[sflag:s16] =	ssyncadd.s32 $0xFFFFFFB0  }
0xd7: {  	[spmem:s2] =	stream.indirect.scatter.add.f32 [tilespmem:s15], [sflag:$0xB], $0x20, s18, s19, $0xb8;
	[tilespmem:$0xCFD0] =	vst v63  }
0xd8: {  	_ =	swait.ge [sflag:s1], $0xA00  }
0xd9: {  	[sflag:s1] =	ssyncset.done $0x0  }
0xda: {  	[sflag:s1] =	ssyncadd.s32 $0xFFFFF600  }
0xdb: {  	_ =	swait.ge [sflag:s23], $0xA00  }
0xdc: {  	[sflag:s23] =	ssyncset.done $0x0  }
0xdd: {  	[sflag:s23] =	ssyncadd.s32 $0xFFFFF600  }
0xde: {  	_ =	swait.ge [sflag:s26], $0x50  }
0xdf: {  	[sflag:s26] =	ssyncset.done $0x0  }
0xe0: {  	[sflag:s26] =	ssyncadd.s32 $0xFFFFFFB0  }
0xe1: {  	[spmem:s2] =	stream.indirect.scatter.add.f32 [tilespmem:s21], [sflag:$0xB], $0x20, s20, s19, $0xb8;
	[tilespmem:$0xCFD0] =	vst v63  }
0xe2: {  	_ =	swait.ge [sflag:s1], $0xA00  }
0xe3: {  	[sflag:s1] =	ssyncset.done $0x0  }
0xe4: {  	[sflag:s1] =	ssyncadd.s32 $0xFFFFF600  }
0xe5: {  	_ =	swait.ge [sflag:s30], $0xA00  }
0xe6: {  	[sflag:s30] =	ssyncset.done $0x0  }
0xe7: {  	[sflag:s30] =	ssyncadd.s32 $0xFFFFF600  }
0xe8: {  	_ =	swait.ge [sflag:s0], $0x50  }
0xe9: {  	[sflag:s0] =	ssyncset.done $0x0  }
0xea: {  	[sflag:s0] =	ssyncadd.s32 $0xFFFFFFB0  }
0xeb: {  	[spmem:s2] =	stream.indirect.scatter.add.f32 [tilespmem:s24], [sflag:$0xB], $0x20, s22, s19, $0xb8;
	[tilespmem:$0xCFD0] =	vst v63  }
0xec: {  	_ =	swait.ge [sflag:s1], $0xA00  }
0xed: {  	[sflag:s1] =	ssyncset.done $0x0  }
0xee: {  	[sflag:s1] =	ssyncadd.s32 $0xFFFFF600  }
0xef: {  	_ =	swait.ge [sflag:s4], $0xA00  }
0xf0: {  	[sflag:s4] =	ssyncset.done $0x0  }
0xf1: {  	[sflag:s4] =	ssyncadd.s32 $0xFFFFF600  }
0xf2: {  	_ =	swait.ge [sflag:s8], $0x50  }
0xf3: {  	[sflag:s8] =	ssyncset.done $0x0  }
0xf4: {  	[sflag:s8] =	ssyncadd.s32 $0xFFFFFFB0  }
0xf5: {  	[spmem:s2] =	stream.indirect.scatter.add.f32 [tilespmem:s28], [sflag:$0xB], $0x20, s25, s19, $0xb8;
	[tilespmem:$0xCFD0] =	vst v63  }
0xf6: {  	_ =	swait.ge [sflag:s1], $0xA00  }
0xf7: {  	[sflag:s1] =	ssyncset.done $0x0  }
0xf8: {  	[sflag:s1] =	ssyncadd.s32 $0xFFFFF600  }
0xf9: {  	_ =	swait.ge [sflag:s9], $0xA00  }
0xfa: {  	[sflag:s9] =	ssyncset.done $0x0  }
0xfb: {  	[sflag:s9] =	ssyncadd.s32 $0xFFFFF600  }
0xfc: {  	_ =	swait.ge [sflag:s10], $0x50  }
0xfd: {  	[sflag:s10] =	ssyncset.done $0x0  }
0xfe: {  	[sflag:s10] =	ssyncadd.s32 $0xFFFFFFB0  }
0xff: {  	[spmem:s2] =	stream.indirect.scatter.add.f32 [tilespmem:s31], [sflag:$0xB], $0x20, s29, s19, $0xb8;
	[tilespmem:$0xCFD0] =	vst v63  }
0x100: {  	_ =	swait.ge [sflag:s1], $0xA00  }
0x101: {  	[sflag:s1] =	ssyncset.done $0x0  }
0x102: {  	[sflag:s1] =	ssyncadd.s32 $0xFFFFF600  }
0x103: {  	s5 =	stileid.u32;
	[bflag:$0x0] =	sbarrier.arrive $0xFFFF  }
.Ltmp6:
0x104: {  	s5 =	sshll.u32 s5, $0x6;
	s13 =	rddreg [dreg:$0xd];
	(pc) =	sbr.rel @!p0 .LBB2_11-.Ltmp6, $4  }
0x105: {  	s6 =	sor.u32 $0x1C01, s5;
	s14 =	rddreg [dreg:$0xe];
	s12 =	sshrl.u32 s13, $0x3  }
0x106: {  	[hbm:s14], [sflag:s6] =	dma.local [spmem:s12], $0x140  }
0x107: {  	s5 =	rddreg [dreg:$0x6]  }
0x108: {  	s13 =	sadd.s32 $0xA000, s13;
	s12 =	sadd.s32 $0xFFFFFFFF, s5  }
.LBB2_10:
0x109: {  	p1 =	sne.s32 s12, $0x1;
	s12 =	sadd.s32 $0xFFFFFFFF, s12  }
.Ltmp7:
0x10a: {  	s5 =	sshrl.u32 s13, $0x3;
	s14 =	sadd.s32 $0x1400, s14;
	(pc) =	sbr.rel @p1 .LBB2_10-.Ltmp7, $3  }
0x10b: {  	[hbm:s14], [sflag:s6] =	dma.local [spmem:s5], $0x140  }
0x10c: {  	_ =	sdelay $0x1  }
0x10d: {  	s13 =	sadd.s32 $0xA000, s13  }
.LBB2_11:
.Ltmp8:
0x10e: {  	(pc) =	sbr.rel @!p0 .LBB2_13-.Ltmp8, $4  }
0x10f: {  	_ = 	snop  }
0x110: {  	_ =	swait.ge [sflag:s17], $0x140  }
0x111: {  	s14 =	rddreg [dreg:$0x6]  }
0x112: {  	[sflag:s17] =	ssyncset.done $0x0;
	s6 =	sadd.s32 $0xFFFFFFFF, s14  }
.LBB2_12:
0x113: {  	p0 =	sne.s32 s6, $0x1;
	s6 =	sadd.s32 $0xFFFFFFFF, s6;
	[sflag:s17] =	ssyncadd.s32 $0xFFFFFEC0  }
.Ltmp9:
0x114: {  	(pc) =	sbr.rel @p0 .LBB2_12-.Ltmp9, $3  }
0x115: {  	_ =	sdelay $0x1  }
0x116: {  	_ =	swait.ge [sflag:s17], $0x140  }
0x117: {  	[sflag:s17] =	ssyncset.done $0x0  }
.LBB2_13:
0x118: {  	s11 =	sadd.s32 $0x1, s11;
	s5 =	rddreg [dreg:$0xc]  }
0x119: {  	p0 =	sne.s32 s11, s5  }
.Ltmp10:
0x11a: {  	_ = 	snop;
	(pc) =	sbr.rel @p0 .LBB2_1-.Ltmp10, $2  }
0x11b: {  	_ =	sdelay $0x2  }
0x11c: {  	[sflag:s17] =	ssyncadd.s32 $0xFFFFFEC0  }
0x11d: {  	_ =	sfence.sel $0x180000  }
0x11e: {  	[bflag:$0x0] =	sbarrier.arrive $0xFFFF  }
0x11f: {  	_ =	strace $0x9000004A  }
0x120: {  	s0 =	stileid.u32;
	[bflag:$0x2] =	sbarrier.arrive $0xFFFF  }
0x121: {  	p0 =	sne.s32 s0, $0x0;
	s0 =	rddreg [dreg:$0x3]  }
0x122: {  	s0 =	sadd.s32 @!p0 $0x100000, s0  }
0x123: {  	[sflag:s0] =	ssyncadd.tile.s32 @!p0 $0x1;
	_ =	shalt  }
.Lfunc_end2:
_tile_overlayer_lowered:
.L_overlay_start_2:
0x124: {  	(tag) =	ssettag $0x2  }
0x125: {  	s0 =	rddreg [dreg:$0x0];
	s2 =	stileid.u32  }
0x126: {  	s1 =	rddreg [dreg:$0x1];
	p0 =	sne.s32 s2, $0x0  }
0x127: {  	s3 =	rddreg [dreg:$0x2];
	[bflag:$0x3] =	sbarrier.arrive $0xFFFF;
	s2 =	simm.s32 @!p0 $0x1C0B  }
0x128: {  	[timem:s3], [sflag:s2] =	dma.local @!p0 [hbm:s0], s1  }
0x129: {  	s0 =	simm.s32 @!p0 $0xB  }
0x12a: {  	_ =	swait.ge @!p0 [sflag:s0], s1  }
0x12b: {  	s1 =	ssub.s32 @!p0 $0x0, s1;
	[sflag:s0] =	ssyncset.done @!p0 $0x0  }
0x12c: {  	[sflag:s0] =	ssyncadd.s32 @!p0 s1  }
0x12d: {  	[bflag:$0x3] =	sbarrier.arrive $0xFFFF  }
0x12e: {  	_ =	shalt  }

</sc_bundles>
